<compile_context>
chip_gen: v7x
topology: tpu7x:2x2x1
jax: 0.10.2.dev20260603
libtpu: 0.0.44.dev20260713+nightly
codegen_flags: <defaults>
</compile_context>

<pallas_src>
import jax
import jax.numpy as jnp
from jax import lax
from jax.experimental import pallas as pl
from jax.experimental.pallas import tpu as pltpu
from jax.experimental.pallas import tpu_sc as plsc

_N = 8192
_D = 256
_NC = 2
_NS = 16
_NW = _NC * _NS
_RPW = _N // _NW
_CHUNK = 64
_NCHUNK = _RPW // _CHUNK
_G = _D // 16


def _sc_body(emb, pos, neg, s_out, q_out, idx_v,
             buf0, buf1, part_s, part_q, sem0, sem1, isem0, isem1):
    wid = lax.axis_index("s") * _NC + lax.axis_index("c")

    ih0 = pltpu.async_copy(pos.at[pl.ds(wid * _NCHUNK, _NCHUNK)],
                           idx_v.at[pl.ds(0, _NCHUNK)], isem0)
    ih1 = pltpu.async_copy(neg.at[pl.ds(wid * _NCHUNK, _NCHUNK)],
                           idx_v.at[pl.ds(_NCHUNK, _NCHUNK)], isem1)
    ih0.wait()
    ih1.wait()

    bufs = (buf0, buf1)
    sems = (sem0, sem1)
    ntot = 2 * _NCHUNK
    handles = [None, None]

    def issue(j):
        handles[j % 2] = pltpu.async_copy(
            emb.at[idx_v.at[j]], bufs[j % 2], sems[j % 2])

    issue(0)

    zero = jnp.zeros((16,), jnp.float32)
    _NQ = 8
    accs = [[zero] * (_G + _NQ), [zero] * (_G + _NQ)]

    for j in range(ntot):
        if j + 1 < ntot:
            issue(j + 1)
        handles[j % 2].wait()
        rbuf = bufs[j % 2]
        side = j // _NCHUNK

        def row_body(r, carry, rbuf=rbuf):
            s = list(carry[:_G])
            q = list(carry[_G:])
            for u in range(2):
                for g in range(_G):
                    v = rbuf[2 * r + u, pl.ds(g * 16, 16)]
                    s[g] = s[g] + v
                    q[(g + u * _NQ // 2) % _NQ] = q[(g + u * _NQ // 2) % _NQ] + v * v
            return tuple(s + q)

        accs[side] = list(
            lax.fori_loop(0, _CHUNK // 2, row_body, tuple(accs[side])))

    for side in range(2):
        for g in range(_G):
            part_s[side, pl.ds(g * 16, 16)] = accs[side][g]
        qtot = accs[side][_G]
        for u in range(1, _NQ):
            qtot = qtot + accs[side][_G + u]
        part_q[side, :] = qtot

    pltpu.sync_copy(part_s, s_out.at[wid])
    pltpu.sync_copy(part_q, q_out.at[wid])


def _fin_body(s_ref, q_ref, o_ref):
    s = jnp.sum(s_ref[...], axis=0)
    q = jnp.sum(q_ref[...])
    ss = jnp.sum(s * s)
    inv = 1.0 / (_N * _D)
    o_ref[...] = jnp.full((1, 1), q * inv - ss * inv / _N, jnp.float32)


def kernel(embeddings, positive_nodes, negative_nodes):
    pos = positive_nodes.astype(jnp.int32).reshape(_NW * _NCHUNK, _CHUNK)
    neg = negative_nodes.astype(jnp.int32).reshape(_NW * _NCHUNK, _CHUNK)
    mesh = plsc.VectorSubcoreMesh(core_axis_name="c", subcore_axis_name="s")
    sc = pl.kernel(
        _sc_body,
        out_type=(jax.ShapeDtypeStruct((_NW, 2, _D), jnp.float32),
                  jax.ShapeDtypeStruct((_NW, 2, 16), jnp.float32)),
        mesh=mesh,
        scratch_types=(
            pltpu.VMEM((2 * _NCHUNK, _CHUNK), jnp.int32),
            pltpu.VMEM((_CHUNK, _D), jnp.float32),
            pltpu.VMEM((_CHUNK, _D), jnp.float32),
            pltpu.VMEM((2, _D), jnp.float32),
            pltpu.VMEM((2, 16), jnp.float32),
            pltpu.SemaphoreType.DMA,
            pltpu.SemaphoreType.DMA,
            pltpu.SemaphoreType.DMA,
            pltpu.SemaphoreType.DMA,
        ),
    )
    s_parts, q_parts = sc(embeddings, pos, neg)
    out = pl.pallas_call(
        _fin_body,
        out_shape=jax.ShapeDtypeStruct((1, 1), jnp.float32),
    )(s_parts, q_parts)
    return out[0, 0]

# --- scband reference (transcript-rebuilt; emitter-appended) ---
"""Pipeline reference for scband-cluster-compactness-loss-27504970563871 (READ-ONLY COPY).

The authoritative reference and input builder live on the scoring server;
editing this copy changes nothing except your own understanding.
"""

import jax, jax.numpy as jnp
import numpy as np


def setup_inputs(seed: int = 0) -> dict:
    key = jax.random.key(seed)
    k1, k2, k3 = jax.random.split(key, 3)
    embeddings = jax.random.normal(k1, (50000, 256), dtype=jnp.float32)
    positive_nodes = jax.random.randint(k2, (8192,), 0, 50000, dtype=jnp.int64 if jax.config.jax_enable_x64 else jnp.int32)
    negative_nodes = jax.random.randint(k3, (8192,), 0, 50000, dtype=jnp.int64 if jax.config.jax_enable_x64 else jnp.int32)
    return {"embeddings": embeddings, "positive_nodes": positive_nodes, "negative_nodes": negative_nodes}


def reference(embeddings, positive_nodes, negative_nodes):
    pos_emb = jnp.take(embeddings, positive_nodes, axis=0)
    neg_emb = jnp.take(embeddings, negative_nodes, axis=0)
    pos_centroid = pos_emb.mean(axis=0)
    neg_centroid = neg_emb.mean(axis=0)
    pos_variance = ((pos_emb - pos_centroid) ** 2).mean()
    neg_variance = ((neg_emb - neg_centroid) ** 2).mean()
    return pos_variance + neg_variance

if __name__ == "__main__":
    import jax
    _d = setup_inputs()
    print(jax.jit(kernel)(*tuple(_d.values())))

</pallas_src>

<mosaic_0001>
#map = affine_map<(d0, d1) -> (0, 0)>
#map1 = affine_map<(d0, d1) -> (0, 0, 0)>
module attributes {stable_mosaic.version = 14 : i64} {
  func.func @_sc_body(%arg0: i32, %arg1: i32, %arg2: memref<50000x256xf32, #tpu.memory_space<hbm>>, %arg3: memref<128x64xi32, #tpu.memory_space<hbm>>, %arg4: memref<128x64xi32, #tpu.memory_space<hbm>>, %arg5: memref<32x2x256xf32, #tpu.memory_space<hbm>>, %arg6: memref<32x2x16xf32, #tpu.memory_space<hbm>>, %arg7: memref<8x64xi32, #tpu.memory_space<vmem>>, %arg8: memref<64x256xf32, #tpu.memory_space<vmem>>, %arg9: memref<64x256xf32, #tpu.memory_space<vmem>>, %arg10: memref<2x256xf32, #tpu.memory_space<vmem>>, %arg11: memref<2x16xf32, #tpu.memory_space<vmem>>, %arg12: memref<!tpu.dma_semaphore, #tpu.memory_space<semaphore_mem>>, %arg13: memref<!tpu.dma_semaphore, #tpu.memory_space<semaphore_mem>>, %arg14: memref<!tpu.dma_semaphore, #tpu.memory_space<semaphore_mem>>, %arg15: memref<!tpu.dma_semaphore, #tpu.memory_space<semaphore_mem>>) attributes {dimension_semantics = [#tpu.dimension_semantics<core_parallel>, #tpu.dimension_semantics<subcore_parallel>], iteration_bounds = array<i64: 2, 16>, scalar_prefetch = 0 : i64, scratch_operands = 9 : i64, tpu.core_type = #tpu.core_type<sc_vector_subcore>, window_params = [{transform_indices = #map}, {transform_indices = #map}, {transform_indices = #map}, {transform_indices = #map1}, {transform_indices = #map1}]} {
    %mul3A = arith.constant 2 : i32
    %mul3A_0 = arith.muli %arg1, %mul3A : i32
    %add3A = arith.addi %mul3A_0, %arg0 : i32
    %mul3A_1 = arith.constant 4 : i32
    %mul3A_2 = arith.muli %add3A, %mul3A_1 : i32
    %dma_start3A = arith.constant 0 : i32
    %dma_start3A_3 = arith.constant 0 : i32
    %dma_start3A_4 = tpu.memref_slice %arg7[%dma_start3A, %dma_start3A_3] : memref<8x64xi32, #tpu.memory_space<vmem>> -> memref<4x64xi32, #tpu.memory_space<vmem>>
    %dma_start3A_5 = arith.constant 0 : i32
    %dma_start3A_6 = tpu.memref_slice %arg3[%mul3A_2, %dma_start3A_5] : memref<128x64xi32, #tpu.memory_space<hbm>> -> memref<4x64xi32, #tpu.memory_space<hbm>>
    %dma_start3A_7 = arith.constant 0 : i32
    %dma_start3A_8 = arith.constant 0 : i32
    %dma_start3A_9 = tpu.memref_slice %arg7[%dma_start3A_7, %dma_start3A_8] : memref<8x64xi32, #tpu.memory_space<vmem>> -> memref<4x64xi32, #tpu.memory_space<vmem>>
    %dma_start3A_10 = arith.constant 0 : i32
    %dma_start3A_11 = tpu.memref_slice %arg3[%mul3A_2, %dma_start3A_10] : memref<128x64xi32, #tpu.memory_space<hbm>> -> memref<4x64xi32, #tpu.memory_space<hbm>>
    tpu.enqueue_dma source(%dma_start3A_11 : memref<4x64xi32, #tpu.memory_space<hbm>>) target(%dma_start3A_9 : memref<4x64xi32, #tpu.memory_space<vmem>>) target_semaphore(%arg14 : memref<!tpu.dma_semaphore, #tpu.memory_space<semaphore_mem>>)
    %mul3A_12 = arith.constant 4 : i32
    %mul3A_13 = arith.muli %add3A, %mul3A_12 : i32
    %dma_start3A_14 = arith.constant 4 : i32
    %dma_start3A_15 = arith.constant 0 : i32
    %dma_start3A_16 = tpu.memref_slice %arg7[%dma_start3A_14, %dma_start3A_15] : memref<8x64xi32, #tpu.memory_space<vmem>> -> memref<4x64xi32, #tpu.memory_space<vmem>>
    %dma_start3A_17 = arith.constant 0 : i32
    %dma_start3A_18 = tpu.memref_slice %arg4[%mul3A_13, %dma_start3A_17] : memref<128x64xi32, #tpu.memory_space<hbm>> -> memref<4x64xi32, #tpu.memory_space<hbm>>
    %dma_start3A_19 = arith.constant 4 : i32
    %dma_start3A_20 = arith.constant 0 : i32
    %dma_start3A_21 = tpu.memref_slice %arg7[%dma_start3A_19, %dma_start3A_20] : memref<8x64xi32, #tpu.memory_space<vmem>> -> memref<4x64xi32, #tpu.memory_space<vmem>>
    %dma_start3A_22 = arith.constant 0 : i32
    %dma_start3A_23 = tpu.memref_slice %arg4[%mul3A_13, %dma_start3A_22] : memref<128x64xi32, #tpu.memory_space<hbm>> -> memref<4x64xi32, #tpu.memory_space<hbm>>
    tpu.enqueue_dma source(%dma_start3A_23 : memref<4x64xi32, #tpu.memory_space<hbm>>) target(%dma_start3A_21 : memref<4x64xi32, #tpu.memory_space<vmem>>) target_semaphore(%arg15 : memref<!tpu.dma_semaphore, #tpu.memory_space<semaphore_mem>>)
    %dma_wait3A = arith.constant 0 : i32
    %dma_wait3A_24 = arith.constant 0 : i32
    %dma_wait3A_25 = tpu.memref_slice %arg7[%dma_wait3A, %dma_wait3A_24] : memref<8x64xi32, #tpu.memory_space<vmem>> -> memref<4x64xi32, #tpu.memory_space<vmem>>
    %dma_wait3A_26 = arith.constant 0 : i32
    %dma_wait3A_27 = tpu.memref_slice %arg3[%mul3A_2, %dma_wait3A_26] : memref<128x64xi32, #tpu.memory_space<hbm>> -> memref<4x64xi32, #tpu.memory_space<hbm>>
    %dma_wait3A_28 = arith.constant 0 : i32
    %dma_wait3A_29 = arith.constant 0 : i32
    %dma_wait3A_30 = tpu.memref_slice %arg7[%dma_wait3A_28, %dma_wait3A_29] : memref<8x64xi32, #tpu.memory_space<vmem>> -> memref<4x64xi32, #tpu.memory_space<vmem>>
    %dma_wait3A_31 = arith.constant 0 : i32
    %dma_wait3A_32 = tpu.memref_slice %arg3[%mul3A_2, %dma_wait3A_31] : memref<128x64xi32, #tpu.memory_space<hbm>> -> memref<4x64xi32, #tpu.memory_space<hbm>>
    tpu.wait_dma2 semaphore(%arg14 : memref<!tpu.dma_semaphore, #tpu.memory_space<semaphore_mem>>) src(%dma_wait3A_32 : memref<4x64xi32, #tpu.memory_space<hbm>>) dst(%dma_wait3A_30 : memref<4x64xi32, #tpu.memory_space<vmem>>)
    %dma_wait3A_33 = arith.constant 4 : i32
    %dma_wait3A_34 = arith.constant 0 : i32
    %dma_wait3A_35 = tpu.memref_slice %arg7[%dma_wait3A_33, %dma_wait3A_34] : memref<8x64xi32, #tpu.memory_space<vmem>> -> memref<4x64xi32, #tpu.memory_space<vmem>>
    %dma_wait3A_36 = arith.constant 0 : i32
    %dma_wait3A_37 = tpu.memref_slice %arg4[%mul3A_13, %dma_wait3A_36] : memref<128x64xi32, #tpu.memory_space<hbm>> -> memref<4x64xi32, #tpu.memory_space<hbm>>
    %dma_wait3A_38 = arith.constant 4 : i32
    %dma_wait3A_39 = arith.constant 0 : i32
    %dma_wait3A_40 = tpu.memref_slice %arg7[%dma_wait3A_38, %dma_wait3A_39] : memref<8x64xi32, #tpu.memory_space<vmem>> -> memref<4x64xi32, #tpu.memory_space<vmem>>
    %dma_wait3A_41 = arith.constant 0 : i32
    %dma_wait3A_42 = tpu.memref_slice %arg4[%mul3A_13, %dma_wait3A_41] : memref<128x64xi32, #tpu.memory_space<hbm>> -> memref<4x64xi32, #tpu.memory_space<hbm>>
    tpu.wait_dma2 semaphore(%arg15 : memref<!tpu.dma_semaphore, #tpu.memory_space<semaphore_mem>>) src(%dma_wait3A_42 : memref<4x64xi32, #tpu.memory_space<hbm>>) dst(%dma_wait3A_40 : memref<4x64xi32, #tpu.memory_space<vmem>>)
    %dma_start3A_43 = arith.constant 0 : i32
    %dma_start3A_44 = arith.constant 0 : i32
    %dma_start3A_45 = tpu.memref_slice %arg7[%dma_start3A_43, %dma_start3A_44] : memref<8x64xi32, #tpu.memory_space<vmem>> -> memref<1x64xi32, #tpu.memory_space<vmem>>
    %dma_start3A_46 = tpu.memref_squeeze %dma_start3A_45 : memref<1x64xi32, #tpu.memory_space<vmem>> -> memref<64xi32, #tpu.memory_space<vmem>>
    %dma_start3A_47 = arith.constant 0 : i32
    %dma_start3A_48 = arith.constant 0 : i32
    %dma_start3A_49 = tpu.memref_slice %arg2[%dma_start3A_47, %dma_start3A_48] : memref<50000x256xf32, #tpu.memory_space<hbm>> -> memref<50000x256xf32, #tpu.memory_space<hbm>>
    tpu.enqueue_indirect_dma source(%dma_start3A_49 : memref<50000x256xf32, #tpu.memory_space<hbm>>) target(%arg8 : memref<64x256xf32, #tpu.memory_space<vmem>>) offsets(%dma_start3A_46 : memref<64xi32, #tpu.memory_space<vmem>>) semaphore(%arg12 : memref<!tpu.dma_semaphore, #tpu.memory_space<semaphore_mem>>)
    %broadcast_in_dim3A = arith.constant 0.000000e+00 : f32
    %broadcast_in_dim3A_50 = vector.broadcast %broadcast_in_dim3A : f32 to vector<16xf32>
    %dma_start3A_51 = arith.constant 1 : i32
    %dma_start3A_52 = arith.constant 0 : i32
    %dma_start3A_53 = tpu.memref_slice %arg7[%dma_start3A_51, %dma_start3A_52] : memref<8x64xi32, #tpu.memory_space<vmem>> -> memref<1x64xi32, #tpu.memory_space<vmem>>
    %dma_start3A_54 = tpu.memref_squeeze %dma_start3A_53 : memref<1x64xi32, #tpu.memory_space<vmem>> -> memref<64xi32, #tpu.memory_space<vmem>>
    %dma_start3A_55 = arith.constant 0 : i32
    %dma_start3A_56 = arith.constant 0 : i32
    %dma_start3A_57 = tpu.memref_slice %arg2[%dma_start3A_55, %dma_start3A_56] : memref<50000x256xf32, #tpu.memory_space<hbm>> -> memref<50000x256xf32, #tpu.memory_space<hbm>>
    tpu.enqueue_indirect_dma source(%dma_start3A_57 : memref<50000x256xf32, #tpu.memory_space<hbm>>) target(%arg9 : memref<64x256xf32, #tpu.memory_space<vmem>>) offsets(%dma_start3A_54 : memref<64xi32, #tpu.memory_space<vmem>>) semaphore(%arg13 : memref<!tpu.dma_semaphore, #tpu.memory_space<semaphore_mem>>)
    %dma_wait3A_58 = arith.constant 0 : i32
    %dma_wait3A_59 = arith.constant 0 : i32
    %dma_wait3A_60 = tpu.memref_slice %arg7[%dma_wait3A_58, %dma_wait3A_59] : memref<8x64xi32, #tpu.memory_space<vmem>> -> memref<1x64xi32, #tpu.memory_space<vmem>>
    %dma_wait3A_61 = tpu.memref_squeeze %dma_wait3A_60 : memref<1x64xi32, #tpu.memory_space<vmem>> -> memref<64xi32, #tpu.memory_space<vmem>>
    %dma_wait3A_62 = arith.constant 0 : i32
    %dma_wait3A_63 = arith.constant 0 : i32
    %dma_wait3A_64 = tpu.memref_slice %arg2[%dma_wait3A_62, %dma_wait3A_63] : memref<50000x256xf32, #tpu.memory_space<hbm>> -> memref<50000x256xf32, #tpu.memory_space<hbm>>
    tpu.wait_indirect_dma semaphore(%arg12 : memref<!tpu.dma_semaphore, #tpu.memory_space<semaphore_mem>>) src(%dma_wait3A_64 : memref<50000x256xf32, #tpu.memory_space<hbm>>) dst(%arg8 : memref<64x256xf32, #tpu.memory_space<vmem>>)
    %scan3A = arith.constant 0 : i32
    %scan3A_65 = arith.constant 32 : i32
    %scan3A_66 = arith.addi %scan3A, %scan3A_65 : i32
    %scan3A_67 = arith.constant 1 : i32
    %scan3A_68:24 = scf.for %scan3A_420 = %scan3A to %scan3A_66 step %scan3A_67 iter_args(%scan3A_421 = %broadcast_in_dim3A_50, %scan3A_422 = %broadcast_in_dim3A_50, %scan3A_423 = %broadcast_in_dim3A_50, %scan3A_424 = %broadcast_in_dim3A_50, %scan3A_425 = %broadcast_in_dim3A_50, %scan3A_426 = %broadcast_in_dim3A_50, %scan3A_427 = %broadcast_in_dim3A_50, %scan3A_428 = %broadcast_in_dim3A_50, %scan3A_429 = %broadcast_in_dim3A_50, %scan3A_430 = %broadcast_in_dim3A_50, %scan3A_431 = %broadcast_in_dim3A_50, %scan3A_432 = %broadcast_in_dim3A_50, %scan3A_433 = %broadcast_in_dim3A_50, %scan3A_434 = %broadcast_in_dim3A_50, %scan3A_435 = %broadcast_in_dim3A_50, %scan3A_436 = %broadcast_in_dim3A_50, %scan3A_437 = %broadcast_in_dim3A_50, %scan3A_438 = %broadcast_in_dim3A_50, %scan3A_439 = %broadcast_in_dim3A_50, %scan3A_440 = %broadcast_in_dim3A_50, %scan3A_441 = %broadcast_in_dim3A_50, %scan3A_442 = %broadcast_in_dim3A_50, %scan3A_443 = %broadcast_in_dim3A_50, %scan3A_444 = %broadcast_in_dim3A_50) -> (vector<16xf32>, vector<16xf32>, vector<16xf32>, vector<16xf32>, vector<16xf32>, vector<16xf32>, vector<16xf32>, vector<16xf32>, vector<16xf32>, vector<16xf32>, vector<16xf32>, vector<16xf32>, vector<16xf32>, vector<16xf32>, vector<16xf32>, vector<16xf32>, vector<16xf32>, vector<16xf32>, vector<16xf32>, vector<16xf32>, vector<16xf32>, vector<16xf32>, vector<16xf32>, vector<16xf32>)  : i32 {
      %mul3A_445 = arith.constant 2 : i32
      %mul3A_446 = arith.muli %mul3A_445, %scan3A_420 : i32
      %add3A_447 = arith.constant 0 : i32
      %add3A_448 = arith.addi %mul3A_446, %add3A_447 : i32
      %get3A = arith.index_cast %add3A_448 : i32 to index
      %get3A_449 = arith.constant 0 : index
      %get3A_450 = tpu.vector_load %arg8[%get3A, %get3A_449] {strides = array<i32>} : memref<64x256xf32, #tpu.memory_space<vmem>>, vector<1x16xf32>,
      %get3A_451 = vector.shape_cast %get3A_450 : vector<1x16xf32> to vector<16xf32>
      %add3A_452 = arith.addf %scan3A_421, %get3A_451 : vector<16xf32>
      %mul3A_453 = arith.mulf %get3A_451, %get3A_451 : vector<16xf32>
      %add3A_454 = arith.addf %scan3A_437, %mul3A_453 : vector<16xf32>
      %mul3A_455 = arith.constant 2 : i32
      %mul3A_456 = arith.muli %mul3A_455, %scan3A_420 : i32
      %add3A_457 = arith.constant 0 : i32
      %add3A_458 = arith.addi %mul3A_456, %add3A_457 : i32
      %get3A_459 = arith.index_cast %add3A_458 : i32 to index
      %get3A_460 = arith.constant 16 : index
      %get3A_461 = tpu.vector_load %arg8[%get3A_459, %get3A_460] {strides = array<i32>} : memref<64x256xf32, #tpu.memory_space<vmem>>, vector<1x16xf32>,
      %get3A_462 = vector.shape_cast %get3A_461 : vector<1x16xf32> to vector<16xf32>
      %add3A_463 = arith.addf %scan3A_422, %get3A_462 : vector<16xf32>
      %mul3A_464 = arith.mulf %get3A_462, %get3A_462 : vector<16xf32>
      %add3A_465 = arith.addf %scan3A_438, %mul3A_464 : vector<16xf32>
      %mul3A_466 = arith.constant 2 : i32
      %mul3A_467 = arith.muli %mul3A_466, %scan3A_420 : i32
      %add3A_468 = arith.constant 0 : i32
      %add3A_469 = arith.addi %mul3A_467, %add3A_468 : i32
      %get3A_470 = arith.index_cast %add3A_469 : i32 to index
      %get3A_471 = arith.constant 32 : index
      %get3A_472 = tpu.vector_load %arg8[%get3A_470, %get3A_471] {strides = array<i32>} : memref<64x256xf32, #tpu.memory_space<vmem>>, vector<1x16xf32>,
      %get3A_473 = vector.shape_cast %get3A_472 : vector<1x16xf32> to vector<16xf32>
      %add3A_474 = arith.addf %scan3A_423, %get3A_473 : vector<16xf32>
      %mul3A_475 = arith.mulf %get3A_473, %get3A_473 : vector<16xf32>
      %add3A_476 = arith.addf %scan3A_439, %mul3A_475 : vector<16xf32>
      %mul3A_477 = arith.constant 2 : i32
      %mul3A_478 = arith.muli %mul3A_477, %scan3A_420 : i32
      %add3A_479 = arith.constant 0 : i32
      %add3A_480 = arith.addi %mul3A_478, %add3A_479 : i32
      %get3A_481 = arith.index_cast %add3A_480 : i32 to index
      %get3A_482 = arith.constant 48 : index
      %get3A_483 = tpu.vector_load %arg8[%get3A_481, %get3A_482] {strides = array<i32>} : memref<64x256xf32, #tpu.memory_space<vmem>>, vector<1x16xf32>,
      %get3A_484 = vector.shape_cast %get3A_483 : vector<1x16xf32> to vector<16xf32>
      %add3A_485 = arith.addf %scan3A_424, %get3A_484 : vector<16xf32>
      %mul3A_486 = arith.mulf %get3A_484, %get3A_484 : vector<16xf32>
      %add3A_487 = arith.addf %scan3A_440, %mul3A_486 : vector<16xf32>
      %mul3A_488 = arith.constant 2 : i32
      %mul3A_489 = arith.muli %mul3A_488, %scan3A_420 : i32
      %add3A_490 = arith.constant 0 : i32
      %add3A_491 = arith.addi %mul3A_489, %add3A_490 : i32
      %get3A_492 = arith.index_cast %add3A_491 : i32 to index
      %get3A_493 = arith.constant 64 : index
      %get3A_494 = tpu.vector_load %arg8[%get3A_492, %get3A_493] {strides = array<i32>} : memref<64x256xf32, #tpu.memory_space<vmem>>, vector<1x16xf32>,
      %get3A_495 = vector.shape_cast %get3A_494 : vector<1x16xf32> to vector<16xf32>
      %add3A_496 = arith.addf %scan3A_425, %get3A_495 : vector<16xf32>
      %mul3A_497 = arith.mulf %get3A_495, %get3A_495 : vector<16xf32>
      %add3A_498 = arith.addf %scan3A_441, %mul3A_497 : vector<16xf32>
      %mul3A_499 = arith.constant 2 : i32
      %mul3A_500 = arith.muli %mul3A_499, %scan3A_420 : i32
      %add3A_501 = arith.constant 0 : i32
      %add3A_502 = arith.addi %mul3A_500, %add3A_501 : i32
      %get3A_503 = arith.index_cast %add3A_502 : i32 to index
      %get3A_504 = arith.constant 80 : index
      %get3A_505 = tpu.vector_load %arg8[%get3A_503, %get3A_504] {strides = array<i32>} : memref<64x256xf32, #tpu.memory_space<vmem>>, vector<1x16xf32>,
      %get3A_506 = vector.shape_cast %get3A_505 : vector<1x16xf32> to vector<16xf32>
      %add3A_507 = arith.addf %scan3A_426, %get3A_506 : vector<16xf32>
      %mul3A_508 = arith.mulf %get3A_506, %get3A_506 : vector<16xf32>
      %add3A_509 = arith.addf %scan3A_442, %mul3A_508 : vector<16xf32>
      %mul3A_510 = arith.constant 2 : i32
      %mul3A_511 = arith.muli %mul3A_510, %scan3A_420 : i32
      %add3A_512 = arith.constant 0 : i32
      %add3A_513 = arith.addi %mul3A_511, %add3A_512 : i32
      %get3A_514 = arith.index_cast %add3A_513 : i32 to index
      %get3A_515 = arith.constant 96 : index
      %get3A_516 = tpu.vector_load %arg8[%get3A_514, %get3A_515] {strides = array<i32>} : memref<64x256xf32, #tpu.memory_space<vmem>>, vector<1x16xf32>,
      %get3A_517 = vector.shape_cast %get3A_516 : vector<1x16xf32> to vector<16xf32>
      %add3A_518 = arith.addf %scan3A_427, %get3A_517 : vector<16xf32>
      %mul3A_519 = arith.mulf %get3A_517, %get3A_517 : vector<16xf32>
      %add3A_520 = arith.addf %scan3A_443, %mul3A_519 : vector<16xf32>
      %mul3A_521 = arith.constant 2 : i32
      %mul3A_522 = arith.muli %mul3A_521, %scan3A_420 : i32
      %add3A_523 = arith.constant 0 : i32
      %add3A_524 = arith.addi %mul3A_522, %add3A_523 : i32
      %get3A_525 = arith.index_cast %add3A_524 : i32 to index
      %get3A_526 = arith.constant 112 : index
      %get3A_527 = tpu.vector_load %arg8[%get3A_525, %get3A_526] {strides = array<i32>} : memref<64x256xf32, #tpu.memory_space<vmem>>, vector<1x16xf32>,
      %get3A_528 = vector.shape_cast %get3A_527 : vector<1x16xf32> to vector<16xf32>
      %add3A_529 = arith.addf %scan3A_428, %get3A_528 : vector<16xf32>
      %mul3A_530 = arith.mulf %get3A_528, %get3A_528 : vector<16xf32>
      %add3A_531 = arith.addf %scan3A_444, %mul3A_530 : vector<16xf32>
      %mul3A_532 = arith.constant 2 : i32
      %mul3A_533 = arith.muli %mul3A_532, %scan3A_420 : i32
      %add3A_534 = arith.constant 0 : i32
      %add3A_535 = arith.addi %mul3A_533, %add3A_534 : i32
      %get3A_536 = arith.index_cast %add3A_535 : i32 to index
      %get3A_537 = arith.constant 128 : index
      %get3A_538 = tpu.vector_load %arg8[%get3A_536, %get3A_537] {strides = array<i32>} : memref<64x256xf32, #tpu.memory_space<vmem>>, vector<1x16xf32>,
      %get3A_539 = vector.shape_cast %get3A_538 : vector<1x16xf32> to vector<16xf32>
      %add3A_540 = arith.addf %scan3A_429, %get3A_539 : vector<16xf32>
      %mul3A_541 = arith.mulf %get3A_539, %get3A_539 : vector<16xf32>
      %add3A_542 = arith.addf %add3A_454, %mul3A_541 : vector<16xf32>
      %mul3A_543 = arith.constant 2 : i32
      %mul3A_544 = arith.muli %mul3A_543, %scan3A_420 : i32
      %add3A_545 = arith.constant 0 : i32
      %add3A_546 = arith.addi %mul3A_544, %add3A_545 : i32
      %get3A_547 = arith.index_cast %add3A_546 : i32 to index
      %get3A_548 = arith.constant 144 : index
      %get3A_549 = tpu.vector_load %arg8[%get3A_547, %get3A_548] {strides = array<i32>} : memref<64x256xf32, #tpu.memory_space<vmem>>, vector<1x16xf32>,
      %get3A_550 = vector.shape_cast %get3A_549 : vector<1x16xf32> to vector<16xf32>
      %add3A_551 = arith.addf %scan3A_430, %get3A_550 : vector<16xf32>
      %mul3A_552 = arith.mulf %get3A_550, %get3A_550 : vector<16xf32>
      %add3A_553 = arith.addf %add3A_465, %mul3A_552 : vector<16xf32>
      %mul3A_554 = arith.constant 2 : i32
      %mul3A_555 = arith.muli %mul3A_554, %scan3A_420 : i32
      %add3A_556 = arith.constant 0 : i32
      %add3A_557 = arith.addi %mul3A_555, %add3A_556 : i32
      %get3A_558 = arith.index_cast %add3A_557 : i32 to index
      %get3A_559 = arith.constant 160 : index
      %get3A_560 = tpu.vector_load %arg8[%get3A_558, %get3A_559] {strides = array<i32>} : memref<64x256xf32, #tpu.memory_space<vmem>>, vector<1x16xf32>,
      %get3A_561 = vector.shape_cast %get3A_560 : vector<1x16xf32> to vector<16xf32>
      %add3A_562 = arith.addf %scan3A_431, %get3A_561 : vector<16xf32>
      %mul3A_563 = arith.mulf %get3A_561, %get3A_561 : vector<16xf32>
      %add3A_564 = arith.addf %add3A_476, %mul3A_563 : vector<16xf32>
      %mul3A_565 = arith.constant 2 : i32
      %mul3A_566 = arith.muli %mul3A_565, %scan3A_420 : i32
      %add3A_567 = arith.constant 0 : i32
      %add3A_568 = arith.addi %mul3A_566, %add3A_567 : i32
      %get3A_569 = arith.index_cast %add3A_568 : i32 to index
      %get3A_570 = arith.constant 176 : index
      %get3A_571 = tpu.vector_load %arg8[%get3A_569, %get3A_570] {strides = array<i32>} : memref<64x256xf32, #tpu.memory_space<vmem>>, vector<1x16xf32>,
      %get3A_572 = vector.shape_cast %get3A_571 : vector<1x16xf32> to vector<16xf32>
      %add3A_573 = arith.addf %scan3A_432, %get3A_572 : vector<16xf32>
      %mul3A_574 = arith.mulf %get3A_572, %get3A_572 : vector<16xf32>
      %add3A_575 = arith.addf %add3A_487, %mul3A_574 : vector<16xf32>
      %mul3A_576 = arith.constant 2 : i32
      %mul3A_577 = arith.muli %mul3A_576, %scan3A_420 : i32
      %add3A_578 = arith.constant 0 : i32
      %add3A_579 = arith.addi %mul3A_577, %add3A_578 : i32
      %get3A_580 = arith.index_cast %add3A_579 : i32 to index
      %get3A_581 = arith.constant 192 : index
      %get3A_582 = tpu.vector_load %arg8[%get3A_580, %get3A_581] {strides = array<i32>} : memref<64x256xf32, #tpu.memory_space<vmem>>, vector<1x16xf32>,
      %get3A_583 = vector.shape_cast %get3A_582 : vector<1x16xf32> to vector<16xf32>
      %add3A_584 = arith.addf %scan3A_433, %get3A_583 : vector<16xf32>
      %mul3A_585 = arith.mulf %get3A_583, %get3A_583 : vector<16xf32>
      %add3A_586 = arith.addf %add3A_498, %mul3A_585 : vector<16xf32>
      %mul3A_587 = arith.constant 2 : i32
      %mul3A_588 = arith.muli %mul3A_587, %scan3A_420 : i32
      %add3A_589 = arith.constant 0 : i32
      %add3A_590 = arith.addi %mul3A_588, %add3A_589 : i32
      %get3A_591 = arith.index_cast %add3A_590 : i32 to index
      %get3A_592 = arith.constant 208 : index
      %get3A_593 = tpu.vector_load %arg8[%get3A_591, %get3A_592] {strides = array<i32>} : memref<64x256xf32, #tpu.memory_space<vmem>>, vector<1x16xf32>,
      %get3A_594 = vector.shape_cast %get3A_593 : vector<1x16xf32> to vector<16xf32>
      %add3A_595 = arith.addf %scan3A_434, %get3A_594 : vector<16xf32>
      %mul3A_596 = arith.mulf %get3A_594, %get3A_594 : vector<16xf32>
      %add3A_597 = arith.addf %add3A_509, %mul3A_596 : vector<16xf32>
      %mul3A_598 = arith.constant 2 : i32
      %mul3A_599 = arith.muli %mul3A_598, %scan3A_420 : i32
      %add3A_600 = arith.constant 0 : i32
      %add3A_601 = arith.addi %mul3A_599, %add3A_600 : i32
      %get3A_602 = arith.index_cast %add3A_601 : i32 to index
      %get3A_603 = arith.constant 224 : index
      %get3A_604 = tpu.vector_load %arg8[%get3A_602, %get3A_603] {strides = array<i32>} : memref<64x256xf32, #tpu.memory_space<vmem>>, vector<1x16xf32>,
      %get3A_605 = vector.shape_cast %get3A_604 : vector<1x16xf32> to vector<16xf32>
      %add3A_606 = arith.addf %scan3A_435, %get3A_605 : vector<16xf32>
      %mul3A_607 = arith.mulf %get3A_605, %get3A_605 : vector<16xf32>
      %add3A_608 = arith.addf %add3A_520, %mul3A_607 : vector<16xf32>
      %mul3A_609 = arith.constant 2 : i32
      %mul3A_610 = arith.muli %mul3A_609, %scan3A_420 : i32
      %add3A_611 = arith.constant 0 : i32
      %add3A_612 = arith.addi %mul3A_610, %add3A_611 : i32
      %get3A_613 = arith.index_cast %add3A_612 : i32 to index
      %get3A_614 = arith.constant 240 : index
      %get3A_615 = tpu.vector_load %arg8[%get3A_613, %get3A_614] {strides = array<i32>} : memref<64x256xf32, #tpu.memory_space<vmem>>, vector<1x16xf32>,
      %get3A_616 = vector.shape_cast %get3A_615 : vector<1x16xf32> to vector<16xf32>
      %add3A_617 = arith.addf %scan3A_436, %get3A_616 : vector<16xf32>
      %mul3A_618 = arith.mulf %get3A_616, %get3A_616 : vector<16xf32>
      %add3A_619 = arith.addf %add3A_531, %mul3A_618 : vector<16xf32>
      %mul3A_620 = arith.constant 2 : i32
      %mul3A_621 = arith.muli %mul3A_620, %scan3A_420 : i32
      %add3A_622 = arith.constant 1 : i32
      %add3A_623 = arith.addi %mul3A_621, %add3A_622 : i32
      %get3A_624 = arith.index_cast %add3A_623 : i32 to index
      %get3A_625 = arith.constant 0 : index
      %get3A_626 = tpu.vector_load %arg8[%get3A_624, %get3A_625] {strides = array<i32>} : memref<64x256xf32, #tpu.memory_space<vmem>>, vector<1x16xf32>,
      %get3A_627 = vector.shape_cast %get3A_626 : vector<1x16xf32> to vector<16xf32>
      %add3A_628 = arith.addf %add3A_452, %get3A_627 : vector<16xf32>
      %mul3A_629 = arith.mulf %get3A_627, %get3A_627 : vector<16xf32>
      %add3A_630 = arith.addf %add3A_586, %mul3A_629 : vector<16xf32>
      %mul3A_631 = arith.constant 2 : i32
      %mul3A_632 = arith.muli %mul3A_631, %scan3A_420 : i32
      %add3A_633 = arith.constant 1 : i32
      %add3A_634 = arith.addi %mul3A_632, %add3A_633 : i32
      %get3A_635 = arith.index_cast %add3A_634 : i32 to index
      %get3A_636 = arith.constant 16 : index
      %get3A_637 = tpu.vector_load %arg8[%get3A_635, %get3A_636] {strides = array<i32>} : memref<64x256xf32, #tpu.memory_space<vmem>>, vector<1x16xf32>,
      %get3A_638 = vector.shape_cast %get3A_637 : vector<1x16xf32> to vector<16xf32>
      %add3A_639 = arith.addf %add3A_463, %get3A_638 : vector<16xf32>
      %mul3A_640 = arith.mulf %get3A_638, %get3A_638 : vector<16xf32>
      %add3A_641 = arith.addf %add3A_597, %mul3A_640 : vector<16xf32>
      %mul3A_642 = arith.constant 2 : i32
      %mul3A_643 = arith.muli %mul3A_642, %scan3A_420 : i32
      %add3A_644 = arith.constant 1 : i32
      %add3A_645 = arith.addi %mul3A_643, %add3A_644 : i32
      %get3A_646 = arith.index_cast %add3A_645 : i32 to index
      %get3A_647 = arith.constant 32 : index
      %get3A_648 = tpu.vector_load %arg8[%get3A_646, %get3A_647] {strides = array<i32>} : memref<64x256xf32, #tpu.memory_space<vmem>>, vector<1x16xf32>,
      %get3A_649 = vector.shape_cast %get3A_648 : vector<1x16xf32> to vector<16xf32>
      %add3A_650 = arith.addf %add3A_474, %get3A_649 : vector<16xf32>
      %mul3A_651 = arith.mulf %get3A_649, %get3A_649 : vector<16xf32>
      %add3A_652 = arith.addf %add3A_608, %mul3A_651 : vector<16xf32>
      %mul3A_653 = arith.constant 2 : i32
      %mul3A_654 = arith.muli %mul3A_653, %scan3A_420 : i32
      %add3A_655 = arith.constant 1 : i32
      %add3A_656 = arith.addi %mul3A_654, %add3A_655 : i32
      %get3A_657 = arith.index_cast %add3A_656 : i32 to index
      %get3A_658 = arith.constant 48 : index
      %get3A_659 = tpu.vector_load %arg8[%get3A_657, %get3A_658] {strides = array<i32>} : memref<64x256xf32, #tpu.memory_space<vmem>>, vector<1x16xf32>,
      %get3A_660 = vector.shape_cast %get3A_659 : vector<1x16xf32> to vector<16xf32>
      %add3A_661 = arith.addf %add3A_485, %get3A_660 : vector<16xf32>
      %mul3A_662 = arith.mulf %get3A_660, %get3A_660 : vector<16xf32>
      %add3A_663 = arith.addf %add3A_619, %mul3A_662 : vector<16xf32>
      %mul3A_664 = arith.constant 2 : i32
      %mul3A_665 = arith.muli %mul3A_664, %scan3A_420 : i32
      %add3A_666 = arith.constant 1 : i32
      %add3A_667 = arith.addi %mul3A_665, %add3A_666 : i32
      %get3A_668 = arith.index_cast %add3A_667 : i32 to index
      %get3A_669 = arith.constant 64 : index
      %get3A_670 = tpu.vector_load %arg8[%get3A_668, %get3A_669] {strides = array<i32>} : memref<64x256xf32, #tpu.memory_space<vmem>>, vector<1x16xf32>,
      %get3A_671 = vector.shape_cast %get3A_670 : vector<1x16xf32> to vector<16xf32>
      %add3A_672 = arith.addf %add3A_496, %get3A_671 : vector<16xf32>
      %mul3A_673 = arith.mulf %get3A_671, %get3A_671 : vector<16xf32>
      %add3A_674 = arith.addf %add3A_542, %mul3A_673 : vector<16xf32>
      %mul3A_675 = arith.constant 2 : i32
      %mul3A_676 = arith.muli %mul3A_675, %scan3A_420 : i32
      %add3A_677 = arith.constant 1 : i32
      %add3A_678 = arith.addi %mul3A_676, %add3A_677 : i32
      %get3A_679 = arith.index_cast %add3A_678 : i32 to index
      %get3A_680 = arith.constant 80 : index
      %get3A_681 = tpu.vector_load %arg8[%get3A_679, %get3A_680] {strides = array<i32>} : memref<64x256xf32, #tpu.memory_space<vmem>>, vector<1x16xf32>,
      %get3A_682 = vector.shape_cast %get3A_681 : vector<1x16xf32> to vector<16xf32>
      %add3A_683 = arith.addf %add3A_507, %get3A_682 : vector<16xf32>
      %mul3A_684 = arith.mulf %get3A_682, %get3A_682 : vector<16xf32>
      %add3A_685 = arith.addf %add3A_553, %mul3A_684 : vector<16xf32>
      %mul3A_686 = arith.constant 2 : i32
      %mul3A_687 = arith.muli %mul3A_686, %scan3A_420 : i32
      %add3A_688 = arith.constant 1 : i32
      %add3A_689 = arith.addi %mul3A_687, %add3A_688 : i32
      %get3A_690 = arith.index_cast %add3A_689 : i32 to index
      %get3A_691 = arith.constant 96 : index
      %get3A_692 = tpu.vector_load %arg8[%get3A_690, %get3A_691] {strides = array<i32>} : memref<64x256xf32, #tpu.memory_space<vmem>>, vector<1x16xf32>,
      %get3A_693 = vector.shape_cast %get3A_692 : vector<1x16xf32> to vector<16xf32>
      %add3A_694 = arith.addf %add3A_518, %get3A_693 : vector<16xf32>
      %mul3A_695 = arith.mulf %get3A_693, %get3A_693 : vector<16xf32>
      %add3A_696 = arith.addf %add3A_564, %mul3A_695 : vector<16xf32>
      %mul3A_697 = arith.constant 2 : i32
      %mul3A_698 = arith.muli %mul3A_697, %scan3A_420 : i32
      %add3A_699 = arith.constant 1 : i32
      %add3A_700 = arith.addi %mul3A_698, %add3A_699 : i32
      %get3A_701 = arith.index_cast %add3A_700 : i32 to index
      %get3A_702 = arith.constant 112 : index
      %get3A_703 = tpu.vector_load %arg8[%get3A_701, %get3A_702] {strides = array<i32>} : memref<64x256xf32, #tpu.memory_space<vmem>>, vector<1x16xf32>,
      %get3A_704 = vector.shape_cast %get3A_703 : vector<1x16xf32> to vector<16xf32>
      %add3A_705 = arith.addf %add3A_529, %get3A_704 : vector<16xf32>
      %mul3A_706 = arith.mulf %get3A_704, %get3A_704 : vector<16xf32>
      %add3A_707 = arith.addf %add3A_575, %mul3A_706 : vector<16xf32>
      %mul3A_708 = arith.constant 2 : i32
      %mul3A_709 = arith.muli %mul3A_708, %scan3A_420 : i32
      %add3A_710 = arith.constant 1 : i32
      %add3A_711 = arith.addi %mul3A_709, %add3A_710 : i32
      %get3A_712 = arith.index_cast %add3A_711 : i32 to index
      %get3A_713 = arith.constant 128 : index
      %get3A_714 = tpu.vector_load %arg8[%get3A_712, %get3A_713] {strides = array<i32>} : memref<64x256xf32, #tpu.memory_space<vmem>>, vector<1x16xf32>,
      %get3A_715 = vector.shape_cast %get3A_714 : vector<1x16xf32> to vector<16xf32>
      %add3A_716 = arith.addf %add3A_540, %get3A_715 : vector<16xf32>
      %mul3A_717 = arith.mulf %get3A_715, %get3A_715 : vector<16xf32>
      %add3A_718 = arith.addf %add3A_630, %mul3A_717 : vector<16xf32>
      %mul3A_719 = arith.constant 2 : i32
      %mul3A_720 = arith.muli %mul3A_719, %scan3A_420 : i32
      %add3A_721 = arith.constant 1 : i32
      %add3A_722 = arith.addi %mul3A_720, %add3A_721 : i32
      %get3A_723 = arith.index_cast %add3A_722 : i32 to index
      %get3A_724 = arith.constant 144 : index
      %get3A_725 = tpu.vector_load %arg8[%get3A_723, %get3A_724] {strides = array<i32>} : memref<64x256xf32, #tpu.memory_space<vmem>>, vector<1x16xf32>,
      %get3A_726 = vector.shape_cast %get3A_725 : vector<1x16xf32> to vector<16xf32>
      %add3A_727 = arith.addf %add3A_551, %get3A_726 : vector<16xf32>
      %mul3A_728 = arith.mulf %get3A_726, %get3A_726 : vector<16xf32>
      %add3A_729 = arith.addf %add3A_641, %mul3A_728 : vector<16xf32>
      %mul3A_730 = arith.constant 2 : i32
      %mul3A_731 = arith.muli %mul3A_730, %scan3A_420 : i32
      %add3A_732 = arith.constant 1 : i32
      %add3A_733 = arith.addi %mul3A_731, %add3A_732 : i32
      %get3A_734 = arith.index_cast %add3A_733 : i32 to index
      %get3A_735 = arith.constant 160 : index
      %get3A_736 = tpu.vector_load %arg8[%get3A_734, %get3A_735] {strides = array<i32>} : memref<64x256xf32, #tpu.memory_space<vmem>>, vector<1x16xf32>,
      %get3A_737 = vector.shape_cast %get3A_736 : vector<1x16xf32> to vector<16xf32>
      %add3A_738 = arith.addf %add3A_562, %get3A_737 : vector<16xf32>
      %mul3A_739 = arith.mulf %get3A_737, %get3A_737 : vector<16xf32>
      %add3A_740 = arith.addf %add3A_652, %mul3A_739 : vector<16xf32>
      %mul3A_741 = arith.constant 2 : i32
      %mul3A_742 = arith.muli %mul3A_741, %scan3A_420 : i32
      %add3A_743 = arith.constant 1 : i32
      %add3A_744 = arith.addi %mul3A_742, %add3A_743 : i32
      %get3A_745 = arith.index_cast %add3A_744 : i32 to index
      %get3A_746 = arith.constant 176 : index
      %get3A_747 = tpu.vector_load %arg8[%get3A_745, %get3A_746] {strides = array<i32>} : memref<64x256xf32, #tpu.memory_space<vmem>>, vector<1x16xf32>,
      %get3A_748 = vector.shape_cast %get3A_747 : vector<1x16xf32> to vector<16xf32>
      %add3A_749 = arith.addf %add3A_573, %get3A_748 : vector<16xf32>
      %mul3A_750 = arith.mulf %get3A_748, %get3A_748 : vector<16xf32>
      %add3A_751 = arith.addf %add3A_663, %mul3A_750 : vector<16xf32>
      %mul3A_752 = arith.constant 2 : i32
      %mul3A_753 = arith.muli %mul3A_752, %scan3A_420 : i32
      %add3A_754 = arith.constant 1 : i32
      %add3A_755 = arith.addi %mul3A_753, %add3A_754 : i32
      %get3A_756 = arith.index_cast %add3A_755 : i32 to index
      %get3A_757 = arith.constant 192 : index
      %get3A_758 = tpu.vector_load %arg8[%get3A_756, %get3A_757] {strides = array<i32>} : memref<64x256xf32, #tpu.memory_space<vmem>>, vector<1x16xf32>,
      %get3A_759 = vector.shape_cast %get3A_758 : vector<1x16xf32> to vector<16xf32>
      %add3A_760 = arith.addf %add3A_584, %get3A_759 : vector<16xf32>
      %mul3A_761 = arith.mulf %get3A_759, %get3A_759 : vector<16xf32>
      %add3A_762 = arith.addf %add3A_674, %mul3A_761 : vector<16xf32>
      %mul3A_763 = arith.constant 2 : i32
      %mul3A_764 = arith.muli %mul3A_763, %scan3A_420 : i32
      %add3A_765 = arith.constant 1 : i32
      %add3A_766 = arith.addi %mul3A_764, %add3A_765 : i32
      %get3A_767 = arith.index_cast %add3A_766 : i32 to index
      %get3A_768 = arith.constant 208 : index
      %get3A_769 = tpu.vector_load %arg8[%get3A_767, %get3A_768] {strides = array<i32>} : memref<64x256xf32, #tpu.memory_space<vmem>>, vector<1x16xf32>,
      %get3A_770 = vector.shape_cast %get3A_769 : vector<1x16xf32> to vector<16xf32>
      %add3A_771 = arith.addf %add3A_595, %get3A_770 : vector<16xf32>
      %mul3A_772 = arith.mulf %get3A_770, %get3A_770 : vector<16xf32>
      %add3A_773 = arith.addf %add3A_685, %mul3A_772 : vector<16xf32>
      %mul3A_774 = arith.constant 2 : i32
      %mul3A_775 = arith.muli %mul3A_774, %scan3A_420 : i32
      %add3A_776 = arith.constant 1 : i32
      %add3A_777 = arith.addi %mul3A_775, %add3A_776 : i32
      %get3A_778 = arith.index_cast %add3A_777 : i32 to index
      %get3A_779 = arith.constant 224 : index
      %get3A_780 = tpu.vector_load %arg8[%get3A_778, %get3A_779] {strides = array<i32>} : memref<64x256xf32, #tpu.memory_space<vmem>>, vector<1x16xf32>,
      %get3A_781 = vector.shape_cast %get3A_780 : vector<1x16xf32> to vector<16xf32>
      %add3A_782 = arith.addf %add3A_606, %get3A_781 : vector<16xf32>
      %mul3A_783 = arith.mulf %get3A_781, %get3A_781 : vector<16xf32>
      %add3A_784 = arith.addf %add3A_696, %mul3A_783 : vector<16xf32>
      %mul3A_785 = arith.constant 2 : i32
      %mul3A_786 = arith.muli %mul3A_785, %scan3A_420 : i32
      %add3A_787 = arith.constant 1 : i32
      %add3A_788 = arith.addi %mul3A_786, %add3A_787 : i32
      %get3A_789 = arith.index_cast %add3A_788 : i32 to index
      %get3A_790 = arith.constant 240 : index
      %get3A_791 = tpu.vector_load %arg8[%get3A_789, %get3A_790] {strides = array<i32>} : memref<64x256xf32, #tpu.memory_space<vmem>>, vector<1x16xf32>,
      %get3A_792 = vector.shape_cast %get3A_791 : vector<1x16xf32> to vector<16xf32>
      %add3A_793 = arith.addf %add3A_617, %get3A_792 : vector<16xf32>
      %mul3A_794 = arith.mulf %get3A_792, %get3A_792 : vector<16xf32>
      %add3A_795 = arith.addf %add3A_707, %mul3A_794 : vector<16xf32>
      scf.yield %add3A_628, %add3A_639, %add3A_650, %add3A_661, %add3A_672, %add3A_683, %add3A_694, %add3A_705, %add3A_716, %add3A_727, %add3A_738, %add3A_749, %add3A_760, %add3A_771, %add3A_782, %add3A_793, %add3A_762, %add3A_773, %add3A_784, %add3A_795, %add3A_718, %add3A_729, %add3A_740, %add3A_751 : vector<16xf32>, vector<16xf32>, vector<16xf32>, vector<16xf32>, vector<16xf32>, vector<16xf32>, vector<16xf32>, vector<16xf32>, vector<16xf32>, vector<16xf32>, vector<16xf32>, vector<16xf32>, vector<16xf32>, vector<16xf32>, vector<16xf32>, vector<16xf32>, vector<16xf32>, vector<16xf32>, vector<16xf32>, vector<16xf32>, vector<16xf32>, vector<16xf32>, vector<16xf32>, vector<16xf32>
    }
    %scan3A_69 = arith.constant 32 : i32
    %dma_start3A_70 = arith.constant 2 : i32
    %dma_start3A_71 = arith.constant 0 : i32
    %dma_start3A_72 = tpu.memref_slice %arg7[%dma_start3A_70, %dma_start3A_71] : memref<8x64xi32, #tpu.memory_space<vmem>> -> memref<1x64xi32, #tpu.memory_space<vmem>>
    %dma_start3A_73 = tpu.memref_squeeze %dma_start3A_72 : memref<1x64xi32, #tpu.memory_space<vmem>> -> memref<64xi32, #tpu.memory_space<vmem>>
    %dma_start3A_74 = arith.constant 0 : i32
    %dma_start3A_75 = arith.constant 0 : i32
    %dma_start3A_76 = tpu.memref_slice %arg2[%dma_start3A_74, %dma_start3A_75] : memref<50000x256xf32, #tpu.memory_space<hbm>> -> memref<50000x256xf32, #tpu.memory_space<hbm>>
    tpu.enqueue_indirect_dma source(%dma_start3A_76 : memref<50000x256xf32, #tpu.memory_space<hbm>>) target(%arg8 : memref<64x256xf32, #tpu.memory_space<vmem>>) offsets(%dma_start3A_73 : memref<64xi32, #tpu.memory_space<vmem>>) semaphore(%arg12 : memref<!tpu.dma_semaphore, #tpu.memory_space<semaphore_mem>>)
    %dma_wait3A_77 = arith.constant 1 : i32
    %dma_wait3A_78 = arith.constant 0 : i32
    %dma_wait3A_79 = tpu.memref_slice %arg7[%dma_wait3A_77, %dma_wait3A_78] : memref<8x64xi32, #tpu.memory_space<vmem>> -> memref<1x64xi32, #tpu.memory_space<vmem>>
    %dma_wait3A_80 = tpu.memref_squeeze %dma_wait3A_79 : memref<1x64xi32, #tpu.memory_space<vmem>> -> memref<64xi32, #tpu.memory_space<vmem>>
    %dma_wait3A_81 = arith.constant 0 : i32
    %dma_wait3A_82 = arith.constant 0 : i32
    %dma_wait3A_83 = tpu.memref_slice %arg2[%dma_wait3A_81, %dma_wait3A_82] : memref<50000x256xf32, #tpu.memory_space<hbm>> -> memref<50000x256xf32, #tpu.memory_space<hbm>>
    tpu.wait_indirect_dma semaphore(%arg13 : memref<!tpu.dma_semaphore, #tpu.memory_space<semaphore_mem>>) src(%dma_wait3A_83 : memref<50000x256xf32, #tpu.memory_space<hbm>>) dst(%arg9 : memref<64x256xf32, #tpu.memory_space<vmem>>)
    %scan3A_84 = arith.constant 0 : i32
    %scan3A_85 = arith.constant 32 : i32
    %scan3A_86 = arith.addi %scan3A_84, %scan3A_85 : i32
    %scan3A_87 = arith.constant 1 : i32
    %scan3A_88:24 = scf.for %scan3A_420 = %scan3A_84 to %scan3A_86 step %scan3A_87 iter_args(%scan3A_421 = %scan3A_68#0, %scan3A_422 = %scan3A_68#1, %scan3A_423 = %scan3A_68#2, %scan3A_424 = %scan3A_68#3, %scan3A_425 = %scan3A_68#4, %scan3A_426 = %scan3A_68#5, %scan3A_427 = %scan3A_68#6, %scan3A_428 = %scan3A_68#7, %scan3A_429 = %scan3A_68#8, %scan3A_430 = %scan3A_68#9, %scan3A_431 = %scan3A_68#10, %scan3A_432 = %scan3A_68#11, %scan3A_433 = %scan3A_68#12, %scan3A_434 = %scan3A_68#13, %scan3A_435 = %scan3A_68#14, %scan3A_436 = %scan3A_68#15, %scan3A_437 = %scan3A_68#16, %scan3A_438 = %scan3A_68#17, %scan3A_439 = %scan3A_68#18, %scan3A_440 = %scan3A_68#19, %scan3A_441 = %scan3A_68#20, %scan3A_442 = %scan3A_68#21, %scan3A_443 = %scan3A_68#22, %scan3A_444 = %scan3A_68#23) -> (vector<16xf32>, vector<16xf32>, vector<16xf32>, vector<16xf32>, vector<16xf32>, vector<16xf32>, vector<16xf32>, vector<16xf32>, vector<16xf32>, vector<16xf32>, vector<16xf32>, vector<16xf32>, vector<16xf32>, vector<16xf32>, vector<16xf32>, vector<16xf32>, vector<16xf32>, vector<16xf32>, vector<16xf32>, vector<16xf32>, vector<16xf32>, vector<16xf32>, vector<16xf32>, vector<16xf32>)  : i32 {
      %mul3A_445 = arith.constant 2 : i32
      %mul3A_446 = arith.muli %mul3A_445, %scan3A_420 : i32
      %add3A_447 = arith.constant 0 : i32
      %add3A_448 = arith.addi %mul3A_446, %add3A_447 : i32
      %get3A = arith.index_cast %add3A_448 : i32 to index
      %get3A_449 = arith.constant 0 : index
      %get3A_450 = tpu.vector_load %arg9[%get3A, %get3A_449] {strides = array<i32>} : memref<64x256xf32, #tpu.memory_space<vmem>>, vector<1x16xf32>,
      %get3A_451 = vector.shape_cast %get3A_450 : vector<1x16xf32> to vector<16xf32>
      %add3A_452 = arith.addf %scan3A_421, %get3A_451 : vector<16xf32>
      %mul3A_453 = arith.mulf %get3A_451, %get3A_451 : vector<16xf32>
      %add3A_454 = arith.addf %scan3A_437, %mul3A_453 : vector<16xf32>
      %mul3A_455 = arith.constant 2 : i32
      %mul3A_456 = arith.muli %mul3A_455, %scan3A_420 : i32
      %add3A_457 = arith.constant 0 : i32
      %add3A_458 = arith.addi %mul3A_456, %add3A_457 : i32
      %get3A_459 = arith.index_cast %add3A_458 : i32 to index
      %get3A_460 = arith.constant 16 : index
      %get3A_461 = tpu.vector_load %arg9[%get3A_459, %get3A_460] {strides = array<i32>} : memref<64x256xf32, #tpu.memory_space<vmem>>, vector<1x16xf32>,
      %get3A_462 = vector.shape_cast %get3A_461 : vector<1x16xf32> to vector<16xf32>
      %add3A_463 = arith.addf %scan3A_422, %get3A_462 : vector<16xf32>
      %mul3A_464 = arith.mulf %get3A_462, %get3A_462 : vector<16xf32>
      %add3A_465 = arith.addf %scan3A_438, %mul3A_464 : vector<16xf32>
      %mul3A_466 = arith.constant 2 : i32
      %mul3A_467 = arith.muli %mul3A_466, %scan3A_420 : i32
      %add3A_468 = arith.constant 0 : i32
      %add3A_469 = arith.addi %mul3A_467, %add3A_468 : i32
      %get3A_470 = arith.index_cast %add3A_469 : i32 to index
      %get3A_471 = arith.constant 32 : index
      %get3A_472 = tpu.vector_load %arg9[%get3A_470, %get3A_471] {strides = array<i32>} : memref<64x256xf32, #tpu.memory_space<vmem>>, vector<1x16xf32>,
      %get3A_473 = vector.shape_cast %get3A_472 : vector<1x16xf32> to vector<16xf32>
      %add3A_474 = arith.addf %scan3A_423, %get3A_473 : vector<16xf32>
      %mul3A_475 = arith.mulf %get3A_473, %get3A_473 : vector<16xf32>
      %add3A_476 = arith.addf %scan3A_439, %mul3A_475 : vector<16xf32>
      %mul3A_477 = arith.constant 2 : i32
      %mul3A_478 = arith.muli %mul3A_477, %scan3A_420 : i32
      %add3A_479 = arith.constant 0 : i32
      %add3A_480 = arith.addi %mul3A_478, %add3A_479 : i32
      %get3A_481 = arith.index_cast %add3A_480 : i32 to index
      %get3A_482 = arith.constant 48 : index
      %get3A_483 = tpu.vector_load %arg9[%get3A_481, %get3A_482] {strides = array<i32>} : memref<64x256xf32, #tpu.memory_space<vmem>>, vector<1x16xf32>,
      %get3A_484 = vector.shape_cast %get3A_483 : vector<1x16xf32> to vector<16xf32>
      %add3A_485 = arith.addf %scan3A_424, %get3A_484 : vector<16xf32>
      %mul3A_486 = arith.mulf %get3A_484, %get3A_484 : vector<16xf32>
      %add3A_487 = arith.addf %scan3A_440, %mul3A_486 : vector<16xf32>
      %mul3A_488 = arith.constant 2 : i32
      %mul3A_489 = arith.muli %mul3A_488, %scan3A_420 : i32
      %add3A_490 = arith.constant 0 : i32
      %add3A_491 = arith.addi %mul3A_489, %add3A_490 : i32
      %get3A_492 = arith.index_cast %add3A_491 : i32 to index
      %get3A_493 = arith.constant 64 : index
      %get3A_494 = tpu.vector_load %arg9[%get3A_492, %get3A_493] {strides = array<i32>} : memref<64x256xf32, #tpu.memory_space<vmem>>, vector<1x16xf32>,
      %get3A_495 = vector.shape_cast %get3A_494 : vector<1x16xf32> to vector<16xf32>
      %add3A_496 = arith.addf %scan3A_425, %get3A_495 : vector<16xf32>
      %mul3A_497 = arith.mulf %get3A_495, %get3A_495 : vector<16xf32>
      %add3A_498 = arith.addf %scan3A_441, %mul3A_497 : vector<16xf32>
      %mul3A_499 = arith.constant 2 : i32
      %mul3A_500 = arith.muli %mul3A_499, %scan3A_420 : i32
      %add3A_501 = arith.constant 0 : i32
      %add3A_502 = arith.addi %mul3A_500, %add3A_501 : i32
      %get3A_503 = arith.index_cast %add3A_502 : i32 to index
      %get3A_504 = arith.constant 80 : index
      %get3A_505 = tpu.vector_load %arg9[%get3A_503, %get3A_504] {strides = array<i32>} : memref<64x256xf32, #tpu.memory_space<vmem>>, vector<1x16xf32>,
      %get3A_506 = vector.shape_cast %get3A_505 : vector<1x16xf32> to vector<16xf32>
      %add3A_507 = arith.addf %scan3A_426, %get3A_506 : vector<16xf32>
      %mul3A_508 = arith.mulf %get3A_506, %get3A_506 : vector<16xf32>
      %add3A_509 = arith.addf %scan3A_442, %mul3A_508 : vector<16xf32>
      %mul3A_510 = arith.constant 2 : i32
      %mul3A_511 = arith.muli %mul3A_510, %scan3A_420 : i32
      %add3A_512 = arith.constant 0 : i32
      %add3A_513 = arith.addi %mul3A_511, %add3A_512 : i32
      %get3A_514 = arith.index_cast %add3A_513 : i32 to index
      %get3A_515 = arith.constant 96 : index
      %get3A_516 = tpu.vector_load %arg9[%get3A_514, %get3A_515] {strides = array<i32>} : memref<64x256xf32, #tpu.memory_space<vmem>>, vector<1x16xf32>,
      %get3A_517 = vector.shape_cast %get3A_516 : vector<1x16xf32> to vector<16xf32>
      %add3A_518 = arith.addf %scan3A_427, %get3A_517 : vector<16xf32>
      %mul3A_519 = arith.mulf %get3A_517, %get3A_517 : vector<16xf32>
      %add3A_520 = arith.addf %scan3A_443, %mul3A_519 : vector<16xf32>
      %mul3A_521 = arith.constant 2 : i32
      %mul3A_522 = arith.muli %mul3A_521, %scan3A_420 : i32
      %add3A_523 = arith.constant 0 : i32
      %add3A_524 = arith.addi %mul3A_522, %add3A_523 : i32
      %get3A_525 = arith.index_cast %add3A_524 : i32 to index
      %get3A_526 = arith.constant 112 : index
      %get3A_527 = tpu.vector_load %arg9[%get3A_525, %get3A_526] {strides = array<i32>} : memref<64x256xf32, #tpu.memory_space<vmem>>, vector<1x16xf32>,
      %get3A_528 = vector.shape_cast %get3A_527 : vector<1x16xf32> to vector<16xf32>
      %add3A_529 = arith.addf %scan3A_428, %get3A_528 : vector<16xf32>
      %mul3A_530 = arith.mulf %get3A_528, %get3A_528 : vector<16xf32>
      %add3A_531 = arith.addf %scan3A_444, %mul3A_530 : vector<16xf32>
      %mul3A_532 = arith.constant 2 : i32
      %mul3A_533 = arith.muli %mul3A_532, %scan3A_420 : i32
      %add3A_534 = arith.constant 0 : i32
      %add3A_535 = arith.addi %mul3A_533, %add3A_534 : i32
      %get3A_536 = arith.index_cast %add3A_535 : i32 to index
      %get3A_537 = arith.constant 128 : index
      %get3A_538 = tpu.vector_load %arg9[%get3A_536, %get3A_537] {strides = array<i32>} : memref<64x256xf32, #tpu.memory_space<vmem>>, vector<1x16xf32>,
      %get3A_539 = vector.shape_cast %get3A_538 : vector<1x16xf32> to vector<16xf32>
      %add3A_540 = arith.addf %scan3A_429, %get3A_539 : vector<16xf32>
      %mul3A_541 = arith.mulf %get3A_539, %get3A_539 : vector<16xf32>
      %add3A_542 = arith.addf %add3A_454, %mul3A_541 : vector<16xf32>
      %mul3A_543 = arith.constant 2 : i32
      %mul3A_544 = arith.muli %mul3A_543, %scan3A_420 : i32
      %add3A_545 = arith.constant 0 : i32
      %add3A_546 = arith.addi %mul3A_544, %add3A_545 : i32
      %get3A_547 = arith.index_cast %add3A_546 : i32 to index
      %get3A_548 = arith.constant 144 : index
      %get3A_549 = tpu.vector_load %arg9[%get3A_547, %get3A_548] {strides = array<i32>} : memref<64x256xf32, #tpu.memory_space<vmem>>, vector<1x16xf32>,
      %get3A_550 = vector.shape_cast %get3A_549 : vector<1x16xf32> to vector<16xf32>
      %add3A_551 = arith.addf %scan3A_430, %get3A_550 : vector<16xf32>
      %mul3A_552 = arith.mulf %get3A_550, %get3A_550 : vector<16xf32>
      %add3A_553 = arith.addf %add3A_465, %mul3A_552 : vector<16xf32>
      %mul3A_554 = arith.constant 2 : i32
      %mul3A_555 = arith.muli %mul3A_554, %scan3A_420 : i32
      %add3A_556 = arith.constant 0 : i32
      %add3A_557 = arith.addi %mul3A_555, %add3A_556 : i32
      %get3A_558 = arith.index_cast %add3A_557 : i32 to index
      %get3A_559 = arith.constant 160 : index
      %get3A_560 = tpu.vector_load %arg9[%get3A_558, %get3A_559] {strides = array<i32>} : memref<64x256xf32, #tpu.memory_space<vmem>>, vector<1x16xf32>,
      %get3A_561 = vector.shape_cast %get3A_560 : vector<1x16xf32> to vector<16xf32>
      %add3A_562 = arith.addf %scan3A_431, %get3A_561 : vector<16xf32>
      %mul3A_563 = arith.mulf %get3A_561, %get3A_561 : vector<16xf32>
      %add3A_564 = arith.addf %add3A_476, %mul3A_563 : vector<16xf32>
      %mul3A_565 = arith.constant 2 : i32
      %mul3A_566 = arith.muli %mul3A_565, %scan3A_420 : i32
      %add3A_567 = arith.constant 0 : i32
      %add3A_568 = arith.addi %mul3A_566, %add3A_567 : i32
      %get3A_569 = arith.index_cast %add3A_568 : i32 to index
      %get3A_570 = arith.constant 176 : index
      %get3A_571 = tpu.vector_load %arg9[%get3A_569, %get3A_570] {strides = array<i32>} : memref<64x256xf32, #tpu.memory_space<vmem>>, vector<1x16xf32>,
      %get3A_572 = vector.shape_cast %get3A_571 : vector<1x16xf32> to vector<16xf32>
      %add3A_573 = arith.addf %scan3A_432, %get3A_572 : vector<16xf32>
      %mul3A_574 = arith.mulf %get3A_572, %get3A_572 : vector<16xf32>
      %add3A_575 = arith.addf %add3A_487, %mul3A_574 : vector<16xf32>
      %mul3A_576 = arith.constant 2 : i32
      %mul3A_577 = arith.muli %mul3A_576, %scan3A_420 : i32
      %add3A_578 = arith.constant 0 : i32
      %add3A_579 = arith.addi %mul3A_577, %add3A_578 : i32
      %get3A_580 = arith.index_cast %add3A_579 : i32 to index
      %get3A_581 = arith.constant 192 : index
      %get3A_582 = tpu.vector_load %arg9[%get3A_580, %get3A_581] {strides = array<i32>} : memref<64x256xf32, #tpu.memory_space<vmem>>, vector<1x16xf32>,
      %get3A_583 = vector.shape_cast %get3A_582 : vector<1x16xf32> to vector<16xf32>
      %add3A_584 = arith.addf %scan3A_433, %get3A_583 : vector<16xf32>
      %mul3A_585 = arith.mulf %get3A_583, %get3A_583 : vector<16xf32>
      %add3A_586 = arith.addf %add3A_498, %mul3A_585 : vector<16xf32>
      %mul3A_587 = arith.constant 2 : i32
      %mul3A_588 = arith.muli %mul3A_587, %scan3A_420 : i32
      %add3A_589 = arith.constant 0 : i32
      %add3A_590 = arith.addi %mul3A_588, %add3A_589 : i32
      %get3A_591 = arith.index_cast %add3A_590 : i32 to index
      %get3A_592 = arith.constant 208 : index
      %get3A_593 = tpu.vector_load %arg9[%get3A_591, %get3A_592] {strides = array<i32>} : memref<64x256xf32, #tpu.memory_space<vmem>>, vector<1x16xf32>,
      %get3A_594 = vector.shape_cast %get3A_593 : vector<1x16xf32> to vector<16xf32>
      %add3A_595 = arith.addf %scan3A_434, %get3A_594 : vector<16xf32>
      %mul3A_596 = arith.mulf %get3A_594, %get3A_594 : vector<16xf32>
      %add3A_597 = arith.addf %add3A_509, %mul3A_596 : vector<16xf32>
      %mul3A_598 = arith.constant 2 : i32
      %mul3A_599 = arith.muli %mul3A_598, %scan3A_420 : i32
      %add3A_600 = arith.constant 0 : i32
      %add3A_601 = arith.addi %mul3A_599, %add3A_600 : i32
      %get3A_602 = arith.index_cast %add3A_601 : i32 to index
      %get3A_603 = arith.constant 224 : index
      %get3A_604 = tpu.vector_load %arg9[%get3A_602, %get3A_603] {strides = array<i32>} : memref<64x256xf32, #tpu.memory_space<vmem>>, vector<1x16xf32>,
      %get3A_605 = vector.shape_cast %get3A_604 : vector<1x16xf32> to vector<16xf32>
      %add3A_606 = arith.addf %scan3A_435, %get3A_605 : vector<16xf32>
      %mul3A_607 = arith.mulf %get3A_605, %get3A_605 : vector<16xf32>
      %add3A_608 = arith.addf %add3A_520, %mul3A_607 : vector<16xf32>
      %mul3A_609 = arith.constant 2 : i32
      %mul3A_610 = arith.muli %mul3A_609, %scan3A_420 : i32
      %add3A_611 = arith.constant 0 : i32
      %add3A_612 = arith.addi %mul3A_610, %add3A_611 : i32
      %get3A_613 = arith.index_cast %add3A_612 : i32 to index
      %get3A_614 = arith.constant 240 : index
      %get3A_615 = tpu.vector_load %arg9[%get3A_613, %get3A_614] {strides = array<i32>} : memref<64x256xf32, #tpu.memory_space<vmem>>, vector<1x16xf32>,
      %get3A_616 = vector.shape_cast %get3A_615 : vector<1x16xf32> to vector<16xf32>
      %add3A_617 = arith.addf %scan3A_436, %get3A_616 : vector<16xf32>
      %mul3A_618 = arith.mulf %get3A_616, %get3A_616 : vector<16xf32>
      %add3A_619 = arith.addf %add3A_531, %mul3A_618 : vector<16xf32>
      %mul3A_620 = arith.constant 2 : i32
      %mul3A_621 = arith.muli %mul3A_620, %scan3A_420 : i32
      %add3A_622 = arith.constant 1 : i32
      %add3A_623 = arith.addi %mul3A_621, %add3A_622 : i32
      %get3A_624 = arith.index_cast %add3A_623 : i32 to index
      %get3A_625 = arith.constant 0 : index
      %get3A_626 = tpu.vector_load %arg9[%get3A_624, %get3A_625] {strides = array<i32>} : memref<64x256xf32, #tpu.memory_space<vmem>>, vector<1x16xf32>,
      %get3A_627 = vector.shape_cast %get3A_626 : vector<1x16xf32> to vector<16xf32>
      %add3A_628 = arith.addf %add3A_452, %get3A_627 : vector<16xf32>
      %mul3A_629 = arith.mulf %get3A_627, %get3A_627 : vector<16xf32>
      %add3A_630 = arith.addf %add3A_586, %mul3A_629 : vector<16xf32>
      %mul3A_631 = arith.constant 2 : i32
      %mul3A_632 = arith.muli %mul3A_631, %scan3A_420 : i32
      %add3A_633 = arith.constant 1 : i32
      %add3A_634 = arith.addi %mul3A_632, %add3A_633 : i32
      %get3A_635 = arith.index_cast %add3A_634 : i32 to index
      %get3A_636 = arith.constant 16 : index
      %get3A_637 = tpu.vector_load %arg9[%get3A_635, %get3A_636] {strides = array<i32>} : memref<64x256xf32, #tpu.memory_space<vmem>>, vector<1x16xf32>,
      %get3A_638 = vector.shape_cast %get3A_637 : vector<1x16xf32> to vector<16xf32>
      %add3A_639 = arith.addf %add3A_463, %get3A_638 : vector<16xf32>
      %mul3A_640 = arith.mulf %get3A_638, %get3A_638 : vector<16xf32>
      %add3A_641 = arith.addf %add3A_597, %mul3A_640 : vector<16xf32>
      %mul3A_642 = arith.constant 2 : i32
      %mul3A_643 = arith.muli %mul3A_642, %scan3A_420 : i32
      %add3A_644 = arith.constant 1 : i32
      %add3A_645 = arith.addi %mul3A_643, %add3A_644 : i32
      %get3A_646 = arith.index_cast %add3A_645 : i32 to index
      %get3A_647 = arith.constant 32 : index
      %get3A_648 = tpu.vector_load %arg9[%get3A_646, %get3A_647] {strides = array<i32>} : memref<64x256xf32, #tpu.memory_space<vmem>>, vector<1x16xf32>,
      %get3A_649 = vector.shape_cast %get3A_648 : vector<1x16xf32> to vector<16xf32>
      %add3A_650 = arith.addf %add3A_474, %get3A_649 : vector<16xf32>
      %mul3A_651 = arith.mulf %get3A_649, %get3A_649 : vector<16xf32>
      %add3A_652 = arith.addf %add3A_608, %mul3A_651 : vector<16xf32>
      %mul3A_653 = arith.constant 2 : i32
      %mul3A_654 = arith.muli %mul3A_653, %scan3A_420 : i32
      %add3A_655 = arith.constant 1 : i32
      %add3A_656 = arith.addi %mul3A_654, %add3A_655 : i32
      %get3A_657 = arith.index_cast %add3A_656 : i32 to index
      %get3A_658 = arith.constant 48 : index
      %get3A_659 = tpu.vector_load %arg9[%get3A_657, %get3A_658] {strides = array<i32>} : memref<64x256xf32, #tpu.memory_space<vmem>>, vector<1x16xf32>,
      %get3A_660 = vector.shape_cast %get3A_659 : vector<1x16xf32> to vector<16xf32>
      %add3A_661 = arith.addf %add3A_485, %get3A_660 : vector<16xf32>
      %mul3A_662 = arith.mulf %get3A_660, %get3A_660 : vector<16xf32>
      %add3A_663 = arith.addf %add3A_619, %mul3A_662 : vector<16xf32>
      %mul3A_664 = arith.constant 2 : i32
      %mul3A_665 = arith.muli %mul3A_664, %scan3A_420 : i32
      %add3A_666 = arith.constant 1 : i32
      %add3A_667 = arith.addi %mul3A_665, %add3A_666 : i32
      %get3A_668 = arith.index_cast %add3A_667 : i32 to index
      %get3A_669 = arith.constant 64 : index
      %get3A_670 = tpu.vector_load %arg9[%get3A_668, %get3A_669] {strides = array<i32>} : memref<64x256xf32, #tpu.memory_space<vmem>>, vector<1x16xf32>,
      %get3A_671 = vector.shape_cast %get3A_670 : vector<1x16xf32> to vector<16xf32>
      %add3A_672 = arith.addf %add3A_496, %get3A_671 : vector<16xf32>
      %mul3A_673 = arith.mulf %get3A_671, %get3A_671 : vector<16xf32>
      %add3A_674 = arith.addf %add3A_542, %mul3A_673 : vector<16xf32>
      %mul3A_675 = arith.constant 2 : i32
      %mul3A_676 = arith.muli %mul3A_675, %scan3A_420 : i32
      %add3A_677 = arith.constant 1 : i32
      %add3A_678 = arith.addi %mul3A_676, %add3A_677 : i32
      %get3A_679 = arith.index_cast %add3A_678 : i32 to index
      %get3A_680 = arith.constant 80 : index
      %get3A_681 = tpu.vector_load %arg9[%get3A_679, %get3A_680] {strides = array<i32>} : memref<64x256xf32, #tpu.memory_space<vmem>>, vector<1x16xf32>,
      %get3A_682 = vector.shape_cast %get3A_681 : vector<1x16xf32> to vector<16xf32>
      %add3A_683 = arith.addf %add3A_507, %get3A_682 : vector<16xf32>
      %mul3A_684 = arith.mulf %get3A_682, %get3A_682 : vector<16xf32>
      %add3A_685 = arith.addf %add3A_553, %mul3A_684 : vector<16xf32>
      %mul3A_686 = arith.constant 2 : i32
      %mul3A_687 = arith.muli %mul3A_686, %scan3A_420 : i32
      %add3A_688 = arith.constant 1 : i32
      %add3A_689 = arith.addi %mul3A_687, %add3A_688 : i32
      %get3A_690 = arith.index_cast %add3A_689 : i32 to index
      %get3A_691 = arith.constant 96 : index
      %get3A_692 = tpu.vector_load %arg9[%get3A_690, %get3A_691] {strides = array<i32>} : memref<64x256xf32, #tpu.memory_space<vmem>>, vector<1x16xf32>,
      %get3A_693 = vector.shape_cast %get3A_692 : vector<1x16xf32> to vector<16xf32>
      %add3A_694 = arith.addf %add3A_518, %get3A_693 : vector<16xf32>
      %mul3A_695 = arith.mulf %get3A_693, %get3A_693 : vector<16xf32>
      %add3A_696 = arith.addf %add3A_564, %mul3A_695 : vector<16xf32>
      %mul3A_697 = arith.constant 2 : i32
      %mul3A_698 = arith.muli %mul3A_697, %scan3A_420 : i32
      %add3A_699 = arith.constant 1 : i32
      %add3A_700 = arith.addi %mul3A_698, %add3A_699 : i32
      %get3A_701 = arith.index_cast %add3A_700 : i32 to index
      %get3A_702 = arith.constant 112 : index
      %get3A_703 = tpu.vector_load %arg9[%get3A_701, %get3A_702] {strides = array<i32>} : memref<64x256xf32, #tpu.memory_space<vmem>>, vector<1x16xf32>,
      %get3A_704 = vector.shape_cast %get3A_703 : vector<1x16xf32> to vector<16xf32>
      %add3A_705 = arith.addf %add3A_529, %get3A_704 : vector<16xf32>
      %mul3A_706 = arith.mulf %get3A_704, %get3A_704 : vector<16xf32>
      %add3A_707 = arith.addf %add3A_575, %mul3A_706 : vector<16xf32>
      %mul3A_708 = arith.constant 2 : i32
      %mul3A_709 = arith.muli %mul3A_708, %scan3A_420 : i32
      %add3A_710 = arith.constant 1 : i32
      %add3A_711 = arith.addi %mul3A_709, %add3A_710 : i32
      %get3A_712 = arith.index_cast %add3A_711 : i32 to index
      %get3A_713 = arith.constant 128 : index
      %get3A_714 = tpu.vector_load %arg9[%get3A_712, %get3A_713] {strides = array<i32>} : memref<64x256xf32, #tpu.memory_space<vmem>>, vector<1x16xf32>,
      %get3A_715 = vector.shape_cast %get3A_714 : vector<1x16xf32> to vector<16xf32>
      %add3A_716 = arith.addf %add3A_540, %get3A_715 : vector<16xf32>
      %mul3A_717 = arith.mulf %get3A_715, %get3A_715 : vector<16xf32>
      %add3A_718 = arith.addf %add3A_630, %mul3A_717 : vector<16xf32>
      %mul3A_719 = arith.constant 2 : i32
      %mul3A_720 = arith.muli %mul3A_719, %scan3A_420 : i32
      %add3A_721 = arith.constant 1 : i32
      %add3A_722 = arith.addi %mul3A_720, %add3A_721 : i32
      %get3A_723 = arith.index_cast %add3A_722 : i32 to index
      %get3A_724 = arith.constant 144 : index
      %get3A_725 = tpu.vector_load %arg9[%get3A_723, %get3A_724] {strides = array<i32>} : memref<64x256xf32, #tpu.memory_space<vmem>>, vector<1x16xf32>,
      %get3A_726 = vector.shape_cast %get3A_725 : vector<1x16xf32> to vector<16xf32>
      %add3A_727 = arith.addf %add3A_551, %get3A_726 : vector<16xf32>
      %mul3A_728 = arith.mulf %get3A_726, %get3A_726 : vector<16xf32>
      %add3A_729 = arith.addf %add3A_641, %mul3A_728 : vector<16xf32>
      %mul3A_730 = arith.constant 2 : i32
      %mul3A_731 = arith.muli %mul3A_730, %scan3A_420 : i32
      %add3A_732 = arith.constant 1 : i32
      %add3A_733 = arith.addi %mul3A_731, %add3A_732 : i32
      %get3A_734 = arith.index_cast %add3A_733 : i32 to index
      %get3A_735 = arith.constant 160 : index
      %get3A_736 = tpu.vector_load %arg9[%get3A_734, %get3A_735] {strides = array<i32>} : memref<64x256xf32, #tpu.memory_space<vmem>>, vector<1x16xf32>,
      %get3A_737 = vector.shape_cast %get3A_736 : vector<1x16xf32> to vector<16xf32>
      %add3A_738 = arith.addf %add3A_562, %get3A_737 : vector<16xf32>
      %mul3A_739 = arith.mulf %get3A_737, %get3A_737 : vector<16xf32>
      %add3A_740 = arith.addf %add3A_652, %mul3A_739 : vector<16xf32>
      %mul3A_741 = arith.constant 2 : i32
      %mul3A_742 = arith.muli %mul3A_741, %scan3A_420 : i32
      %add3A_743 = arith.constant 1 : i32
      %add3A_744 = arith.addi %mul3A_742, %add3A_743 : i32
      %get3A_745 = arith.index_cast %add3A_744 : i32 to index
      %get3A_746 = arith.constant 176 : index
      %get3A_747 = tpu.vector_load %arg9[%get3A_745, %get3A_746] {strides = array<i32>} : memref<64x256xf32, #tpu.memory_space<vmem>>, vector<1x16xf32>,
      %get3A_748 = vector.shape_cast %get3A_747 : vector<1x16xf32> to vector<16xf32>
      %add3A_749 = arith.addf %add3A_573, %get3A_748 : vector<16xf32>
      %mul3A_750 = arith.mulf %get3A_748, %get3A_748 : vector<16xf32>
      %add3A_751 = arith.addf %add3A_663, %mul3A_750 : vector<16xf32>
      %mul3A_752 = arith.constant 2 : i32
      %mul3A_753 = arith.muli %mul3A_752, %scan3A_420 : i32
      %add3A_754 = arith.constant 1 : i32
      %add3A_755 = arith.addi %mul3A_753, %add3A_754 : i32
      %get3A_756 = arith.index_cast %add3A_755 : i32 to index
      %get3A_757 = arith.constant 192 : index
      %get3A_758 = tpu.vector_load %arg9[%get3A_756, %get3A_757] {strides = array<i32>} : memref<64x256xf32, #tpu.memory_space<vmem>>, vector<1x16xf32>,
      %get3A_759 = vector.shape_cast %get3A_758 : vector<1x16xf32> to vector<16xf32>
      %add3A_760 = arith.addf %add3A_584, %get3A_759 : vector<16xf32>
      %mul3A_761 = arith.mulf %get3A_759, %get3A_759 : vector<16xf32>
      %add3A_762 = arith.addf %add3A_674, %mul3A_761 : vector<16xf32>
      %mul3A_763 = arith.constant 2 : i32
      %mul3A_764 = arith.muli %mul3A_763, %scan3A_420 : i32
      %add3A_765 = arith.constant 1 : i32
      %add3A_766 = arith.addi %mul3A_764, %add3A_765 : i32
      %get3A_767 = arith.index_cast %add3A_766 : i32 to index
      %get3A_768 = arith.constant 208 : index
      %get3A_769 = tpu.vector_load %arg9[%get3A_767, %get3A_768] {strides = array<i32>} : memref<64x256xf32, #tpu.memory_space<vmem>>, vector<1x16xf32>,
      %get3A_770 = vector.shape_cast %get3A_769 : vector<1x16xf32> to vector<16xf32>
      %add3A_771 = arith.addf %add3A_595, %get3A_770 : vector<16xf32>
      %mul3A_772 = arith.mulf %get3A_770, %get3A_770 : vector<16xf32>
      %add3A_773 = arith.addf %add3A_685, %mul3A_772 : vector<16xf32>
      %mul3A_774 = arith.constant 2 : i32
      %mul3A_775 = arith.muli %mul3A_774, %scan3A_420 : i32
      %add3A_776 = arith.constant 1 : i32
      %add3A_777 = arith.addi %mul3A_775, %add3A_776 : i32
      %get3A_778 = arith.index_cast %add3A_777 : i32 to index
      %get3A_779 = arith.constant 224 : index
      %get3A_780 = tpu.vector_load %arg9[%get3A_778, %get3A_779] {strides = array<i32>} : memref<64x256xf32, #tpu.memory_space<vmem>>, vector<1x16xf32>,
      %get3A_781 = vector.shape_cast %get3A_780 : vector<1x16xf32> to vector<16xf32>
      %add3A_782 = arith.addf %add3A_606, %get3A_781 : vector<16xf32>
      %mul3A_783 = arith.mulf %get3A_781, %get3A_781 : vector<16xf32>
      %add3A_784 = arith.addf %add3A_696, %mul3A_783 : vector<16xf32>
      %mul3A_785 = arith.constant 2 : i32
      %mul3A_786 = arith.muli %mul3A_785, %scan3A_420 : i32
      %add3A_787 = arith.constant 1 : i32
      %add3A_788 = arith.addi %mul3A_786, %add3A_787 : i32
      %get3A_789 = arith.index_cast %add3A_788 : i32 to index
      %get3A_790 = arith.constant 240 : index
      %get3A_791 = tpu.vector_load %arg9[%get3A_789, %get3A_790] {strides = array<i32>} : memref<64x256xf32, #tpu.memory_space<vmem>>, vector<1x16xf32>,
      %get3A_792 = vector.shape_cast %get3A_791 : vector<1x16xf32> to vector<16xf32>
      %add3A_793 = arith.addf %add3A_617, %get3A_792 : vector<16xf32>
      %mul3A_794 = arith.mulf %get3A_792, %get3A_792 : vector<16xf32>
      %add3A_795 = arith.addf %add3A_707, %mul3A_794 : vector<16xf32>
      scf.yield %add3A_628, %add3A_639, %add3A_650, %add3A_661, %add3A_672, %add3A_683, %add3A_694, %add3A_705, %add3A_716, %add3A_727, %add3A_738, %add3A_749, %add3A_760, %add3A_771, %add3A_782, %add3A_793, %add3A_762, %add3A_773, %add3A_784, %add3A_795, %add3A_718, %add3A_729, %add3A_740, %add3A_751 : vector<16xf32>, vector<16xf32>, vector<16xf32>, vector<16xf32>, vector<16xf32>, vector<16xf32>, vector<16xf32>, vector<16xf32>, vector<16xf32>, vector<16xf32>, vector<16xf32>, vector<16xf32>, vector<16xf32>, vector<16xf32>, vector<16xf32>, vector<16xf32>, vector<16xf32>, vector<16xf32>, vector<16xf32>, vector<16xf32>, vector<16xf32>, vector<16xf32>, vector<16xf32>, vector<16xf32>
    }
    %scan3A_89 = arith.constant 32 : i32
    %dma_start3A_90 = arith.constant 3 : i32
    %dma_start3A_91 = arith.constant 0 : i32
    %dma_start3A_92 = tpu.memref_slice %arg7[%dma_start3A_90, %dma_start3A_91] : memref<8x64xi32, #tpu.memory_space<vmem>> -> memref<1x64xi32, #tpu.memory_space<vmem>>
    %dma_start3A_93 = tpu.memref_squeeze %dma_start3A_92 : memref<1x64xi32, #tpu.memory_space<vmem>> -> memref<64xi32, #tpu.memory_space<vmem>>
    %dma_start3A_94 = arith.constant 0 : i32
    %dma_start3A_95 = arith.constant 0 : i32
    %dma_start3A_96 = tpu.memref_slice %arg2[%dma_start3A_94, %dma_start3A_95] : memref<50000x256xf32, #tpu.memory_space<hbm>> -> memref<50000x256xf32, #tpu.memory_space<hbm>>
    tpu.enqueue_indirect_dma source(%dma_start3A_96 : memref<50000x256xf32, #tpu.memory_space<hbm>>) target(%arg9 : memref<64x256xf32, #tpu.memory_space<vmem>>) offsets(%dma_start3A_93 : memref<64xi32, #tpu.memory_space<vmem>>) semaphore(%arg13 : memref<!tpu.dma_semaphore, #tpu.memory_space<semaphore_mem>>)
    %dma_wait3A_97 = arith.constant 2 : i32
    %dma_wait3A_98 = arith.constant 0 : i32
    %dma_wait3A_99 = tpu.memref_slice %arg7[%dma_wait3A_97, %dma_wait3A_98] : memref<8x64xi32, #tpu.memory_space<vmem>> -> memref<1x64xi32, #tpu.memory_space<vmem>>
    %dma_wait3A_100 = tpu.memref_squeeze %dma_wait3A_99 : memref<1x64xi32, #tpu.memory_space<vmem>> -> memref<64xi32, #tpu.memory_space<vmem>>
    %dma_wait3A_101 = arith.constant 0 : i32
    %dma_wait3A_102 = arith.constant 0 : i32
    %dma_wait3A_103 = tpu.memref_slice %arg2[%dma_wait3A_101, %dma_wait3A_102] : memref<50000x256xf32, #tpu.memory_space<hbm>> -> memref<50000x256xf32, #tpu.memory_space<hbm>>
    tpu.wait_indirect_dma semaphore(%arg12 : memref<!tpu.dma_semaphore, #tpu.memory_space<semaphore_mem>>) src(%dma_wait3A_103 : memref<50000x256xf32, #tpu.memory_space<hbm>>) dst(%arg8 : memref<64x256xf32, #tpu.memory_space<vmem>>)
    %scan3A_104 = arith.constant 0 : i32
    %scan3A_105 = arith.constant 32 : i32
    %scan3A_106 = arith.addi %scan3A_104, %scan3A_105 : i32
    %scan3A_107 = arith.constant 1 : i32
    %scan3A_108:24 = scf.for %scan3A_420 = %scan3A_104 to %scan3A_106 step %scan3A_107 iter_args(%scan3A_421 = %scan3A_88#0, %scan3A_422 = %scan3A_88#1, %scan3A_423 = %scan3A_88#2, %scan3A_424 = %scan3A_88#3, %scan3A_425 = %scan3A_88#4, %scan3A_426 = %scan3A_88#5, %scan3A_427 = %scan3A_88#6, %scan3A_428 = %scan3A_88#7, %scan3A_429 = %scan3A_88#8, %scan3A_430 = %scan3A_88#9, %scan3A_431 = %scan3A_88#10, %scan3A_432 = %scan3A_88#11, %scan3A_433 = %scan3A_88#12, %scan3A_434 = %scan3A_88#13, %scan3A_435 = %scan3A_88#14, %scan3A_436 = %scan3A_88#15, %scan3A_437 = %scan3A_88#16, %scan3A_438 = %scan3A_88#17, %scan3A_439 = %scan3A_88#18, %scan3A_440 = %scan3A_88#19, %scan3A_441 = %scan3A_88#20, %scan3A_442 = %scan3A_88#21, %scan3A_443 = %scan3A_88#22, %scan3A_444 = %scan3A_88#23) -> (vector<16xf32>, vector<16xf32>, vector<16xf32>, vector<16xf32>, vector<16xf32>, vector<16xf32>, vector<16xf32>, vector<16xf32>, vector<16xf32>, vector<16xf32>, vector<16xf32>, vector<16xf32>, vector<16xf32>, vector<16xf32>, vector<16xf32>, vector<16xf32>, vector<16xf32>, vector<16xf32>, vector<16xf32>, vector<16xf32>, vector<16xf32>, vector<16xf32>, vector<16xf32>, vector<16xf32>)  : i32 {
      %mul3A_445 = arith.constant 2 : i32
      %mul3A_446 = arith.muli %mul3A_445, %scan3A_420 : i32
      %add3A_447 = arith.constant 0 : i32
      %add3A_448 = arith.addi %mul3A_446, %add3A_447 : i32
      %get3A = arith.index_cast %add3A_448 : i32 to index
      %get3A_449 = arith.constant 0 : index
      %get3A_450 = tpu.vector_load %arg8[%get3A, %get3A_449] {strides = array<i32>} : memref<64x256xf32, #tpu.memory_space<vmem>>, vector<1x16xf32>,
      %get3A_451 = vector.shape_cast %get3A_450 : vector<1x16xf32> to vector<16xf32>
      %add3A_452 = arith.addf %scan3A_421, %get3A_451 : vector<16xf32>
      %mul3A_453 = arith.mulf %get3A_451, %get3A_451 : vector<16xf32>
      %add3A_454 = arith.addf %scan3A_437, %mul3A_453 : vector<16xf32>
      %mul3A_455 = arith.constant 2 : i32
      %mul3A_456 = arith.muli %mul3A_455, %scan3A_420 : i32
      %add3A_457 = arith.constant 0 : i32
      %add3A_458 = arith.addi %mul3A_456, %add3A_457 : i32
      %get3A_459 = arith.index_cast %add3A_458 : i32 to index
      %get3A_460 = arith.constant 16 : index
      %get3A_461 = tpu.vector_load %arg8[%get3A_459, %get3A_460] {strides = array<i32>} : memref<64x256xf32, #tpu.memory_space<vmem>>, vector<1x16xf32>,
      %get3A_462 = vector.shape_cast %get3A_461 : vector<1x16xf32> to vector<16xf32>
      %add3A_463 = arith.addf %scan3A_422, %get3A_462 : vector<16xf32>
      %mul3A_464 = arith.mulf %get3A_462, %get3A_462 : vector<16xf32>
      %add3A_465 = arith.addf %scan3A_438, %mul3A_464 : vector<16xf32>
      %mul3A_466 = arith.constant 2 : i32
      %mul3A_467 = arith.muli %mul3A_466, %scan3A_420 : i32
      %add3A_468 = arith.constant 0 : i32
      %add3A_469 = arith.addi %mul3A_467, %add3A_468 : i32
      %get3A_470 = arith.index_cast %add3A_469 : i32 to index
      %get3A_471 = arith.constant 32 : index
      %get3A_472 = tpu.vector_load %arg8[%get3A_470, %get3A_471] {strides = array<i32>} : memref<64x256xf32, #tpu.memory_space<vmem>>, vector<1x16xf32>,
      %get3A_473 = vector.shape_cast %get3A_472 : vector<1x16xf32> to vector<16xf32>
      %add3A_474 = arith.addf %scan3A_423, %get3A_473 : vector<16xf32>
      %mul3A_475 = arith.mulf %get3A_473, %get3A_473 : vector<16xf32>
      %add3A_476 = arith.addf %scan3A_439, %mul3A_475 : vector<16xf32>
      %mul3A_477 = arith.constant 2 : i32
      %mul3A_478 = arith.muli %mul3A_477, %scan3A_420 : i32
      %add3A_479 = arith.constant 0 : i32
      %add3A_480 = arith.addi %mul3A_478, %add3A_479 : i32
      %get3A_481 = arith.index_cast %add3A_480 : i32 to index
      %get3A_482 = arith.constant 48 : index
      %get3A_483 = tpu.vector_load %arg8[%get3A_481, %get3A_482] {strides = array<i32>} : memref<64x256xf32, #tpu.memory_space<vmem>>, vector<1x16xf32>,
      %get3A_484 = vector.shape_cast %get3A_483 : vector<1x16xf32> to vector<16xf32>
      %add3A_485 = arith.addf %scan3A_424, %get3A_484 : vector<16xf32>
      %mul3A_486 = arith.mulf %get3A_484, %get3A_484 : vector<16xf32>
      %add3A_487 = arith.addf %scan3A_440, %mul3A_486 : vector<16xf32>
      %mul3A_488 = arith.constant 2 : i32
      %mul3A_489 = arith.muli %mul3A_488, %scan3A_420 : i32
      %add3A_490 = arith.constant 0 : i32
      %add3A_491 = arith.addi %mul3A_489, %add3A_490 : i32
      %get3A_492 = arith.index_cast %add3A_491 : i32 to index
      %get3A_493 = arith.constant 64 : index
      %get3A_494 = tpu.vector_load %arg8[%get3A_492, %get3A_493] {strides = array<i32>} : memref<64x256xf32, #tpu.memory_space<vmem>>, vector<1x16xf32>,
      %get3A_495 = vector.shape_cast %get3A_494 : vector<1x16xf32> to vector<16xf32>
      %add3A_496 = arith.addf %scan3A_425, %get3A_495 : vector<16xf32>
      %mul3A_497 = arith.mulf %get3A_495, %get3A_495 : vector<16xf32>
      %add3A_498 = arith.addf %scan3A_441, %mul3A_497 : vector<16xf32>
      %mul3A_499 = arith.constant 2 : i32
      %mul3A_500 = arith.muli %mul3A_499, %scan3A_420 : i32
      %add3A_501 = arith.constant 0 : i32
      %add3A_502 = arith.addi %mul3A_500, %add3A_501 : i32
      %get3A_503 = arith.index_cast %add3A_502 : i32 to index
      %get3A_504 = arith.constant 80 : index
      %get3A_505 = tpu.vector_load %arg8[%get3A_503, %get3A_504] {strides = array<i32>} : memref<64x256xf32, #tpu.memory_space<vmem>>, vector<1x16xf32>,
      %get3A_506 = vector.shape_cast %get3A_505 : vector<1x16xf32> to vector<16xf32>
      %add3A_507 = arith.addf %scan3A_426, %get3A_506 : vector<16xf32>
      %mul3A_508 = arith.mulf %get3A_506, %get3A_506 : vector<16xf32>
      %add3A_509 = arith.addf %scan3A_442, %mul3A_508 : vector<16xf32>
      %mul3A_510 = arith.constant 2 : i32
      %mul3A_511 = arith.muli %mul3A_510, %scan3A_420 : i32
      %add3A_512 = arith.constant 0 : i32
      %add3A_513 = arith.addi %mul3A_511, %add3A_512 : i32
      %get3A_514 = arith.index_cast %add3A_513 : i32 to index
      %get3A_515 = arith.constant 96 : index
      %get3A_516 = tpu.vector_load %arg8[%get3A_514, %get3A_515] {strides = array<i32>} : memref<64x256xf32, #tpu.memory_space<vmem>>, vector<1x16xf32>,
      %get3A_517 = vector.shape_cast %get3A_516 : vector<1x16xf32> to vector<16xf32>
      %add3A_518 = arith.addf %scan3A_427, %get3A_517 : vector<16xf32>
      %mul3A_519 = arith.mulf %get3A_517, %get3A_517 : vector<16xf32>
      %add3A_520 = arith.addf %scan3A_443, %mul3A_519 : vector<16xf32>
      %mul3A_521 = arith.constant 2 : i32
      %mul3A_522 = arith.muli %mul3A_521, %scan3A_420 : i32
      %add3A_523 = arith.constant 0 : i32
      %add3A_524 = arith.addi %mul3A_522, %add3A_523 : i32
      %get3A_525 = arith.index_cast %add3A_524 : i32 to index
      %get3A_526 = arith.constant 112 : index
      %get3A_527 = tpu.vector_load %arg8[%get3A_525, %get3A_526] {strides = array<i32>} : memref<64x256xf32, #tpu.memory_space<vmem>>, vector<1x16xf32>,
      %get3A_528 = vector.shape_cast %get3A_527 : vector<1x16xf32> to vector<16xf32>
      %add3A_529 = arith.addf %scan3A_428, %get3A_528 : vector<16xf32>
      %mul3A_530 = arith.mulf %get3A_528, %get3A_528 : vector<16xf32>
      %add3A_531 = arith.addf %scan3A_444, %mul3A_530 : vector<16xf32>
      %mul3A_532 = arith.constant 2 : i32
      %mul3A_533 = arith.muli %mul3A_532, %scan3A_420 : i32
      %add3A_534 = arith.constant 0 : i32
      %add3A_535 = arith.addi %mul3A_533, %add3A_534 : i32
      %get3A_536 = arith.index_cast %add3A_535 : i32 to index
      %get3A_537 = arith.constant 128 : index
      %get3A_538 = tpu.vector_load %arg8[%get3A_536, %get3A_537] {strides = array<i32>} : memref<64x256xf32, #tpu.memory_space<vmem>>, vector<1x16xf32>,
      %get3A_539 = vector.shape_cast %get3A_538 : vector<1x16xf32> to vector<16xf32>
      %add3A_540 = arith.addf %scan3A_429, %get3A_539 : vector<16xf32>
      %mul3A_541 = arith.mulf %get3A_539, %get3A_539 : vector<16xf32>
      %add3A_542 = arith.addf %add3A_454, %mul3A_541 : vector<16xf32>
      %mul3A_543 = arith.constant 2 : i32
      %mul3A_544 = arith.muli %mul3A_543, %scan3A_420 : i32
      %add3A_545 = arith.constant 0 : i32
      %add3A_546 = arith.addi %mul3A_544, %add3A_545 : i32
      %get3A_547 = arith.index_cast %add3A_546 : i32 to index
      %get3A_548 = arith.constant 144 : index
      %get3A_549 = tpu.vector_load %arg8[%get3A_547, %get3A_548] {strides = array<i32>} : memref<64x256xf32, #tpu.memory_space<vmem>>, vector<1x16xf32>,
      %get3A_550 = vector.shape_cast %get3A_549 : vector<1x16xf32> to vector<16xf32>
      %add3A_551 = arith.addf %scan3A_430, %get3A_550 : vector<16xf32>
      %mul3A_552 = arith.mulf %get3A_550, %get3A_550 : vector<16xf32>
      %add3A_553 = arith.addf %add3A_465, %mul3A_552 : vector<16xf32>
      %mul3A_554 = arith.constant 2 : i32
      %mul3A_555 = arith.muli %mul3A_554, %scan3A_420 : i32
      %add3A_556 = arith.constant 0 : i32
      %add3A_557 = arith.addi %mul3A_555, %add3A_556 : i32
      %get3A_558 = arith.index_cast %add3A_557 : i32 to index
      %get3A_559 = arith.constant 160 : index
      %get3A_560 = tpu.vector_load %arg8[%get3A_558, %get3A_559] {strides = array<i32>} : memref<64x256xf32, #tpu.memory_space<vmem>>, vector<1x16xf32>,
      %get3A_561 = vector.shape_cast %get3A_560 : vector<1x16xf32> to vector<16xf32>
      %add3A_562 = arith.addf %scan3A_431, %get3A_561 : vector<16xf32>
      %mul3A_563 = arith.mulf %get3A_561, %get3A_561 : vector<16xf32>
      %add3A_564 = arith.addf %add3A_476, %mul3A_563 : vector<16xf32>
      %mul3A_565 = arith.constant 2 : i32
      %mul3A_566 = arith.muli %mul3A_565, %scan3A_420 : i32
      %add3A_567 = arith.constant 0 : i32
      %add3A_568 = arith.addi %mul3A_566, %add3A_567 : i32
      %get3A_569 = arith.index_cast %add3A_568 : i32 to index
      %get3A_570 = arith.constant 176 : index
      %get3A_571 = tpu.vector_load %arg8[%get3A_569, %get3A_570] {strides = array<i32>} : memref<64x256xf32, #tpu.memory_space<vmem>>, vector<1x16xf32>,
      %get3A_572 = vector.shape_cast %get3A_571 : vector<1x16xf32> to vector<16xf32>
      %add3A_573 = arith.addf %scan3A_432, %get3A_572 : vector<16xf32>
      %mul3A_574 = arith.mulf %get3A_572, %get3A_572 : vector<16xf32>
      %add3A_575 = arith.addf %add3A_487, %mul3A_574 : vector<16xf32>
      %mul3A_576 = arith.constant 2 : i32
      %mul3A_577 = arith.muli %mul3A_576, %scan3A_420 : i32
      %add3A_578 = arith.constant 0 : i32
      %add3A_579 = arith.addi %mul3A_577, %add3A_578 : i32
      %get3A_580 = arith.index_cast %add3A_579 : i32 to index
      %get3A_581 = arith.constant 192 : index
      %get3A_582 = tpu.vector_load %arg8[%get3A_580, %get3A_581] {strides = array<i32>} : memref<64x256xf32, #tpu.memory_space<vmem>>, vector<1x16xf32>,
      %get3A_583 = vector.shape_cast %get3A_582 : vector<1x16xf32> to vector<16xf32>
      %add3A_584 = arith.addf %scan3A_433, %get3A_583 : vector<16xf32>
      %mul3A_585 = arith.mulf %get3A_583, %get3A_583 : vector<16xf32>
      %add3A_586 = arith.addf %add3A_498, %mul3A_585 : vector<16xf32>
      %mul3A_587 = arith.constant 2 : i32
      %mul3A_588 = arith.muli %mul3A_587, %scan3A_420 : i32
      %add3A_589 = arith.constant 0 : i32
      %add3A_590 = arith.addi %mul3A_588, %add3A_589 : i32
      %get3A_591 = arith.index_cast %add3A_590 : i32 to index
      %get3A_592 = arith.constant 208 : index
      %get3A_593 = tpu.vector_load %arg8[%get3A_591, %get3A_592] {strides = array<i32>} : memref<64x256xf32, #tpu.memory_space<vmem>>, vector<1x16xf32>,
      %get3A_594 = vector.shape_cast %get3A_593 : vector<1x16xf32> to vector<16xf32>
      %add3A_595 = arith.addf %scan3A_434, %get3A_594 : vector<16xf32>
      %mul3A_596 = arith.mulf %get3A_594, %get3A_594 : vector<16xf32>
      %add3A_597 = arith.addf %add3A_509, %mul3A_596 : vector<16xf32>
      %mul3A_598 = arith.constant 2 : i32
      %mul3A_599 = arith.muli %mul3A_598, %scan3A_420 : i32
      %add3A_600 = arith.constant 0 : i32
      %add3A_601 = arith.addi %mul3A_599, %add3A_600 : i32
      %get3A_602 = arith.index_cast %add3A_601 : i32 to index
      %get3A_603 = arith.constant 224 : index
      %get3A_604 = tpu.vector_load %arg8[%get3A_602, %get3A_603] {strides = array<i32>} : memref<64x256xf32, #tpu.memory_space<vmem>>, vector<1x16xf32>,
      %get3A_605 = vector.shape_cast %get3A_604 : vector<1x16xf32> to vector<16xf32>
      %add3A_606 = arith.addf %scan3A_435, %get3A_605 : vector<16xf32>
      %mul3A_607 = arith.mulf %get3A_605, %get3A_605 : vector<16xf32>
      %add3A_608 = arith.addf %add3A_520, %mul3A_607 : vector<16xf32>
      %mul3A_609 = arith.constant 2 : i32
      %mul3A_610 = arith.muli %mul3A_609, %scan3A_420 : i32
      %add3A_611 = arith.constant 0 : i32
      %add3A_612 = arith.addi %mul3A_610, %add3A_611 : i32
      %get3A_613 = arith.index_cast %add3A_612 : i32 to index
      %get3A_614 = arith.constant 240 : index
      %get3A_615 = tpu.vector_load %arg8[%get3A_613, %get3A_614] {strides = array<i32>} : memref<64x256xf32, #tpu.memory_space<vmem>>, vector<1x16xf32>,
      %get3A_616 = vector.shape_cast %get3A_615 : vector<1x16xf32> to vector<16xf32>
      %add3A_617 = arith.addf %scan3A_436, %get3A_616 : vector<16xf32>
      %mul3A_618 = arith.mulf %get3A_616, %get3A_616 : vector<16xf32>
      %add3A_619 = arith.addf %add3A_531, %mul3A_618 : vector<16xf32>
      %mul3A_620 = arith.constant 2 : i32
      %mul3A_621 = arith.muli %mul3A_620, %scan3A_420 : i32
      %add3A_622 = arith.constant 1 : i32
      %add3A_623 = arith.addi %mul3A_621, %add3A_622 : i32
      %get3A_624 = arith.index_cast %add3A_623 : i32 to index
      %get3A_625 = arith.constant 0 : index
      %get3A_626 = tpu.vector_load %arg8[%get3A_624, %get3A_625] {strides = array<i32>} : memref<64x256xf32, #tpu.memory_space<vmem>>, vector<1x16xf32>,
      %get3A_627 = vector.shape_cast %get3A_626 : vector<1x16xf32> to vector<16xf32>
      %add3A_628 = arith.addf %add3A_452, %get3A_627 : vector<16xf32>
      %mul3A_629 = arith.mulf %get3A_627, %get3A_627 : vector<16xf32>
      %add3A_630 = arith.addf %add3A_586, %mul3A_629 : vector<16xf32>
      %mul3A_631 = arith.constant 2 : i32
      %mul3A_632 = arith.muli %mul3A_631, %scan3A_420 : i32
      %add3A_633 = arith.constant 1 : i32
      %add3A_634 = arith.addi %mul3A_632, %add3A_633 : i32
      %get3A_635 = arith.index_cast %add3A_634 : i32 to index
      %get3A_636 = arith.constant 16 : index
      %get3A_637 = tpu.vector_load %arg8[%get3A_635, %get3A_636] {strides = array<i32>} : memref<64x256xf32, #tpu.memory_space<vmem>>, vector<1x16xf32>,
      %get3A_638 = vector.shape_cast %get3A_637 : vector<1x16xf32> to vector<16xf32>
      %add3A_639 = arith.addf %add3A_463, %get3A_638 : vector<16xf32>
      %mul3A_640 = arith.mulf %get3A_638, %get3A_638 : vector<16xf32>
      %add3A_641 = arith.addf %add3A_597, %mul3A_640 : vector<16xf32>
      %mul3A_642 = arith.constant 2 : i32
      %mul3A_643 = arith.muli %mul3A_642, %scan3A_420 : i32
      %add3A_644 = arith.constant 1 : i32
      %add3A_645 = arith.addi %mul3A_643, %add3A_644 : i32
      %get3A_646 = arith.index_cast %add3A_645 : i32 to index
      %get3A_647 = arith.constant 32 : index
      %get3A_648 = tpu.vector_load %arg8[%get3A_646, %get3A_647] {strides = array<i32>} : memref<64x256xf32, #tpu.memory_space<vmem>>, vector<1x16xf32>,
      %get3A_649 = vector.shape_cast %get3A_648 : vector<1x16xf32> to vector<16xf32>
      %add3A_650 = arith.addf %add3A_474, %get3A_649 : vector<16xf32>
      %mul3A_651 = arith.mulf %get3A_649, %get3A_649 : vector<16xf32>
      %add3A_652 = arith.addf %add3A_608, %mul3A_651 : vector<16xf32>
      %mul3A_653 = arith.constant 2 : i32
      %mul3A_654 = arith.muli %mul3A_653, %scan3A_420 : i32
      %add3A_655 = arith.constant 1 : i32
      %add3A_656 = arith.addi %mul3A_654, %add3A_655 : i32
      %get3A_657 = arith.index_cast %add3A_656 : i32 to index
      %get3A_658 = arith.constant 48 : index
      %get3A_659 = tpu.vector_load %arg8[%get3A_657, %get3A_658] {strides = array<i32>} : memref<64x256xf32, #tpu.memory_space<vmem>>, vector<1x16xf32>,
      %get3A_660 = vector.shape_cast %get3A_659 : vector<1x16xf32> to vector<16xf32>
      %add3A_661 = arith.addf %add3A_485, %get3A_660 : vector<16xf32>
      %mul3A_662 = arith.mulf %get3A_660, %get3A_660 : vector<16xf32>
      %add3A_663 = arith.addf %add3A_619, %mul3A_662 : vector<16xf32>
      %mul3A_664 = arith.constant 2 : i32
      %mul3A_665 = arith.muli %mul3A_664, %scan3A_420 : i32
      %add3A_666 = arith.constant 1 : i32
      %add3A_667 = arith.addi %mul3A_665, %add3A_666 : i32
      %get3A_668 = arith.index_cast %add3A_667 : i32 to index
      %get3A_669 = arith.constant 64 : index
      %get3A_670 = tpu.vector_load %arg8[%get3A_668, %get3A_669] {strides = array<i32>} : memref<64x256xf32, #tpu.memory_space<vmem>>, vector<1x16xf32>,
      %get3A_671 = vector.shape_cast %get3A_670 : vector<1x16xf32> to vector<16xf32>
      %add3A_672 = arith.addf %add3A_496, %get3A_671 : vector<16xf32>
      %mul3A_673 = arith.mulf %get3A_671, %get3A_671 : vector<16xf32>
      %add3A_674 = arith.addf %add3A_542, %mul3A_673 : vector<16xf32>
      %mul3A_675 = arith.constant 2 : i32
      %mul3A_676 = arith.muli %mul3A_675, %scan3A_420 : i32
      %add3A_677 = arith.constant 1 : i32
      %add3A_678 = arith.addi %mul3A_676, %add3A_677 : i32
      %get3A_679 = arith.index_cast %add3A_678 : i32 to index
      %get3A_680 = arith.constant 80 : index
      %get3A_681 = tpu.vector_load %arg8[%get3A_679, %get3A_680] {strides = array<i32>} : memref<64x256xf32, #tpu.memory_space<vmem>>, vector<1x16xf32>,
      %get3A_682 = vector.shape_cast %get3A_681 : vector<1x16xf32> to vector<16xf32>
      %add3A_683 = arith.addf %add3A_507, %get3A_682 : vector<16xf32>
      %mul3A_684 = arith.mulf %get3A_682, %get3A_682 : vector<16xf32>
      %add3A_685 = arith.addf %add3A_553, %mul3A_684 : vector<16xf32>
      %mul3A_686 = arith.constant 2 : i32
      %mul3A_687 = arith.muli %mul3A_686, %scan3A_420 : i32
      %add3A_688 = arith.constant 1 : i32
      %add3A_689 = arith.addi %mul3A_687, %add3A_688 : i32
      %get3A_690 = arith.index_cast %add3A_689 : i32 to index
      %get3A_691 = arith.constant 96 : index
      %get3A_692 = tpu.vector_load %arg8[%get3A_690, %get3A_691] {strides = array<i32>} : memref<64x256xf32, #tpu.memory_space<vmem>>, vector<1x16xf32>,
      %get3A_693 = vector.shape_cast %get3A_692 : vector<1x16xf32> to vector<16xf32>
      %add3A_694 = arith.addf %add3A_518, %get3A_693 : vector<16xf32>
      %mul3A_695 = arith.mulf %get3A_693, %get3A_693 : vector<16xf32>
      %add3A_696 = arith.addf %add3A_564, %mul3A_695 : vector<16xf32>
      %mul3A_697 = arith.constant 2 : i32
      %mul3A_698 = arith.muli %mul3A_697, %scan3A_420 : i32
      %add3A_699 = arith.constant 1 : i32
      %add3A_700 = arith.addi %mul3A_698, %add3A_699 : i32
      %get3A_701 = arith.index_cast %add3A_700 : i32 to index
      %get3A_702 = arith.constant 112 : index
      %get3A_703 = tpu.vector_load %arg8[%get3A_701, %get3A_702] {strides = array<i32>} : memref<64x256xf32, #tpu.memory_space<vmem>>, vector<1x16xf32>,
      %get3A_704 = vector.shape_cast %get3A_703 : vector<1x16xf32> to vector<16xf32>
      %add3A_705 = arith.addf %add3A_529, %get3A_704 : vector<16xf32>
      %mul3A_706 = arith.mulf %get3A_704, %get3A_704 : vector<16xf32>
      %add3A_707 = arith.addf %add3A_575, %mul3A_706 : vector<16xf32>
      %mul3A_708 = arith.constant 2 : i32
      %mul3A_709 = arith.muli %mul3A_708, %scan3A_420 : i32
      %add3A_710 = arith.constant 1 : i32
      %add3A_711 = arith.addi %mul3A_709, %add3A_710 : i32
      %get3A_712 = arith.index_cast %add3A_711 : i32 to index
      %get3A_713 = arith.constant 128 : index
      %get3A_714 = tpu.vector_load %arg8[%get3A_712, %get3A_713] {strides = array<i32>} : memref<64x256xf32, #tpu.memory_space<vmem>>, vector<1x16xf32>,
      %get3A_715 = vector.shape_cast %get3A_714 : vector<1x16xf32> to vector<16xf32>
      %add3A_716 = arith.addf %add3A_540, %get3A_715 : vector<16xf32>
      %mul3A_717 = arith.mulf %get3A_715, %get3A_715 : vector<16xf32>
      %add3A_718 = arith.addf %add3A_630, %mul3A_717 : vector<16xf32>
      %mul3A_719 = arith.constant 2 : i32
      %mul3A_720 = arith.muli %mul3A_719, %scan3A_420 : i32
      %add3A_721 = arith.constant 1 : i32
      %add3A_722 = arith.addi %mul3A_720, %add3A_721 : i32
      %get3A_723 = arith.index_cast %add3A_722 : i32 to index
      %get3A_724 = arith.constant 144 : index
      %get3A_725 = tpu.vector_load %arg8[%get3A_723, %get3A_724] {strides = array<i32>} : memref<64x256xf32, #tpu.memory_space<vmem>>, vector<1x16xf32>,
      %get3A_726 = vector.shape_cast %get3A_725 : vector<1x16xf32> to vector<16xf32>
      %add3A_727 = arith.addf %add3A_551, %get3A_726 : vector<16xf32>
      %mul3A_728 = arith.mulf %get3A_726, %get3A_726 : vector<16xf32>
      %add3A_729 = arith.addf %add3A_641, %mul3A_728 : vector<16xf32>
      %mul3A_730 = arith.constant 2 : i32
      %mul3A_731 = arith.muli %mul3A_730, %scan3A_420 : i32
      %add3A_732 = arith.constant 1 : i32
      %add3A_733 = arith.addi %mul3A_731, %add3A_732 : i32
      %get3A_734 = arith.index_cast %add3A_733 : i32 to index
      %get3A_735 = arith.constant 160 : index
      %get3A_736 = tpu.vector_load %arg8[%get3A_734, %get3A_735] {strides = array<i32>} : memref<64x256xf32, #tpu.memory_space<vmem>>, vector<1x16xf32>,
      %get3A_737 = vector.shape_cast %get3A_736 : vector<1x16xf32> to vector<16xf32>
      %add3A_738 = arith.addf %add3A_562, %get3A_737 : vector<16xf32>
      %mul3A_739 = arith.mulf %get3A_737, %get3A_737 : vector<16xf32>
      %add3A_740 = arith.addf %add3A_652, %mul3A_739 : vector<16xf32>
      %mul3A_741 = arith.constant 2 : i32
      %mul3A_742 = arith.muli %mul3A_741, %scan3A_420 : i32
      %add3A_743 = arith.constant 1 : i32
      %add3A_744 = arith.addi %mul3A_742, %add3A_743 : i32
      %get3A_745 = arith.index_cast %add3A_744 : i32 to index
      %get3A_746 = arith.constant 176 : index
      %get3A_747 = tpu.vector_load %arg8[%get3A_745, %get3A_746] {strides = array<i32>} : memref<64x256xf32, #tpu.memory_space<vmem>>, vector<1x16xf32>,
      %get3A_748 = vector.shape_cast %get3A_747 : vector<1x16xf32> to vector<16xf32>
      %add3A_749 = arith.addf %add3A_573, %get3A_748 : vector<16xf32>
      %mul3A_750 = arith.mulf %get3A_748, %get3A_748 : vector<16xf32>
      %add3A_751 = arith.addf %add3A_663, %mul3A_750 : vector<16xf32>
      %mul3A_752 = arith.constant 2 : i32
      %mul3A_753 = arith.muli %mul3A_752, %scan3A_420 : i32
      %add3A_754 = arith.constant 1 : i32
      %add3A_755 = arith.addi %mul3A_753, %add3A_754 : i32
      %get3A_756 = arith.index_cast %add3A_755 : i32 to index
      %get3A_757 = arith.constant 192 : index
      %get3A_758 = tpu.vector_load %arg8[%get3A_756, %get3A_757] {strides = array<i32>} : memref<64x256xf32, #tpu.memory_space<vmem>>, vector<1x16xf32>,
      %get3A_759 = vector.shape_cast %get3A_758 : vector<1x16xf32> to vector<16xf32>
      %add3A_760 = arith.addf %add3A_584, %get3A_759 : vector<16xf32>
      %mul3A_761 = arith.mulf %get3A_759, %get3A_759 : vector<16xf32>
      %add3A_762 = arith.addf %add3A_674, %mul3A_761 : vector<16xf32>
      %mul3A_763 = arith.constant 2 : i32
      %mul3A_764 = arith.muli %mul3A_763, %scan3A_420 : i32
      %add3A_765 = arith.constant 1 : i32
      %add3A_766 = arith.addi %mul3A_764, %add3A_765 : i32
      %get3A_767 = arith.index_cast %add3A_766 : i32 to index
      %get3A_768 = arith.constant 208 : index
      %get3A_769 = tpu.vector_load %arg8[%get3A_767, %get3A_768] {strides = array<i32>} : memref<64x256xf32, #tpu.memory_space<vmem>>, vector<1x16xf32>,
      %get3A_770 = vector.shape_cast %get3A_769 : vector<1x16xf32> to vector<16xf32>
      %add3A_771 = arith.addf %add3A_595, %get3A_770 : vector<16xf32>
      %mul3A_772 = arith.mulf %get3A_770, %get3A_770 : vector<16xf32>
      %add3A_773 = arith.addf %add3A_685, %mul3A_772 : vector<16xf32>
      %mul3A_774 = arith.constant 2 : i32
      %mul3A_775 = arith.muli %mul3A_774, %scan3A_420 : i32
      %add3A_776 = arith.constant 1 : i32
      %add3A_777 = arith.addi %mul3A_775, %add3A_776 : i32
      %get3A_778 = arith.index_cast %add3A_777 : i32 to index
      %get3A_779 = arith.constant 224 : index
      %get3A_780 = tpu.vector_load %arg8[%get3A_778, %get3A_779] {strides = array<i32>} : memref<64x256xf32, #tpu.memory_space<vmem>>, vector<1x16xf32>,
      %get3A_781 = vector.shape_cast %get3A_780 : vector<1x16xf32> to vector<16xf32>
      %add3A_782 = arith.addf %add3A_606, %get3A_781 : vector<16xf32>
      %mul3A_783 = arith.mulf %get3A_781, %get3A_781 : vector<16xf32>
      %add3A_784 = arith.addf %add3A_696, %mul3A_783 : vector<16xf32>
      %mul3A_785 = arith.constant 2 : i32
      %mul3A_786 = arith.muli %mul3A_785, %scan3A_420 : i32
      %add3A_787 = arith.constant 1 : i32
      %add3A_788 = arith.addi %mul3A_786, %add3A_787 : i32
      %get3A_789 = arith.index_cast %add3A_788 : i32 to index
      %get3A_790 = arith.constant 240 : index
      %get3A_791 = tpu.vector_load %arg8[%get3A_789, %get3A_790] {strides = array<i32>} : memref<64x256xf32, #tpu.memory_space<vmem>>, vector<1x16xf32>,
      %get3A_792 = vector.shape_cast %get3A_791 : vector<1x16xf32> to vector<16xf32>
      %add3A_793 = arith.addf %add3A_617, %get3A_792 : vector<16xf32>
      %mul3A_794 = arith.mulf %get3A_792, %get3A_792 : vector<16xf32>
      %add3A_795 = arith.addf %add3A_707, %mul3A_794 : vector<16xf32>
      scf.yield %add3A_628, %add3A_639, %add3A_650, %add3A_661, %add3A_672, %add3A_683, %add3A_694, %add3A_705, %add3A_716, %add3A_727, %add3A_738, %add3A_749, %add3A_760, %add3A_771, %add3A_782, %add3A_793, %add3A_762, %add3A_773, %add3A_784, %add3A_795, %add3A_718, %add3A_729, %add3A_740, %add3A_751 : vector<16xf32>, vector<16xf32>, vector<16xf32>, vector<16xf32>, vector<16xf32>, vector<16xf32>, vector<16xf32>, vector<16xf32>, vector<16xf32>, vector<16xf32>, vector<16xf32>, vector<16xf32>, vector<16xf32>, vector<16xf32>, vector<16xf32>, vector<16xf32>, vector<16xf32>, vector<16xf32>, vector<16xf32>, vector<16xf32>, vector<16xf32>, vector<16xf32>, vector<16xf32>, vector<16xf32>
    }
    %scan3A_109 = arith.constant 32 : i32
    %dma_start3A_110 = arith.constant 4 : i32
    %dma_start3A_111 = arith.constant 0 : i32
    %dma_start3A_112 = tpu.memref_slice %arg7[%dma_start3A_110, %dma_start3A_111] : memref<8x64xi32, #tpu.memory_space<vmem>> -> memref<1x64xi32, #tpu.memory_space<vmem>>
    %dma_start3A_113 = tpu.memref_squeeze %dma_start3A_112 : memref<1x64xi32, #tpu.memory_space<vmem>> -> memref<64xi32, #tpu.memory_space<vmem>>
    %dma_start3A_114 = arith.constant 0 : i32
    %dma_start3A_115 = arith.constant 0 : i32
    %dma_start3A_116 = tpu.memref_slice %arg2[%dma_start3A_114, %dma_start3A_115] : memref<50000x256xf32, #tpu.memory_space<hbm>> -> memref<50000x256xf32, #tpu.memory_space<hbm>>
    tpu.enqueue_indirect_dma source(%dma_start3A_116 : memref<50000x256xf32, #tpu.memory_space<hbm>>) target(%arg8 : memref<64x256xf32, #tpu.memory_space<vmem>>) offsets(%dma_start3A_113 : memref<64xi32, #tpu.memory_space<vmem>>) semaphore(%arg12 : memref<!tpu.dma_semaphore, #tpu.memory_space<semaphore_mem>>)
    %dma_wait3A_117 = arith.constant 3 : i32
    %dma_wait3A_118 = arith.constant 0 : i32
    %dma_wait3A_119 = tpu.memref_slice %arg7[%dma_wait3A_117, %dma_wait3A_118] : memref<8x64xi32, #tpu.memory_space<vmem>> -> memref<1x64xi32, #tpu.memory_space<vmem>>
    %dma_wait3A_120 = tpu.memref_squeeze %dma_wait3A_119 : memref<1x64xi32, #tpu.memory_space<vmem>> -> memref<64xi32, #tpu.memory_space<vmem>>
    %dma_wait3A_121 = arith.constant 0 : i32
    %dma_wait3A_122 = arith.constant 0 : i32
    %dma_wait3A_123 = tpu.memref_slice %arg2[%dma_wait3A_121, %dma_wait3A_122] : memref<50000x256xf32, #tpu.memory_space<hbm>> -> memref<50000x256xf32, #tpu.memory_space<hbm>>
    tpu.wait_indirect_dma semaphore(%arg13 : memref<!tpu.dma_semaphore, #tpu.memory_space<semaphore_mem>>) src(%dma_wait3A_123 : memref<50000x256xf32, #tpu.memory_space<hbm>>) dst(%arg9 : memref<64x256xf32, #tpu.memory_space<vmem>>)
    %scan3A_124 = arith.constant 0 : i32
    %scan3A_125 = arith.constant 32 : i32
    %scan3A_126 = arith.addi %scan3A_124, %scan3A_125 : i32
    %scan3A_127 = arith.constant 1 : i32
    %scan3A_128:24 = scf.for %scan3A_420 = %scan3A_124 to %scan3A_126 step %scan3A_127 iter_args(%scan3A_421 = %scan3A_108#0, %scan3A_422 = %scan3A_108#1, %scan3A_423 = %scan3A_108#2, %scan3A_424 = %scan3A_108#3, %scan3A_425 = %scan3A_108#4, %scan3A_426 = %scan3A_108#5, %scan3A_427 = %scan3A_108#6, %scan3A_428 = %scan3A_108#7, %scan3A_429 = %scan3A_108#8, %scan3A_430 = %scan3A_108#9, %scan3A_431 = %scan3A_108#10, %scan3A_432 = %scan3A_108#11, %scan3A_433 = %scan3A_108#12, %scan3A_434 = %scan3A_108#13, %scan3A_435 = %scan3A_108#14, %scan3A_436 = %scan3A_108#15, %scan3A_437 = %scan3A_108#16, %scan3A_438 = %scan3A_108#17, %scan3A_439 = %scan3A_108#18, %scan3A_440 = %scan3A_108#19, %scan3A_441 = %scan3A_108#20, %scan3A_442 = %scan3A_108#21, %scan3A_443 = %scan3A_108#22, %scan3A_444 = %scan3A_108#23) -> (vector<16xf32>, vector<16xf32>, vector<16xf32>, vector<16xf32>, vector<16xf32>, vector<16xf32>, vector<16xf32>, vector<16xf32>, vector<16xf32>, vector<16xf32>, vector<16xf32>, vector<16xf32>, vector<16xf32>, vector<16xf32>, vector<16xf32>, vector<16xf32>, vector<16xf32>, vector<16xf32>, vector<16xf32>, vector<16xf32>, vector<16xf32>, vector<16xf32>, vector<16xf32>, vector<16xf32>)  : i32 {
      %mul3A_445 = arith.constant 2 : i32
      %mul3A_446 = arith.muli %mul3A_445, %scan3A_420 : i32
      %add3A_447 = arith.constant 0 : i32
      %add3A_448 = arith.addi %mul3A_446, %add3A_447 : i32
      %get3A = arith.index_cast %add3A_448 : i32 to index
      %get3A_449 = arith.constant 0 : index
      %get3A_450 = tpu.vector_load %arg9[%get3A, %get3A_449] {strides = array<i32>} : memref<64x256xf32, #tpu.memory_space<vmem>>, vector<1x16xf32>,
      %get3A_451 = vector.shape_cast %get3A_450 : vector<1x16xf32> to vector<16xf32>
      %add3A_452 = arith.addf %scan3A_421, %get3A_451 : vector<16xf32>
      %mul3A_453 = arith.mulf %get3A_451, %get3A_451 : vector<16xf32>
      %add3A_454 = arith.addf %scan3A_437, %mul3A_453 : vector<16xf32>
      %mul3A_455 = arith.constant 2 : i32
      %mul3A_456 = arith.muli %mul3A_455, %scan3A_420 : i32
      %add3A_457 = arith.constant 0 : i32
      %add3A_458 = arith.addi %mul3A_456, %add3A_457 : i32
      %get3A_459 = arith.index_cast %add3A_458 : i32 to index
      %get3A_460 = arith.constant 16 : index
      %get3A_461 = tpu.vector_load %arg9[%get3A_459, %get3A_460] {strides = array<i32>} : memref<64x256xf32, #tpu.memory_space<vmem>>, vector<1x16xf32>,
      %get3A_462 = vector.shape_cast %get3A_461 : vector<1x16xf32> to vector<16xf32>
      %add3A_463 = arith.addf %scan3A_422, %get3A_462 : vector<16xf32>
      %mul3A_464 = arith.mulf %get3A_462, %get3A_462 : vector<16xf32>
      %add3A_465 = arith.addf %scan3A_438, %mul3A_464 : vector<16xf32>
      %mul3A_466 = arith.constant 2 : i32
      %mul3A_467 = arith.muli %mul3A_466, %scan3A_420 : i32
      %add3A_468 = arith.constant 0 : i32
      %add3A_469 = arith.addi %mul3A_467, %add3A_468 : i32
      %get3A_470 = arith.index_cast %add3A_469 : i32 to index
      %get3A_471 = arith.constant 32 : index
      %get3A_472 = tpu.vector_load %arg9[%get3A_470, %get3A_471] {strides = array<i32>} : memref<64x256xf32, #tpu.memory_space<vmem>>, vector<1x16xf32>,
      %get3A_473 = vector.shape_cast %get3A_472 : vector<1x16xf32> to vector<16xf32>
      %add3A_474 = arith.addf %scan3A_423, %get3A_473 : vector<16xf32>
      %mul3A_475 = arith.mulf %get3A_473, %get3A_473 : vector<16xf32>
      %add3A_476 = arith.addf %scan3A_439, %mul3A_475 : vector<16xf32>
      %mul3A_477 = arith.constant 2 : i32
      %mul3A_478 = arith.muli %mul3A_477, %scan3A_420 : i32
      %add3A_479 = arith.constant 0 : i32
      %add3A_480 = arith.addi %mul3A_478, %add3A_479 : i32
      %get3A_481 = arith.index_cast %add3A_480 : i32 to index
      %get3A_482 = arith.constant 48 : index
      %get3A_483 = tpu.vector_load %arg9[%get3A_481, %get3A_482] {strides = array<i32>} : memref<64x256xf32, #tpu.memory_space<vmem>>, vector<1x16xf32>,
      %get3A_484 = vector.shape_cast %get3A_483 : vector<1x16xf32> to vector<16xf32>
      %add3A_485 = arith.addf %scan3A_424, %get3A_484 : vector<16xf32>
      %mul3A_486 = arith.mulf %get3A_484, %get3A_484 : vector<16xf32>
      %add3A_487 = arith.addf %scan3A_440, %mul3A_486 : vector<16xf32>
      %mul3A_488 = arith.constant 2 : i32
      %mul3A_489 = arith.muli %mul3A_488, %scan3A_420 : i32
      %add3A_490 = arith.constant 0 : i32
      %add3A_491 = arith.addi %mul3A_489, %add3A_490 : i32
      %get3A_492 = arith.index_cast %add3A_491 : i32 to index
      %get3A_493 = arith.constant 64 : index
      %get3A_494 = tpu.vector_load %arg9[%get3A_492, %get3A_493] {strides = array<i32>} : memref<64x256xf32, #tpu.memory_space<vmem>>, vector<1x16xf32>,
      %get3A_495 = vector.shape_cast %get3A_494 : vector<1x16xf32> to vector<16xf32>
      %add3A_496 = arith.addf %scan3A_425, %get3A_495 : vector<16xf32>
      %mul3A_497 = arith.mulf %get3A_495, %get3A_495 : vector<16xf32>
      %add3A_498 = arith.addf %scan3A_441, %mul3A_497 : vector<16xf32>
      %mul3A_499 = arith.constant 2 : i32
      %mul3A_500 = arith.muli %mul3A_499, %scan3A_420 : i32
      %add3A_501 = arith.constant 0 : i32
      %add3A_502 = arith.addi %mul3A_500, %add3A_501 : i32
      %get3A_503 = arith.index_cast %add3A_502 : i32 to index
      %get3A_504 = arith.constant 80 : index
      %get3A_505 = tpu.vector_load %arg9[%get3A_503, %get3A_504] {strides = array<i32>} : memref<64x256xf32, #tpu.memory_space<vmem>>, vector<1x16xf32>,
      %get3A_506 = vector.shape_cast %get3A_505 : vector<1x16xf32> to vector<16xf32>
      %add3A_507 = arith.addf %scan3A_426, %get3A_506 : vector<16xf32>
      %mul3A_508 = arith.mulf %get3A_506, %get3A_506 : vector<16xf32>
      %add3A_509 = arith.addf %scan3A_442, %mul3A_508 : vector<16xf32>
      %mul3A_510 = arith.constant 2 : i32
      %mul3A_511 = arith.muli %mul3A_510, %scan3A_420 : i32
      %add3A_512 = arith.constant 0 : i32
      %add3A_513 = arith.addi %mul3A_511, %add3A_512 : i32
      %get3A_514 = arith.index_cast %add3A_513 : i32 to index
      %get3A_515 = arith.constant 96 : index
      %get3A_516 = tpu.vector_load %arg9[%get3A_514, %get3A_515] {strides = array<i32>} : memref<64x256xf32, #tpu.memory_space<vmem>>, vector<1x16xf32>,
      %get3A_517 = vector.shape_cast %get3A_516 : vector<1x16xf32> to vector<16xf32>
      %add3A_518 = arith.addf %scan3A_427, %get3A_517 : vector<16xf32>
      %mul3A_519 = arith.mulf %get3A_517, %get3A_517 : vector<16xf32>
      %add3A_520 = arith.addf %scan3A_443, %mul3A_519 : vector<16xf32>
      %mul3A_521 = arith.constant 2 : i32
      %mul3A_522 = arith.muli %mul3A_521, %scan3A_420 : i32
      %add3A_523 = arith.constant 0 : i32
      %add3A_524 = arith.addi %mul3A_522, %add3A_523 : i32
      %get3A_525 = arith.index_cast %add3A_524 : i32 to index
      %get3A_526 = arith.constant 112 : index
      %get3A_527 = tpu.vector_load %arg9[%get3A_525, %get3A_526] {strides = array<i32>} : memref<64x256xf32, #tpu.memory_space<vmem>>, vector<1x16xf32>,
      %get3A_528 = vector.shape_cast %get3A_527 : vector<1x16xf32> to vector<16xf32>
      %add3A_529 = arith.addf %scan3A_428, %get3A_528 : vector<16xf32>
      %mul3A_530 = arith.mulf %get3A_528, %get3A_528 : vector<16xf32>
      %add3A_531 = arith.addf %scan3A_444, %mul3A_530 : vector<16xf32>
      %mul3A_532 = arith.constant 2 : i32
      %mul3A_533 = arith.muli %mul3A_532, %scan3A_420 : i32
      %add3A_534 = arith.constant 0 : i32
      %add3A_535 = arith.addi %mul3A_533, %add3A_534 : i32
      %get3A_536 = arith.index_cast %add3A_535 : i32 to index
      %get3A_537 = arith.constant 128 : index
      %get3A_538 = tpu.vector_load %arg9[%get3A_536, %get3A_537] {strides = array<i32>} : memref<64x256xf32, #tpu.memory_space<vmem>>, vector<1x16xf32>,
      %get3A_539 = vector.shape_cast %get3A_538 : vector<1x16xf32> to vector<16xf32>
      %add3A_540 = arith.addf %scan3A_429, %get3A_539 : vector<16xf32>
      %mul3A_541 = arith.mulf %get3A_539, %get3A_539 : vector<16xf32>
      %add3A_542 = arith.addf %add3A_454, %mul3A_541 : vector<16xf32>
      %mul3A_543 = arith.constant 2 : i32
      %mul3A_544 = arith.muli %mul3A_543, %scan3A_420 : i32
      %add3A_545 = arith.constant 0 : i32
      %add3A_546 = arith.addi %mul3A_544, %add3A_545 : i32
      %get3A_547 = arith.index_cast %add3A_546 : i32 to index
      %get3A_548 = arith.constant 144 : index
      %get3A_549 = tpu.vector_load %arg9[%get3A_547, %get3A_548] {strides = array<i32>} : memref<64x256xf32, #tpu.memory_space<vmem>>, vector<1x16xf32>,
      %get3A_550 = vector.shape_cast %get3A_549 : vector<1x16xf32> to vector<16xf32>
      %add3A_551 = arith.addf %scan3A_430, %get3A_550 : vector<16xf32>
      %mul3A_552 = arith.mulf %get3A_550, %get3A_550 : vector<16xf32>
      %add3A_553 = arith.addf %add3A_465, %mul3A_552 : vector<16xf32>
      %mul3A_554 = arith.constant 2 : i32
      %mul3A_555 = arith.muli %mul3A_554, %scan3A_420 : i32
      %add3A_556 = arith.constant 0 : i32
      %add3A_557 = arith.addi %mul3A_555, %add3A_556 : i32
      %get3A_558 = arith.index_cast %add3A_557 : i32 to index
      %get3A_559 = arith.constant 160 : index
      %get3A_560 = tpu.vector_load %arg9[%get3A_558, %get3A_559] {strides = array<i32>} : memref<64x256xf32, #tpu.memory_space<vmem>>, vector<1x16xf32>,
      %get3A_561 = vector.shape_cast %get3A_560 : vector<1x16xf32> to vector<16xf32>
      %add3A_562 = arith.addf %scan3A_431, %get3A_561 : vector<16xf32>
      %mul3A_563 = arith.mulf %get3A_561, %get3A_561 : vector<16xf32>
      %add3A_564 = arith.addf %add3A_476, %mul3A_563 : vector<16xf32>
      %mul3A_565 = arith.constant 2 : i32
      %mul3A_566 = arith.muli %mul3A_565, %scan3A_420 : i32
      %add3A_567 = arith.constant 0 : i32
      %add3A_568 = arith.addi %mul3A_566, %add3A_567 : i32
      %get3A_569 = arith.index_cast %add3A_568 : i32 to index
      %get3A_570 = arith.constant 176 : index
      %get3A_571 = tpu.vector_load %arg9[%get3A_569, %get3A_570] {strides = array<i32>} : memref<64x256xf32, #tpu.memory_space<vmem>>, vector<1x16xf32>,
      %get3A_572 = vector.shape_cast %get3A_571 : vector<1x16xf32> to vector<16xf32>
      %add3A_573 = arith.addf %scan3A_432, %get3A_572 : vector<16xf32>
      %mul3A_574 = arith.mulf %get3A_572, %get3A_572 : vector<16xf32>
      %add3A_575 = arith.addf %add3A_487, %mul3A_574 : vector<16xf32>
      %mul3A_576 = arith.constant 2 : i32
      %mul3A_577 = arith.muli %mul3A_576, %scan3A_420 : i32
      %add3A_578 = arith.constant 0 : i32
      %add3A_579 = arith.addi %mul3A_577, %add3A_578 : i32
      %get3A_580 = arith.index_cast %add3A_579 : i32 to index
      %get3A_581 = arith.constant 192 : index
      %get3A_582 = tpu.vector_load %arg9[%get3A_580, %get3A_581] {strides = array<i32>} : memref<64x256xf32, #tpu.memory_space<vmem>>, vector<1x16xf32>,
      %get3A_583 = vector.shape_cast %get3A_582 : vector<1x16xf32> to vector<16xf32>
      %add3A_584 = arith.addf %scan3A_433, %get3A_583 : vector<16xf32>
      %mul3A_585 = arith.mulf %get3A_583, %get3A_583 : vector<16xf32>
      %add3A_586 = arith.addf %add3A_498, %mul3A_585 : vector<16xf32>
      %mul3A_587 = arith.constant 2 : i32
      %mul3A_588 = arith.muli %mul3A_587, %scan3A_420 : i32
      %add3A_589 = arith.constant 0 : i32
      %add3A_590 = arith.addi %mul3A_588, %add3A_589 : i32
      %get3A_591 = arith.index_cast %add3A_590 : i32 to index
      %get3A_592 = arith.constant 208 : index
      %get3A_593 = tpu.vector_load %arg9[%get3A_591, %get3A_592] {strides = array<i32>} : memref<64x256xf32, #tpu.memory_space<vmem>>, vector<1x16xf32>,
      %get3A_594 = vector.shape_cast %get3A_593 : vector<1x16xf32> to vector<16xf32>
      %add3A_595 = arith.addf %scan3A_434, %get3A_594 : vector<16xf32>
      %mul3A_596 = arith.mulf %get3A_594, %get3A_594 : vector<16xf32>
      %add3A_597 = arith.addf %add3A_509, %mul3A_596 : vector<16xf32>
      %mul3A_598 = arith.constant 2 : i32
      %mul3A_599 = arith.muli %mul3A_598, %scan3A_420 : i32
      %add3A_600 = arith.constant 0 : i32
      %add3A_601 = arith.addi %mul3A_599, %add3A_600 : i32
      %get3A_602 = arith.index_cast %add3A_601 : i32 to index
      %get3A_603 = arith.constant 224 : index
      %get3A_604 = tpu.vector_load %arg9[%get3A_602, %get3A_603] {strides = array<i32>} : memref<64x256xf32, #tpu.memory_space<vmem>>, vector<1x16xf32>,
      %get3A_605 = vector.shape_cast %get3A_604 : vector<1x16xf32> to vector<16xf32>
      %add3A_606 = arith.addf %scan3A_435, %get3A_605 : vector<16xf32>
      %mul3A_607 = arith.mulf %get3A_605, %get3A_605 : vector<16xf32>
      %add3A_608 = arith.addf %add3A_520, %mul3A_607 : vector<16xf32>
      %mul3A_609 = arith.constant 2 : i32
      %mul3A_610 = arith.muli %mul3A_609, %scan3A_420 : i32
      %add3A_611 = arith.constant 0 : i32
      %add3A_612 = arith.addi %mul3A_610, %add3A_611 : i32
      %get3A_613 = arith.index_cast %add3A_612 : i32 to index
      %get3A_614 = arith.constant 240 : index
      %get3A_615 = tpu.vector_load %arg9[%get3A_613, %get3A_614] {strides = array<i32>} : memref<64x256xf32, #tpu.memory_space<vmem>>, vector<1x16xf32>,
      %get3A_616 = vector.shape_cast %get3A_615 : vector<1x16xf32> to vector<16xf32>
      %add3A_617 = arith.addf %scan3A_436, %get3A_616 : vector<16xf32>
      %mul3A_618 = arith.mulf %get3A_616, %get3A_616 : vector<16xf32>
      %add3A_619 = arith.addf %add3A_531, %mul3A_618 : vector<16xf32>
      %mul3A_620 = arith.constant 2 : i32
      %mul3A_621 = arith.muli %mul3A_620, %scan3A_420 : i32
      %add3A_622 = arith.constant 1 : i32
      %add3A_623 = arith.addi %mul3A_621, %add3A_622 : i32
      %get3A_624 = arith.index_cast %add3A_623 : i32 to index
      %get3A_625 = arith.constant 0 : index
      %get3A_626 = tpu.vector_load %arg9[%get3A_624, %get3A_625] {strides = array<i32>} : memref<64x256xf32, #tpu.memory_space<vmem>>, vector<1x16xf32>,
      %get3A_627 = vector.shape_cast %get3A_626 : vector<1x16xf32> to vector<16xf32>
      %add3A_628 = arith.addf %add3A_452, %get3A_627 : vector<16xf32>
      %mul3A_629 = arith.mulf %get3A_627, %get3A_627 : vector<16xf32>
      %add3A_630 = arith.addf %add3A_586, %mul3A_629 : vector<16xf32>
      %mul3A_631 = arith.constant 2 : i32
      %mul3A_632 = arith.muli %mul3A_631, %scan3A_420 : i32
      %add3A_633 = arith.constant 1 : i32
      %add3A_634 = arith.addi %mul3A_632, %add3A_633 : i32
      %get3A_635 = arith.index_cast %add3A_634 : i32 to index
      %get3A_636 = arith.constant 16 : index
      %get3A_637 = tpu.vector_load %arg9[%get3A_635, %get3A_636] {strides = array<i32>} : memref<64x256xf32, #tpu.memory_space<vmem>>, vector<1x16xf32>,
      %get3A_638 = vector.shape_cast %get3A_637 : vector<1x16xf32> to vector<16xf32>
      %add3A_639 = arith.addf %add3A_463, %get3A_638 : vector<16xf32>
      %mul3A_640 = arith.mulf %get3A_638, %get3A_638 : vector<16xf32>
      %add3A_641 = arith.addf %add3A_597, %mul3A_640 : vector<16xf32>
      %mul3A_642 = arith.constant 2 : i32
      %mul3A_643 = arith.muli %mul3A_642, %scan3A_420 : i32
      %add3A_644 = arith.constant 1 : i32
      %add3A_645 = arith.addi %mul3A_643, %add3A_644 : i32
      %get3A_646 = arith.index_cast %add3A_645 : i32 to index
      %get3A_647 = arith.constant 32 : index
      %get3A_648 = tpu.vector_load %arg9[%get3A_646, %get3A_647] {strides = array<i32>} : memref<64x256xf32, #tpu.memory_space<vmem>>, vector<1x16xf32>,
      %get3A_649 = vector.shape_cast %get3A_648 : vector<1x16xf32> to vector<16xf32>
      %add3A_650 = arith.addf %add3A_474, %get3A_649 : vector<16xf32>
      %mul3A_651 = arith.mulf %get3A_649, %get3A_649 : vector<16xf32>
      %add3A_652 = arith.addf %add3A_608, %mul3A_651 : vector<16xf32>
      %mul3A_653 = arith.constant 2 : i32
      %mul3A_654 = arith.muli %mul3A_653, %scan3A_420 : i32
      %add3A_655 = arith.constant 1 : i32
      %add3A_656 = arith.addi %mul3A_654, %add3A_655 : i32
      %get3A_657 = arith.index_cast %add3A_656 : i32 to index
      %get3A_658 = arith.constant 48 : index
      %get3A_659 = tpu.vector_load %arg9[%get3A_657, %get3A_658] {strides = array<i32>} : memref<64x256xf32, #tpu.memory_space<vmem>>, vector<1x16xf32>,
      %get3A_660 = vector.shape_cast %get3A_659 : vector<1x16xf32> to vector<16xf32>
      %add3A_661 = arith.addf %add3A_485, %get3A_660 : vector<16xf32>
      %mul3A_662 = arith.mulf %get3A_660, %get3A_660 : vector<16xf32>
      %add3A_663 = arith.addf %add3A_619, %mul3A_662 : vector<16xf32>
      %mul3A_664 = arith.constant 2 : i32
      %mul3A_665 = arith.muli %mul3A_664, %scan3A_420 : i32
      %add3A_666 = arith.constant 1 : i32
      %add3A_667 = arith.addi %mul3A_665, %add3A_666 : i32
      %get3A_668 = arith.index_cast %add3A_667 : i32 to index
      %get3A_669 = arith.constant 64 : index
      %get3A_670 = tpu.vector_load %arg9[%get3A_668, %get3A_669] {strides = array<i32>} : memref<64x256xf32, #tpu.memory_space<vmem>>, vector<1x16xf32>,
      %get3A_671 = vector.shape_cast %get3A_670 : vector<1x16xf32> to vector<16xf32>
      %add3A_672 = arith.addf %add3A_496, %get3A_671 : vector<16xf32>
      %mul3A_673 = arith.mulf %get3A_671, %get3A_671 : vector<16xf32>
      %add3A_674 = arith.addf %add3A_542, %mul3A_673 : vector<16xf32>
      %mul3A_675 = arith.constant 2 : i32
      %mul3A_676 = arith.muli %mul3A_675, %scan3A_420 : i32
      %add3A_677 = arith.constant 1 : i32
      %add3A_678 = arith.addi %mul3A_676, %add3A_677 : i32
      %get3A_679 = arith.index_cast %add3A_678 : i32 to index
      %get3A_680 = arith.constant 80 : index
      %get3A_681 = tpu.vector_load %arg9[%get3A_679, %get3A_680] {strides = array<i32>} : memref<64x256xf32, #tpu.memory_space<vmem>>, vector<1x16xf32>,
      %get3A_682 = vector.shape_cast %get3A_681 : vector<1x16xf32> to vector<16xf32>
      %add3A_683 = arith.addf %add3A_507, %get3A_682 : vector<16xf32>
      %mul3A_684 = arith.mulf %get3A_682, %get3A_682 : vector<16xf32>
      %add3A_685 = arith.addf %add3A_553, %mul3A_684 : vector<16xf32>
      %mul3A_686 = arith.constant 2 : i32
      %mul3A_687 = arith.muli %mul3A_686, %scan3A_420 : i32
      %add3A_688 = arith.constant 1 : i32
      %add3A_689 = arith.addi %mul3A_687, %add3A_688 : i32
      %get3A_690 = arith.index_cast %add3A_689 : i32 to index
      %get3A_691 = arith.constant 96 : index
      %get3A_692 = tpu.vector_load %arg9[%get3A_690, %get3A_691] {strides = array<i32>} : memref<64x256xf32, #tpu.memory_space<vmem>>, vector<1x16xf32>,
      %get3A_693 = vector.shape_cast %get3A_692 : vector<1x16xf32> to vector<16xf32>
      %add3A_694 = arith.addf %add3A_518, %get3A_693 : vector<16xf32>
      %mul3A_695 = arith.mulf %get3A_693, %get3A_693 : vector<16xf32>
      %add3A_696 = arith.addf %add3A_564, %mul3A_695 : vector<16xf32>
      %mul3A_697 = arith.constant 2 : i32
      %mul3A_698 = arith.muli %mul3A_697, %scan3A_420 : i32
      %add3A_699 = arith.constant 1 : i32
      %add3A_700 = arith.addi %mul3A_698, %add3A_699 : i32
      %get3A_701 = arith.index_cast %add3A_700 : i32 to index
      %get3A_702 = arith.constant 112 : index
      %get3A_703 = tpu.vector_load %arg9[%get3A_701, %get3A_702] {strides = array<i32>} : memref<64x256xf32, #tpu.memory_space<vmem>>, vector<1x16xf32>,
      %get3A_704 = vector.shape_cast %get3A_703 : vector<1x16xf32> to vector<16xf32>
      %add3A_705 = arith.addf %add3A_529, %get3A_704 : vector<16xf32>
      %mul3A_706 = arith.mulf %get3A_704, %get3A_704 : vector<16xf32>
      %add3A_707 = arith.addf %add3A_575, %mul3A_706 : vector<16xf32>
      %mul3A_708 = arith.constant 2 : i32
      %mul3A_709 = arith.muli %mul3A_708, %scan3A_420 : i32
      %add3A_710 = arith.constant 1 : i32
      %add3A_711 = arith.addi %mul3A_709, %add3A_710 : i32
      %get3A_712 = arith.index_cast %add3A_711 : i32 to index
      %get3A_713 = arith.constant 128 : index
      %get3A_714 = tpu.vector_load %arg9[%get3A_712, %get3A_713] {strides = array<i32>} : memref<64x256xf32, #tpu.memory_space<vmem>>, vector<1x16xf32>,
      %get3A_715 = vector.shape_cast %get3A_714 : vector<1x16xf32> to vector<16xf32>
      %add3A_716 = arith.addf %add3A_540, %get3A_715 : vector<16xf32>
      %mul3A_717 = arith.mulf %get3A_715, %get3A_715 : vector<16xf32>
      %add3A_718 = arith.addf %add3A_630, %mul3A_717 : vector<16xf32>
      %mul3A_719 = arith.constant 2 : i32
      %mul3A_720 = arith.muli %mul3A_719, %scan3A_420 : i32
      %add3A_721 = arith.constant 1 : i32
      %add3A_722 = arith.addi %mul3A_720, %add3A_721 : i32
      %get3A_723 = arith.index_cast %add3A_722 : i32 to index
      %get3A_724 = arith.constant 144 : index
      %get3A_725 = tpu.vector_load %arg9[%get3A_723, %get3A_724] {strides = array<i32>} : memref<64x256xf32, #tpu.memory_space<vmem>>, vector<1x16xf32>,
      %get3A_726 = vector.shape_cast %get3A_725 : vector<1x16xf32> to vector<16xf32>
      %add3A_727 = arith.addf %add3A_551, %get3A_726 : vector<16xf32>
      %mul3A_728 = arith.mulf %get3A_726, %get3A_726 : vector<16xf32>
      %add3A_729 = arith.addf %add3A_641, %mul3A_728 : vector<16xf32>
      %mul3A_730 = arith.constant 2 : i32
      %mul3A_731 = arith.muli %mul3A_730, %scan3A_420 : i32
      %add3A_732 = arith.constant 1 : i32
      %add3A_733 = arith.addi %mul3A_731, %add3A_732 : i32
      %get3A_734 = arith.index_cast %add3A_733 : i32 to index
      %get3A_735 = arith.constant 160 : index
      %get3A_736 = tpu.vector_load %arg9[%get3A_734, %get3A_735] {strides = array<i32>} : memref<64x256xf32, #tpu.memory_space<vmem>>, vector<1x16xf32>,
      %get3A_737 = vector.shape_cast %get3A_736 : vector<1x16xf32> to vector<16xf32>
      %add3A_738 = arith.addf %add3A_562, %get3A_737 : vector<16xf32>
      %mul3A_739 = arith.mulf %get3A_737, %get3A_737 : vector<16xf32>
      %add3A_740 = arith.addf %add3A_652, %mul3A_739 : vector<16xf32>
      %mul3A_741 = arith.constant 2 : i32
      %mul3A_742 = arith.muli %mul3A_741, %scan3A_420 : i32
      %add3A_743 = arith.constant 1 : i32
      %add3A_744 = arith.addi %mul3A_742, %add3A_743 : i32
      %get3A_745 = arith.index_cast %add3A_744 : i32 to index
      %get3A_746 = arith.constant 176 : index
      %get3A_747 = tpu.vector_load %arg9[%get3A_745, %get3A_746] {strides = array<i32>} : memref<64x256xf32, #tpu.memory_space<vmem>>, vector<1x16xf32>,
      %get3A_748 = vector.shape_cast %get3A_747 : vector<1x16xf32> to vector<16xf32>
      %add3A_749 = arith.addf %add3A_573, %get3A_748 : vector<16xf32>
      %mul3A_750 = arith.mulf %get3A_748, %get3A_748 : vector<16xf32>
      %add3A_751 = arith.addf %add3A_663, %mul3A_750 : vector<16xf32>
      %mul3A_752 = arith.constant 2 : i32
      %mul3A_753 = arith.muli %mul3A_752, %scan3A_420 : i32
      %add3A_754 = arith.constant 1 : i32
      %add3A_755 = arith.addi %mul3A_753, %add3A_754 : i32
      %get3A_756 = arith.index_cast %add3A_755 : i32 to index
      %get3A_757 = arith.constant 192 : index
      %get3A_758 = tpu.vector_load %arg9[%get3A_756, %get3A_757] {strides = array<i32>} : memref<64x256xf32, #tpu.memory_space<vmem>>, vector<1x16xf32>,
      %get3A_759 = vector.shape_cast %get3A_758 : vector<1x16xf32> to vector<16xf32>
      %add3A_760 = arith.addf %add3A_584, %get3A_759 : vector<16xf32>
      %mul3A_761 = arith.mulf %get3A_759, %get3A_759 : vector<16xf32>
      %add3A_762 = arith.addf %add3A_674, %mul3A_761 : vector<16xf32>
      %mul3A_763 = arith.constant 2 : i32
      %mul3A_764 = arith.muli %mul3A_763, %scan3A_420 : i32
      %add3A_765 = arith.constant 1 : i32
      %add3A_766 = arith.addi %mul3A_764, %add3A_765 : i32
      %get3A_767 = arith.index_cast %add3A_766 : i32 to index
      %get3A_768 = arith.constant 208 : index
      %get3A_769 = tpu.vector_load %arg9[%get3A_767, %get3A_768] {strides = array<i32>} : memref<64x256xf32, #tpu.memory_space<vmem>>, vector<1x16xf32>,
      %get3A_770 = vector.shape_cast %get3A_769 : vector<1x16xf32> to vector<16xf32>
      %add3A_771 = arith.addf %add3A_595, %get3A_770 : vector<16xf32>
      %mul3A_772 = arith.mulf %get3A_770, %get3A_770 : vector<16xf32>
      %add3A_773 = arith.addf %add3A_685, %mul3A_772 : vector<16xf32>
      %mul3A_774 = arith.constant 2 : i32
      %mul3A_775 = arith.muli %mul3A_774, %scan3A_420 : i32
      %add3A_776 = arith.constant 1 : i32
      %add3A_777 = arith.addi %mul3A_775, %add3A_776 : i32
      %get3A_778 = arith.index_cast %add3A_777 : i32 to index
      %get3A_779 = arith.constant 224 : index
      %get3A_780 = tpu.vector_load %arg9[%get3A_778, %get3A_779] {strides = array<i32>} : memref<64x256xf32, #tpu.memory_space<vmem>>, vector<1x16xf32>,
      %get3A_781 = vector.shape_cast %get3A_780 : vector<1x16xf32> to vector<16xf32>
      %add3A_782 = arith.addf %add3A_606, %get3A_781 : vector<16xf32>
      %mul3A_783 = arith.mulf %get3A_781, %get3A_781 : vector<16xf32>
      %add3A_784 = arith.addf %add3A_696, %mul3A_783 : vector<16xf32>
      %mul3A_785 = arith.constant 2 : i32
      %mul3A_786 = arith.muli %mul3A_785, %scan3A_420 : i32
      %add3A_787 = arith.constant 1 : i32
      %add3A_788 = arith.addi %mul3A_786, %add3A_787 : i32
      %get3A_789 = arith.index_cast %add3A_788 : i32 to index
      %get3A_790 = arith.constant 240 : index
      %get3A_791 = tpu.vector_load %arg9[%get3A_789, %get3A_790] {strides = array<i32>} : memref<64x256xf32, #tpu.memory_space<vmem>>, vector<1x16xf32>,
      %get3A_792 = vector.shape_cast %get3A_791 : vector<1x16xf32> to vector<16xf32>
      %add3A_793 = arith.addf %add3A_617, %get3A_792 : vector<16xf32>
      %mul3A_794 = arith.mulf %get3A_792, %get3A_792 : vector<16xf32>
      %add3A_795 = arith.addf %add3A_707, %mul3A_794 : vector<16xf32>
      scf.yield %add3A_628, %add3A_639, %add3A_650, %add3A_661, %add3A_672, %add3A_683, %add3A_694, %add3A_705, %add3A_716, %add3A_727, %add3A_738, %add3A_749, %add3A_760, %add3A_771, %add3A_782, %add3A_793, %add3A_762, %add3A_773, %add3A_784, %add3A_795, %add3A_718, %add3A_729, %add3A_740, %add3A_751 : vector<16xf32>, vector<16xf32>, vector<16xf32>, vector<16xf32>, vector<16xf32>, vector<16xf32>, vector<16xf32>, vector<16xf32>, vector<16xf32>, vector<16xf32>, vector<16xf32>, vector<16xf32>, vector<16xf32>, vector<16xf32>, vector<16xf32>, vector<16xf32>, vector<16xf32>, vector<16xf32>, vector<16xf32>, vector<16xf32>, vector<16xf32>, vector<16xf32>, vector<16xf32>, vector<16xf32>
    }
    %scan3A_129 = arith.constant 32 : i32
    %dma_start3A_130 = arith.constant 5 : i32
    %dma_start3A_131 = arith.constant 0 : i32
    %dma_start3A_132 = tpu.memref_slice %arg7[%dma_start3A_130, %dma_start3A_131] : memref<8x64xi32, #tpu.memory_space<vmem>> -> memref<1x64xi32, #tpu.memory_space<vmem>>
    %dma_start3A_133 = tpu.memref_squeeze %dma_start3A_132 : memref<1x64xi32, #tpu.memory_space<vmem>> -> memref<64xi32, #tpu.memory_space<vmem>>
    %dma_start3A_134 = arith.constant 0 : i32
    %dma_start3A_135 = arith.constant 0 : i32
    %dma_start3A_136 = tpu.memref_slice %arg2[%dma_start3A_134, %dma_start3A_135] : memref<50000x256xf32, #tpu.memory_space<hbm>> -> memref<50000x256xf32, #tpu.memory_space<hbm>>
    tpu.enqueue_indirect_dma source(%dma_start3A_136 : memref<50000x256xf32, #tpu.memory_space<hbm>>) target(%arg9 : memref<64x256xf32, #tpu.memory_space<vmem>>) offsets(%dma_start3A_133 : memref<64xi32, #tpu.memory_space<vmem>>) semaphore(%arg13 : memref<!tpu.dma_semaphore, #tpu.memory_space<semaphore_mem>>)
    %dma_wait3A_137 = arith.constant 4 : i32
    %dma_wait3A_138 = arith.constant 0 : i32
    %dma_wait3A_139 = tpu.memref_slice %arg7[%dma_wait3A_137, %dma_wait3A_138] : memref<8x64xi32, #tpu.memory_space<vmem>> -> memref<1x64xi32, #tpu.memory_space<vmem>>
    %dma_wait3A_140 = tpu.memref_squeeze %dma_wait3A_139 : memref<1x64xi32, #tpu.memory_space<vmem>> -> memref<64xi32, #tpu.memory_space<vmem>>
    %dma_wait3A_141 = arith.constant 0 : i32
    %dma_wait3A_142 = arith.constant 0 : i32
    %dma_wait3A_143 = tpu.memref_slice %arg2[%dma_wait3A_141, %dma_wait3A_142] : memref<50000x256xf32, #tpu.memory_space<hbm>> -> memref<50000x256xf32, #tpu.memory_space<hbm>>
    tpu.wait_indirect_dma semaphore(%arg12 : memref<!tpu.dma_semaphore, #tpu.memory_space<semaphore_mem>>) src(%dma_wait3A_143 : memref<50000x256xf32, #tpu.memory_space<hbm>>) dst(%arg8 : memref<64x256xf32, #tpu.memory_space<vmem>>)
    %scan3A_144 = arith.constant 0 : i32
    %scan3A_145 = arith.constant 32 : i32
    %scan3A_146 = arith.addi %scan3A_144, %scan3A_145 : i32
    %scan3A_147 = arith.constant 1 : i32
    %scan3A_148:24 = scf.for %scan3A_420 = %scan3A_144 to %scan3A_146 step %scan3A_147 iter_args(%scan3A_421 = %broadcast_in_dim3A_50, %scan3A_422 = %broadcast_in_dim3A_50, %scan3A_423 = %broadcast_in_dim3A_50, %scan3A_424 = %broadcast_in_dim3A_50, %scan3A_425 = %broadcast_in_dim3A_50, %scan3A_426 = %broadcast_in_dim3A_50, %scan3A_427 = %broadcast_in_dim3A_50, %scan3A_428 = %broadcast_in_dim3A_50, %scan3A_429 = %broadcast_in_dim3A_50, %scan3A_430 = %broadcast_in_dim3A_50, %scan3A_431 = %broadcast_in_dim3A_50, %scan3A_432 = %broadcast_in_dim3A_50, %scan3A_433 = %broadcast_in_dim3A_50, %scan3A_434 = %broadcast_in_dim3A_50, %scan3A_435 = %broadcast_in_dim3A_50, %scan3A_436 = %broadcast_in_dim3A_50, %scan3A_437 = %broadcast_in_dim3A_50, %scan3A_438 = %broadcast_in_dim3A_50, %scan3A_439 = %broadcast_in_dim3A_50, %scan3A_440 = %broadcast_in_dim3A_50, %scan3A_441 = %broadcast_in_dim3A_50, %scan3A_442 = %broadcast_in_dim3A_50, %scan3A_443 = %broadcast_in_dim3A_50, %scan3A_444 = %broadcast_in_dim3A_50) -> (vector<16xf32>, vector<16xf32>, vector<16xf32>, vector<16xf32>, vector<16xf32>, vector<16xf32>, vector<16xf32>, vector<16xf32>, vector<16xf32>, vector<16xf32>, vector<16xf32>, vector<16xf32>, vector<16xf32>, vector<16xf32>, vector<16xf32>, vector<16xf32>, vector<16xf32>, vector<16xf32>, vector<16xf32>, vector<16xf32>, vector<16xf32>, vector<16xf32>, vector<16xf32>, vector<16xf32>)  : i32 {
      %mul3A_445 = arith.constant 2 : i32
      %mul3A_446 = arith.muli %mul3A_445, %scan3A_420 : i32
      %add3A_447 = arith.constant 0 : i32
      %add3A_448 = arith.addi %mul3A_446, %add3A_447 : i32
      %get3A = arith.index_cast %add3A_448 : i32 to index
      %get3A_449 = arith.constant 0 : index
      %get3A_450 = tpu.vector_load %arg8[%get3A, %get3A_449] {strides = array<i32>} : memref<64x256xf32, #tpu.memory_space<vmem>>, vector<1x16xf32>,
      %get3A_451 = vector.shape_cast %get3A_450 : vector<1x16xf32> to vector<16xf32>
      %add3A_452 = arith.addf %scan3A_421, %get3A_451 : vector<16xf32>
      %mul3A_453 = arith.mulf %get3A_451, %get3A_451 : vector<16xf32>
      %add3A_454 = arith.addf %scan3A_437, %mul3A_453 : vector<16xf32>
      %mul3A_455 = arith.constant 2 : i32
      %mul3A_456 = arith.muli %mul3A_455, %scan3A_420 : i32
      %add3A_457 = arith.constant 0 : i32
      %add3A_458 = arith.addi %mul3A_456, %add3A_457 : i32
      %get3A_459 = arith.index_cast %add3A_458 : i32 to index
      %get3A_460 = arith.constant 16 : index
      %get3A_461 = tpu.vector_load %arg8[%get3A_459, %get3A_460] {strides = array<i32>} : memref<64x256xf32, #tpu.memory_space<vmem>>, vector<1x16xf32>,
      %get3A_462 = vector.shape_cast %get3A_461 : vector<1x16xf32> to vector<16xf32>
      %add3A_463 = arith.addf %scan3A_422, %get3A_462 : vector<16xf32>
      %mul3A_464 = arith.mulf %get3A_462, %get3A_462 : vector<16xf32>
      %add3A_465 = arith.addf %scan3A_438, %mul3A_464 : vector<16xf32>
      %mul3A_466 = arith.constant 2 : i32
      %mul3A_467 = arith.muli %mul3A_466, %scan3A_420 : i32
      %add3A_468 = arith.constant 0 : i32
      %add3A_469 = arith.addi %mul3A_467, %add3A_468 : i32
      %get3A_470 = arith.index_cast %add3A_469 : i32 to index
      %get3A_471 = arith.constant 32 : index
      %get3A_472 = tpu.vector_load %arg8[%get3A_470, %get3A_471] {strides = array<i32>} : memref<64x256xf32, #tpu.memory_space<vmem>>, vector<1x16xf32>,
      %get3A_473 = vector.shape_cast %get3A_472 : vector<1x16xf32> to vector<16xf32>
      %add3A_474 = arith.addf %scan3A_423, %get3A_473 : vector<16xf32>
      %mul3A_475 = arith.mulf %get3A_473, %get3A_473 : vector<16xf32>
      %add3A_476 = arith.addf %scan3A_439, %mul3A_475 : vector<16xf32>
      %mul3A_477 = arith.constant 2 : i32
      %mul3A_478 = arith.muli %mul3A_477, %scan3A_420 : i32
      %add3A_479 = arith.constant 0 : i32
      %add3A_480 = arith.addi %mul3A_478, %add3A_479 : i32
      %get3A_481 = arith.index_cast %add3A_480 : i32 to index
      %get3A_482 = arith.constant 48 : index
      %get3A_483 = tpu.vector_load %arg8[%get3A_481, %get3A_482] {strides = array<i32>} : memref<64x256xf32, #tpu.memory_space<vmem>>, vector<1x16xf32>,
      %get3A_484 = vector.shape_cast %get3A_483 : vector<1x16xf32> to vector<16xf32>
      %add3A_485 = arith.addf %scan3A_424, %get3A_484 : vector<16xf32>
      %mul3A_486 = arith.mulf %get3A_484, %get3A_484 : vector<16xf32>
      %add3A_487 = arith.addf %scan3A_440, %mul3A_486 : vector<16xf32>
      %mul3A_488 = arith.constant 2 : i32
      %mul3A_489 = arith.muli %mul3A_488, %scan3A_420 : i32
      %add3A_490 = arith.constant 0 : i32
      %add3A_491 = arith.addi %mul3A_489, %add3A_490 : i32
      %get3A_492 = arith.index_cast %add3A_491 : i32 to index
      %get3A_493 = arith.constant 64 : index
      %get3A_494 = tpu.vector_load %arg8[%get3A_492, %get3A_493] {strides = array<i32>} : memref<64x256xf32, #tpu.memory_space<vmem>>, vector<1x16xf32>,
      %get3A_495 = vector.shape_cast %get3A_494 : vector<1x16xf32> to vector<16xf32>
      %add3A_496 = arith.addf %scan3A_425, %get3A_495 : vector<16xf32>
      %mul3A_497 = arith.mulf %get3A_495, %get3A_495 : vector<16xf32>
      %add3A_498 = arith.addf %scan3A_441, %mul3A_497 : vector<16xf32>
      %mul3A_499 = arith.constant 2 : i32
      %mul3A_500 = arith.muli %mul3A_499, %scan3A_420 : i32
      %add3A_501 = arith.constant 0 : i32
      %add3A_502 = arith.addi %mul3A_500, %add3A_501 : i32
      %get3A_503 = arith.index_cast %add3A_502 : i32 to index
      %get3A_504 = arith.constant 80 : index
      %get3A_505 = tpu.vector_load %arg8[%get3A_503, %get3A_504] {strides = array<i32>} : memref<64x256xf32, #tpu.memory_space<vmem>>, vector<1x16xf32>,
      %get3A_506 = vector.shape_cast %get3A_505 : vector<1x16xf32> to vector<16xf32>
      %add3A_507 = arith.addf %scan3A_426, %get3A_506 : vector<16xf32>
      %mul3A_508 = arith.mulf %get3A_506, %get3A_506 : vector<16xf32>
      %add3A_509 = arith.addf %scan3A_442, %mul3A_508 : vector<16xf32>
      %mul3A_510 = arith.constant 2 : i32
      %mul3A_511 = arith.muli %mul3A_510, %scan3A_420 : i32
      %add3A_512 = arith.constant 0 : i32
      %add3A_513 = arith.addi %mul3A_511, %add3A_512 : i32
      %get3A_514 = arith.index_cast %add3A_513 : i32 to index
      %get3A_515 = arith.constant 96 : index
      %get3A_516 = tpu.vector_load %arg8[%get3A_514, %get3A_515] {strides = array<i32>} : memref<64x256xf32, #tpu.memory_space<vmem>>, vector<1x16xf32>,
      %get3A_517 = vector.shape_cast %get3A_516 : vector<1x16xf32> to vector<16xf32>
      %add3A_518 = arith.addf %scan3A_427, %get3A_517 : vector<16xf32>
      %mul3A_519 = arith.mulf %get3A_517, %get3A_517 : vector<16xf32>
      %add3A_520 = arith.addf %scan3A_443, %mul3A_519 : vector<16xf32>
      %mul3A_521 = arith.constant 2 : i32
      %mul3A_522 = arith.muli %mul3A_521, %scan3A_420 : i32
      %add3A_523 = arith.constant 0 : i32
      %add3A_524 = arith.addi %mul3A_522, %add3A_523 : i32
      %get3A_525 = arith.index_cast %add3A_524 : i32 to index
      %get3A_526 = arith.constant 112 : index
      %get3A_527 = tpu.vector_load %arg8[%get3A_525, %get3A_526] {strides = array<i32>} : memref<64x256xf32, #tpu.memory_space<vmem>>, vector<1x16xf32>,
      %get3A_528 = vector.shape_cast %get3A_527 : vector<1x16xf32> to vector<16xf32>
      %add3A_529 = arith.addf %scan3A_428, %get3A_528 : vector<16xf32>
      %mul3A_530 = arith.mulf %get3A_528, %get3A_528 : vector<16xf32>
      %add3A_531 = arith.addf %scan3A_444, %mul3A_530 : vector<16xf32>
      %mul3A_532 = arith.constant 2 : i32
      %mul3A_533 = arith.muli %mul3A_532, %scan3A_420 : i32
      %add3A_534 = arith.constant 0 : i32
      %add3A_535 = arith.addi %mul3A_533, %add3A_534 : i32
      %get3A_536 = arith.index_cast %add3A_535 : i32 to index
      %get3A_537 = arith.constant 128 : index
      %get3A_538 = tpu.vector_load %arg8[%get3A_536, %get3A_537] {strides = array<i32>} : memref<64x256xf32, #tpu.memory_space<vmem>>, vector<1x16xf32>,
      %get3A_539 = vector.shape_cast %get3A_538 : vector<1x16xf32> to vector<16xf32>
      %add3A_540 = arith.addf %scan3A_429, %get3A_539 : vector<16xf32>
      %mul3A_541 = arith.mulf %get3A_539, %get3A_539 : vector<16xf32>
      %add3A_542 = arith.addf %add3A_454, %mul3A_541 : vector<16xf32>
      %mul3A_543 = arith.constant 2 : i32
      %mul3A_544 = arith.muli %mul3A_543, %scan3A_420 : i32
      %add3A_545 = arith.constant 0 : i32
      %add3A_546 = arith.addi %mul3A_544, %add3A_545 : i32
      %get3A_547 = arith.index_cast %add3A_546 : i32 to index
      %get3A_548 = arith.constant 144 : index
      %get3A_549 = tpu.vector_load %arg8[%get3A_547, %get3A_548] {strides = array<i32>} : memref<64x256xf32, #tpu.memory_space<vmem>>, vector<1x16xf32>,
      %get3A_550 = vector.shape_cast %get3A_549 : vector<1x16xf32> to vector<16xf32>
      %add3A_551 = arith.addf %scan3A_430, %get3A_550 : vector<16xf32>
      %mul3A_552 = arith.mulf %get3A_550, %get3A_550 : vector<16xf32>
      %add3A_553 = arith.addf %add3A_465, %mul3A_552 : vector<16xf32>
      %mul3A_554 = arith.constant 2 : i32
      %mul3A_555 = arith.muli %mul3A_554, %scan3A_420 : i32
      %add3A_556 = arith.constant 0 : i32
      %add3A_557 = arith.addi %mul3A_555, %add3A_556 : i32
      %get3A_558 = arith.index_cast %add3A_557 : i32 to index
      %get3A_559 = arith.constant 160 : index
      %get3A_560 = tpu.vector_load %arg8[%get3A_558, %get3A_559] {strides = array<i32>} : memref<64x256xf32, #tpu.memory_space<vmem>>, vector<1x16xf32>,
      %get3A_561 = vector.shape_cast %get3A_560 : vector<1x16xf32> to vector<16xf32>
      %add3A_562 = arith.addf %scan3A_431, %get3A_561 : vector<16xf32>
      %mul3A_563 = arith.mulf %get3A_561, %get3A_561 : vector<16xf32>
      %add3A_564 = arith.addf %add3A_476, %mul3A_563 : vector<16xf32>
      %mul3A_565 = arith.constant 2 : i32
      %mul3A_566 = arith.muli %mul3A_565, %scan3A_420 : i32
      %add3A_567 = arith.constant 0 : i32
      %add3A_568 = arith.addi %mul3A_566, %add3A_567 : i32
      %get3A_569 = arith.index_cast %add3A_568 : i32 to index
      %get3A_570 = arith.constant 176 : index
      %get3A_571 = tpu.vector_load %arg8[%get3A_569, %get3A_570] {strides = array<i32>} : memref<64x256xf32, #tpu.memory_space<vmem>>, vector<1x16xf32>,
      %get3A_572 = vector.shape_cast %get3A_571 : vector<1x16xf32> to vector<16xf32>
      %add3A_573 = arith.addf %scan3A_432, %get3A_572 : vector<16xf32>
      %mul3A_574 = arith.mulf %get3A_572, %get3A_572 : vector<16xf32>
      %add3A_575 = arith.addf %add3A_487, %mul3A_574 : vector<16xf32>
      %mul3A_576 = arith.constant 2 : i32
      %mul3A_577 = arith.muli %mul3A_576, %scan3A_420 : i32
      %add3A_578 = arith.constant 0 : i32
      %add3A_579 = arith.addi %mul3A_577, %add3A_578 : i32
      %get3A_580 = arith.index_cast %add3A_579 : i32 to index
      %get3A_581 = arith.constant 192 : index
      %get3A_582 = tpu.vector_load %arg8[%get3A_580, %get3A_581] {strides = array<i32>} : memref<64x256xf32, #tpu.memory_space<vmem>>, vector<1x16xf32>,
      %get3A_583 = vector.shape_cast %get3A_582 : vector<1x16xf32> to vector<16xf32>
      %add3A_584 = arith.addf %scan3A_433, %get3A_583 : vector<16xf32>
      %mul3A_585 = arith.mulf %get3A_583, %get3A_583 : vector<16xf32>
      %add3A_586 = arith.addf %add3A_498, %mul3A_585 : vector<16xf32>
      %mul3A_587 = arith.constant 2 : i32
      %mul3A_588 = arith.muli %mul3A_587, %scan3A_420 : i32
      %add3A_589 = arith.constant 0 : i32
      %add3A_590 = arith.addi %mul3A_588, %add3A_589 : i32
      %get3A_591 = arith.index_cast %add3A_590 : i32 to index
      %get3A_592 = arith.constant 208 : index
      %get3A_593 = tpu.vector_load %arg8[%get3A_591, %get3A_592] {strides = array<i32>} : memref<64x256xf32, #tpu.memory_space<vmem>>, vector<1x16xf32>,
      %get3A_594 = vector.shape_cast %get3A_593 : vector<1x16xf32> to vector<16xf32>
      %add3A_595 = arith.addf %scan3A_434, %get3A_594 : vector<16xf32>
      %mul3A_596 = arith.mulf %get3A_594, %get3A_594 : vector<16xf32>
      %add3A_597 = arith.addf %add3A_509, %mul3A_596 : vector<16xf32>
      %mul3A_598 = arith.constant 2 : i32
      %mul3A_599 = arith.muli %mul3A_598, %scan3A_420 : i32
      %add3A_600 = arith.constant 0 : i32
      %add3A_601 = arith.addi %mul3A_599, %add3A_600 : i32
      %get3A_602 = arith.index_cast %add3A_601 : i32 to index
      %get3A_603 = arith.constant 224 : index
      %get3A_604 = tpu.vector_load %arg8[%get3A_602, %get3A_603] {strides = array<i32>} : memref<64x256xf32, #tpu.memory_space<vmem>>, vector<1x16xf32>,
      %get3A_605 = vector.shape_cast %get3A_604 : vector<1x16xf32> to vector<16xf32>
      %add3A_606 = arith.addf %scan3A_435, %get3A_605 : vector<16xf32>
      %mul3A_607 = arith.mulf %get3A_605, %get3A_605 : vector<16xf32>
      %add3A_608 = arith.addf %add3A_520, %mul3A_607 : vector<16xf32>
      %mul3A_609 = arith.constant 2 : i32
      %mul3A_610 = arith.muli %mul3A_609, %scan3A_420 : i32
      %add3A_611 = arith.constant 0 : i32
      %add3A_612 = arith.addi %mul3A_610, %add3A_611 : i32
      %get3A_613 = arith.index_cast %add3A_612 : i32 to index
      %get3A_614 = arith.constant 240 : index
      %get3A_615 = tpu.vector_load %arg8[%get3A_613, %get3A_614] {strides = array<i32>} : memref<64x256xf32, #tpu.memory_space<vmem>>, vector<1x16xf32>,
      %get3A_616 = vector.shape_cast %get3A_615 : vector<1x16xf32> to vector<16xf32>
      %add3A_617 = arith.addf %scan3A_436, %get3A_616 : vector<16xf32>
      %mul3A_618 = arith.mulf %get3A_616, %get3A_616 : vector<16xf32>
      %add3A_619 = arith.addf %add3A_531, %mul3A_618 : vector<16xf32>
      %mul3A_620 = arith.constant 2 : i32
      %mul3A_621 = arith.muli %mul3A_620, %scan3A_420 : i32
      %add3A_622 = arith.constant 1 : i32
      %add3A_623 = arith.addi %mul3A_621, %add3A_622 : i32
      %get3A_624 = arith.index_cast %add3A_623 : i32 to index
      %get3A_625 = arith.constant 0 : index
      %get3A_626 = tpu.vector_load %arg8[%get3A_624, %get3A_625] {strides = array<i32>} : memref<64x256xf32, #tpu.memory_space<vmem>>, vector<1x16xf32>,
      %get3A_627 = vector.shape_cast %get3A_626 : vector<1x16xf32> to vector<16xf32>
      %add3A_628 = arith.addf %add3A_452, %get3A_627 : vector<16xf32>
      %mul3A_629 = arith.mulf %get3A_627, %get3A_627 : vector<16xf32>
      %add3A_630 = arith.addf %add3A_586, %mul3A_629 : vector<16xf32>
      %mul3A_631 = arith.constant 2 : i32
      %mul3A_632 = arith.muli %mul3A_631, %scan3A_420 : i32
      %add3A_633 = arith.constant 1 : i32
      %add3A_634 = arith.addi %mul3A_632, %add3A_633 : i32
      %get3A_635 = arith.index_cast %add3A_634 : i32 to index
      %get3A_636 = arith.constant 16 : index
      %get3A_637 = tpu.vector_load %arg8[%get3A_635, %get3A_636] {strides = array<i32>} : memref<64x256xf32, #tpu.memory_space<vmem>>, vector<1x16xf32>,
      %get3A_638 = vector.shape_cast %get3A_637 : vector<1x16xf32> to vector<16xf32>
      %add3A_639 = arith.addf %add3A_463, %get3A_638 : vector<16xf32>
      %mul3A_640 = arith.mulf %get3A_638, %get3A_638 : vector<16xf32>
      %add3A_641 = arith.addf %add3A_597, %mul3A_640 : vector<16xf32>
      %mul3A_642 = arith.constant 2 : i32
      %mul3A_643 = arith.muli %mul3A_642, %scan3A_420 : i32
      %add3A_644 = arith.constant 1 : i32
      %add3A_645 = arith.addi %mul3A_643, %add3A_644 : i32
      %get3A_646 = arith.index_cast %add3A_645 : i32 to index
      %get3A_647 = arith.constant 32 : index
      %get3A_648 = tpu.vector_load %arg8[%get3A_646, %get3A_647] {strides = array<i32>} : memref<64x256xf32, #tpu.memory_space<vmem>>, vector<1x16xf32>,
      %get3A_649 = vector.shape_cast %get3A_648 : vector<1x16xf32> to vector<16xf32>
      %add3A_650 = arith.addf %add3A_474, %get3A_649 : vector<16xf32>
      %mul3A_651 = arith.mulf %get3A_649, %get3A_649 : vector<16xf32>
      %add3A_652 = arith.addf %add3A_608, %mul3A_651 : vector<16xf32>
      %mul3A_653 = arith.constant 2 : i32
      %mul3A_654 = arith.muli %mul3A_653, %scan3A_420 : i32
      %add3A_655 = arith.constant 1 : i32
      %add3A_656 = arith.addi %mul3A_654, %add3A_655 : i32
      %get3A_657 = arith.index_cast %add3A_656 : i32 to index
      %get3A_658 = arith.constant 48 : index
      %get3A_659 = tpu.vector_load %arg8[%get3A_657, %get3A_658] {strides = array<i32>} : memref<64x256xf32, #tpu.memory_space<vmem>>, vector<1x16xf32>,
      %get3A_660 = vector.shape_cast %get3A_659 : vector<1x16xf32> to vector<16xf32>
      %add3A_661 = arith.addf %add3A_485, %get3A_660 : vector<16xf32>
      %mul3A_662 = arith.mulf %get3A_660, %get3A_660 : vector<16xf32>
      %add3A_663 = arith.addf %add3A_619, %mul3A_662 : vector<16xf32>
      %mul3A_664 = arith.constant 2 : i32
      %mul3A_665 = arith.muli %mul3A_664, %scan3A_420 : i32
      %add3A_666 = arith.constant 1 : i32
      %add3A_667 = arith.addi %mul3A_665, %add3A_666 : i32
      %get3A_668 = arith.index_cast %add3A_667 : i32 to index
      %get3A_669 = arith.constant 64 : index
      %get3A_670 = tpu.vector_load %arg8[%get3A_668, %get3A_669] {strides = array<i32>} : memref<64x256xf32, #tpu.memory_space<vmem>>, vector<1x16xf32>,
      %get3A_671 = vector.shape_cast %get3A_670 : vector<1x16xf32> to vector<16xf32>
      %add3A_672 = arith.addf %add3A_496, %get3A_671 : vector<16xf32>
      %mul3A_673 = arith.mulf %get3A_671, %get3A_671 : vector<16xf32>
      %add3A_674 = arith.addf %add3A_542, %mul3A_673 : vector<16xf32>
      %mul3A_675 = arith.constant 2 : i32
      %mul3A_676 = arith.muli %mul3A_675, %scan3A_420 : i32
      %add3A_677 = arith.constant 1 : i32
      %add3A_678 = arith.addi %mul3A_676, %add3A_677 : i32
      %get3A_679 = arith.index_cast %add3A_678 : i32 to index
      %get3A_680 = arith.constant 80 : index
      %get3A_681 = tpu.vector_load %arg8[%get3A_679, %get3A_680] {strides = array<i32>} : memref<64x256xf32, #tpu.memory_space<vmem>>, vector<1x16xf32>,
      %get3A_682 = vector.shape_cast %get3A_681 : vector<1x16xf32> to vector<16xf32>
      %add3A_683 = arith.addf %add3A_507, %get3A_682 : vector<16xf32>
      %mul3A_684 = arith.mulf %get3A_682, %get3A_682 : vector<16xf32>
      %add3A_685 = arith.addf %add3A_553, %mul3A_684 : vector<16xf32>
      %mul3A_686 = arith.constant 2 : i32
      %mul3A_687 = arith.muli %mul3A_686, %scan3A_420 : i32
      %add3A_688 = arith.constant 1 : i32
      %add3A_689 = arith.addi %mul3A_687, %add3A_688 : i32
      %get3A_690 = arith.index_cast %add3A_689 : i32 to index
      %get3A_691 = arith.constant 96 : index
      %get3A_692 = tpu.vector_load %arg8[%get3A_690, %get3A_691] {strides = array<i32>} : memref<64x256xf32, #tpu.memory_space<vmem>>, vector<1x16xf32>,
      %get3A_693 = vector.shape_cast %get3A_692 : vector<1x16xf32> to vector<16xf32>
      %add3A_694 = arith.addf %add3A_518, %get3A_693 : vector<16xf32>
      %mul3A_695 = arith.mulf %get3A_693, %get3A_693 : vector<16xf32>
      %add3A_696 = arith.addf %add3A_564, %mul3A_695 : vector<16xf32>
      %mul3A_697 = arith.constant 2 : i32
      %mul3A_698 = arith.muli %mul3A_697, %scan3A_420 : i32
      %add3A_699 = arith.constant 1 : i32
      %add3A_700 = arith.addi %mul3A_698, %add3A_699 : i32
      %get3A_701 = arith.index_cast %add3A_700 : i32 to index
      %get3A_702 = arith.constant 112 : index
      %get3A_703 = tpu.vector_load %arg8[%get3A_701, %get3A_702] {strides = array<i32>} : memref<64x256xf32, #tpu.memory_space<vmem>>, vector<1x16xf32>,
      %get3A_704 = vector.shape_cast %get3A_703 : vector<1x16xf32> to vector<16xf32>
      %add3A_705 = arith.addf %add3A_529, %get3A_704 : vector<16xf32>
      %mul3A_706 = arith.mulf %get3A_704, %get3A_704 : vector<16xf32>
      %add3A_707 = arith.addf %add3A_575, %mul3A_706 : vector<16xf32>
      %mul3A_708 = arith.constant 2 : i32
      %mul3A_709 = arith.muli %mul3A_708, %scan3A_420 : i32
      %add3A_710 = arith.constant 1 : i32
      %add3A_711 = arith.addi %mul3A_709, %add3A_710 : i32
      %get3A_712 = arith.index_cast %add3A_711 : i32 to index
      %get3A_713 = arith.constant 128 : index
      %get3A_714 = tpu.vector_load %arg8[%get3A_712, %get3A_713] {strides = array<i32>} : memref<64x256xf32, #tpu.memory_space<vmem>>, vector<1x16xf32>,
      %get3A_715 = vector.shape_cast %get3A_714 : vector<1x16xf32> to vector<16xf32>
      %add3A_716 = arith.addf %add3A_540, %get3A_715 : vector<16xf32>
      %mul3A_717 = arith.mulf %get3A_715, %get3A_715 : vector<16xf32>
      %add3A_718 = arith.addf %add3A_630, %mul3A_717 : vector<16xf32>
      %mul3A_719 = arith.constant 2 : i32
      %mul3A_720 = arith.muli %mul3A_719, %scan3A_420 : i32
      %add3A_721 = arith.constant 1 : i32
      %add3A_722 = arith.addi %mul3A_720, %add3A_721 : i32
      %get3A_723 = arith.index_cast %add3A_722 : i32 to index
      %get3A_724 = arith.constant 144 : index
      %get3A_725 = tpu.vector_load %arg8[%get3A_723, %get3A_724] {strides = array<i32>} : memref<64x256xf32, #tpu.memory_space<vmem>>, vector<1x16xf32>,
      %get3A_726 = vector.shape_cast %get3A_725 : vector<1x16xf32> to vector<16xf32>
      %add3A_727 = arith.addf %add3A_551, %get3A_726 : vector<16xf32>
      %mul3A_728 = arith.mulf %get3A_726, %get3A_726 : vector<16xf32>
      %add3A_729 = arith.addf %add3A_641, %mul3A_728 : vector<16xf32>
      %mul3A_730 = arith.constant 2 : i32
      %mul3A_731 = arith.muli %mul3A_730, %scan3A_420 : i32
      %add3A_732 = arith.constant 1 : i32
      %add3A_733 = arith.addi %mul3A_731, %add3A_732 : i32
      %get3A_734 = arith.index_cast %add3A_733 : i32 to index
      %get3A_735 = arith.constant 160 : index
      %get3A_736 = tpu.vector_load %arg8[%get3A_734, %get3A_735] {strides = array<i32>} : memref<64x256xf32, #tpu.memory_space<vmem>>, vector<1x16xf32>,
      %get3A_737 = vector.shape_cast %get3A_736 : vector<1x16xf32> to vector<16xf32>
      %add3A_738 = arith.addf %add3A_562, %get3A_737 : vector<16xf32>
      %mul3A_739 = arith.mulf %get3A_737, %get3A_737 : vector<16xf32>
      %add3A_740 = arith.addf %add3A_652, %mul3A_739 : vector<16xf32>
      %mul3A_741 = arith.constant 2 : i32
      %mul3A_742 = arith.muli %mul3A_741, %scan3A_420 : i32
      %add3A_743 = arith.constant 1 : i32
      %add3A_744 = arith.addi %mul3A_742, %add3A_743 : i32
      %get3A_745 = arith.index_cast %add3A_744 : i32 to index
      %get3A_746 = arith.constant 176 : index
      %get3A_747 = tpu.vector_load %arg8[%get3A_745, %get3A_746] {strides = array<i32>} : memref<64x256xf32, #tpu.memory_space<vmem>>, vector<1x16xf32>,
      %get3A_748 = vector.shape_cast %get3A_747 : vector<1x16xf32> to vector<16xf32>
      %add3A_749 = arith.addf %add3A_573, %get3A_748 : vector<16xf32>
      %mul3A_750 = arith.mulf %get3A_748, %get3A_748 : vector<16xf32>
      %add3A_751 = arith.addf %add3A_663, %mul3A_750 : vector<16xf32>
      %mul3A_752 = arith.constant 2 : i32
      %mul3A_753 = arith.muli %mul3A_752, %scan3A_420 : i32
      %add3A_754 = arith.constant 1 : i32
      %add3A_755 = arith.addi %mul3A_753, %add3A_754 : i32
      %get3A_756 = arith.index_cast %add3A_755 : i32 to index
      %get3A_757 = arith.constant 192 : index
      %get3A_758 = tpu.vector_load %arg8[%get3A_756, %get3A_757] {strides = array<i32>} : memref<64x256xf32, #tpu.memory_space<vmem>>, vector<1x16xf32>,
      %get3A_759 = vector.shape_cast %get3A_758 : vector<1x16xf32> to vector<16xf32>
      %add3A_760 = arith.addf %add3A_584, %get3A_759 : vector<16xf32>
      %mul3A_761 = arith.mulf %get3A_759, %get3A_759 : vector<16xf32>
      %add3A_762 = arith.addf %add3A_674, %mul3A_761 : vector<16xf32>
      %mul3A_763 = arith.constant 2 : i32
      %mul3A_764 = arith.muli %mul3A_763, %scan3A_420 : i32
      %add3A_765 = arith.constant 1 : i32
      %add3A_766 = arith.addi %mul3A_764, %add3A_765 : i32
      %get3A_767 = arith.index_cast %add3A_766 : i32 to index
      %get3A_768 = arith.constant 208 : index
      %get3A_769 = tpu.vector_load %arg8[%get3A_767, %get3A_768] {strides = array<i32>} : memref<64x256xf32, #tpu.memory_space<vmem>>, vector<1x16xf32>,
      %get3A_770 = vector.shape_cast %get3A_769 : vector<1x16xf32> to vector<16xf32>
      %add3A_771 = arith.addf %add3A_595, %get3A_770 : vector<16xf32>
      %mul3A_772 = arith.mulf %get3A_770, %get3A_770 : vector<16xf32>
      %add3A_773 = arith.addf %add3A_685, %mul3A_772 : vector<16xf32>
      %mul3A_774 = arith.constant 2 : i32
      %mul3A_775 = arith.muli %mul3A_774, %scan3A_420 : i32
      %add3A_776 = arith.constant 1 : i32
      %add3A_777 = arith.addi %mul3A_775, %add3A_776 : i32
      %get3A_778 = arith.index_cast %add3A_777 : i32 to index
      %get3A_779 = arith.constant 224 : index
      %get3A_780 = tpu.vector_load %arg8[%get3A_778, %get3A_779] {strides = array<i32>} : memref<64x256xf32, #tpu.memory_space<vmem>>, vector<1x16xf32>,
      %get3A_781 = vector.shape_cast %get3A_780 : vector<1x16xf32> to vector<16xf32>
      %add3A_782 = arith.addf %add3A_606, %get3A_781 : vector<16xf32>
      %mul3A_783 = arith.mulf %get3A_781, %get3A_781 : vector<16xf32>
      %add3A_784 = arith.addf %add3A_696, %mul3A_783 : vector<16xf32>
      %mul3A_785 = arith.constant 2 : i32
      %mul3A_786 = arith.muli %mul3A_785, %scan3A_420 : i32
      %add3A_787 = arith.constant 1 : i32
      %add3A_788 = arith.addi %mul3A_786, %add3A_787 : i32
      %get3A_789 = arith.index_cast %add3A_788 : i32 to index
      %get3A_790 = arith.constant 240 : index
      %get3A_791 = tpu.vector_load %arg8[%get3A_789, %get3A_790] {strides = array<i32>} : memref<64x256xf32, #tpu.memory_space<vmem>>, vector<1x16xf32>,
      %get3A_792 = vector.shape_cast %get3A_791 : vector<1x16xf32> to vector<16xf32>
      %add3A_793 = arith.addf %add3A_617, %get3A_792 : vector<16xf32>
      %mul3A_794 = arith.mulf %get3A_792, %get3A_792 : vector<16xf32>
      %add3A_795 = arith.addf %add3A_707, %mul3A_794 : vector<16xf32>
      scf.yield %add3A_628, %add3A_639, %add3A_650, %add3A_661, %add3A_672, %add3A_683, %add3A_694, %add3A_705, %add3A_716, %add3A_727, %add3A_738, %add3A_749, %add3A_760, %add3A_771, %add3A_782, %add3A_793, %add3A_762, %add3A_773, %add3A_784, %add3A_795, %add3A_718, %add3A_729, %add3A_740, %add3A_751 : vector<16xf32>, vector<16xf32>, vector<16xf32>, vector<16xf32>, vector<16xf32>, vector<16xf32>, vector<16xf32>, vector<16xf32>, vector<16xf32>, vector<16xf32>, vector<16xf32>, vector<16xf32>, vector<16xf32>, vector<16xf32>, vector<16xf32>, vector<16xf32>, vector<16xf32>, vector<16xf32>, vector<16xf32>, vector<16xf32>, vector<16xf32>, vector<16xf32>, vector<16xf32>, vector<16xf32>
    }
    %scan3A_149 = arith.constant 32 : i32
    %dma_start3A_150 = arith.constant 6 : i32
    %dma_start3A_151 = arith.constant 0 : i32
    %dma_start3A_152 = tpu.memref_slice %arg7[%dma_start3A_150, %dma_start3A_151] : memref<8x64xi32, #tpu.memory_space<vmem>> -> memref<1x64xi32, #tpu.memory_space<vmem>>
    %dma_start3A_153 = tpu.memref_squeeze %dma_start3A_152 : memref<1x64xi32, #tpu.memory_space<vmem>> -> memref<64xi32, #tpu.memory_space<vmem>>
    %dma_start3A_154 = arith.constant 0 : i32
    %dma_start3A_155 = arith.constant 0 : i32
    %dma_start3A_156 = tpu.memref_slice %arg2[%dma_start3A_154, %dma_start3A_155] : memref<50000x256xf32, #tpu.memory_space<hbm>> -> memref<50000x256xf32, #tpu.memory_space<hbm>>
    tpu.enqueue_indirect_dma source(%dma_start3A_156 : memref<50000x256xf32, #tpu.memory_space<hbm>>) target(%arg8 : memref<64x256xf32, #tpu.memory_space<vmem>>) offsets(%dma_start3A_153 : memref<64xi32, #tpu.memory_space<vmem>>) semaphore(%arg12 : memref<!tpu.dma_semaphore, #tpu.memory_space<semaphore_mem>>)
    %dma_wait3A_157 = arith.constant 5 : i32
    %dma_wait3A_158 = arith.constant 0 : i32
    %dma_wait3A_159 = tpu.memref_slice %arg7[%dma_wait3A_157, %dma_wait3A_158] : memref<8x64xi32, #tpu.memory_space<vmem>> -> memref<1x64xi32, #tpu.memory_space<vmem>>
    %dma_wait3A_160 = tpu.memref_squeeze %dma_wait3A_159 : memref<1x64xi32, #tpu.memory_space<vmem>> -> memref<64xi32, #tpu.memory_space<vmem>>
    %dma_wait3A_161 = arith.constant 0 : i32
    %dma_wait3A_162 = arith.constant 0 : i32
    %dma_wait3A_163 = tpu.memref_slice %arg2[%dma_wait3A_161, %dma_wait3A_162] : memref<50000x256xf32, #tpu.memory_space<hbm>> -> memref<50000x256xf32, #tpu.memory_space<hbm>>
    tpu.wait_indirect_dma semaphore(%arg13 : memref<!tpu.dma_semaphore, #tpu.memory_space<semaphore_mem>>) src(%dma_wait3A_163 : memref<50000x256xf32, #tpu.memory_space<hbm>>) dst(%arg9 : memref<64x256xf32, #tpu.memory_space<vmem>>)
    %scan3A_164 = arith.constant 0 : i32
    %scan3A_165 = arith.constant 32 : i32
    %scan3A_166 = arith.addi %scan3A_164, %scan3A_165 : i32
    %scan3A_167 = arith.constant 1 : i32
    %scan3A_168:24 = scf.for %scan3A_420 = %scan3A_164 to %scan3A_166 step %scan3A_167 iter_args(%scan3A_421 = %scan3A_148#0, %scan3A_422 = %scan3A_148#1, %scan3A_423 = %scan3A_148#2, %scan3A_424 = %scan3A_148#3, %scan3A_425 = %scan3A_148#4, %scan3A_426 = %scan3A_148#5, %scan3A_427 = %scan3A_148#6, %scan3A_428 = %scan3A_148#7, %scan3A_429 = %scan3A_148#8, %scan3A_430 = %scan3A_148#9, %scan3A_431 = %scan3A_148#10, %scan3A_432 = %scan3A_148#11, %scan3A_433 = %scan3A_148#12, %scan3A_434 = %scan3A_148#13, %scan3A_435 = %scan3A_148#14, %scan3A_436 = %scan3A_148#15, %scan3A_437 = %scan3A_148#16, %scan3A_438 = %scan3A_148#17, %scan3A_439 = %scan3A_148#18, %scan3A_440 = %scan3A_148#19, %scan3A_441 = %scan3A_148#20, %scan3A_442 = %scan3A_148#21, %scan3A_443 = %scan3A_148#22, %scan3A_444 = %scan3A_148#23) -> (vector<16xf32>, vector<16xf32>, vector<16xf32>, vector<16xf32>, vector<16xf32>, vector<16xf32>, vector<16xf32>, vector<16xf32>, vector<16xf32>, vector<16xf32>, vector<16xf32>, vector<16xf32>, vector<16xf32>, vector<16xf32>, vector<16xf32>, vector<16xf32>, vector<16xf32>, vector<16xf32>, vector<16xf32>, vector<16xf32>, vector<16xf32>, vector<16xf32>, vector<16xf32>, vector<16xf32>)  : i32 {
      %mul3A_445 = arith.constant 2 : i32
      %mul3A_446 = arith.muli %mul3A_445, %scan3A_420 : i32
      %add3A_447 = arith.constant 0 : i32
      %add3A_448 = arith.addi %mul3A_446, %add3A_447 : i32
      %get3A = arith.index_cast %add3A_448 : i32 to index
      %get3A_449 = arith.constant 0 : index
      %get3A_450 = tpu.vector_load %arg9[%get3A, %get3A_449] {strides = array<i32>} : memref<64x256xf32, #tpu.memory_space<vmem>>, vector<1x16xf32>,
      %get3A_451 = vector.shape_cast %get3A_450 : vector<1x16xf32> to vector<16xf32>
      %add3A_452 = arith.addf %scan3A_421, %get3A_451 : vector<16xf32>
      %mul3A_453 = arith.mulf %get3A_451, %get3A_451 : vector<16xf32>
      %add3A_454 = arith.addf %scan3A_437, %mul3A_453 : vector<16xf32>
      %mul3A_455 = arith.constant 2 : i32
      %mul3A_456 = arith.muli %mul3A_455, %scan3A_420 : i32
      %add3A_457 = arith.constant 0 : i32
      %add3A_458 = arith.addi %mul3A_456, %add3A_457 : i32
      %get3A_459 = arith.index_cast %add3A_458 : i32 to index
      %get3A_460 = arith.constant 16 : index
      %get3A_461 = tpu.vector_load %arg9[%get3A_459, %get3A_460] {strides = array<i32>} : memref<64x256xf32, #tpu.memory_space<vmem>>, vector<1x16xf32>,
      %get3A_462 = vector.shape_cast %get3A_461 : vector<1x16xf32> to vector<16xf32>
      %add3A_463 = arith.addf %scan3A_422, %get3A_462 : vector<16xf32>
      %mul3A_464 = arith.mulf %get3A_462, %get3A_462 : vector<16xf32>
      %add3A_465 = arith.addf %scan3A_438, %mul3A_464 : vector<16xf32>
      %mul3A_466 = arith.constant 2 : i32
      %mul3A_467 = arith.muli %mul3A_466, %scan3A_420 : i32
      %add3A_468 = arith.constant 0 : i32
      %add3A_469 = arith.addi %mul3A_467, %add3A_468 : i32
      %get3A_470 = arith.index_cast %add3A_469 : i32 to index
      %get3A_471 = arith.constant 32 : index
      %get3A_472 = tpu.vector_load %arg9[%get3A_470, %get3A_471] {strides = array<i32>} : memref<64x256xf32, #tpu.memory_space<vmem>>, vector<1x16xf32>,
      %get3A_473 = vector.shape_cast %get3A_472 : vector<1x16xf32> to vector<16xf32>
      %add3A_474 = arith.addf %scan3A_423, %get3A_473 : vector<16xf32>
      %mul3A_475 = arith.mulf %get3A_473, %get3A_473 : vector<16xf32>
      %add3A_476 = arith.addf %scan3A_439, %mul3A_475 : vector<16xf32>
      %mul3A_477 = arith.constant 2 : i32
      %mul3A_478 = arith.muli %mul3A_477, %scan3A_420 : i32
      %add3A_479 = arith.constant 0 : i32
      %add3A_480 = arith.addi %mul3A_478, %add3A_479 : i32
      %get3A_481 = arith.index_cast %add3A_480 : i32 to index
      %get3A_482 = arith.constant 48 : index
      %get3A_483 = tpu.vector_load %arg9[%get3A_481, %get3A_482] {strides = array<i32>} : memref<64x256xf32, #tpu.memory_space<vmem>>, vector<1x16xf32>,
      %get3A_484 = vector.shape_cast %get3A_483 : vector<1x16xf32> to vector<16xf32>
      %add3A_485 = arith.addf %scan3A_424, %get3A_484 : vector<16xf32>
      %mul3A_486 = arith.mulf %get3A_484, %get3A_484 : vector<16xf32>
      %add3A_487 = arith.addf %scan3A_440, %mul3A_486 : vector<16xf32>
      %mul3A_488 = arith.constant 2 : i32
      %mul3A_489 = arith.muli %mul3A_488, %scan3A_420 : i32
      %add3A_490 = arith.constant 0 : i32
      %add3A_491 = arith.addi %mul3A_489, %add3A_490 : i32
      %get3A_492 = arith.index_cast %add3A_491 : i32 to index
      %get3A_493 = arith.constant 64 : index
      %get3A_494 = tpu.vector_load %arg9[%get3A_492, %get3A_493] {strides = array<i32>} : memref<64x256xf32, #tpu.memory_space<vmem>>, vector<1x16xf32>,
      %get3A_495 = vector.shape_cast %get3A_494 : vector<1x16xf32> to vector<16xf32>
      %add3A_496 = arith.addf %scan3A_425, %get3A_495 : vector<16xf32>
      %mul3A_497 = arith.mulf %get3A_495, %get3A_495 : vector<16xf32>
      %add3A_498 = arith.addf %scan3A_441, %mul3A_497 : vector<16xf32>
      %mul3A_499 = arith.constant 2 : i32
      %mul3A_500 = arith.muli %mul3A_499, %scan3A_420 : i32
      %add3A_501 = arith.constant 0 : i32
      %add3A_502 = arith.addi %mul3A_500, %add3A_501 : i32
      %get3A_503 = arith.index_cast %add3A_502 : i32 to index
      %get3A_504 = arith.constant 80 : index
      %get3A_505 = tpu.vector_load %arg9[%get3A_503, %get3A_504] {strides = array<i32>} : memref<64x256xf32, #tpu.memory_space<vmem>>, vector<1x16xf32>,
      %get3A_506 = vector.shape_cast %get3A_505 : vector<1x16xf32> to vector<16xf32>
      %add3A_507 = arith.addf %scan3A_426, %get3A_506 : vector<16xf32>
      %mul3A_508 = arith.mulf %get3A_506, %get3A_506 : vector<16xf32>
      %add3A_509 = arith.addf %scan3A_442, %mul3A_508 : vector<16xf32>
      %mul3A_510 = arith.constant 2 : i32
      %mul3A_511 = arith.muli %mul3A_510, %scan3A_420 : i32
      %add3A_512 = arith.constant 0 : i32
      %add3A_513 = arith.addi %mul3A_511, %add3A_512 : i32
      %get3A_514 = arith.index_cast %add3A_513 : i32 to index
      %get3A_515 = arith.constant 96 : index
      %get3A_516 = tpu.vector_load %arg9[%get3A_514, %get3A_515] {strides = array<i32>} : memref<64x256xf32, #tpu.memory_space<vmem>>, vector<1x16xf32>,
      %get3A_517 = vector.shape_cast %get3A_516 : vector<1x16xf32> to vector<16xf32>
      %add3A_518 = arith.addf %scan3A_427, %get3A_517 : vector<16xf32>
      %mul3A_519 = arith.mulf %get3A_517, %get3A_517 : vector<16xf32>
      %add3A_520 = arith.addf %scan3A_443, %mul3A_519 : vector<16xf32>
      %mul3A_521 = arith.constant 2 : i32
      %mul3A_522 = arith.muli %mul3A_521, %scan3A_420 : i32
      %add3A_523 = arith.constant 0 : i32
      %add3A_524 = arith.addi %mul3A_522, %add3A_523 : i32
      %get3A_525 = arith.index_cast %add3A_524 : i32 to index
      %get3A_526 = arith.constant 112 : index
      %get3A_527 = tpu.vector_load %arg9[%get3A_525, %get3A_526] {strides = array<i32>} : memref<64x256xf32, #tpu.memory_space<vmem>>, vector<1x16xf32>,
      %get3A_528 = vector.shape_cast %get3A_527 : vector<1x16xf32> to vector<16xf32>
      %add3A_529 = arith.addf %scan3A_428, %get3A_528 : vector<16xf32>
      %mul3A_530 = arith.mulf %get3A_528, %get3A_528 : vector<16xf32>
      %add3A_531 = arith.addf %scan3A_444, %mul3A_530 : vector<16xf32>
      %mul3A_532 = arith.constant 2 : i32
      %mul3A_533 = arith.muli %mul3A_532, %scan3A_420 : i32
      %add3A_534 = arith.constant 0 : i32
      %add3A_535 = arith.addi %mul3A_533, %add3A_534 : i32
      %get3A_536 = arith.index_cast %add3A_535 : i32 to index
      %get3A_537 = arith.constant 128 : index
      %get3A_538 = tpu.vector_load %arg9[%get3A_536, %get3A_537] {strides = array<i32>} : memref<64x256xf32, #tpu.memory_space<vmem>>, vector<1x16xf32>,
      %get3A_539 = vector.shape_cast %get3A_538 : vector<1x16xf32> to vector<16xf32>
      %add3A_540 = arith.addf %scan3A_429, %get3A_539 : vector<16xf32>
      %mul3A_541 = arith.mulf %get3A_539, %get3A_539 : vector<16xf32>
      %add3A_542 = arith.addf %add3A_454, %mul3A_541 : vector<16xf32>
      %mul3A_543 = arith.constant 2 : i32
      %mul3A_544 = arith.muli %mul3A_543, %scan3A_420 : i32
      %add3A_545 = arith.constant 0 : i32
      %add3A_546 = arith.addi %mul3A_544, %add3A_545 : i32
      %get3A_547 = arith.index_cast %add3A_546 : i32 to index
      %get3A_548 = arith.constant 144 : index
      %get3A_549 = tpu.vector_load %arg9[%get3A_547, %get3A_548] {strides = array<i32>} : memref<64x256xf32, #tpu.memory_space<vmem>>, vector<1x16xf32>,
      %get3A_550 = vector.shape_cast %get3A_549 : vector<1x16xf32> to vector<16xf32>
      %add3A_551 = arith.addf %scan3A_430, %get3A_550 : vector<16xf32>
      %mul3A_552 = arith.mulf %get3A_550, %get3A_550 : vector<16xf32>
      %add3A_553 = arith.addf %add3A_465, %mul3A_552 : vector<16xf32>
      %mul3A_554 = arith.constant 2 : i32
      %mul3A_555 = arith.muli %mul3A_554, %scan3A_420 : i32
      %add3A_556 = arith.constant 0 : i32
      %add3A_557 = arith.addi %mul3A_555, %add3A_556 : i32
      %get3A_558 = arith.index_cast %add3A_557 : i32 to index
      %get3A_559 = arith.constant 160 : index
      %get3A_560 = tpu.vector_load %arg9[%get3A_558, %get3A_559] {strides = array<i32>} : memref<64x256xf32, #tpu.memory_space<vmem>>, vector<1x16xf32>,
      %get3A_561 = vector.shape_cast %get3A_560 : vector<1x16xf32> to vector<16xf32>
      %add3A_562 = arith.addf %scan3A_431, %get3A_561 : vector<16xf32>
      %mul3A_563 = arith.mulf %get3A_561, %get3A_561 : vector<16xf32>
      %add3A_564 = arith.addf %add3A_476, %mul3A_563 : vector<16xf32>
      %mul3A_565 = arith.constant 2 : i32
      %mul3A_566 = arith.muli %mul3A_565, %scan3A_420 : i32
      %add3A_567 = arith.constant 0 : i32
      %add3A_568 = arith.addi %mul3A_566, %add3A_567 : i32
      %get3A_569 = arith.index_cast %add3A_568 : i32 to index
      %get3A_570 = arith.constant 176 : index
      %get3A_571 = tpu.vector_load %arg9[%get3A_569, %get3A_570] {strides = array<i32>} : memref<64x256xf32, #tpu.memory_space<vmem>>, vector<1x16xf32>,
      %get3A_572 = vector.shape_cast %get3A_571 : vector<1x16xf32> to vector<16xf32>
      %add3A_573 = arith.addf %scan3A_432, %get3A_572 : vector<16xf32>
      %mul3A_574 = arith.mulf %get3A_572, %get3A_572 : vector<16xf32>
      %add3A_575 = arith.addf %add3A_487, %mul3A_574 : vector<16xf32>
      %mul3A_576 = arith.constant 2 : i32
      %mul3A_577 = arith.muli %mul3A_576, %scan3A_420 : i32
      %add3A_578 = arith.constant 0 : i32
      %add3A_579 = arith.addi %mul3A_577, %add3A_578 : i32
      %get3A_580 = arith.index_cast %add3A_579 : i32 to index
      %get3A_581 = arith.constant 192 : index
      %get3A_582 = tpu.vector_load %arg9[%get3A_580, %get3A_581] {strides = array<i32>} : memref<64x256xf32, #tpu.memory_space<vmem>>, vector<1x16xf32>,
      %get3A_583 = vector.shape_cast %get3A_582 : vector<1x16xf32> to vector<16xf32>
      %add3A_584 = arith.addf %scan3A_433, %get3A_583 : vector<16xf32>
      %mul3A_585 = arith.mulf %get3A_583, %get3A_583 : vector<16xf32>
      %add3A_586 = arith.addf %add3A_498, %mul3A_585 : vector<16xf32>
      %mul3A_587 = arith.constant 2 : i32
      %mul3A_588 = arith.muli %mul3A_587, %scan3A_420 : i32
      %add3A_589 = arith.constant 0 : i32
      %add3A_590 = arith.addi %mul3A_588, %add3A_589 : i32
      %get3A_591 = arith.index_cast %add3A_590 : i32 to index
      %get3A_592 = arith.constant 208 : index
      %get3A_593 = tpu.vector_load %arg9[%get3A_591, %get3A_592] {strides = array<i32>} : memref<64x256xf32, #tpu.memory_space<vmem>>, vector<1x16xf32>,
      %get3A_594 = vector.shape_cast %get3A_593 : vector<1x16xf32> to vector<16xf32>
      %add3A_595 = arith.addf %scan3A_434, %get3A_594 : vector<16xf32>
      %mul3A_596 = arith.mulf %get3A_594, %get3A_594 : vector<16xf32>
      %add3A_597 = arith.addf %add3A_509, %mul3A_596 : vector<16xf32>
      %mul3A_598 = arith.constant 2 : i32
      %mul3A_599 = arith.muli %mul3A_598, %scan3A_420 : i32
      %add3A_600 = arith.constant 0 : i32
      %add3A_601 = arith.addi %mul3A_599, %add3A_600 : i32
      %get3A_602 = arith.index_cast %add3A_601 : i32 to index
      %get3A_603 = arith.constant 224 : index
      %get3A_604 = tpu.vector_load %arg9[%get3A_602, %get3A_603] {strides = array<i32>} : memref<64x256xf32, #tpu.memory_space<vmem>>, vector<1x16xf32>,
      %get3A_605 = vector.shape_cast %get3A_604 : vector<1x16xf32> to vector<16xf32>
      %add3A_606 = arith.addf %scan3A_435, %get3A_605 : vector<16xf32>
      %mul3A_607 = arith.mulf %get3A_605, %get3A_605 : vector<16xf32>
      %add3A_608 = arith.addf %add3A_520, %mul3A_607 : vector<16xf32>
      %mul3A_609 = arith.constant 2 : i32
      %mul3A_610 = arith.muli %mul3A_609, %scan3A_420 : i32
      %add3A_611 = arith.constant 0 : i32
      %add3A_612 = arith.addi %mul3A_610, %add3A_611 : i32
      %get3A_613 = arith.index_cast %add3A_612 : i32 to index
      %get3A_614 = arith.constant 240 : index
      %get3A_615 = tpu.vector_load %arg9[%get3A_613, %get3A_614] {strides = array<i32>} : memref<64x256xf32, #tpu.memory_space<vmem>>, vector<1x16xf32>,
      %get3A_616 = vector.shape_cast %get3A_615 : vector<1x16xf32> to vector<16xf32>
      %add3A_617 = arith.addf %scan3A_436, %get3A_616 : vector<16xf32>
      %mul3A_618 = arith.mulf %get3A_616, %get3A_616 : vector<16xf32>
      %add3A_619 = arith.addf %add3A_531, %mul3A_618 : vector<16xf32>
      %mul3A_620 = arith.constant 2 : i32
      %mul3A_621 = arith.muli %mul3A_620, %scan3A_420 : i32
      %add3A_622 = arith.constant 1 : i32
      %add3A_623 = arith.addi %mul3A_621, %add3A_622 : i32
      %get3A_624 = arith.index_cast %add3A_623 : i32 to index
      %get3A_625 = arith.constant 0 : index
      %get3A_626 = tpu.vector_load %arg9[%get3A_624, %get3A_625] {strides = array<i32>} : memref<64x256xf32, #tpu.memory_space<vmem>>, vector<1x16xf32>,
      %get3A_627 = vector.shape_cast %get3A_626 : vector<1x16xf32> to vector<16xf32>
      %add3A_628 = arith.addf %add3A_452, %get3A_627 : vector<16xf32>
      %mul3A_629 = arith.mulf %get3A_627, %get3A_627 : vector<16xf32>
      %add3A_630 = arith.addf %add3A_586, %mul3A_629 : vector<16xf32>
      %mul3A_631 = arith.constant 2 : i32
      %mul3A_632 = arith.muli %mul3A_631, %scan3A_420 : i32
      %add3A_633 = arith.constant 1 : i32
      %add3A_634 = arith.addi %mul3A_632, %add3A_633 : i32
      %get3A_635 = arith.index_cast %add3A_634 : i32 to index
      %get3A_636 = arith.constant 16 : index
      %get3A_637 = tpu.vector_load %arg9[%get3A_635, %get3A_636] {strides = array<i32>} : memref<64x256xf32, #tpu.memory_space<vmem>>, vector<1x16xf32>,
      %get3A_638 = vector.shape_cast %get3A_637 : vector<1x16xf32> to vector<16xf32>
      %add3A_639 = arith.addf %add3A_463, %get3A_638 : vector<16xf32>
      %mul3A_640 = arith.mulf %get3A_638, %get3A_638 : vector<16xf32>
      %add3A_641 = arith.addf %add3A_597, %mul3A_640 : vector<16xf32>
      %mul3A_642 = arith.constant 2 : i32
      %mul3A_643 = arith.muli %mul3A_642, %scan3A_420 : i32
      %add3A_644 = arith.constant 1 : i32
      %add3A_645 = arith.addi %mul3A_643, %add3A_644 : i32
      %get3A_646 = arith.index_cast %add3A_645 : i32 to index
      %get3A_647 = arith.constant 32 : index
      %get3A_648 = tpu.vector_load %arg9[%get3A_646, %get3A_647] {strides = array<i32>} : memref<64x256xf32, #tpu.memory_space<vmem>>, vector<1x16xf32>,
      %get3A_649 = vector.shape_cast %get3A_648 : vector<1x16xf32> to vector<16xf32>
      %add3A_650 = arith.addf %add3A_474, %get3A_649 : vector<16xf32>
      %mul3A_651 = arith.mulf %get3A_649, %get3A_649 : vector<16xf32>
      %add3A_652 = arith.addf %add3A_608, %mul3A_651 : vector<16xf32>
      %mul3A_653 = arith.constant 2 : i32
      %mul3A_654 = arith.muli %mul3A_653, %scan3A_420 : i32
      %add3A_655 = arith.constant 1 : i32
      %add3A_656 = arith.addi %mul3A_654, %add3A_655 : i32
      %get3A_657 = arith.index_cast %add3A_656 : i32 to index
      %get3A_658 = arith.constant 48 : index
      %get3A_659 = tpu.vector_load %arg9[%get3A_657, %get3A_658] {strides = array<i32>} : memref<64x256xf32, #tpu.memory_space<vmem>>, vector<1x16xf32>,
      %get3A_660 = vector.shape_cast %get3A_659 : vector<1x16xf32> to vector<16xf32>
      %add3A_661 = arith.addf %add3A_485, %get3A_660 : vector<16xf32>
      %mul3A_662 = arith.mulf %get3A_660, %get3A_660 : vector<16xf32>
      %add3A_663 = arith.addf %add3A_619, %mul3A_662 : vector<16xf32>
      %mul3A_664 = arith.constant 2 : i32
      %mul3A_665 = arith.muli %mul3A_664, %scan3A_420 : i32
      %add3A_666 = arith.constant 1 : i32
      %add3A_667 = arith.addi %mul3A_665, %add3A_666 : i32
      %get3A_668 = arith.index_cast %add3A_667 : i32 to index
      %get3A_669 = arith.constant 64 : index
      %get3A_670 = tpu.vector_load %arg9[%get3A_668, %get3A_669] {strides = array<i32>} : memref<64x256xf32, #tpu.memory_space<vmem>>, vector<1x16xf32>,
      %get3A_671 = vector.shape_cast %get3A_670 : vector<1x16xf32> to vector<16xf32>
      %add3A_672 = arith.addf %add3A_496, %get3A_671 : vector<16xf32>
      %mul3A_673 = arith.mulf %get3A_671, %get3A_671 : vector<16xf32>
      %add3A_674 = arith.addf %add3A_542, %mul3A_673 : vector<16xf32>
      %mul3A_675 = arith.constant 2 : i32
      %mul3A_676 = arith.muli %mul3A_675, %scan3A_420 : i32
      %add3A_677 = arith.constant 1 : i32
      %add3A_678 = arith.addi %mul3A_676, %add3A_677 : i32
      %get3A_679 = arith.index_cast %add3A_678 : i32 to index
      %get3A_680 = arith.constant 80 : index
      %get3A_681 = tpu.vector_load %arg9[%get3A_679, %get3A_680] {strides = array<i32>} : memref<64x256xf32, #tpu.memory_space<vmem>>, vector<1x16xf32>,
      %get3A_682 = vector.shape_cast %get3A_681 : vector<1x16xf32> to vector<16xf32>
      %add3A_683 = arith.addf %add3A_507, %get3A_682 : vector<16xf32>
      %mul3A_684 = arith.mulf %get3A_682, %get3A_682 : vector<16xf32>
      %add3A_685 = arith.addf %add3A_553, %mul3A_684 : vector<16xf32>
      %mul3A_686 = arith.constant 2 : i32
      %mul3A_687 = arith.muli %mul3A_686, %scan3A_420 : i32
      %add3A_688 = arith.constant 1 : i32
      %add3A_689 = arith.addi %mul3A_687, %add3A_688 : i32
      %get3A_690 = arith.index_cast %add3A_689 : i32 to index
      %get3A_691 = arith.constant 96 : index
      %get3A_692 = tpu.vector_load %arg9[%get3A_690, %get3A_691] {strides = array<i32>} : memref<64x256xf32, #tpu.memory_space<vmem>>, vector<1x16xf32>,
      %get3A_693 = vector.shape_cast %get3A_692 : vector<1x16xf32> to vector<16xf32>
      %add3A_694 = arith.addf %add3A_518, %get3A_693 : vector<16xf32>
      %mul3A_695 = arith.mulf %get3A_693, %get3A_693 : vector<16xf32>
      %add3A_696 = arith.addf %add3A_564, %mul3A_695 : vector<16xf32>
      %mul3A_697 = arith.constant 2 : i32
      %mul3A_698 = arith.muli %mul3A_697, %scan3A_420 : i32
      %add3A_699 = arith.constant 1 : i32
      %add3A_700 = arith.addi %mul3A_698, %add3A_699 : i32
      %get3A_701 = arith.index_cast %add3A_700 : i32 to index
      %get3A_702 = arith.constant 112 : index
      %get3A_703 = tpu.vector_load %arg9[%get3A_701, %get3A_702] {strides = array<i32>} : memref<64x256xf32, #tpu.memory_space<vmem>>, vector<1x16xf32>,
      %get3A_704 = vector.shape_cast %get3A_703 : vector<1x16xf32> to vector<16xf32>
      %add3A_705 = arith.addf %add3A_529, %get3A_704 : vector<16xf32>
      %mul3A_706 = arith.mulf %get3A_704, %get3A_704 : vector<16xf32>
      %add3A_707 = arith.addf %add3A_575, %mul3A_706 : vector<16xf32>
      %mul3A_708 = arith.constant 2 : i32
      %mul3A_709 = arith.muli %mul3A_708, %scan3A_420 : i32
      %add3A_710 = arith.constant 1 : i32
      %add3A_711 = arith.addi %mul3A_709, %add3A_710 : i32
      %get3A_712 = arith.index_cast %add3A_711 : i32 to index
      %get3A_713 = arith.constant 128 : index
      %get3A_714 = tpu.vector_load %arg9[%get3A_712, %get3A_713] {strides = array<i32>} : memref<64x256xf32, #tpu.memory_space<vmem>>, vector<1x16xf32>,
      %get3A_715 = vector.shape_cast %get3A_714 : vector<1x16xf32> to vector<16xf32>
      %add3A_716 = arith.addf %add3A_540, %get3A_715 : vector<16xf32>
      %mul3A_717 = arith.mulf %get3A_715, %get3A_715 : vector<16xf32>
      %add3A_718 = arith.addf %add3A_630, %mul3A_717 : vector<16xf32>
      %mul3A_719 = arith.constant 2 : i32
      %mul3A_720 = arith.muli %mul3A_719, %scan3A_420 : i32
      %add3A_721 = arith.constant 1 : i32
      %add3A_722 = arith.addi %mul3A_720, %add3A_721 : i32
      %get3A_723 = arith.index_cast %add3A_722 : i32 to index
      %get3A_724 = arith.constant 144 : index
      %get3A_725 = tpu.vector_load %arg9[%get3A_723, %get3A_724] {strides = array<i32>} : memref<64x256xf32, #tpu.memory_space<vmem>>, vector<1x16xf32>,
      %get3A_726 = vector.shape_cast %get3A_725 : vector<1x16xf32> to vector<16xf32>
      %add3A_727 = arith.addf %add3A_551, %get3A_726 : vector<16xf32>
      %mul3A_728 = arith.mulf %get3A_726, %get3A_726 : vector<16xf32>
      %add3A_729 = arith.addf %add3A_641, %mul3A_728 : vector<16xf32>
      %mul3A_730 = arith.constant 2 : i32
      %mul3A_731 = arith.muli %mul3A_730, %scan3A_420 : i32
      %add3A_732 = arith.constant 1 : i32
      %add3A_733 = arith.addi %mul3A_731, %add3A_732 : i32
      %get3A_734 = arith.index_cast %add3A_733 : i32 to index
      %get3A_735 = arith.constant 160 : index
      %get3A_736 = tpu.vector_load %arg9[%get3A_734, %get3A_735] {strides = array<i32>} : memref<64x256xf32, #tpu.memory_space<vmem>>, vector<1x16xf32>,
      %get3A_737 = vector.shape_cast %get3A_736 : vector<1x16xf32> to vector<16xf32>
      %add3A_738 = arith.addf %add3A_562, %get3A_737 : vector<16xf32>
      %mul3A_739 = arith.mulf %get3A_737, %get3A_737 : vector<16xf32>
      %add3A_740 = arith.addf %add3A_652, %mul3A_739 : vector<16xf32>
      %mul3A_741 = arith.constant 2 : i32
      %mul3A_742 = arith.muli %mul3A_741, %scan3A_420 : i32
      %add3A_743 = arith.constant 1 : i32
      %add3A_744 = arith.addi %mul3A_742, %add3A_743 : i32
      %get3A_745 = arith.index_cast %add3A_744 : i32 to index
      %get3A_746 = arith.constant 176 : index
      %get3A_747 = tpu.vector_load %arg9[%get3A_745, %get3A_746] {strides = array<i32>} : memref<64x256xf32, #tpu.memory_space<vmem>>, vector<1x16xf32>,
      %get3A_748 = vector.shape_cast %get3A_747 : vector<1x16xf32> to vector<16xf32>
      %add3A_749 = arith.addf %add3A_573, %get3A_748 : vector<16xf32>
      %mul3A_750 = arith.mulf %get3A_748, %get3A_748 : vector<16xf32>
      %add3A_751 = arith.addf %add3A_663, %mul3A_750 : vector<16xf32>
      %mul3A_752 = arith.constant 2 : i32
      %mul3A_753 = arith.muli %mul3A_752, %scan3A_420 : i32
      %add3A_754 = arith.constant 1 : i32
      %add3A_755 = arith.addi %mul3A_753, %add3A_754 : i32
      %get3A_756 = arith.index_cast %add3A_755 : i32 to index
      %get3A_757 = arith.constant 192 : index
      %get3A_758 = tpu.vector_load %arg9[%get3A_756, %get3A_757] {strides = array<i32>} : memref<64x256xf32, #tpu.memory_space<vmem>>, vector<1x16xf32>,
      %get3A_759 = vector.shape_cast %get3A_758 : vector<1x16xf32> to vector<16xf32>
      %add3A_760 = arith.addf %add3A_584, %get3A_759 : vector<16xf32>
      %mul3A_761 = arith.mulf %get3A_759, %get3A_759 : vector<16xf32>
      %add3A_762 = arith.addf %add3A_674, %mul3A_761 : vector<16xf32>
      %mul3A_763 = arith.constant 2 : i32
      %mul3A_764 = arith.muli %mul3A_763, %scan3A_420 : i32
      %add3A_765 = arith.constant 1 : i32
      %add3A_766 = arith.addi %mul3A_764, %add3A_765 : i32
      %get3A_767 = arith.index_cast %add3A_766 : i32 to index
      %get3A_768 = arith.constant 208 : index
      %get3A_769 = tpu.vector_load %arg9[%get3A_767, %get3A_768] {strides = array<i32>} : memref<64x256xf32, #tpu.memory_space<vmem>>, vector<1x16xf32>,
      %get3A_770 = vector.shape_cast %get3A_769 : vector<1x16xf32> to vector<16xf32>
      %add3A_771 = arith.addf %add3A_595, %get3A_770 : vector<16xf32>
      %mul3A_772 = arith.mulf %get3A_770, %get3A_770 : vector<16xf32>
      %add3A_773 = arith.addf %add3A_685, %mul3A_772 : vector<16xf32>
      %mul3A_774 = arith.constant 2 : i32
      %mul3A_775 = arith.muli %mul3A_774, %scan3A_420 : i32
      %add3A_776 = arith.constant 1 : i32
      %add3A_777 = arith.addi %mul3A_775, %add3A_776 : i32
      %get3A_778 = arith.index_cast %add3A_777 : i32 to index
      %get3A_779 = arith.constant 224 : index
      %get3A_780 = tpu.vector_load %arg9[%get3A_778, %get3A_779] {strides = array<i32>} : memref<64x256xf32, #tpu.memory_space<vmem>>, vector<1x16xf32>,
      %get3A_781 = vector.shape_cast %get3A_780 : vector<1x16xf32> to vector<16xf32>
      %add3A_782 = arith.addf %add3A_606, %get3A_781 : vector<16xf32>
      %mul3A_783 = arith.mulf %get3A_781, %get3A_781 : vector<16xf32>
      %add3A_784 = arith.addf %add3A_696, %mul3A_783 : vector<16xf32>
      %mul3A_785 = arith.constant 2 : i32
      %mul3A_786 = arith.muli %mul3A_785, %scan3A_420 : i32
      %add3A_787 = arith.constant 1 : i32
      %add3A_788 = arith.addi %mul3A_786, %add3A_787 : i32
      %get3A_789 = arith.index_cast %add3A_788 : i32 to index
      %get3A_790 = arith.constant 240 : index
      %get3A_791 = tpu.vector_load %arg9[%get3A_789, %get3A_790] {strides = array<i32>} : memref<64x256xf32, #tpu.memory_space<vmem>>, vector<1x16xf32>,
      %get3A_792 = vector.shape_cast %get3A_791 : vector<1x16xf32> to vector<16xf32>
      %add3A_793 = arith.addf %add3A_617, %get3A_792 : vector<16xf32>
      %mul3A_794 = arith.mulf %get3A_792, %get3A_792 : vector<16xf32>
      %add3A_795 = arith.addf %add3A_707, %mul3A_794 : vector<16xf32>
      scf.yield %add3A_628, %add3A_639, %add3A_650, %add3A_661, %add3A_672, %add3A_683, %add3A_694, %add3A_705, %add3A_716, %add3A_727, %add3A_738, %add3A_749, %add3A_760, %add3A_771, %add3A_782, %add3A_793, %add3A_762, %add3A_773, %add3A_784, %add3A_795, %add3A_718, %add3A_729, %add3A_740, %add3A_751 : vector<16xf32>, vector<16xf32>, vector<16xf32>, vector<16xf32>, vector<16xf32>, vector<16xf32>, vector<16xf32>, vector<16xf32>, vector<16xf32>, vector<16xf32>, vector<16xf32>, vector<16xf32>, vector<16xf32>, vector<16xf32>, vector<16xf32>, vector<16xf32>, vector<16xf32>, vector<16xf32>, vector<16xf32>, vector<16xf32>, vector<16xf32>, vector<16xf32>, vector<16xf32>, vector<16xf32>
    }
    %scan3A_169 = arith.constant 32 : i32
    %dma_start3A_170 = arith.constant 7 : i32
    %dma_start3A_171 = arith.constant 0 : i32
    %dma_start3A_172 = tpu.memref_slice %arg7[%dma_start3A_170, %dma_start3A_171] : memref<8x64xi32, #tpu.memory_space<vmem>> -> memref<1x64xi32, #tpu.memory_space<vmem>>
    %dma_start3A_173 = tpu.memref_squeeze %dma_start3A_172 : memref<1x64xi32, #tpu.memory_space<vmem>> -> memref<64xi32, #tpu.memory_space<vmem>>
    %dma_start3A_174 = arith.constant 0 : i32
    %dma_start3A_175 = arith.constant 0 : i32
    %dma_start3A_176 = tpu.memref_slice %arg2[%dma_start3A_174, %dma_start3A_175] : memref<50000x256xf32, #tpu.memory_space<hbm>> -> memref<50000x256xf32, #tpu.memory_space<hbm>>
    tpu.enqueue_indirect_dma source(%dma_start3A_176 : memref<50000x256xf32, #tpu.memory_space<hbm>>) target(%arg9 : memref<64x256xf32, #tpu.memory_space<vmem>>) offsets(%dma_start3A_173 : memref<64xi32, #tpu.memory_space<vmem>>) semaphore(%arg13 : memref<!tpu.dma_semaphore, #tpu.memory_space<semaphore_mem>>)
    %dma_wait3A_177 = arith.constant 6 : i32
    %dma_wait3A_178 = arith.constant 0 : i32
    %dma_wait3A_179 = tpu.memref_slice %arg7[%dma_wait3A_177, %dma_wait3A_178] : memref<8x64xi32, #tpu.memory_space<vmem>> -> memref<1x64xi32, #tpu.memory_space<vmem>>
    %dma_wait3A_180 = tpu.memref_squeeze %dma_wait3A_179 : memref<1x64xi32, #tpu.memory_space<vmem>> -> memref<64xi32, #tpu.memory_space<vmem>>
    %dma_wait3A_181 = arith.constant 0 : i32
    %dma_wait3A_182 = arith.constant 0 : i32
    %dma_wait3A_183 = tpu.memref_slice %arg2[%dma_wait3A_181, %dma_wait3A_182] : memref<50000x256xf32, #tpu.memory_space<hbm>> -> memref<50000x256xf32, #tpu.memory_space<hbm>>
    tpu.wait_indirect_dma semaphore(%arg12 : memref<!tpu.dma_semaphore, #tpu.memory_space<semaphore_mem>>) src(%dma_wait3A_183 : memref<50000x256xf32, #tpu.memory_space<hbm>>) dst(%arg8 : memref<64x256xf32, #tpu.memory_space<vmem>>)
    %scan3A_184 = arith.constant 0 : i32
    %scan3A_185 = arith.constant 32 : i32
    %scan3A_186 = arith.addi %scan3A_184, %scan3A_185 : i32
    %scan3A_187 = arith.constant 1 : i32
    %scan3A_188:24 = scf.for %scan3A_420 = %scan3A_184 to %scan3A_186 step %scan3A_187 iter_args(%scan3A_421 = %scan3A_168#0, %scan3A_422 = %scan3A_168#1, %scan3A_423 = %scan3A_168#2, %scan3A_424 = %scan3A_168#3, %scan3A_425 = %scan3A_168#4, %scan3A_426 = %scan3A_168#5, %scan3A_427 = %scan3A_168#6, %scan3A_428 = %scan3A_168#7, %scan3A_429 = %scan3A_168#8, %scan3A_430 = %scan3A_168#9, %scan3A_431 = %scan3A_168#10, %scan3A_432 = %scan3A_168#11, %scan3A_433 = %scan3A_168#12, %scan3A_434 = %scan3A_168#13, %scan3A_435 = %scan3A_168#14, %scan3A_436 = %scan3A_168#15, %scan3A_437 = %scan3A_168#16, %scan3A_438 = %scan3A_168#17, %scan3A_439 = %scan3A_168#18, %scan3A_440 = %scan3A_168#19, %scan3A_441 = %scan3A_168#20, %scan3A_442 = %scan3A_168#21, %scan3A_443 = %scan3A_168#22, %scan3A_444 = %scan3A_168#23) -> (vector<16xf32>, vector<16xf32>, vector<16xf32>, vector<16xf32>, vector<16xf32>, vector<16xf32>, vector<16xf32>, vector<16xf32>, vector<16xf32>, vector<16xf32>, vector<16xf32>, vector<16xf32>, vector<16xf32>, vector<16xf32>, vector<16xf32>, vector<16xf32>, vector<16xf32>, vector<16xf32>, vector<16xf32>, vector<16xf32>, vector<16xf32>, vector<16xf32>, vector<16xf32>, vector<16xf32>)  : i32 {
      %mul3A_445 = arith.constant 2 : i32
      %mul3A_446 = arith.muli %mul3A_445, %scan3A_420 : i32
      %add3A_447 = arith.constant 0 : i32
      %add3A_448 = arith.addi %mul3A_446, %add3A_447 : i32
      %get3A = arith.index_cast %add3A_448 : i32 to index
      %get3A_449 = arith.constant 0 : index
      %get3A_450 = tpu.vector_load %arg8[%get3A, %get3A_449] {strides = array<i32>} : memref<64x256xf32, #tpu.memory_space<vmem>>, vector<1x16xf32>,
      %get3A_451 = vector.shape_cast %get3A_450 : vector<1x16xf32> to vector<16xf32>
      %add3A_452 = arith.addf %scan3A_421, %get3A_451 : vector<16xf32>
      %mul3A_453 = arith.mulf %get3A_451, %get3A_451 : vector<16xf32>
      %add3A_454 = arith.addf %scan3A_437, %mul3A_453 : vector<16xf32>
      %mul3A_455 = arith.constant 2 : i32
      %mul3A_456 = arith.muli %mul3A_455, %scan3A_420 : i32
      %add3A_457 = arith.constant 0 : i32
      %add3A_458 = arith.addi %mul3A_456, %add3A_457 : i32
      %get3A_459 = arith.index_cast %add3A_458 : i32 to index
      %get3A_460 = arith.constant 16 : index
      %get3A_461 = tpu.vector_load %arg8[%get3A_459, %get3A_460] {strides = array<i32>} : memref<64x256xf32, #tpu.memory_space<vmem>>, vector<1x16xf32>,
      %get3A_462 = vector.shape_cast %get3A_461 : vector<1x16xf32> to vector<16xf32>
      %add3A_463 = arith.addf %scan3A_422, %get3A_462 : vector<16xf32>
      %mul3A_464 = arith.mulf %get3A_462, %get3A_462 : vector<16xf32>
      %add3A_465 = arith.addf %scan3A_438, %mul3A_464 : vector<16xf32>
      %mul3A_466 = arith.constant 2 : i32
      %mul3A_467 = arith.muli %mul3A_466, %scan3A_420 : i32
      %add3A_468 = arith.constant 0 : i32
      %add3A_469 = arith.addi %mul3A_467, %add3A_468 : i32
      %get3A_470 = arith.index_cast %add3A_469 : i32 to index
      %get3A_471 = arith.constant 32 : index
      %get3A_472 = tpu.vector_load %arg8[%get3A_470, %get3A_471] {strides = array<i32>} : memref<64x256xf32, #tpu.memory_space<vmem>>, vector<1x16xf32>,
      %get3A_473 = vector.shape_cast %get3A_472 : vector<1x16xf32> to vector<16xf32>
      %add3A_474 = arith.addf %scan3A_423, %get3A_473 : vector<16xf32>
      %mul3A_475 = arith.mulf %get3A_473, %get3A_473 : vector<16xf32>
      %add3A_476 = arith.addf %scan3A_439, %mul3A_475 : vector<16xf32>
      %mul3A_477 = arith.constant 2 : i32
      %mul3A_478 = arith.muli %mul3A_477, %scan3A_420 : i32
      %add3A_479 = arith.constant 0 : i32
      %add3A_480 = arith.addi %mul3A_478, %add3A_479 : i32
      %get3A_481 = arith.index_cast %add3A_480 : i32 to index
      %get3A_482 = arith.constant 48 : index
      %get3A_483 = tpu.vector_load %arg8[%get3A_481, %get3A_482] {strides = array<i32>} : memref<64x256xf32, #tpu.memory_space<vmem>>, vector<1x16xf32>,
      %get3A_484 = vector.shape_cast %get3A_483 : vector<1x16xf32> to vector<16xf32>
      %add3A_485 = arith.addf %scan3A_424, %get3A_484 : vector<16xf32>
      %mul3A_486 = arith.mulf %get3A_484, %get3A_484 : vector<16xf32>
      %add3A_487 = arith.addf %scan3A_440, %mul3A_486 : vector<16xf32>
      %mul3A_488 = arith.constant 2 : i32
      %mul3A_489 = arith.muli %mul3A_488, %scan3A_420 : i32
      %add3A_490 = arith.constant 0 : i32
      %add3A_491 = arith.addi %mul3A_489, %add3A_490 : i32
      %get3A_492 = arith.index_cast %add3A_491 : i32 to index
      %get3A_493 = arith.constant 64 : index
      %get3A_494 = tpu.vector_load %arg8[%get3A_492, %get3A_493] {strides = array<i32>} : memref<64x256xf32, #tpu.memory_space<vmem>>, vector<1x16xf32>,
      %get3A_495 = vector.shape_cast %get3A_494 : vector<1x16xf32> to vector<16xf32>
      %add3A_496 = arith.addf %scan3A_425, %get3A_495 : vector<16xf32>
      %mul3A_497 = arith.mulf %get3A_495, %get3A_495 : vector<16xf32>
      %add3A_498 = arith.addf %scan3A_441, %mul3A_497 : vector<16xf32>
      %mul3A_499 = arith.constant 2 : i32
      %mul3A_500 = arith.muli %mul3A_499, %scan3A_420 : i32
      %add3A_501 = arith.constant 0 : i32
      %add3A_502 = arith.addi %mul3A_500, %add3A_501 : i32
      %get3A_503 = arith.index_cast %add3A_502 : i32 to index
      %get3A_504 = arith.constant 80 : index
      %get3A_505 = tpu.vector_load %arg8[%get3A_503, %get3A_504] {strides = array<i32>} : memref<64x256xf32, #tpu.memory_space<vmem>>, vector<1x16xf32>,
      %get3A_506 = vector.shape_cast %get3A_505 : vector<1x16xf32> to vector<16xf32>
      %add3A_507 = arith.addf %scan3A_426, %get3A_506 : vector<16xf32>
      %mul3A_508 = arith.mulf %get3A_506, %get3A_506 : vector<16xf32>
      %add3A_509 = arith.addf %scan3A_442, %mul3A_508 : vector<16xf32>
      %mul3A_510 = arith.constant 2 : i32
      %mul3A_511 = arith.muli %mul3A_510, %scan3A_420 : i32
      %add3A_512 = arith.constant 0 : i32
      %add3A_513 = arith.addi %mul3A_511, %add3A_512 : i32
      %get3A_514 = arith.index_cast %add3A_513 : i32 to index
      %get3A_515 = arith.constant 96 : index
      %get3A_516 = tpu.vector_load %arg8[%get3A_514, %get3A_515] {strides = array<i32>} : memref<64x256xf32, #tpu.memory_space<vmem>>, vector<1x16xf32>,
      %get3A_517 = vector.shape_cast %get3A_516 : vector<1x16xf32> to vector<16xf32>
      %add3A_518 = arith.addf %scan3A_427, %get3A_517 : vector<16xf32>
      %mul3A_519 = arith.mulf %get3A_517, %get3A_517 : vector<16xf32>
      %add3A_520 = arith.addf %scan3A_443, %mul3A_519 : vector<16xf32>
      %mul3A_521 = arith.constant 2 : i32
      %mul3A_522 = arith.muli %mul3A_521, %scan3A_420 : i32
      %add3A_523 = arith.constant 0 : i32
      %add3A_524 = arith.addi %mul3A_522, %add3A_523 : i32
      %get3A_525 = arith.index_cast %add3A_524 : i32 to index
      %get3A_526 = arith.constant 112 : index
      %get3A_527 = tpu.vector_load %arg8[%get3A_525, %get3A_526] {strides = array<i32>} : memref<64x256xf32, #tpu.memory_space<vmem>>, vector<1x16xf32>,
      %get3A_528 = vector.shape_cast %get3A_527 : vector<1x16xf32> to vector<16xf32>
      %add3A_529 = arith.addf %scan3A_428, %get3A_528 : vector<16xf32>
      %mul3A_530 = arith.mulf %get3A_528, %get3A_528 : vector<16xf32>
      %add3A_531 = arith.addf %scan3A_444, %mul3A_530 : vector<16xf32>
      %mul3A_532 = arith.constant 2 : i32
      %mul3A_533 = arith.muli %mul3A_532, %scan3A_420 : i32
      %add3A_534 = arith.constant 0 : i32
      %add3A_535 = arith.addi %mul3A_533, %add3A_534 : i32
      %get3A_536 = arith.index_cast %add3A_535 : i32 to index
      %get3A_537 = arith.constant 128 : index
      %get3A_538 = tpu.vector_load %arg8[%get3A_536, %get3A_537] {strides = array<i32>} : memref<64x256xf32, #tpu.memory_space<vmem>>, vector<1x16xf32>,
      %get3A_539 = vector.shape_cast %get3A_538 : vector<1x16xf32> to vector<16xf32>
      %add3A_540 = arith.addf %scan3A_429, %get3A_539 : vector<16xf32>
      %mul3A_541 = arith.mulf %get3A_539, %get3A_539 : vector<16xf32>
      %add3A_542 = arith.addf %add3A_454, %mul3A_541 : vector<16xf32>
      %mul3A_543 = arith.constant 2 : i32
      %mul3A_544 = arith.muli %mul3A_543, %scan3A_420 : i32
      %add3A_545 = arith.constant 0 : i32
      %add3A_546 = arith.addi %mul3A_544, %add3A_545 : i32
      %get3A_547 = arith.index_cast %add3A_546 : i32 to index
      %get3A_548 = arith.constant 144 : index
      %get3A_549 = tpu.vector_load %arg8[%get3A_547, %get3A_548] {strides = array<i32>} : memref<64x256xf32, #tpu.memory_space<vmem>>, vector<1x16xf32>,
      %get3A_550 = vector.shape_cast %get3A_549 : vector<1x16xf32> to vector<16xf32>
      %add3A_551 = arith.addf %scan3A_430, %get3A_550 : vector<16xf32>
      %mul3A_552 = arith.mulf %get3A_550, %get3A_550 : vector<16xf32>
      %add3A_553 = arith.addf %add3A_465, %mul3A_552 : vector<16xf32>
      %mul3A_554 = arith.constant 2 : i32
      %mul3A_555 = arith.muli %mul3A_554, %scan3A_420 : i32
      %add3A_556 = arith.constant 0 : i32
      %add3A_557 = arith.addi %mul3A_555, %add3A_556 : i32
      %get3A_558 = arith.index_cast %add3A_557 : i32 to index
      %get3A_559 = arith.constant 160 : index
      %get3A_560 = tpu.vector_load %arg8[%get3A_558, %get3A_559] {strides = array<i32>} : memref<64x256xf32, #tpu.memory_space<vmem>>, vector<1x16xf32>,
      %get3A_561 = vector.shape_cast %get3A_560 : vector<1x16xf32> to vector<16xf32>
      %add3A_562 = arith.addf %scan3A_431, %get3A_561 : vector<16xf32>
      %mul3A_563 = arith.mulf %get3A_561, %get3A_561 : vector<16xf32>
      %add3A_564 = arith.addf %add3A_476, %mul3A_563 : vector<16xf32>
      %mul3A_565 = arith.constant 2 : i32
      %mul3A_566 = arith.muli %mul3A_565, %scan3A_420 : i32
      %add3A_567 = arith.constant 0 : i32
      %add3A_568 = arith.addi %mul3A_566, %add3A_567 : i32
      %get3A_569 = arith.index_cast %add3A_568 : i32 to index
      %get3A_570 = arith.constant 176 : index
      %get3A_571 = tpu.vector_load %arg8[%get3A_569, %get3A_570] {strides = array<i32>} : memref<64x256xf32, #tpu.memory_space<vmem>>, vector<1x16xf32>,
      %get3A_572 = vector.shape_cast %get3A_571 : vector<1x16xf32> to vector<16xf32>
      %add3A_573 = arith.addf %scan3A_432, %get3A_572 : vector<16xf32>
      %mul3A_574 = arith.mulf %get3A_572, %get3A_572 : vector<16xf32>
      %add3A_575 = arith.addf %add3A_487, %mul3A_574 : vector<16xf32>
      %mul3A_576 = arith.constant 2 : i32
      %mul3A_577 = arith.muli %mul3A_576, %scan3A_420 : i32
      %add3A_578 = arith.constant 0 : i32
      %add3A_579 = arith.addi %mul3A_577, %add3A_578 : i32
      %get3A_580 = arith.index_cast %add3A_579 : i32 to index
      %get3A_581 = arith.constant 192 : index
      %get3A_582 = tpu.vector_load %arg8[%get3A_580, %get3A_581] {strides = array<i32>} : memref<64x256xf32, #tpu.memory_space<vmem>>, vector<1x16xf32>,
      %get3A_583 = vector.shape_cast %get3A_582 : vector<1x16xf32> to vector<16xf32>
      %add3A_584 = arith.addf %scan3A_433, %get3A_583 : vector<16xf32>
      %mul3A_585 = arith.mulf %get3A_583, %get3A_583 : vector<16xf32>
      %add3A_586 = arith.addf %add3A_498, %mul3A_585 : vector<16xf32>
      %mul3A_587 = arith.constant 2 : i32
      %mul3A_588 = arith.muli %mul3A_587, %scan3A_420 : i32
      %add3A_589 = arith.constant 0 : i32
      %add3A_590 = arith.addi %mul3A_588, %add3A_589 : i32
      %get3A_591 = arith.index_cast %add3A_590 : i32 to index
      %get3A_592 = arith.constant 208 : index
      %get3A_593 = tpu.vector_load %arg8[%get3A_591, %get3A_592] {strides = array<i32>} : memref<64x256xf32, #tpu.memory_space<vmem>>, vector<1x16xf32>,
      %get3A_594 = vector.shape_cast %get3A_593 : vector<1x16xf32> to vector<16xf32>
      %add3A_595 = arith.addf %scan3A_434, %get3A_594 : vector<16xf32>
      %mul3A_596 = arith.mulf %get3A_594, %get3A_594 : vector<16xf32>
      %add3A_597 = arith.addf %add3A_509, %mul3A_596 : vector<16xf32>
      %mul3A_598 = arith.constant 2 : i32
      %mul3A_599 = arith.muli %mul3A_598, %scan3A_420 : i32
      %add3A_600 = arith.constant 0 : i32
      %add3A_601 = arith.addi %mul3A_599, %add3A_600 : i32
      %get3A_602 = arith.index_cast %add3A_601 : i32 to index
      %get3A_603 = arith.constant 224 : index
      %get3A_604 = tpu.vector_load %arg8[%get3A_602, %get3A_603] {strides = array<i32>} : memref<64x256xf32, #tpu.memory_space<vmem>>, vector<1x16xf32>,
      %get3A_605 = vector.shape_cast %get3A_604 : vector<1x16xf32> to vector<16xf32>
      %add3A_606 = arith.addf %scan3A_435, %get3A_605 : vector<16xf32>
      %mul3A_607 = arith.mulf %get3A_605, %get3A_605 : vector<16xf32>
      %add3A_608 = arith.addf %add3A_520, %mul3A_607 : vector<16xf32>
      %mul3A_609 = arith.constant 2 : i32
      %mul3A_610 = arith.muli %mul3A_609, %scan3A_420 : i32
      %add3A_611 = arith.constant 0 : i32
      %add3A_612 = arith.addi %mul3A_610, %add3A_611 : i32
      %get3A_613 = arith.index_cast %add3A_612 : i32 to index
      %get3A_614 = arith.constant 240 : index
      %get3A_615 = tpu.vector_load %arg8[%get3A_613, %get3A_614] {strides = array<i32>} : memref<64x256xf32, #tpu.memory_space<vmem>>, vector<1x16xf32>,
      %get3A_616 = vector.shape_cast %get3A_615 : vector<1x16xf32> to vector<16xf32>
      %add3A_617 = arith.addf %scan3A_436, %get3A_616 : vector<16xf32>
      %mul3A_618 = arith.mulf %get3A_616, %get3A_616 : vector<16xf32>
      %add3A_619 = arith.addf %add3A_531, %mul3A_618 : vector<16xf32>
      %mul3A_620 = arith.constant 2 : i32
      %mul3A_621 = arith.muli %mul3A_620, %scan3A_420 : i32
      %add3A_622 = arith.constant 1 : i32
      %add3A_623 = arith.addi %mul3A_621, %add3A_622 : i32
      %get3A_624 = arith.index_cast %add3A_623 : i32 to index
      %get3A_625 = arith.constant 0 : index
      %get3A_626 = tpu.vector_load %arg8[%get3A_624, %get3A_625] {strides = array<i32>} : memref<64x256xf32, #tpu.memory_space<vmem>>, vector<1x16xf32>,
      %get3A_627 = vector.shape_cast %get3A_626 : vector<1x16xf32> to vector<16xf32>
      %add3A_628 = arith.addf %add3A_452, %get3A_627 : vector<16xf32>
      %mul3A_629 = arith.mulf %get3A_627, %get3A_627 : vector<16xf32>
      %add3A_630 = arith.addf %add3A_586, %mul3A_629 : vector<16xf32>
      %mul3A_631 = arith.constant 2 : i32
      %mul3A_632 = arith.muli %mul3A_631, %scan3A_420 : i32
      %add3A_633 = arith.constant 1 : i32
      %add3A_634 = arith.addi %mul3A_632, %add3A_633 : i32
      %get3A_635 = arith.index_cast %add3A_634 : i32 to index
      %get3A_636 = arith.constant 16 : index
      %get3A_637 = tpu.vector_load %arg8[%get3A_635, %get3A_636] {strides = array<i32>} : memref<64x256xf32, #tpu.memory_space<vmem>>, vector<1x16xf32>,
      %get3A_638 = vector.shape_cast %get3A_637 : vector<1x16xf32> to vector<16xf32>
      %add3A_639 = arith.addf %add3A_463, %get3A_638 : vector<16xf32>
      %mul3A_640 = arith.mulf %get3A_638, %get3A_638 : vector<16xf32>
      %add3A_641 = arith.addf %add3A_597, %mul3A_640 : vector<16xf32>
      %mul3A_642 = arith.constant 2 : i32
      %mul3A_643 = arith.muli %mul3A_642, %scan3A_420 : i32
      %add3A_644 = arith.constant 1 : i32
      %add3A_645 = arith.addi %mul3A_643, %add3A_644 : i32
      %get3A_646 = arith.index_cast %add3A_645 : i32 to index
      %get3A_647 = arith.constant 32 : index
      %get3A_648 = tpu.vector_load %arg8[%get3A_646, %get3A_647] {strides = array<i32>} : memref<64x256xf32, #tpu.memory_space<vmem>>, vector<1x16xf32>,
      %get3A_649 = vector.shape_cast %get3A_648 : vector<1x16xf32> to vector<16xf32>
      %add3A_650 = arith.addf %add3A_474, %get3A_649 : vector<16xf32>
      %mul3A_651 = arith.mulf %get3A_649, %get3A_649 : vector<16xf32>
      %add3A_652 = arith.addf %add3A_608, %mul3A_651 : vector<16xf32>
      %mul3A_653 = arith.constant 2 : i32
      %mul3A_654 = arith.muli %mul3A_653, %scan3A_420 : i32
      %add3A_655 = arith.constant 1 : i32
      %add3A_656 = arith.addi %mul3A_654, %add3A_655 : i32
      %get3A_657 = arith.index_cast %add3A_656 : i32 to index
      %get3A_658 = arith.constant 48 : index
      %get3A_659 = tpu.vector_load %arg8[%get3A_657, %get3A_658] {strides = array<i32>} : memref<64x256xf32, #tpu.memory_space<vmem>>, vector<1x16xf32>,
      %get3A_660 = vector.shape_cast %get3A_659 : vector<1x16xf32> to vector<16xf32>
      %add3A_661 = arith.addf %add3A_485, %get3A_660 : vector<16xf32>
      %mul3A_662 = arith.mulf %get3A_660, %get3A_660 : vector<16xf32>
      %add3A_663 = arith.addf %add3A_619, %mul3A_662 : vector<16xf32>
      %mul3A_664 = arith.constant 2 : i32
      %mul3A_665 = arith.muli %mul3A_664, %scan3A_420 : i32
      %add3A_666 = arith.constant 1 : i32
      %add3A_667 = arith.addi %mul3A_665, %add3A_666 : i32
      %get3A_668 = arith.index_cast %add3A_667 : i32 to index
      %get3A_669 = arith.constant 64 : index
      %get3A_670 = tpu.vector_load %arg8[%get3A_668, %get3A_669] {strides = array<i32>} : memref<64x256xf32, #tpu.memory_space<vmem>>, vector<1x16xf32>,
      %get3A_671 = vector.shape_cast %get3A_670 : vector<1x16xf32> to vector<16xf32>
      %add3A_672 = arith.addf %add3A_496, %get3A_671 : vector<16xf32>
      %mul3A_673 = arith.mulf %get3A_671, %get3A_671 : vector<16xf32>
      %add3A_674 = arith.addf %add3A_542, %mul3A_673 : vector<16xf32>
      %mul3A_675 = arith.constant 2 : i32
      %mul3A_676 = arith.muli %mul3A_675, %scan3A_420 : i32
      %add3A_677 = arith.constant 1 : i32
      %add3A_678 = arith.addi %mul3A_676, %add3A_677 : i32
      %get3A_679 = arith.index_cast %add3A_678 : i32 to index
      %get3A_680 = arith.constant 80 : index
      %get3A_681 = tpu.vector_load %arg8[%get3A_679, %get3A_680] {strides = array<i32>} : memref<64x256xf32, #tpu.memory_space<vmem>>, vector<1x16xf32>,
      %get3A_682 = vector.shape_cast %get3A_681 : vector<1x16xf32> to vector<16xf32>
      %add3A_683 = arith.addf %add3A_507, %get3A_682 : vector<16xf32>
      %mul3A_684 = arith.mulf %get3A_682, %get3A_682 : vector<16xf32>
      %add3A_685 = arith.addf %add3A_553, %mul3A_684 : vector<16xf32>
      %mul3A_686 = arith.constant 2 : i32
      %mul3A_687 = arith.muli %mul3A_686, %scan3A_420 : i32
      %add3A_688 = arith.constant 1 : i32
      %add3A_689 = arith.addi %mul3A_687, %add3A_688 : i32
      %get3A_690 = arith.index_cast %add3A_689 : i32 to index
      %get3A_691 = arith.constant 96 : index
      %get3A_692 = tpu.vector_load %arg8[%get3A_690, %get3A_691] {strides = array<i32>} : memref<64x256xf32, #tpu.memory_space<vmem>>, vector<1x16xf32>,
      %get3A_693 = vector.shape_cast %get3A_692 : vector<1x16xf32> to vector<16xf32>
      %add3A_694 = arith.addf %add3A_518, %get3A_693 : vector<16xf32>
      %mul3A_695 = arith.mulf %get3A_693, %get3A_693 : vector<16xf32>
      %add3A_696 = arith.addf %add3A_564, %mul3A_695 : vector<16xf32>
      %mul3A_697 = arith.constant 2 : i32
      %mul3A_698 = arith.muli %mul3A_697, %scan3A_420 : i32
      %add3A_699 = arith.constant 1 : i32
      %add3A_700 = arith.addi %mul3A_698, %add3A_699 : i32
      %get3A_701 = arith.index_cast %add3A_700 : i32 to index
      %get3A_702 = arith.constant 112 : index
      %get3A_703 = tpu.vector_load %arg8[%get3A_701, %get3A_702] {strides = array<i32>} : memref<64x256xf32, #tpu.memory_space<vmem>>, vector<1x16xf32>,
      %get3A_704 = vector.shape_cast %get3A_703 : vector<1x16xf32> to vector<16xf32>
      %add3A_705 = arith.addf %add3A_529, %get3A_704 : vector<16xf32>
      %mul3A_706 = arith.mulf %get3A_704, %get3A_704 : vector<16xf32>
      %add3A_707 = arith.addf %add3A_575, %mul3A_706 : vector<16xf32>
      %mul3A_708 = arith.constant 2 : i32
      %mul3A_709 = arith.muli %mul3A_708, %scan3A_420 : i32
      %add3A_710 = arith.constant 1 : i32
      %add3A_711 = arith.addi %mul3A_709, %add3A_710 : i32
      %get3A_712 = arith.index_cast %add3A_711 : i32 to index
      %get3A_713 = arith.constant 128 : index
      %get3A_714 = tpu.vector_load %arg8[%get3A_712, %get3A_713] {strides = array<i32>} : memref<64x256xf32, #tpu.memory_space<vmem>>, vector<1x16xf32>,
      %get3A_715 = vector.shape_cast %get3A_714 : vector<1x16xf32> to vector<16xf32>
      %add3A_716 = arith.addf %add3A_540, %get3A_715 : vector<16xf32>
      %mul3A_717 = arith.mulf %get3A_715, %get3A_715 : vector<16xf32>
      %add3A_718 = arith.addf %add3A_630, %mul3A_717 : vector<16xf32>
      %mul3A_719 = arith.constant 2 : i32
      %mul3A_720 = arith.muli %mul3A_719, %scan3A_420 : i32
      %add3A_721 = arith.constant 1 : i32
      %add3A_722 = arith.addi %mul3A_720, %add3A_721 : i32
      %get3A_723 = arith.index_cast %add3A_722 : i32 to index
      %get3A_724 = arith.constant 144 : index
      %get3A_725 = tpu.vector_load %arg8[%get3A_723, %get3A_724] {strides = array<i32>} : memref<64x256xf32, #tpu.memory_space<vmem>>, vector<1x16xf32>,
      %get3A_726 = vector.shape_cast %get3A_725 : vector<1x16xf32> to vector<16xf32>
      %add3A_727 = arith.addf %add3A_551, %get3A_726 : vector<16xf32>
      %mul3A_728 = arith.mulf %get3A_726, %get3A_726 : vector<16xf32>
      %add3A_729 = arith.addf %add3A_641, %mul3A_728 : vector<16xf32>
      %mul3A_730 = arith.constant 2 : i32
      %mul3A_731 = arith.muli %mul3A_730, %scan3A_420 : i32
      %add3A_732 = arith.constant 1 : i32
      %add3A_733 = arith.addi %mul3A_731, %add3A_732 : i32
      %get3A_734 = arith.index_cast %add3A_733 : i32 to index
      %get3A_735 = arith.constant 160 : index
      %get3A_736 = tpu.vector_load %arg8[%get3A_734, %get3A_735] {strides = array<i32>} : memref<64x256xf32, #tpu.memory_space<vmem>>, vector<1x16xf32>,
      %get3A_737 = vector.shape_cast %get3A_736 : vector<1x16xf32> to vector<16xf32>
      %add3A_738 = arith.addf %add3A_562, %get3A_737 : vector<16xf32>
      %mul3A_739 = arith.mulf %get3A_737, %get3A_737 : vector<16xf32>
      %add3A_740 = arith.addf %add3A_652, %mul3A_739 : vector<16xf32>
      %mul3A_741 = arith.constant 2 : i32
      %mul3A_742 = arith.muli %mul3A_741, %scan3A_420 : i32
      %add3A_743 = arith.constant 1 : i32
      %add3A_744 = arith.addi %mul3A_742, %add3A_743 : i32
      %get3A_745 = arith.index_cast %add3A_744 : i32 to index
      %get3A_746 = arith.constant 176 : index
      %get3A_747 = tpu.vector_load %arg8[%get3A_745, %get3A_746] {strides = array<i32>} : memref<64x256xf32, #tpu.memory_space<vmem>>, vector<1x16xf32>,
      %get3A_748 = vector.shape_cast %get3A_747 : vector<1x16xf32> to vector<16xf32>
      %add3A_749 = arith.addf %add3A_573, %get3A_748 : vector<16xf32>
      %mul3A_750 = arith.mulf %get3A_748, %get3A_748 : vector<16xf32>
      %add3A_751 = arith.addf %add3A_663, %mul3A_750 : vector<16xf32>
      %mul3A_752 = arith.constant 2 : i32
      %mul3A_753 = arith.muli %mul3A_752, %scan3A_420 : i32
      %add3A_754 = arith.constant 1 : i32
      %add3A_755 = arith.addi %mul3A_753, %add3A_754 : i32
      %get3A_756 = arith.index_cast %add3A_755 : i32 to index
      %get3A_757 = arith.constant 192 : index
      %get3A_758 = tpu.vector_load %arg8[%get3A_756, %get3A_757] {strides = array<i32>} : memref<64x256xf32, #tpu.memory_space<vmem>>, vector<1x16xf32>,
      %get3A_759 = vector.shape_cast %get3A_758 : vector<1x16xf32> to vector<16xf32>
      %add3A_760 = arith.addf %add3A_584, %get3A_759 : vector<16xf32>
      %mul3A_761 = arith.mulf %get3A_759, %get3A_759 : vector<16xf32>
      %add3A_762 = arith.addf %add3A_674, %mul3A_761 : vector<16xf32>
      %mul3A_763 = arith.constant 2 : i32
      %mul3A_764 = arith.muli %mul3A_763, %scan3A_420 : i32
      %add3A_765 = arith.constant 1 : i32
      %add3A_766 = arith.addi %mul3A_764, %add3A_765 : i32
      %get3A_767 = arith.index_cast %add3A_766 : i32 to index
      %get3A_768 = arith.constant 208 : index
      %get3A_769 = tpu.vector_load %arg8[%get3A_767, %get3A_768] {strides = array<i32>} : memref<64x256xf32, #tpu.memory_space<vmem>>, vector<1x16xf32>,
      %get3A_770 = vector.shape_cast %get3A_769 : vector<1x16xf32> to vector<16xf32>
      %add3A_771 = arith.addf %add3A_595, %get3A_770 : vector<16xf32>
      %mul3A_772 = arith.mulf %get3A_770, %get3A_770 : vector<16xf32>
      %add3A_773 = arith.addf %add3A_685, %mul3A_772 : vector<16xf32>
      %mul3A_774 = arith.constant 2 : i32
      %mul3A_775 = arith.muli %mul3A_774, %scan3A_420 : i32
      %add3A_776 = arith.constant 1 : i32
      %add3A_777 = arith.addi %mul3A_775, %add3A_776 : i32
      %get3A_778 = arith.index_cast %add3A_777 : i32 to index
      %get3A_779 = arith.constant 224 : index
      %get3A_780 = tpu.vector_load %arg8[%get3A_778, %get3A_779] {strides = array<i32>} : memref<64x256xf32, #tpu.memory_space<vmem>>, vector<1x16xf32>,
      %get3A_781 = vector.shape_cast %get3A_780 : vector<1x16xf32> to vector<16xf32>
      %add3A_782 = arith.addf %add3A_606, %get3A_781 : vector<16xf32>
      %mul3A_783 = arith.mulf %get3A_781, %get3A_781 : vector<16xf32>
      %add3A_784 = arith.addf %add3A_696, %mul3A_783 : vector<16xf32>
      %mul3A_785 = arith.constant 2 : i32
      %mul3A_786 = arith.muli %mul3A_785, %scan3A_420 : i32
      %add3A_787 = arith.constant 1 : i32
      %add3A_788 = arith.addi %mul3A_786, %add3A_787 : i32
      %get3A_789 = arith.index_cast %add3A_788 : i32 to index
      %get3A_790 = arith.constant 240 : index
      %get3A_791 = tpu.vector_load %arg8[%get3A_789, %get3A_790] {strides = array<i32>} : memref<64x256xf32, #tpu.memory_space<vmem>>, vector<1x16xf32>,
      %get3A_792 = vector.shape_cast %get3A_791 : vector<1x16xf32> to vector<16xf32>
      %add3A_793 = arith.addf %add3A_617, %get3A_792 : vector<16xf32>
      %mul3A_794 = arith.mulf %get3A_792, %get3A_792 : vector<16xf32>
      %add3A_795 = arith.addf %add3A_707, %mul3A_794 : vector<16xf32>
      scf.yield %add3A_628, %add3A_639, %add3A_650, %add3A_661, %add3A_672, %add3A_683, %add3A_694, %add3A_705, %add3A_716, %add3A_727, %add3A_738, %add3A_749, %add3A_760, %add3A_771, %add3A_782, %add3A_793, %add3A_762, %add3A_773, %add3A_784, %add3A_795, %add3A_718, %add3A_729, %add3A_740, %add3A_751 : vector<16xf32>, vector<16xf32>, vector<16xf32>, vector<16xf32>, vector<16xf32>, vector<16xf32>, vector<16xf32>, vector<16xf32>, vector<16xf32>, vector<16xf32>, vector<16xf32>, vector<16xf32>, vector<16xf32>, vector<16xf32>, vector<16xf32>, vector<16xf32>, vector<16xf32>, vector<16xf32>, vector<16xf32>, vector<16xf32>, vector<16xf32>, vector<16xf32>, vector<16xf32>, vector<16xf32>
    }
    %scan3A_189 = arith.constant 32 : i32
    %dma_wait3A_190 = arith.constant 7 : i32
    %dma_wait3A_191 = arith.constant 0 : i32
    %dma_wait3A_192 = tpu.memref_slice %arg7[%dma_wait3A_190, %dma_wait3A_191] : memref<8x64xi32, #tpu.memory_space<vmem>> -> memref<1x64xi32, #tpu.memory_space<vmem>>
    %dma_wait3A_193 = tpu.memref_squeeze %dma_wait3A_192 : memref<1x64xi32, #tpu.memory_space<vmem>> -> memref<64xi32, #tpu.memory_space<vmem>>
    %dma_wait3A_194 = arith.constant 0 : i32
    %dma_wait3A_195 = arith.constant 0 : i32
    %dma_wait3A_196 = tpu.memref_slice %arg2[%dma_wait3A_194, %dma_wait3A_195] : memref<50000x256xf32, #tpu.memory_space<hbm>> -> memref<50000x256xf32, #tpu.memory_space<hbm>>
    tpu.wait_indirect_dma semaphore(%arg13 : memref<!tpu.dma_semaphore, #tpu.memory_space<semaphore_mem>>) src(%dma_wait3A_196 : memref<50000x256xf32, #tpu.memory_space<hbm>>) dst(%arg9 : memref<64x256xf32, #tpu.memory_space<vmem>>)
    %scan3A_197 = arith.constant 0 : i32
    %scan3A_198 = arith.constant 32 : i32
    %scan3A_199 = arith.addi %scan3A_197, %scan3A_198 : i32
    %scan3A_200 = arith.constant 1 : i32
    %scan3A_201:24 = scf.for %scan3A_420 = %scan3A_197 to %scan3A_199 step %scan3A_200 iter_args(%scan3A_421 = %scan3A_188#0, %scan3A_422 = %scan3A_188#1, %scan3A_423 = %scan3A_188#2, %scan3A_424 = %scan3A_188#3, %scan3A_425 = %scan3A_188#4, %scan3A_426 = %scan3A_188#5, %scan3A_427 = %scan3A_188#6, %scan3A_428 = %scan3A_188#7, %scan3A_429 = %scan3A_188#8, %scan3A_430 = %scan3A_188#9, %scan3A_431 = %scan3A_188#10, %scan3A_432 = %scan3A_188#11, %scan3A_433 = %scan3A_188#12, %scan3A_434 = %scan3A_188#13, %scan3A_435 = %scan3A_188#14, %scan3A_436 = %scan3A_188#15, %scan3A_437 = %scan3A_188#16, %scan3A_438 = %scan3A_188#17, %scan3A_439 = %scan3A_188#18, %scan3A_440 = %scan3A_188#19, %scan3A_441 = %scan3A_188#20, %scan3A_442 = %scan3A_188#21, %scan3A_443 = %scan3A_188#22, %scan3A_444 = %scan3A_188#23) -> (vector<16xf32>, vector<16xf32>, vector<16xf32>, vector<16xf32>, vector<16xf32>, vector<16xf32>, vector<16xf32>, vector<16xf32>, vector<16xf32>, vector<16xf32>, vector<16xf32>, vector<16xf32>, vector<16xf32>, vector<16xf32>, vector<16xf32>, vector<16xf32>, vector<16xf32>, vector<16xf32>, vector<16xf32>, vector<16xf32>, vector<16xf32>, vector<16xf32>, vector<16xf32>, vector<16xf32>)  : i32 {
      %mul3A_445 = arith.constant 2 : i32
      %mul3A_446 = arith.muli %mul3A_445, %scan3A_420 : i32
      %add3A_447 = arith.constant 0 : i32
      %add3A_448 = arith.addi %mul3A_446, %add3A_447 : i32
      %get3A = arith.index_cast %add3A_448 : i32 to index
      %get3A_449 = arith.constant 0 : index
      %get3A_450 = tpu.vector_load %arg9[%get3A, %get3A_449] {strides = array<i32>} : memref<64x256xf32, #tpu.memory_space<vmem>>, vector<1x16xf32>,
      %get3A_451 = vector.shape_cast %get3A_450 : vector<1x16xf32> to vector<16xf32>
      %add3A_452 = arith.addf %scan3A_421, %get3A_451 : vector<16xf32>
      %mul3A_453 = arith.mulf %get3A_451, %get3A_451 : vector<16xf32>
      %add3A_454 = arith.addf %scan3A_437, %mul3A_453 : vector<16xf32>
      %mul3A_455 = arith.constant 2 : i32
      %mul3A_456 = arith.muli %mul3A_455, %scan3A_420 : i32
      %add3A_457 = arith.constant 0 : i32
      %add3A_458 = arith.addi %mul3A_456, %add3A_457 : i32
      %get3A_459 = arith.index_cast %add3A_458 : i32 to index
      %get3A_460 = arith.constant 16 : index
      %get3A_461 = tpu.vector_load %arg9[%get3A_459, %get3A_460] {strides = array<i32>} : memref<64x256xf32, #tpu.memory_space<vmem>>, vector<1x16xf32>,
      %get3A_462 = vector.shape_cast %get3A_461 : vector<1x16xf32> to vector<16xf32>
      %add3A_463 = arith.addf %scan3A_422, %get3A_462 : vector<16xf32>
      %mul3A_464 = arith.mulf %get3A_462, %get3A_462 : vector<16xf32>
      %add3A_465 = arith.addf %scan3A_438, %mul3A_464 : vector<16xf32>
      %mul3A_466 = arith.constant 2 : i32
      %mul3A_467 = arith.muli %mul3A_466, %scan3A_420 : i32
      %add3A_468 = arith.constant 0 : i32
      %add3A_469 = arith.addi %mul3A_467, %add3A_468 : i32
      %get3A_470 = arith.index_cast %add3A_469 : i32 to index
      %get3A_471 = arith.constant 32 : index
      %get3A_472 = tpu.vector_load %arg9[%get3A_470, %get3A_471] {strides = array<i32>} : memref<64x256xf32, #tpu.memory_space<vmem>>, vector<1x16xf32>,
      %get3A_473 = vector.shape_cast %get3A_472 : vector<1x16xf32> to vector<16xf32>
      %add3A_474 = arith.addf %scan3A_423, %get3A_473 : vector<16xf32>
      %mul3A_475 = arith.mulf %get3A_473, %get3A_473 : vector<16xf32>
      %add3A_476 = arith.addf %scan3A_439, %mul3A_475 : vector<16xf32>
      %mul3A_477 = arith.constant 2 : i32
      %mul3A_478 = arith.muli %mul3A_477, %scan3A_420 : i32
      %add3A_479 = arith.constant 0 : i32
      %add3A_480 = arith.addi %mul3A_478, %add3A_479 : i32
      %get3A_481 = arith.index_cast %add3A_480 : i32 to index
      %get3A_482 = arith.constant 48 : index
      %get3A_483 = tpu.vector_load %arg9[%get3A_481, %get3A_482] {strides = array<i32>} : memref<64x256xf32, #tpu.memory_space<vmem>>, vector<1x16xf32>,
      %get3A_484 = vector.shape_cast %get3A_483 : vector<1x16xf32> to vector<16xf32>
      %add3A_485 = arith.addf %scan3A_424, %get3A_484 : vector<16xf32>
      %mul3A_486 = arith.mulf %get3A_484, %get3A_484 : vector<16xf32>
      %add3A_487 = arith.addf %scan3A_440, %mul3A_486 : vector<16xf32>
      %mul3A_488 = arith.constant 2 : i32
      %mul3A_489 = arith.muli %mul3A_488, %scan3A_420 : i32
      %add3A_490 = arith.constant 0 : i32
      %add3A_491 = arith.addi %mul3A_489, %add3A_490 : i32
      %get3A_492 = arith.index_cast %add3A_491 : i32 to index
      %get3A_493 = arith.constant 64 : index
      %get3A_494 = tpu.vector_load %arg9[%get3A_492, %get3A_493] {strides = array<i32>} : memref<64x256xf32, #tpu.memory_space<vmem>>, vector<1x16xf32>,
      %get3A_495 = vector.shape_cast %get3A_494 : vector<1x16xf32> to vector<16xf32>
      %add3A_496 = arith.addf %scan3A_425, %get3A_495 : vector<16xf32>
      %mul3A_497 = arith.mulf %get3A_495, %get3A_495 : vector<16xf32>
      %add3A_498 = arith.addf %scan3A_441, %mul3A_497 : vector<16xf32>
      %mul3A_499 = arith.constant 2 : i32
      %mul3A_500 = arith.muli %mul3A_499, %scan3A_420 : i32
      %add3A_501 = arith.constant 0 : i32
      %add3A_502 = arith.addi %mul3A_500, %add3A_501 : i32
      %get3A_503 = arith.index_cast %add3A_502 : i32 to index
      %get3A_504 = arith.constant 80 : index
      %get3A_505 = tpu.vector_load %arg9[%get3A_503, %get3A_504] {strides = array<i32>} : memref<64x256xf32, #tpu.memory_space<vmem>>, vector<1x16xf32>,
      %get3A_506 = vector.shape_cast %get3A_505 : vector<1x16xf32> to vector<16xf32>
      %add3A_507 = arith.addf %scan3A_426, %get3A_506 : vector<16xf32>
      %mul3A_508 = arith.mulf %get3A_506, %get3A_506 : vector<16xf32>
      %add3A_509 = arith.addf %scan3A_442, %mul3A_508 : vector<16xf32>
      %mul3A_510 = arith.constant 2 : i32
      %mul3A_511 = arith.muli %mul3A_510, %scan3A_420 : i32
      %add3A_512 = arith.constant 0 : i32
      %add3A_513 = arith.addi %mul3A_511, %add3A_512 : i32
      %get3A_514 = arith.index_cast %add3A_513 : i32 to index
      %get3A_515 = arith.constant 96 : index
      %get3A_516 = tpu.vector_load %arg9[%get3A_514, %get3A_515] {strides = array<i32>} : memref<64x256xf32, #tpu.memory_space<vmem>>, vector<1x16xf32>,
      %get3A_517 = vector.shape_cast %get3A_516 : vector<1x16xf32> to vector<16xf32>
      %add3A_518 = arith.addf %scan3A_427, %get3A_517 : vector<16xf32>
      %mul3A_519 = arith.mulf %get3A_517, %get3A_517 : vector<16xf32>
      %add3A_520 = arith.addf %scan3A_443, %mul3A_519 : vector<16xf32>
      %mul3A_521 = arith.constant 2 : i32
      %mul3A_522 = arith.muli %mul3A_521, %scan3A_420 : i32
      %add3A_523 = arith.constant 0 : i32
      %add3A_524 = arith.addi %mul3A_522, %add3A_523 : i32
      %get3A_525 = arith.index_cast %add3A_524 : i32 to index
      %get3A_526 = arith.constant 112 : index
      %get3A_527 = tpu.vector_load %arg9[%get3A_525, %get3A_526] {strides = array<i32>} : memref<64x256xf32, #tpu.memory_space<vmem>>, vector<1x16xf32>,
      %get3A_528 = vector.shape_cast %get3A_527 : vector<1x16xf32> to vector<16xf32>
      %add3A_529 = arith.addf %scan3A_428, %get3A_528 : vector<16xf32>
      %mul3A_530 = arith.mulf %get3A_528, %get3A_528 : vector<16xf32>
      %add3A_531 = arith.addf %scan3A_444, %mul3A_530 : vector<16xf32>
      %mul3A_532 = arith.constant 2 : i32
      %mul3A_533 = arith.muli %mul3A_532, %scan3A_420 : i32
      %add3A_534 = arith.constant 0 : i32
      %add3A_535 = arith.addi %mul3A_533, %add3A_534 : i32
      %get3A_536 = arith.index_cast %add3A_535 : i32 to index
      %get3A_537 = arith.constant 128 : index
      %get3A_538 = tpu.vector_load %arg9[%get3A_536, %get3A_537] {strides = array<i32>} : memref<64x256xf32, #tpu.memory_space<vmem>>, vector<1x16xf32>,
      %get3A_539 = vector.shape_cast %get3A_538 : vector<1x16xf32> to vector<16xf32>
      %add3A_540 = arith.addf %scan3A_429, %get3A_539 : vector<16xf32>
      %mul3A_541 = arith.mulf %get3A_539, %get3A_539 : vector<16xf32>
      %add3A_542 = arith.addf %add3A_454, %mul3A_541 : vector<16xf32>
      %mul3A_543 = arith.constant 2 : i32
      %mul3A_544 = arith.muli %mul3A_543, %scan3A_420 : i32
      %add3A_545 = arith.constant 0 : i32
      %add3A_546 = arith.addi %mul3A_544, %add3A_545 : i32
      %get3A_547 = arith.index_cast %add3A_546 : i32 to index
      %get3A_548 = arith.constant 144 : index
      %get3A_549 = tpu.vector_load %arg9[%get3A_547, %get3A_548] {strides = array<i32>} : memref<64x256xf32, #tpu.memory_space<vmem>>, vector<1x16xf32>,
      %get3A_550 = vector.shape_cast %get3A_549 : vector<1x16xf32> to vector<16xf32>
      %add3A_551 = arith.addf %scan3A_430, %get3A_550 : vector<16xf32>
      %mul3A_552 = arith.mulf %get3A_550, %get3A_550 : vector<16xf32>
      %add3A_553 = arith.addf %add3A_465, %mul3A_552 : vector<16xf32>
      %mul3A_554 = arith.constant 2 : i32
      %mul3A_555 = arith.muli %mul3A_554, %scan3A_420 : i32
      %add3A_556 = arith.constant 0 : i32
      %add3A_557 = arith.addi %mul3A_555, %add3A_556 : i32
      %get3A_558 = arith.index_cast %add3A_557 : i32 to index
      %get3A_559 = arith.constant 160 : index
      %get3A_560 = tpu.vector_load %arg9[%get3A_558, %get3A_559] {strides = array<i32>} : memref<64x256xf32, #tpu.memory_space<vmem>>, vector<1x16xf32>,
      %get3A_561 = vector.shape_cast %get3A_560 : vector<1x16xf32> to vector<16xf32>
      %add3A_562 = arith.addf %scan3A_431, %get3A_561 : vector<16xf32>
      %mul3A_563 = arith.mulf %get3A_561, %get3A_561 : vector<16xf32>
      %add3A_564 = arith.addf %add3A_476, %mul3A_563 : vector<16xf32>
      %mul3A_565 = arith.constant 2 : i32
      %mul3A_566 = arith.muli %mul3A_565, %scan3A_420 : i32
      %add3A_567 = arith.constant 0 : i32
      %add3A_568 = arith.addi %mul3A_566, %add3A_567 : i32
      %get3A_569 = arith.index_cast %add3A_568 : i32 to index
      %get3A_570 = arith.constant 176 : index
      %get3A_571 = tpu.vector_load %arg9[%get3A_569, %get3A_570] {strides = array<i32>} : memref<64x256xf32, #tpu.memory_space<vmem>>, vector<1x16xf32>,
      %get3A_572 = vector.shape_cast %get3A_571 : vector<1x16xf32> to vector<16xf32>
      %add3A_573 = arith.addf %scan3A_432, %get3A_572 : vector<16xf32>
      %mul3A_574 = arith.mulf %get3A_572, %get3A_572 : vector<16xf32>
      %add3A_575 = arith.addf %add3A_487, %mul3A_574 : vector<16xf32>
      %mul3A_576 = arith.constant 2 : i32
      %mul3A_577 = arith.muli %mul3A_576, %scan3A_420 : i32
      %add3A_578 = arith.constant 0 : i32
      %add3A_579 = arith.addi %mul3A_577, %add3A_578 : i32
      %get3A_580 = arith.index_cast %add3A_579 : i32 to index
      %get3A_581 = arith.constant 192 : index
      %get3A_582 = tpu.vector_load %arg9[%get3A_580, %get3A_581] {strides = array<i32>} : memref<64x256xf32, #tpu.memory_space<vmem>>, vector<1x16xf32>,
      %get3A_583 = vector.shape_cast %get3A_582 : vector<1x16xf32> to vector<16xf32>
      %add3A_584 = arith.addf %scan3A_433, %get3A_583 : vector<16xf32>
      %mul3A_585 = arith.mulf %get3A_583, %get3A_583 : vector<16xf32>
      %add3A_586 = arith.addf %add3A_498, %mul3A_585 : vector<16xf32>
      %mul3A_587 = arith.constant 2 : i32
      %mul3A_588 = arith.muli %mul3A_587, %scan3A_420 : i32
      %add3A_589 = arith.constant 0 : i32
      %add3A_590 = arith.addi %mul3A_588, %add3A_589 : i32
      %get3A_591 = arith.index_cast %add3A_590 : i32 to index
      %get3A_592 = arith.constant 208 : index
      %get3A_593 = tpu.vector_load %arg9[%get3A_591, %get3A_592] {strides = array<i32>} : memref<64x256xf32, #tpu.memory_space<vmem>>, vector<1x16xf32>,
      %get3A_594 = vector.shape_cast %get3A_593 : vector<1x16xf32> to vector<16xf32>
      %add3A_595 = arith.addf %scan3A_434, %get3A_594 : vector<16xf32>
      %mul3A_596 = arith.mulf %get3A_594, %get3A_594 : vector<16xf32>
      %add3A_597 = arith.addf %add3A_509, %mul3A_596 : vector<16xf32>
      %mul3A_598 = arith.constant 2 : i32
      %mul3A_599 = arith.muli %mul3A_598, %scan3A_420 : i32
      %add3A_600 = arith.constant 0 : i32
      %add3A_601 = arith.addi %mul3A_599, %add3A_600 : i32
      %get3A_602 = arith.index_cast %add3A_601 : i32 to index
      %get3A_603 = arith.constant 224 : index
      %get3A_604 = tpu.vector_load %arg9[%get3A_602, %get3A_603] {strides = array<i32>} : memref<64x256xf32, #tpu.memory_space<vmem>>, vector<1x16xf32>,
      %get3A_605 = vector.shape_cast %get3A_604 : vector<1x16xf32> to vector<16xf32>
      %add3A_606 = arith.addf %scan3A_435, %get3A_605 : vector<16xf32>
      %mul3A_607 = arith.mulf %get3A_605, %get3A_605 : vector<16xf32>
      %add3A_608 = arith.addf %add3A_520, %mul3A_607 : vector<16xf32>
      %mul3A_609 = arith.constant 2 : i32
      %mul3A_610 = arith.muli %mul3A_609, %scan3A_420 : i32
      %add3A_611 = arith.constant 0 : i32
      %add3A_612 = arith.addi %mul3A_610, %add3A_611 : i32
      %get3A_613 = arith.index_cast %add3A_612 : i32 to index
      %get3A_614 = arith.constant 240 : index
      %get3A_615 = tpu.vector_load %arg9[%get3A_613, %get3A_614] {strides = array<i32>} : memref<64x256xf32, #tpu.memory_space<vmem>>, vector<1x16xf32>,
      %get3A_616 = vector.shape_cast %get3A_615 : vector<1x16xf32> to vector<16xf32>
      %add3A_617 = arith.addf %scan3A_436, %get3A_616 : vector<16xf32>
      %mul3A_618 = arith.mulf %get3A_616, %get3A_616 : vector<16xf32>
      %add3A_619 = arith.addf %add3A_531, %mul3A_618 : vector<16xf32>
      %mul3A_620 = arith.constant 2 : i32
      %mul3A_621 = arith.muli %mul3A_620, %scan3A_420 : i32
      %add3A_622 = arith.constant 1 : i32
      %add3A_623 = arith.addi %mul3A_621, %add3A_622 : i32
      %get3A_624 = arith.index_cast %add3A_623 : i32 to index
      %get3A_625 = arith.constant 0 : index
      %get3A_626 = tpu.vector_load %arg9[%get3A_624, %get3A_625] {strides = array<i32>} : memref<64x256xf32, #tpu.memory_space<vmem>>, vector<1x16xf32>,
      %get3A_627 = vector.shape_cast %get3A_626 : vector<1x16xf32> to vector<16xf32>
      %add3A_628 = arith.addf %add3A_452, %get3A_627 : vector<16xf32>
      %mul3A_629 = arith.mulf %get3A_627, %get3A_627 : vector<16xf32>
      %add3A_630 = arith.addf %add3A_586, %mul3A_629 : vector<16xf32>
      %mul3A_631 = arith.constant 2 : i32
      %mul3A_632 = arith.muli %mul3A_631, %scan3A_420 : i32
      %add3A_633 = arith.constant 1 : i32
      %add3A_634 = arith.addi %mul3A_632, %add3A_633 : i32
      %get3A_635 = arith.index_cast %add3A_634 : i32 to index
      %get3A_636 = arith.constant 16 : index
      %get3A_637 = tpu.vector_load %arg9[%get3A_635, %get3A_636] {strides = array<i32>} : memref<64x256xf32, #tpu.memory_space<vmem>>, vector<1x16xf32>,
      %get3A_638 = vector.shape_cast %get3A_637 : vector<1x16xf32> to vector<16xf32>
      %add3A_639 = arith.addf %add3A_463, %get3A_638 : vector<16xf32>
      %mul3A_640 = arith.mulf %get3A_638, %get3A_638 : vector<16xf32>
      %add3A_641 = arith.addf %add3A_597, %mul3A_640 : vector<16xf32>
      %mul3A_642 = arith.constant 2 : i32
      %mul3A_643 = arith.muli %mul3A_642, %scan3A_420 : i32
      %add3A_644 = arith.constant 1 : i32
      %add3A_645 = arith.addi %mul3A_643, %add3A_644 : i32
      %get3A_646 = arith.index_cast %add3A_645 : i32 to index
      %get3A_647 = arith.constant 32 : index
      %get3A_648 = tpu.vector_load %arg9[%get3A_646, %get3A_647] {strides = array<i32>} : memref<64x256xf32, #tpu.memory_space<vmem>>, vector<1x16xf32>,
      %get3A_649 = vector.shape_cast %get3A_648 : vector<1x16xf32> to vector<16xf32>
      %add3A_650 = arith.addf %add3A_474, %get3A_649 : vector<16xf32>
      %mul3A_651 = arith.mulf %get3A_649, %get3A_649 : vector<16xf32>
      %add3A_652 = arith.addf %add3A_608, %mul3A_651 : vector<16xf32>
      %mul3A_653 = arith.constant 2 : i32
      %mul3A_654 = arith.muli %mul3A_653, %scan3A_420 : i32
      %add3A_655 = arith.constant 1 : i32
      %add3A_656 = arith.addi %mul3A_654, %add3A_655 : i32
      %get3A_657 = arith.index_cast %add3A_656 : i32 to index
      %get3A_658 = arith.constant 48 : index
      %get3A_659 = tpu.vector_load %arg9[%get3A_657, %get3A_658] {strides = array<i32>} : memref<64x256xf32, #tpu.memory_space<vmem>>, vector<1x16xf32>,
      %get3A_660 = vector.shape_cast %get3A_659 : vector<1x16xf32> to vector<16xf32>
      %add3A_661 = arith.addf %add3A_485, %get3A_660 : vector<16xf32>
      %mul3A_662 = arith.mulf %get3A_660, %get3A_660 : vector<16xf32>
      %add3A_663 = arith.addf %add3A_619, %mul3A_662 : vector<16xf32>
      %mul3A_664 = arith.constant 2 : i32
      %mul3A_665 = arith.muli %mul3A_664, %scan3A_420 : i32
      %add3A_666 = arith.constant 1 : i32
      %add3A_667 = arith.addi %mul3A_665, %add3A_666 : i32
      %get3A_668 = arith.index_cast %add3A_667 : i32 to index
      %get3A_669 = arith.constant 64 : index
      %get3A_670 = tpu.vector_load %arg9[%get3A_668, %get3A_669] {strides = array<i32>} : memref<64x256xf32, #tpu.memory_space<vmem>>, vector<1x16xf32>,
      %get3A_671 = vector.shape_cast %get3A_670 : vector<1x16xf32> to vector<16xf32>
      %add3A_672 = arith.addf %add3A_496, %get3A_671 : vector<16xf32>
      %mul3A_673 = arith.mulf %get3A_671, %get3A_671 : vector<16xf32>
      %add3A_674 = arith.addf %add3A_542, %mul3A_673 : vector<16xf32>
      %mul3A_675 = arith.constant 2 : i32
      %mul3A_676 = arith.muli %mul3A_675, %scan3A_420 : i32
      %add3A_677 = arith.constant 1 : i32
      %add3A_678 = arith.addi %mul3A_676, %add3A_677 : i32
      %get3A_679 = arith.index_cast %add3A_678 : i32 to index
      %get3A_680 = arith.constant 80 : index
      %get3A_681 = tpu.vector_load %arg9[%get3A_679, %get3A_680] {strides = array<i32>} : memref<64x256xf32, #tpu.memory_space<vmem>>, vector<1x16xf32>,
      %get3A_682 = vector.shape_cast %get3A_681 : vector<1x16xf32> to vector<16xf32>
      %add3A_683 = arith.addf %add3A_507, %get3A_682 : vector<16xf32>
      %mul3A_684 = arith.mulf %get3A_682, %get3A_682 : vector<16xf32>
      %add3A_685 = arith.addf %add3A_553, %mul3A_684 : vector<16xf32>
      %mul3A_686 = arith.constant 2 : i32
      %mul3A_687 = arith.muli %mul3A_686, %scan3A_420 : i32
      %add3A_688 = arith.constant 1 : i32
      %add3A_689 = arith.addi %mul3A_687, %add3A_688 : i32
      %get3A_690 = arith.index_cast %add3A_689 : i32 to index
      %get3A_691 = arith.constant 96 : index
      %get3A_692 = tpu.vector_load %arg9[%get3A_690, %get3A_691] {strides = array<i32>} : memref<64x256xf32, #tpu.memory_space<vmem>>, vector<1x16xf32>,
      %get3A_693 = vector.shape_cast %get3A_692 : vector<1x16xf32> to vector<16xf32>
      %add3A_694 = arith.addf %add3A_518, %get3A_693 : vector<16xf32>
      %mul3A_695 = arith.mulf %get3A_693, %get3A_693 : vector<16xf32>
      %add3A_696 = arith.addf %add3A_564, %mul3A_695 : vector<16xf32>
      %mul3A_697 = arith.constant 2 : i32
      %mul3A_698 = arith.muli %mul3A_697, %scan3A_420 : i32
      %add3A_699 = arith.constant 1 : i32
      %add3A_700 = arith.addi %mul3A_698, %add3A_699 : i32
      %get3A_701 = arith.index_cast %add3A_700 : i32 to index
      %get3A_702 = arith.constant 112 : index
      %get3A_703 = tpu.vector_load %arg9[%get3A_701, %get3A_702] {strides = array<i32>} : memref<64x256xf32, #tpu.memory_space<vmem>>, vector<1x16xf32>,
      %get3A_704 = vector.shape_cast %get3A_703 : vector<1x16xf32> to vector<16xf32>
      %add3A_705 = arith.addf %add3A_529, %get3A_704 : vector<16xf32>
      %mul3A_706 = arith.mulf %get3A_704, %get3A_704 : vector<16xf32>
      %add3A_707 = arith.addf %add3A_575, %mul3A_706 : vector<16xf32>
      %mul3A_708 = arith.constant 2 : i32
      %mul3A_709 = arith.muli %mul3A_708, %scan3A_420 : i32
      %add3A_710 = arith.constant 1 : i32
      %add3A_711 = arith.addi %mul3A_709, %add3A_710 : i32
      %get3A_712 = arith.index_cast %add3A_711 : i32 to index
      %get3A_713 = arith.constant 128 : index
      %get3A_714 = tpu.vector_load %arg9[%get3A_712, %get3A_713] {strides = array<i32>} : memref<64x256xf32, #tpu.memory_space<vmem>>, vector<1x16xf32>,
      %get3A_715 = vector.shape_cast %get3A_714 : vector<1x16xf32> to vector<16xf32>
      %add3A_716 = arith.addf %add3A_540, %get3A_715 : vector<16xf32>
      %mul3A_717 = arith.mulf %get3A_715, %get3A_715 : vector<16xf32>
      %add3A_718 = arith.addf %add3A_630, %mul3A_717 : vector<16xf32>
      %mul3A_719 = arith.constant 2 : i32
      %mul3A_720 = arith.muli %mul3A_719, %scan3A_420 : i32
      %add3A_721 = arith.constant 1 : i32
      %add3A_722 = arith.addi %mul3A_720, %add3A_721 : i32
      %get3A_723 = arith.index_cast %add3A_722 : i32 to index
      %get3A_724 = arith.constant 144 : index
      %get3A_725 = tpu.vector_load %arg9[%get3A_723, %get3A_724] {strides = array<i32>} : memref<64x256xf32, #tpu.memory_space<vmem>>, vector<1x16xf32>,
      %get3A_726 = vector.shape_cast %get3A_725 : vector<1x16xf32> to vector<16xf32>
      %add3A_727 = arith.addf %add3A_551, %get3A_726 : vector<16xf32>
      %mul3A_728 = arith.mulf %get3A_726, %get3A_726 : vector<16xf32>
      %add3A_729 = arith.addf %add3A_641, %mul3A_728 : vector<16xf32>
      %mul3A_730 = arith.constant 2 : i32
      %mul3A_731 = arith.muli %mul3A_730, %scan3A_420 : i32
      %add3A_732 = arith.constant 1 : i32
      %add3A_733 = arith.addi %mul3A_731, %add3A_732 : i32
      %get3A_734 = arith.index_cast %add3A_733 : i32 to index
      %get3A_735 = arith.constant 160 : index
      %get3A_736 = tpu.vector_load %arg9[%get3A_734, %get3A_735] {strides = array<i32>} : memref<64x256xf32, #tpu.memory_space<vmem>>, vector<1x16xf32>,
      %get3A_737 = vector.shape_cast %get3A_736 : vector<1x16xf32> to vector<16xf32>
      %add3A_738 = arith.addf %add3A_562, %get3A_737 : vector<16xf32>
      %mul3A_739 = arith.mulf %get3A_737, %get3A_737 : vector<16xf32>
      %add3A_740 = arith.addf %add3A_652, %mul3A_739 : vector<16xf32>
      %mul3A_741 = arith.constant 2 : i32
      %mul3A_742 = arith.muli %mul3A_741, %scan3A_420 : i32
      %add3A_743 = arith.constant 1 : i32
      %add3A_744 = arith.addi %mul3A_742, %add3A_743 : i32
      %get3A_745 = arith.index_cast %add3A_744 : i32 to index
      %get3A_746 = arith.constant 176 : index
      %get3A_747 = tpu.vector_load %arg9[%get3A_745, %get3A_746] {strides = array<i32>} : memref<64x256xf32, #tpu.memory_space<vmem>>, vector<1x16xf32>,
      %get3A_748 = vector.shape_cast %get3A_747 : vector<1x16xf32> to vector<16xf32>
      %add3A_749 = arith.addf %add3A_573, %get3A_748 : vector<16xf32>
      %mul3A_750 = arith.mulf %get3A_748, %get3A_748 : vector<16xf32>
      %add3A_751 = arith.addf %add3A_663, %mul3A_750 : vector<16xf32>
      %mul3A_752 = arith.constant 2 : i32
      %mul3A_753 = arith.muli %mul3A_752, %scan3A_420 : i32
      %add3A_754 = arith.constant 1 : i32
      %add3A_755 = arith.addi %mul3A_753, %add3A_754 : i32
      %get3A_756 = arith.index_cast %add3A_755 : i32 to index
      %get3A_757 = arith.constant 192 : index
      %get3A_758 = tpu.vector_load %arg9[%get3A_756, %get3A_757] {strides = array<i32>} : memref<64x256xf32, #tpu.memory_space<vmem>>, vector<1x16xf32>,
      %get3A_759 = vector.shape_cast %get3A_758 : vector<1x16xf32> to vector<16xf32>
      %add3A_760 = arith.addf %add3A_584, %get3A_759 : vector<16xf32>
      %mul3A_761 = arith.mulf %get3A_759, %get3A_759 : vector<16xf32>
      %add3A_762 = arith.addf %add3A_674, %mul3A_761 : vector<16xf32>
      %mul3A_763 = arith.constant 2 : i32
      %mul3A_764 = arith.muli %mul3A_763, %scan3A_420 : i32
      %add3A_765 = arith.constant 1 : i32
      %add3A_766 = arith.addi %mul3A_764, %add3A_765 : i32
      %get3A_767 = arith.index_cast %add3A_766 : i32 to index
      %get3A_768 = arith.constant 208 : index
      %get3A_769 = tpu.vector_load %arg9[%get3A_767, %get3A_768] {strides = array<i32>} : memref<64x256xf32, #tpu.memory_space<vmem>>, vector<1x16xf32>,
      %get3A_770 = vector.shape_cast %get3A_769 : vector<1x16xf32> to vector<16xf32>
      %add3A_771 = arith.addf %add3A_595, %get3A_770 : vector<16xf32>
      %mul3A_772 = arith.mulf %get3A_770, %get3A_770 : vector<16xf32>
      %add3A_773 = arith.addf %add3A_685, %mul3A_772 : vector<16xf32>
      %mul3A_774 = arith.constant 2 : i32
      %mul3A_775 = arith.muli %mul3A_774, %scan3A_420 : i32
      %add3A_776 = arith.constant 1 : i32
      %add3A_777 = arith.addi %mul3A_775, %add3A_776 : i32
      %get3A_778 = arith.index_cast %add3A_777 : i32 to index
      %get3A_779 = arith.constant 224 : index
      %get3A_780 = tpu.vector_load %arg9[%get3A_778, %get3A_779] {strides = array<i32>} : memref<64x256xf32, #tpu.memory_space<vmem>>, vector<1x16xf32>,
      %get3A_781 = vector.shape_cast %get3A_780 : vector<1x16xf32> to vector<16xf32>
      %add3A_782 = arith.addf %add3A_606, %get3A_781 : vector<16xf32>
      %mul3A_783 = arith.mulf %get3A_781, %get3A_781 : vector<16xf32>
      %add3A_784 = arith.addf %add3A_696, %mul3A_783 : vector<16xf32>
      %mul3A_785 = arith.constant 2 : i32
      %mul3A_786 = arith.muli %mul3A_785, %scan3A_420 : i32
      %add3A_787 = arith.constant 1 : i32
      %add3A_788 = arith.addi %mul3A_786, %add3A_787 : i32
      %get3A_789 = arith.index_cast %add3A_788 : i32 to index
      %get3A_790 = arith.constant 240 : index
      %get3A_791 = tpu.vector_load %arg9[%get3A_789, %get3A_790] {strides = array<i32>} : memref<64x256xf32, #tpu.memory_space<vmem>>, vector<1x16xf32>,
      %get3A_792 = vector.shape_cast %get3A_791 : vector<1x16xf32> to vector<16xf32>
      %add3A_793 = arith.addf %add3A_617, %get3A_792 : vector<16xf32>
      %mul3A_794 = arith.mulf %get3A_792, %get3A_792 : vector<16xf32>
      %add3A_795 = arith.addf %add3A_707, %mul3A_794 : vector<16xf32>
      scf.yield %add3A_628, %add3A_639, %add3A_650, %add3A_661, %add3A_672, %add3A_683, %add3A_694, %add3A_705, %add3A_716, %add3A_727, %add3A_738, %add3A_749, %add3A_760, %add3A_771, %add3A_782, %add3A_793, %add3A_762, %add3A_773, %add3A_784, %add3A_795, %add3A_718, %add3A_729, %add3A_740, %add3A_751 : vector<16xf32>, vector<16xf32>, vector<16xf32>, vector<16xf32>, vector<16xf32>, vector<16xf32>, vector<16xf32>, vector<16xf32>, vector<16xf32>, vector<16xf32>, vector<16xf32>, vector<16xf32>, vector<16xf32>, vector<16xf32>, vector<16xf32>, vector<16xf32>, vector<16xf32>, vector<16xf32>, vector<16xf32>, vector<16xf32>, vector<16xf32>, vector<16xf32>, vector<16xf32>, vector<16xf32>
    }
    %scan3A_202 = arith.constant 32 : i32
    %swap3A = arith.constant 0 : i32
    %swap3A_203 = arith.index_cast %swap3A : i32 to index
    %swap3A_204 = arith.constant 0 : index
    %swap3A_205 = tpu.vector_load %arg10[%swap3A_203, %swap3A_204] {strides = array<i32>} : memref<2x256xf32, #tpu.memory_space<vmem>>, vector<1x16xf32>,
    %swap3A_206 = vector.shape_cast %swap3A_205 : vector<1x16xf32> to vector<16xf32>
    %swap3A_207 = vector.shape_cast %scan3A_128#0 : vector<16xf32> to vector<1x16xf32>
    tpu.vector_store %arg10[%swap3A_203, %swap3A_204], %swap3A_207 {strides = array<i32>} : memref<2x256xf32, #tpu.memory_space<vmem>>, vector<1x16xf32>,
    %swap3A_208 = arith.constant 0 : i32
    %swap3A_209 = arith.index_cast %swap3A_208 : i32 to index
    %swap3A_210 = arith.constant 16 : index
    %swap3A_211 = tpu.vector_load %arg10[%swap3A_209, %swap3A_210] {strides = array<i32>} : memref<2x256xf32, #tpu.memory_space<vmem>>, vector<1x16xf32>,
    %swap3A_212 = vector.shape_cast %swap3A_211 : vector<1x16xf32> to vector<16xf32>
    %swap3A_213 = vector.shape_cast %scan3A_128#1 : vector<16xf32> to vector<1x16xf32>
    tpu.vector_store %arg10[%swap3A_209, %swap3A_210], %swap3A_213 {strides = array<i32>} : memref<2x256xf32, #tpu.memory_space<vmem>>, vector<1x16xf32>,
    %swap3A_214 = arith.constant 0 : i32
    %swap3A_215 = arith.index_cast %swap3A_214 : i32 to index
    %swap3A_216 = arith.constant 32 : index
    %swap3A_217 = tpu.vector_load %arg10[%swap3A_215, %swap3A_216] {strides = array<i32>} : memref<2x256xf32, #tpu.memory_space<vmem>>, vector<1x16xf32>,
    %swap3A_218 = vector.shape_cast %swap3A_217 : vector<1x16xf32> to vector<16xf32>
    %swap3A_219 = vector.shape_cast %scan3A_128#2 : vector<16xf32> to vector<1x16xf32>
    tpu.vector_store %arg10[%swap3A_215, %swap3A_216], %swap3A_219 {strides = array<i32>} : memref<2x256xf32, #tpu.memory_space<vmem>>, vector<1x16xf32>,
    %swap3A_220 = arith.constant 0 : i32
    %swap3A_221 = arith.index_cast %swap3A_220 : i32 to index
    %swap3A_222 = arith.constant 48 : index
    %swap3A_223 = tpu.vector_load %arg10[%swap3A_221, %swap3A_222] {strides = array<i32>} : memref<2x256xf32, #tpu.memory_space<vmem>>, vector<1x16xf32>,
    %swap3A_224 = vector.shape_cast %swap3A_223 : vector<1x16xf32> to vector<16xf32>
    %swap3A_225 = vector.shape_cast %scan3A_128#3 : vector<16xf32> to vector<1x16xf32>
    tpu.vector_store %arg10[%swap3A_221, %swap3A_222], %swap3A_225 {strides = array<i32>} : memref<2x256xf32, #tpu.memory_space<vmem>>, vector<1x16xf32>,
    %swap3A_226 = arith.constant 0 : i32
    %swap3A_227 = arith.index_cast %swap3A_226 : i32 to index
    %swap3A_228 = arith.constant 64 : index
    %swap3A_229 = tpu.vector_load %arg10[%swap3A_227, %swap3A_228] {strides = array<i32>} : memref<2x256xf32, #tpu.memory_space<vmem>>, vector<1x16xf32>,
    %swap3A_230 = vector.shape_cast %swap3A_229 : vector<1x16xf32> to vector<16xf32>
    %swap3A_231 = vector.shape_cast %scan3A_128#4 : vector<16xf32> to vector<1x16xf32>
    tpu.vector_store %arg10[%swap3A_227, %swap3A_228], %swap3A_231 {strides = array<i32>} : memref<2x256xf32, #tpu.memory_space<vmem>>, vector<1x16xf32>,
    %swap3A_232 = arith.constant 0 : i32
    %swap3A_233 = arith.index_cast %swap3A_232 : i32 to index
    %swap3A_234 = arith.constant 80 : index
    %swap3A_235 = tpu.vector_load %arg10[%swap3A_233, %swap3A_234] {strides = array<i32>} : memref<2x256xf32, #tpu.memory_space<vmem>>, vector<1x16xf32>,
    %swap3A_236 = vector.shape_cast %swap3A_235 : vector<1x16xf32> to vector<16xf32>
    %swap3A_237 = vector.shape_cast %scan3A_128#5 : vector<16xf32> to vector<1x16xf32>
    tpu.vector_store %arg10[%swap3A_233, %swap3A_234], %swap3A_237 {strides = array<i32>} : memref<2x256xf32, #tpu.memory_space<vmem>>, vector<1x16xf32>,
    %swap3A_238 = arith.constant 0 : i32
    %swap3A_239 = arith.index_cast %swap3A_238 : i32 to index
    %swap3A_240 = arith.constant 96 : index
    %swap3A_241 = tpu.vector_load %arg10[%swap3A_239, %swap3A_240] {strides = array<i32>} : memref<2x256xf32, #tpu.memory_space<vmem>>, vector<1x16xf32>,
    %swap3A_242 = vector.shape_cast %swap3A_241 : vector<1x16xf32> to vector<16xf32>
    %swap3A_243 = vector.shape_cast %scan3A_128#6 : vector<16xf32> to vector<1x16xf32>
    tpu.vector_store %arg10[%swap3A_239, %swap3A_240], %swap3A_243 {strides = array<i32>} : memref<2x256xf32, #tpu.memory_space<vmem>>, vector<1x16xf32>,
    %swap3A_244 = arith.constant 0 : i32
    %swap3A_245 = arith.index_cast %swap3A_244 : i32 to index
    %swap3A_246 = arith.constant 112 : index
    %swap3A_247 = tpu.vector_load %arg10[%swap3A_245, %swap3A_246] {strides = array<i32>} : memref<2x256xf32, #tpu.memory_space<vmem>>, vector<1x16xf32>,
    %swap3A_248 = vector.shape_cast %swap3A_247 : vector<1x16xf32> to vector<16xf32>
    %swap3A_249 = vector.shape_cast %scan3A_128#7 : vector<16xf32> to vector<1x16xf32>
    tpu.vector_store %arg10[%swap3A_245, %swap3A_246], %swap3A_249 {strides = array<i32>} : memref<2x256xf32, #tpu.memory_space<vmem>>, vector<1x16xf32>,
    %swap3A_250 = arith.constant 0 : i32
    %swap3A_251 = arith.index_cast %swap3A_250 : i32 to index
    %swap3A_252 = arith.constant 128 : index
    %swap3A_253 = tpu.vector_load %arg10[%swap3A_251, %swap3A_252] {strides = array<i32>} : memref<2x256xf32, #tpu.memory_space<vmem>>, vector<1x16xf32>,
    %swap3A_254 = vector.shape_cast %swap3A_253 : vector<1x16xf32> to vector<16xf32>
    %swap3A_255 = vector.shape_cast %scan3A_128#8 : vector<16xf32> to vector<1x16xf32>
    tpu.vector_store %arg10[%swap3A_251, %swap3A_252], %swap3A_255 {strides = array<i32>} : memref<2x256xf32, #tpu.memory_space<vmem>>, vector<1x16xf32>,
    %swap3A_256 = arith.constant 0 : i32
    %swap3A_257 = arith.index_cast %swap3A_256 : i32 to index
    %swap3A_258 = arith.constant 144 : index
    %swap3A_259 = tpu.vector_load %arg10[%swap3A_257, %swap3A_258] {strides = array<i32>} : memref<2x256xf32, #tpu.memory_space<vmem>>, vector<1x16xf32>,
    %swap3A_260 = vector.shape_cast %swap3A_259 : vector<1x16xf32> to vector<16xf32>
    %swap3A_261 = vector.shape_cast %scan3A_128#9 : vector<16xf32> to vector<1x16xf32>
    tpu.vector_store %arg10[%swap3A_257, %swap3A_258], %swap3A_261 {strides = array<i32>} : memref<2x256xf32, #tpu.memory_space<vmem>>, vector<1x16xf32>,
    %swap3A_262 = arith.constant 0 : i32
    %swap3A_263 = arith.index_cast %swap3A_262 : i32 to index
    %swap3A_264 = arith.constant 160 : index
    %swap3A_265 = tpu.vector_load %arg10[%swap3A_263, %swap3A_264] {strides = array<i32>} : memref<2x256xf32, #tpu.memory_space<vmem>>, vector<1x16xf32>,
    %swap3A_266 = vector.shape_cast %swap3A_265 : vector<1x16xf32> to vector<16xf32>
    %swap3A_267 = vector.shape_cast %scan3A_128#10 : vector<16xf32> to vector<1x16xf32>
    tpu.vector_store %arg10[%swap3A_263, %swap3A_264], %swap3A_267 {strides = array<i32>} : memref<2x256xf32, #tpu.memory_space<vmem>>, vector<1x16xf32>,
    %swap3A_268 = arith.constant 0 : i32
    %swap3A_269 = arith.index_cast %swap3A_268 : i32 to index
    %swap3A_270 = arith.constant 176 : index
    %swap3A_271 = tpu.vector_load %arg10[%swap3A_269, %swap3A_270] {strides = array<i32>} : memref<2x256xf32, #tpu.memory_space<vmem>>, vector<1x16xf32>,
    %swap3A_272 = vector.shape_cast %swap3A_271 : vector<1x16xf32> to vector<16xf32>
    %swap3A_273 = vector.shape_cast %scan3A_128#11 : vector<16xf32> to vector<1x16xf32>
    tpu.vector_store %arg10[%swap3A_269, %swap3A_270], %swap3A_273 {strides = array<i32>} : memref<2x256xf32, #tpu.memory_space<vmem>>, vector<1x16xf32>,
    %swap3A_274 = arith.constant 0 : i32
    %swap3A_275 = arith.index_cast %swap3A_274 : i32 to index
    %swap3A_276 = arith.constant 192 : index
    %swap3A_277 = tpu.vector_load %arg10[%swap3A_275, %swap3A_276] {strides = array<i32>} : memref<2x256xf32, #tpu.memory_space<vmem>>, vector<1x16xf32>,
    %swap3A_278 = vector.shape_cast %swap3A_277 : vector<1x16xf32> to vector<16xf32>
    %swap3A_279 = vector.shape_cast %scan3A_128#12 : vector<16xf32> to vector<1x16xf32>
    tpu.vector_store %arg10[%swap3A_275, %swap3A_276], %swap3A_279 {strides = array<i32>} : memref<2x256xf32, #tpu.memory_space<vmem>>, vector<1x16xf32>,
    %swap3A_280 = arith.constant 0 : i32
    %swap3A_281 = arith.index_cast %swap3A_280 : i32 to index
    %swap3A_282 = arith.constant 208 : index
    %swap3A_283 = tpu.vector_load %arg10[%swap3A_281, %swap3A_282] {strides = array<i32>} : memref<2x256xf32, #tpu.memory_space<vmem>>, vector<1x16xf32>,
    %swap3A_284 = vector.shape_cast %swap3A_283 : vector<1x16xf32> to vector<16xf32>
    %swap3A_285 = vector.shape_cast %scan3A_128#13 : vector<16xf32> to vector<1x16xf32>
    tpu.vector_store %arg10[%swap3A_281, %swap3A_282], %swap3A_285 {strides = array<i32>} : memref<2x256xf32, #tpu.memory_space<vmem>>, vector<1x16xf32>,
    %swap3A_286 = arith.constant 0 : i32
    %swap3A_287 = arith.index_cast %swap3A_286 : i32 to index
    %swap3A_288 = arith.constant 224 : index
    %swap3A_289 = tpu.vector_load %arg10[%swap3A_287, %swap3A_288] {strides = array<i32>} : memref<2x256xf32, #tpu.memory_space<vmem>>, vector<1x16xf32>,
    %swap3A_290 = vector.shape_cast %swap3A_289 : vector<1x16xf32> to vector<16xf32>
    %swap3A_291 = vector.shape_cast %scan3A_128#14 : vector<16xf32> to vector<1x16xf32>
    tpu.vector_store %arg10[%swap3A_287, %swap3A_288], %swap3A_291 {strides = array<i32>} : memref<2x256xf32, #tpu.memory_space<vmem>>, vector<1x16xf32>,
    %swap3A_292 = arith.constant 0 : i32
    %swap3A_293 = arith.index_cast %swap3A_292 : i32 to index
    %swap3A_294 = arith.constant 240 : index
    %swap3A_295 = tpu.vector_load %arg10[%swap3A_293, %swap3A_294] {strides = array<i32>} : memref<2x256xf32, #tpu.memory_space<vmem>>, vector<1x16xf32>,
    %swap3A_296 = vector.shape_cast %swap3A_295 : vector<1x16xf32> to vector<16xf32>
    %swap3A_297 = vector.shape_cast %scan3A_128#15 : vector<16xf32> to vector<1x16xf32>
    tpu.vector_store %arg10[%swap3A_293, %swap3A_294], %swap3A_297 {strides = array<i32>} : memref<2x256xf32, #tpu.memory_space<vmem>>, vector<1x16xf32>,
    %add3A_298 = arith.addf %scan3A_128#16, %scan3A_128#17 : vector<16xf32>
    %add3A_299 = arith.addf %add3A_298, %scan3A_128#18 : vector<16xf32>
    %add3A_300 = arith.addf %add3A_299, %scan3A_128#19 : vector<16xf32>
    %add3A_301 = arith.addf %add3A_300, %scan3A_128#20 : vector<16xf32>
    %add3A_302 = arith.addf %add3A_301, %scan3A_128#21 : vector<16xf32>
    %add3A_303 = arith.addf %add3A_302, %scan3A_128#22 : vector<16xf32>
    %add3A_304 = arith.addf %add3A_303, %scan3A_128#23 : vector<16xf32>
    %swap3A_305 = arith.constant 0 : i32
    %swap3A_306 = arith.index_cast %swap3A_305 : i32 to index
    %swap3A_307 = arith.constant 0 : index
    %swap3A_308 = tpu.vector_load %arg11[%swap3A_306, %swap3A_307] {strides = array<i32>} : memref<2x16xf32, #tpu.memory_space<vmem>>, vector<1x16xf32>,
    %swap3A_309 = vector.shape_cast %swap3A_308 : vector<1x16xf32> to vector<16xf32>
    %swap3A_310 = vector.shape_cast %add3A_304 : vector<16xf32> to vector<1x16xf32>
    tpu.vector_store %arg11[%swap3A_306, %swap3A_307], %swap3A_310 {strides = array<i32>} : memref<2x16xf32, #tpu.memory_space<vmem>>, vector<1x16xf32>,
    %swap3A_311 = arith.constant 1 : i32
    %swap3A_312 = arith.index_cast %swap3A_311 : i32 to index
    %swap3A_313 = arith.constant 0 : index
    %swap3A_314 = tpu.vector_load %arg10[%swap3A_312, %swap3A_313] {strides = array<i32>} : memref<2x256xf32, #tpu.memory_space<vmem>>, vector<1x16xf32>,
    %swap3A_315 = vector.shape_cast %swap3A_314 : vector<1x16xf32> to vector<16xf32>
    %swap3A_316 = vector.shape_cast %scan3A_201#0 : vector<16xf32> to vector<1x16xf32>
    tpu.vector_store %arg10[%swap3A_312, %swap3A_313], %swap3A_316 {strides = array<i32>} : memref<2x256xf32, #tpu.memory_space<vmem>>, vector<1x16xf32>,
    %swap3A_317 = arith.constant 1 : i32
    %swap3A_318 = arith.index_cast %swap3A_317 : i32 to index
    %swap3A_319 = arith.constant 16 : index
    %swap3A_320 = tpu.vector_load %arg10[%swap3A_318, %swap3A_319] {strides = array<i32>} : memref<2x256xf32, #tpu.memory_space<vmem>>, vector<1x16xf32>,
    %swap3A_321 = vector.shape_cast %swap3A_320 : vector<1x16xf32> to vector<16xf32>
    %swap3A_322 = vector.shape_cast %scan3A_201#1 : vector<16xf32> to vector<1x16xf32>
    tpu.vector_store %arg10[%swap3A_318, %swap3A_319], %swap3A_322 {strides = array<i32>} : memref<2x256xf32, #tpu.memory_space<vmem>>, vector<1x16xf32>,
    %swap3A_323 = arith.constant 1 : i32
    %swap3A_324 = arith.index_cast %swap3A_323 : i32 to index
    %swap3A_325 = arith.constant 32 : index
    %swap3A_326 = tpu.vector_load %arg10[%swap3A_324, %swap3A_325] {strides = array<i32>} : memref<2x256xf32, #tpu.memory_space<vmem>>, vector<1x16xf32>,
    %swap3A_327 = vector.shape_cast %swap3A_326 : vector<1x16xf32> to vector<16xf32>
    %swap3A_328 = vector.shape_cast %scan3A_201#2 : vector<16xf32> to vector<1x16xf32>
    tpu.vector_store %arg10[%swap3A_324, %swap3A_325], %swap3A_328 {strides = array<i32>} : memref<2x256xf32, #tpu.memory_space<vmem>>, vector<1x16xf32>,
    %swap3A_329 = arith.constant 1 : i32
    %swap3A_330 = arith.index_cast %swap3A_329 : i32 to index
    %swap3A_331 = arith.constant 48 : index
    %swap3A_332 = tpu.vector_load %arg10[%swap3A_330, %swap3A_331] {strides = array<i32>} : memref<2x256xf32, #tpu.memory_space<vmem>>, vector<1x16xf32>,
    %swap3A_333 = vector.shape_cast %swap3A_332 : vector<1x16xf32> to vector<16xf32>
    %swap3A_334 = vector.shape_cast %scan3A_201#3 : vector<16xf32> to vector<1x16xf32>
    tpu.vector_store %arg10[%swap3A_330, %swap3A_331], %swap3A_334 {strides = array<i32>} : memref<2x256xf32, #tpu.memory_space<vmem>>, vector<1x16xf32>,
    %swap3A_335 = arith.constant 1 : i32
    %swap3A_336 = arith.index_cast %swap3A_335 : i32 to index
    %swap3A_337 = arith.constant 64 : index
    %swap3A_338 = tpu.vector_load %arg10[%swap3A_336, %swap3A_337] {strides = array<i32>} : memref<2x256xf32, #tpu.memory_space<vmem>>, vector<1x16xf32>,
    %swap3A_339 = vector.shape_cast %swap3A_338 : vector<1x16xf32> to vector<16xf32>
    %swap3A_340 = vector.shape_cast %scan3A_201#4 : vector<16xf32> to vector<1x16xf32>
    tpu.vector_store %arg10[%swap3A_336, %swap3A_337], %swap3A_340 {strides = array<i32>} : memref<2x256xf32, #tpu.memory_space<vmem>>, vector<1x16xf32>,
    %swap3A_341 = arith.constant 1 : i32
    %swap3A_342 = arith.index_cast %swap3A_341 : i32 to index
    %swap3A_343 = arith.constant 80 : index
    %swap3A_344 = tpu.vector_load %arg10[%swap3A_342, %swap3A_343] {strides = array<i32>} : memref<2x256xf32, #tpu.memory_space<vmem>>, vector<1x16xf32>,
    %swap3A_345 = vector.shape_cast %swap3A_344 : vector<1x16xf32> to vector<16xf32>
    %swap3A_346 = vector.shape_cast %scan3A_201#5 : vector<16xf32> to vector<1x16xf32>
    tpu.vector_store %arg10[%swap3A_342, %swap3A_343], %swap3A_346 {strides = array<i32>} : memref<2x256xf32, #tpu.memory_space<vmem>>, vector<1x16xf32>,
    %swap3A_347 = arith.constant 1 : i32
    %swap3A_348 = arith.index_cast %swap3A_347 : i32 to index
    %swap3A_349 = arith.constant 96 : index
    %swap3A_350 = tpu.vector_load %arg10[%swap3A_348, %swap3A_349] {strides = array<i32>} : memref<2x256xf32, #tpu.memory_space<vmem>>, vector<1x16xf32>,
    %swap3A_351 = vector.shape_cast %swap3A_350 : vector<1x16xf32> to vector<16xf32>
    %swap3A_352 = vector.shape_cast %scan3A_201#6 : vector<16xf32> to vector<1x16xf32>
    tpu.vector_store %arg10[%swap3A_348, %swap3A_349], %swap3A_352 {strides = array<i32>} : memref<2x256xf32, #tpu.memory_space<vmem>>, vector<1x16xf32>,
    %swap3A_353 = arith.constant 1 : i32
    %swap3A_354 = arith.index_cast %swap3A_353 : i32 to index
    %swap3A_355 = arith.constant 112 : index
    %swap3A_356 = tpu.vector_load %arg10[%swap3A_354, %swap3A_355] {strides = array<i32>} : memref<2x256xf32, #tpu.memory_space<vmem>>, vector<1x16xf32>,
    %swap3A_357 = vector.shape_cast %swap3A_356 : vector<1x16xf32> to vector<16xf32>
    %swap3A_358 = vector.shape_cast %scan3A_201#7 : vector<16xf32> to vector<1x16xf32>
    tpu.vector_store %arg10[%swap3A_354, %swap3A_355], %swap3A_358 {strides = array<i32>} : memref<2x256xf32, #tpu.memory_space<vmem>>, vector<1x16xf32>,
    %swap3A_359 = arith.constant 1 : i32
    %swap3A_360 = arith.index_cast %swap3A_359 : i32 to index
    %swap3A_361 = arith.constant 128 : index
    %swap3A_362 = tpu.vector_load %arg10[%swap3A_360, %swap3A_361] {strides = array<i32>} : memref<2x256xf32, #tpu.memory_space<vmem>>, vector<1x16xf32>,
    %swap3A_363 = vector.shape_cast %swap3A_362 : vector<1x16xf32> to vector<16xf32>
    %swap3A_364 = vector.shape_cast %scan3A_201#8 : vector<16xf32> to vector<1x16xf32>
    tpu.vector_store %arg10[%swap3A_360, %swap3A_361], %swap3A_364 {strides = array<i32>} : memref<2x256xf32, #tpu.memory_space<vmem>>, vector<1x16xf32>,
    %swap3A_365 = arith.constant 1 : i32
    %swap3A_366 = arith.index_cast %swap3A_365 : i32 to index
    %swap3A_367 = arith.constant 144 : index
    %swap3A_368 = tpu.vector_load %arg10[%swap3A_366, %swap3A_367] {strides = array<i32>} : memref<2x256xf32, #tpu.memory_space<vmem>>, vector<1x16xf32>,
    %swap3A_369 = vector.shape_cast %swap3A_368 : vector<1x16xf32> to vector<16xf32>
    %swap3A_370 = vector.shape_cast %scan3A_201#9 : vector<16xf32> to vector<1x16xf32>
    tpu.vector_store %arg10[%swap3A_366, %swap3A_367], %swap3A_370 {strides = array<i32>} : memref<2x256xf32, #tpu.memory_space<vmem>>, vector<1x16xf32>,
    %swap3A_371 = arith.constant 1 : i32
    %swap3A_372 = arith.index_cast %swap3A_371 : i32 to index
    %swap3A_373 = arith.constant 160 : index
    %swap3A_374 = tpu.vector_load %arg10[%swap3A_372, %swap3A_373] {strides = array<i32>} : memref<2x256xf32, #tpu.memory_space<vmem>>, vector<1x16xf32>,
    %swap3A_375 = vector.shape_cast %swap3A_374 : vector<1x16xf32> to vector<16xf32>
    %swap3A_376 = vector.shape_cast %scan3A_201#10 : vector<16xf32> to vector<1x16xf32>
    tpu.vector_store %arg10[%swap3A_372, %swap3A_373], %swap3A_376 {strides = array<i32>} : memref<2x256xf32, #tpu.memory_space<vmem>>, vector<1x16xf32>,
    %swap3A_377 = arith.constant 1 : i32
    %swap3A_378 = arith.index_cast %swap3A_377 : i32 to index
    %swap3A_379 = arith.constant 176 : index
    %swap3A_380 = tpu.vector_load %arg10[%swap3A_378, %swap3A_379] {strides = array<i32>} : memref<2x256xf32, #tpu.memory_space<vmem>>, vector<1x16xf32>,
    %swap3A_381 = vector.shape_cast %swap3A_380 : vector<1x16xf32> to vector<16xf32>
    %swap3A_382 = vector.shape_cast %scan3A_201#11 : vector<16xf32> to vector<1x16xf32>
    tpu.vector_store %arg10[%swap3A_378, %swap3A_379], %swap3A_382 {strides = array<i32>} : memref<2x256xf32, #tpu.memory_space<vmem>>, vector<1x16xf32>,
    %swap3A_383 = arith.constant 1 : i32
    %swap3A_384 = arith.index_cast %swap3A_383 : i32 to index
    %swap3A_385 = arith.constant 192 : index
    %swap3A_386 = tpu.vector_load %arg10[%swap3A_384, %swap3A_385] {strides = array<i32>} : memref<2x256xf32, #tpu.memory_space<vmem>>, vector<1x16xf32>,
    %swap3A_387 = vector.shape_cast %swap3A_386 : vector<1x16xf32> to vector<16xf32>
    %swap3A_388 = vector.shape_cast %scan3A_201#12 : vector<16xf32> to vector<1x16xf32>
    tpu.vector_store %arg10[%swap3A_384, %swap3A_385], %swap3A_388 {strides = array<i32>} : memref<2x256xf32, #tpu.memory_space<vmem>>, vector<1x16xf32>,
    %swap3A_389 = arith.constant 1 : i32
    %swap3A_390 = arith.index_cast %swap3A_389 : i32 to index
    %swap3A_391 = arith.constant 208 : index
    %swap3A_392 = tpu.vector_load %arg10[%swap3A_390, %swap3A_391] {strides = array<i32>} : memref<2x256xf32, #tpu.memory_space<vmem>>, vector<1x16xf32>,
    %swap3A_393 = vector.shape_cast %swap3A_392 : vector<1x16xf32> to vector<16xf32>
    %swap3A_394 = vector.shape_cast %scan3A_201#13 : vector<16xf32> to vector<1x16xf32>
    tpu.vector_store %arg10[%swap3A_390, %swap3A_391], %swap3A_394 {strides = array<i32>} : memref<2x256xf32, #tpu.memory_space<vmem>>, vector<1x16xf32>,
    %swap3A_395 = arith.constant 1 : i32
    %swap3A_396 = arith.index_cast %swap3A_395 : i32 to index
    %swap3A_397 = arith.constant 224 : index
    %swap3A_398 = tpu.vector_load %arg10[%swap3A_396, %swap3A_397] {strides = array<i32>} : memref<2x256xf32, #tpu.memory_space<vmem>>, vector<1x16xf32>,
    %swap3A_399 = vector.shape_cast %swap3A_398 : vector<1x16xf32> to vector<16xf32>
    %swap3A_400 = vector.shape_cast %scan3A_201#14 : vector<16xf32> to vector<1x16xf32>
    tpu.vector_store %arg10[%swap3A_396, %swap3A_397], %swap3A_400 {strides = array<i32>} : memref<2x256xf32, #tpu.memory_space<vmem>>, vector<1x16xf32>,
    %swap3A_401 = arith.constant 1 : i32
    %swap3A_402 = arith.index_cast %swap3A_401 : i32 to index
    %swap3A_403 = arith.constant 240 : index
    %swap3A_404 = tpu.vector_load %arg10[%swap3A_402, %swap3A_403] {strides = array<i32>} : memref<2x256xf32, #tpu.memory_space<vmem>>, vector<1x16xf32>,
    %swap3A_405 = vector.shape_cast %swap3A_404 : vector<1x16xf32> to vector<16xf32>
    %swap3A_406 = vector.shape_cast %scan3A_201#15 : vector<16xf32> to vector<1x16xf32>
    tpu.vector_store %arg10[%swap3A_402, %swap3A_403], %swap3A_406 {strides = array<i32>} : memref<2x256xf32, #tpu.memory_space<vmem>>, vector<1x16xf32>,
    %add3A_407 = arith.addf %scan3A_201#16, %scan3A_201#17 : vector<16xf32>
    %add3A_408 = arith.addf %add3A_407, %scan3A_201#18 : vector<16xf32>
    %add3A_409 = arith.addf %add3A_408, %scan3A_201#19 : vector<16xf32>
    %add3A_410 = arith.addf %add3A_409, %scan3A_201#20 : vector<16xf32>
    %add3A_411 = arith.addf %add3A_410, %scan3A_201#21 : vector<16xf32>
    %add3A_412 = arith.addf %add3A_411, %scan3A_201#22 : vector<16xf32>
    %add3A_413 = arith.addf %add3A_412, %scan3A_201#23 : vector<16xf32>
    %swap3A_414 = arith.constant 1 : i32
    %swap3A_415 = arith.index_cast %swap3A_414 : i32 to index
    %swap3A_416 = arith.constant 0 : index
    %swap3A_417 = tpu.vector_load %arg11[%swap3A_415, %swap3A_416] {strides = array<i32>} : memref<2x16xf32, #tpu.memory_space<vmem>>, vector<1x16xf32>,
    %swap3A_418 = vector.shape_cast %swap3A_417 : vector<1x16xf32> to vector<16xf32>
    %swap3A_419 = vector.shape_cast %add3A_413 : vector<16xf32> to vector<1x16xf32>
    tpu.vector_store %arg11[%swap3A_415, %swap3A_416], %swap3A_419 {strides = array<i32>} : memref<2x16xf32, #tpu.memory_space<vmem>>, vector<1x16xf32>,
    "tpu.region"() ({
      %run_scoped3A = tpu.sem_alloc : memref<!tpu.dma_semaphore, #tpu.memory_space<semaphore_mem>>
      %dma_start3A_420 = arith.constant 0 : i32
      %dma_start3A_421 = arith.constant 0 : i32
      %dma_start3A_422 = tpu.memref_slice %arg5[%add3A, %dma_start3A_420, %dma_start3A_421] : memref<32x2x256xf32, #tpu.memory_space<hbm>> -> memref<1x2x256xf32, #tpu.memory_space<hbm>>
      %dma_start3A_423 = tpu.memref_squeeze %dma_start3A_422 : memref<1x2x256xf32, #tpu.memory_space<hbm>> -> memref<2x256xf32, #tpu.memory_space<hbm>>
      %dma_start3A_424 = arith.constant 0 : i32
      %dma_start3A_425 = arith.constant 0 : i32
      %dma_start3A_426 = tpu.memref_slice %arg5[%add3A, %dma_start3A_424, %dma_start3A_425] : memref<32x2x256xf32, #tpu.memory_space<hbm>> -> memref<1x2x256xf32, #tpu.memory_space<hbm>>
      %dma_start3A_427 = tpu.memref_squeeze %dma_start3A_426 : memref<1x2x256xf32, #tpu.memory_space<hbm>> -> memref<2x256xf32, #tpu.memory_space<hbm>>
      tpu.enqueue_dma source(%arg10 : memref<2x256xf32, #tpu.memory_space<vmem>>) target(%dma_start3A_427 : memref<2x256xf32, #tpu.memory_space<hbm>>) target_semaphore(%run_scoped3A : memref<!tpu.dma_semaphore, #tpu.memory_space<semaphore_mem>>)
      %dma_wait3A_428 = arith.constant 0 : i32
      %dma_wait3A_429 = arith.constant 0 : i32
      %dma_wait3A_430 = tpu.memref_slice %arg5[%add3A, %dma_wait3A_428, %dma_wait3A_429] : memref<32x2x256xf32, #tpu.memory_space<hbm>> -> memref<1x2x256xf32, #tpu.memory_space<hbm>>
      %dma_wait3A_431 = tpu.memref_squeeze %dma_wait3A_430 : memref<1x2x256xf32, #tpu.memory_space<hbm>> -> memref<2x256xf32, #tpu.memory_space<hbm>>
      %dma_wait3A_432 = arith.constant 0 : i32
      %dma_wait3A_433 = arith.constant 0 : i32
      %dma_wait3A_434 = tpu.memref_slice %arg5[%add3A, %dma_wait3A_432, %dma_wait3A_433] : memref<32x2x256xf32, #tpu.memory_space<hbm>> -> memref<1x2x256xf32, #tpu.memory_space<hbm>>
      %dma_wait3A_435 = tpu.memref_squeeze %dma_wait3A_434 : memref<1x2x256xf32, #tpu.memory_space<hbm>> -> memref<2x256xf32, #tpu.memory_space<hbm>>
      tpu.wait_dma2 semaphore(%run_scoped3A : memref<!tpu.dma_semaphore, #tpu.memory_space<semaphore_mem>>) src(%arg10 : memref<2x256xf32, #tpu.memory_space<vmem>>) dst(%dma_wait3A_435 : memref<2x256xf32, #tpu.memory_space<hbm>>)
      tpu.yield
    }) : () -> ()
    "tpu.region"() ({
      %run_scoped3A = tpu.sem_alloc : memref<!tpu.dma_semaphore, #tpu.memory_space<semaphore_mem>>
      %dma_start3A_420 = arith.constant 0 : i32
      %dma_start3A_421 = arith.constant 0 : i32
      %dma_start3A_422 = tpu.memref_slice %arg6[%add3A, %dma_start3A_420, %dma_start3A_421] : memref<32x2x16xf32, #tpu.memory_space<hbm>> -> memref<1x2x16xf32, #tpu.memory_space<hbm>>
      %dma_start3A_423 = tpu.memref_squeeze %dma_start3A_422 : memref<1x2x16xf32, #tpu.memory_space<hbm>> -> memref<2x16xf32, #tpu.memory_space<hbm>>
      %dma_start3A_424 = arith.constant 0 : i32
      %dma_start3A_425 = arith.constant 0 : i32
      %dma_start3A_426 = tpu.memref_slice %arg6[%add3A, %dma_start3A_424, %dma_start3A_425] : memref<32x2x16xf32, #tpu.memory_space<hbm>> -> memref<1x2x16xf32, #tpu.memory_space<hbm>>
      %dma_start3A_427 = tpu.memref_squeeze %dma_start3A_426 : memref<1x2x16xf32, #tpu.memory_space<hbm>> -> memref<2x16xf32, #tpu.memory_space<hbm>>
      tpu.enqueue_dma source(%arg11 : memref<2x16xf32, #tpu.memory_space<vmem>>) target(%dma_start3A_427 : memref<2x16xf32, #tpu.memory_space<hbm>>) target_semaphore(%run_scoped3A : memref<!tpu.dma_semaphore, #tpu.memory_space<semaphore_mem>>)
      %dma_wait3A_428 = arith.constant 0 : i32
      %dma_wait3A_429 = arith.constant 0 : i32
      %dma_wait3A_430 = tpu.memref_slice %arg6[%add3A, %dma_wait3A_428, %dma_wait3A_429] : memref<32x2x16xf32, #tpu.memory_space<hbm>> -> memref<1x2x16xf32, #tpu.memory_space<hbm>>
      %dma_wait3A_431 = tpu.memref_squeeze %dma_wait3A_430 : memref<1x2x16xf32, #tpu.memory_space<hbm>> -> memref<2x16xf32, #tpu.memory_space<hbm>>
      %dma_wait3A_432 = arith.constant 0 : i32
      %dma_wait3A_433 = arith.constant 0 : i32
      %dma_wait3A_434 = tpu.memref_slice %arg6[%add3A, %dma_wait3A_432, %dma_wait3A_433] : memref<32x2x16xf32, #tpu.memory_space<hbm>> -> memref<1x2x16xf32, #tpu.memory_space<hbm>>
      %dma_wait3A_435 = tpu.memref_squeeze %dma_wait3A_434 : memref<1x2x16xf32, #tpu.memory_space<hbm>> -> memref<2x16xf32, #tpu.memory_space<hbm>>
      tpu.wait_dma2 semaphore(%run_scoped3A : memref<!tpu.dma_semaphore, #tpu.memory_space<semaphore_mem>>) src(%arg11 : memref<2x16xf32, #tpu.memory_space<vmem>>) dst(%dma_wait3A_435 : memref<2x16xf32, #tpu.memory_space<hbm>>)
      tpu.yield
    }) : () -> ()
    return
  }
}

module attributes {stable_mosaic.version = 14 : i64} {
  func.func @_fin_body(%arg0: memref<32x2x256xf32, #tpu.memory_space<vmem>>, %arg1: memref<32x2x16xf32, #tpu.memory_space<vmem>>, %arg2: memref<1x1xf32, #tpu.memory_space<vmem>>) attributes {dimension_semantics = [], scalar_prefetch = 0 : i64, scratch_operands = 0 : i64, tpu.core_type = #tpu.core_type<tc>} {
    %get3A = arith.constant 0 : index
    %get3A_0 = arith.constant 0 : index
    %get3A_1 = arith.constant 0 : index
    %get3A_2 = vector.load %arg0[%get3A, %get3A_0, %get3A_1] : memref<32x2x256xf32, #tpu.memory_space<vmem>>, vector<32x2x256xf32>
    %reduce_sum3A = arith.constant dense<0.000000e+00> : vector<2x256xf32>
    %reduce_sum3A_3 = vector.multi_reduction <add>, %get3A_2, %reduce_sum3A [0] : vector<32x2x256xf32> to vector<2x256xf32>
    %get3A_4 = arith.constant 0 : index
    %get3A_5 = arith.constant 0 : index
    %get3A_6 = arith.constant 0 : index
    %get3A_7 = vector.load %arg1[%get3A_4, %get3A_5, %get3A_6] : memref<32x2x16xf32, #tpu.memory_space<vmem>>, vector<32x2x16xf32>
    %reduce_sum3A_8 = vector.shape_cast %get3A_7 : vector<32x2x16xf32> to vector<1x32x2x16xf32>
    %reduce_sum3A_9 = arith.constant dense<0.000000e+00> : vector<1xf32>
    %reduce_sum3A_10 = vector.multi_reduction <add>, %reduce_sum3A_8, %reduce_sum3A_9 [1, 2, 3] : vector<1x32x2x16xf32> to vector<1xf32>
    %reduce_sum3A_11 = vector.shape_cast %reduce_sum3A_10 : vector<1xf32> to vector<1x1x1x1xf32>
    %reduce_sum3A_12 = vector.extract %reduce_sum3A_11[0, 0, 0, 0] : f32 from vector<1x1x1x1xf32>
    %mul3A = arith.mulf %reduce_sum3A_3, %reduce_sum3A_3 : vector<2x256xf32>
    %reduce_sum3A_13 = vector.shape_cast %mul3A : vector<2x256xf32> to vector<1x2x256xf32>
    %reduce_sum3A_14 = arith.constant dense<0.000000e+00> : vector<1xf32>
    %reduce_sum3A_15 = vector.multi_reduction <add>, %reduce_sum3A_13, %reduce_sum3A_14 [1, 2] : vector<1x2x256xf32> to vector<1xf32>
    %reduce_sum3A_16 = vector.shape_cast %reduce_sum3A_15 : vector<1xf32> to vector<1x1x1xf32>
    %reduce_sum3A_17 = vector.extract %reduce_sum3A_16[0, 0, 0] : f32 from vector<1x1x1xf32>
    %mul3A_18 = arith.constant 4.76837158E-7 : f32
    %mul3A_19 = arith.mulf %reduce_sum3A_12, %mul3A_18 : f32
    %mul3A_20 = arith.constant 4.76837158E-7 : f32
    %mul3A_21 = arith.mulf %reduce_sum3A_17, %mul3A_20 : f32
    %div3A = arith.constant 8.192000e+03 : f32
    %div3A_22 = arith.divf %mul3A_21, %div3A : f32
    %sub3A = arith.subf %mul3A_19, %div3A_22 : f32
    %broadcast_in_dim3A = vector.broadcast %sub3A : f32 to vector<1x1xf32>
    %swap3A = arith.constant 0 : index
    %swap3A_23 = arith.constant 0 : index
    %swap3A_24 = vector.load %arg2[%swap3A, %swap3A_23] : memref<1x1xf32, #tpu.memory_space<vmem>>, vector<1x1xf32>
    tpu.vector_store %arg2[%swap3A, %swap3A_23], %broadcast_in_dim3A {strides = array<i32>} : memref<1x1xf32, #tpu.memory_space<vmem>>, vector<1x1xf32>,
    return
  }
}

</mosaic_0001>

<sc_bundles>
// kernel: kernel.4.cloned.1.call-start
scs
__scs_entry_jumppad:
0x0: {  	(pc) =	sbr.rel $0x88, $3  }
0x1: {  	(tag) =	ssettag $0x0;
	lr =	simm.s32 $0x1  }
0x2: {  	[smem:$0x3F9E] =	sst lr;
	_ =	strace $0xD0000000  }
0x3: {  	_ = 	snop  }
0x4: {  	_ = 	snop  }
0x5: {  	_ = 	snop  }
0x6: {  	_ = 	snop  }
0x7: {  	_ = 	snop  }
__scs_overlays_trampoline_lowered:
0x8: {  	[smem:$0x3FAD] =	sst s0  }
0x9: {  	[smem:$0x3FAE] =	sst s1  }
0xa: {  	[smem:$0x3FAF] =	sst s2  }
0xb: {  	[smem:$0x3FB0] =	sst s3  }
0xc: {  	[smem:$0x3FB1] =	sst s4  }
0xd: {  	[smem:$0x3FB2] =	sst s5  }
0xe: {  	[smem:$0x3FB3] =	sst s6  }
0xf: {  	[smem:$0x3FB4] =	sst s7  }
0x10: {  	[smem:$0x3FB5] =	sst s8  }
0x11: {  	[smem:$0x3FB6] =	sst s9;
	s0 =	simm.s32 @!p0 $0x0  }
0x12: {  	s1 =	sld [smem:$0x3F9C];
	s0 =	simm.s32 @p0 $0x1  }
0x13: {  	[smem:$0x3FB7] =	sst s0;
	s0 =	simm.s32 @!p1 $0x0  }
0x14: {  	s2 =	sld [smem:$0x3F9B];
	s0 =	simm.s32 @p1 $0x1  }
0x15: {  	[smem:$0x3FB8] =	sst s0;
	s0 =	simm.s32 @!p2 $0x0  }
0x16: {  	s3 =	sld [smem:$0x3FDB];
	s0 =	simm.s32 @p2 $0x1  }
0x17: {  	s4 =	simm.s32 $0x1BF5;
	[smem:$0x3FBA] =	sst s0  }
0x18: {  	s0 =	sld [smem:$0x3F9D];
	_ =	swait.ge [sflag:s4], $0x0  }
0x19: {  	s7 =	sld [smem:$0x3F9E]  }
0x1a: {  	s8 =	sadd.s32 $0xFFFFE003, lr  }
0x1b: {  	s9 =	sadd.s32 $0xFFFFFEF7, lr;
	s5 =	simm.s32 $0xFFFFFFFF;
	p2 =	slt.u32 s8, $0xFFFFF086  }
0x1c: {  	p1 =	slt.u32 s9, $0xF7A;
	s5 =	simm.s32 @!p2 $0x0  }
0x1d: {  	s5 =	simm.s32 @p1 $0x1;
	p0 =	seq.s32 s7, s2  }
0x1e: {  	s7 =	smul.u32 @!p0 $0xF7A, s2;
	p2 =	seq.s32 @!p0 s5, $0x0  }
0x1f: {  	s9 =	smul.u32 $0xF7A, s1;
	s8 =	simm.s32 @!p0 $0x1BF5;
	p2 =	por !p2, p0  }
0x20: {  	[sflag:s8] =	ssyncset.s32 @!p0 $0xFFFFF086;
	s6 =	sadd.s32 @!p0 s3, s7;
	s7 =	simm.s32 @!p0 $0x108  }
0x21: {  	s3 =	sadd.s32 s3, s9;
	s6 =	sadd.s32 @!p0 $0x88, s6;
	s7 =	simm.s32 @p2 $0x1082  }
0x22: {  	[simem:s7], [sflag:s8] =	dma.local @!p0 [hbm:s6], $0xF7A  }
0x23: {  	s9 =	sor.u32 $0xD0000000, s2;
	s6 =	simm.s32 $0x108;
	_ =	swait.ge @!p0 [sflag:s8], $0x0  }
0x24: {  	s3 =	sadd.s32 $0x88, s3;
	s6 =	simm.s32 @!p1 $0x1082;
	[sflag:s4] =	ssyncset.s32 $0xFFFFF086  }
0x25: {  	[simem:s6], [sflag:s4] =	dma.local [hbm:s3], $0xF7A  }
0x26: {  	[smem:$0x3F9E] =	sst s1;
	(tag) =	ssettag s2;
	_ =	strace s9  }
0x27: {  	s1 =	sld [smem:$0x3FAE]  }
0x28: {  	s2 =	sld [smem:$0x3FAF]  }
0x29: {  	s4 =	sld [smem:$0x3FB1]  }
0x2a: {  	p0 =	seq.s32 s5, $0x0;
	s5 =	sld [smem:$0x3FB2]  }
0x2b: {  	s6 =	sld [smem:$0x3FB3]  }
0x2c: {  	s7 =	sld [smem:$0x3FB4]  }
0x2d: {  	s3 =	simm.s32 $0x108;
	s8 =	sld [smem:$0x3FB5]  }
0x2e: {  	s3 =	simm.s32 @!p0 $0x1082;
	s9 =	sld [smem:$0x3FB6]  }
0x2f: {  	lr =	sadd.s32 s0, s3;
	s0 =	sld [smem:$0x3FAD]  }
0x30: {  	s3 =	sld [smem:$0x3FB0]  }
0x31: {  	[smem:$0x3FB9] =	sst s10  }
0x32: {  	s10 =	sld [smem:$0x3FB7];
	_ =	sdelay $0x3  }
0x33: {  	p0 =	seq.s32 s10, $0x1;
	s10 =	sld [smem:$0x3FB9];
	_ =	sdelay $0x3  }
0x34: {  	[smem:$0x3FB9] =	sst s10  }
0x35: {  	s10 =	sld [smem:$0x3FB8];
	_ =	sdelay $0x3  }
0x36: {  	p1 =	seq.s32 s10, $0x1;
	s10 =	sld [smem:$0x3FB9];
	_ =	sdelay $0x3  }
0x37: {  	[smem:$0x3FB9] =	sst s10  }
0x38: {  	s10 =	sld [smem:$0x3FBA]  }
0x39: {  	_ = 	snop;
	(pc) =	sbr.ind lr, $3  }
0x3a: {  	_ = 	snop  }
0x3b: {  	_ = 	snop  }
0x3c: {  	p2 =	seq.s32 s10, $0x1;
	s10 =	sld [smem:$0x3FB9]  }
0x3d: {  	_ =	shalt  }
0x3e: {  	_ =	shalt  }
0x3f: {  	_ =	shalt  }
0x40: {  	_ =	shalt  }
0x41: {  	_ =	shalt  }
0x42: {  	_ =	shalt  }
0x43: {  	_ =	shalt  }
0x44: {  	_ =	shalt  }
0x45: {  	_ =	shalt  }
0x46: {  	_ =	shalt  }
0x47: {  	_ =	shalt  }
0x48: {  	_ =	shalt  }
0x49: {  	_ =	shalt  }
0x4a: {  	_ =	shalt  }
0x4b: {  	_ =	shalt  }
0x4c: {  	_ =	shalt  }
0x4d: {  	_ =	shalt  }
0x4e: {  	_ =	shalt  }
0x4f: {  	_ =	shalt  }
0x50: {  	_ =	shalt  }
0x51: {  	_ =	shalt  }
0x52: {  	_ =	shalt  }
0x53: {  	_ =	shalt  }
0x54: {  	_ =	shalt  }
0x55: {  	_ =	shalt  }
0x56: {  	_ =	shalt  }
0x57: {  	_ =	shalt  }
0x58: {  	_ =	shalt  }
0x59: {  	_ =	shalt  }
0x5a: {  	_ =	shalt  }
0x5b: {  	_ =	shalt  }
0x5c: {  	_ =	shalt  }
0x5d: {  	_ =	shalt  }
0x5e: {  	_ =	shalt  }
0x5f: {  	_ =	shalt  }
0x60: {  	_ =	shalt  }
0x61: {  	_ =	shalt  }
0x62: {  	_ =	shalt  }
0x63: {  	_ =	shalt  }
0x64: {  	_ =	shalt  }
0x65: {  	_ =	shalt  }
0x66: {  	_ =	shalt  }
0x67: {  	_ =	shalt  }
0x68: {  	_ =	shalt  }
0x69: {  	_ =	shalt  }
0x6a: {  	_ =	shalt  }
0x6b: {  	_ =	shalt  }
0x6c: {  	_ =	shalt  }
0x6d: {  	_ =	shalt  }
0x6e: {  	_ =	shalt  }
0x6f: {  	_ =	shalt  }
0x70: {  	_ =	shalt  }
0x71: {  	_ =	shalt  }
0x72: {  	_ =	shalt  }
0x73: {  	_ =	shalt  }
0x74: {  	_ =	shalt  }
0x75: {  	_ =	shalt  }
0x76: {  	_ =	shalt  }
0x77: {  	_ =	shalt  }
0x78: {  	_ =	shalt  }
0x79: {  	_ =	shalt  }
0x7a: {  	_ =	shalt  }
0x7b: {  	_ =	shalt  }
0x7c: {  	_ =	shalt  }
0x7d: {  	_ =	shalt  }
0x7e: {  	_ =	shalt  }
0x7f: {  	_ =	shalt  }
0x80: {  	_ =	shalt  }
0x81: {  	_ =	shalt  }
0x82: {  	_ =	shalt  }
0x83: {  	_ =	shalt  }
0x84: {  	_ =	shalt  }
0x85: {  	_ =	shalt  }
0x86: {  	_ =	shalt  }
0x87: {  	_ =	shalt  }
.Lfunc_end0:
.L_simem_size_0:
called_computation_lowered:
.L_overlay_start_0:
0x88: {  	s2 =	sld [smem:$0x3FD9]  }
0x89: {  	s3 =	sld [smem:$0x3FFE];
	_ =	sdelay $0x1  }
0x8a: {  	s1 =	srdreg.scid  }
0x8b: {  	s0 =	sand.u32 $0x1, s1  }
0x8c: {  	s17 =	sshll.u32 s0, $0xA;
	s2 =	sadd.s32 s3, s2  }
0x8d: {  	s2 =	sadd.s32 s2, s17  }
0x8e: {  	[smem:$0x3FC5] =	sst s2  }
0x8f: {  	_ = 	snop  }
0x90: {  	s2 =	sld [smem:$0x3FC9];
	(tm) =	ssettm $0x1  }
0x91: {  	s18 =	sld [smem:$0x3FFB];
	_ =	sdelay $0x3  }
0x92: {  	_ =	strace s18  }
0x93: {  	s3 =	sld [smem:$0x3FFC];
	_ =	sdelay $0x3  }
0x94: {  	_ =	strace s3  }
0x95: {  	s3 =	sld [smem:$0x3FFD];
	_ =	sdelay $0x3  }
0x96: {  	_ =	strace s3  }
0x97: {  	_ =	strace $0x8FFFFFFF  }
0x98: {  	s19 =	sld [smem:$0x3FDB];
	_ =	sdelay $0x1  }
0x99: {  	s4 =	simm.s32 $_scs_section_size  }
0x9a: {  	s5 =	simm.s32 $_size__tile_overlayer_lowered;
	s6 =	simm.s32 $_tile_overlayer_lowered  }
0x9b: {  	s22 =	simm.s32 $0x1BFF;
	s21 =	sshll.u32 s6, $0x1;
	s3 =	sadd.s32 s4, s19  }
0x9c: {  	s7 =	simm.s32 $0x0;
	s20 =	sshll.u32 s5, $0x1;
	s5 =	sadd.s32 s21, s3  }
0x9d: {  	[timem:s7], [sflag:s22] =	dma.local [hbm:s5], s20  }
0x9e: {  	_ =	swait.ge [sflag:s22], s20  }
0x9f: {  	s4 =	ssub.s32 $0x0, s20;
	[sflag:s22] =	ssyncset.done $0x0  }
0xa0: {  	[sflag:s22] =	ssyncadd.s32 s4;
	_ =	sdelay $0x1  }
0xa1: {  	s23 =	simm.s32 $0x1B8B  }
0xa2: {  	_ =	swait.ge [sflag:s23], $0x1  }
0xa3: {  	[sflag:s23] =	ssyncset.done $0x0  }
0xa4: {  	s25 =	simm.s32 $0x1B8E;
	s24 =	sld [smem:$0x3FFE];
	[sflag:s23] =	ssyncadd.s32 $0xFFFFFFFF  }
0xa5: {  	s26 =	simm.s32 $execute0_lowered;
	[smem:$0x3FD2] =	sst s25  }
0xa6: {  	s5 =	sshll.u32 s26, $0x1;
	_ =	strace $0x80000046;
	[dreg:$0x1] =	wrdreg $0xFFFFFFFF  }
0xa7: {  	s28 =	simm.s32 $_size_execute0_lowered;
	s3 =	sadd.s32 s3, s5;
	[dreg:$0x0] =	wrdreg $0x0  }
0xa8: {  	s5 =	sshll.u32 s28, $0x1;
	[dreg:$0x2] =	wrdreg s3  }
0xa9: {  	[dreg:$0x3] =	wrdreg s5  }
0xaa: {  	[dreg:$0x4] =	wrdreg $0xC0  }
0xab: {  	_ =	task [dreg:s7], $0x5FFFF  }
0xac: {  	[dreg:$0x1] =	wrdreg $0xFFFFFFFF  }
0xad: {  	[dreg:$0x0] =	wrdreg $0x60  }
0xae: {  	[dreg:$0x2] =	wrdreg s2  }
0xaf: {  	[dreg:$0x3] =	wrdreg s24  }
0xb0: {  	[dreg:$0x4] =	wrdreg $0x9  }
0xb1: {  	_ =	task.clear_ibuf [dreg:s7], $0x5FFFF;
	_ =	strace $0x90000046  }
0xb2: {  	s29 =	simm.s32 $0x9;
	_ =	strace $0x80000048  }
0xb3: {  	_ =	swait.ge [sflag:s29], $0x1  }
0xb4: {  	[sflag:s29] =	ssyncadd.s32 $0xFFFFFFFF  }
0xb5: {  	_ =	strace $0x90000048  }
0xb6: {  	_ =	sfence  }
0xb7: {  	s30 =	sld [smem:$0x0];
	_ =	sdelay $0x2  }
0xb8: {  	s31 =	sshll.u32 s1, $0xD;
	s1 =	sshrl.u32 s1, $0x2  }
0xb9: {  	s3 =	sand.u32 $0x4000, s31;
	s1 =	sadd.s32 s1, s30  }
0xba: {  	s0 =	sor.u32 s3, s0;
	s1 =	sshll.u32 s1, $0x11  }
0xbb: {  	s0 =	sor.u32 s1, s0  }
0xbc: {  	s0 =	sadd.s32 $0x8F2B, s0  }
0xbd: {  	[sflag:s0] =	ssyncadd.remote.s32 $0x1  }
0xbe: {  	_ =	sfence.sel $0xFFFF  }
0xbf: {  	[dreg:$0x0] =	wrdreg $0xFFFFFFFF;
	(pc) =	sbr.abs _section_cstart, $3  }
0xc0: {  	[dreg:$0x1] =	wrdreg $0xFFFFFFFF  }
0xc1: {  	_ =	task.clear_ibuf [dreg:s7], $0x2FFFF;
	_ =	strace $0x9FFFFFFF  }
0xc2: {  	(tm) =	ssettm $0x7FFFFFFF  }
0xc3: {  	_ =	shalt  }
tec
execute0_lowered:
.L_overlay_start_1:
0x0: {  	(tag) =	ssettag $0x1  }
0x1: {  	s1 =	rddreg [dreg:$0x0]  }
0x2: {  	s0 =	rddreg [dreg:$0x1];
	s2 =	srdreg.scid;
	s3 =	simm.s32 $0x0  }
0x3: {  	s6 =	stileid.u32;
	s10 =	simm.s32 $0x3;
	s11 =	simm.s32 $0x4  }
0x4: {  	s12 =	simm.s32 $0x400;
	s13 =	simm.s32 $0xC00;
	s14 =	simm.s32 $0x1400  }
0x5: {  	s15 =	simm.s32 $0x1C00;
	s16 =	simm.s32 $0x2400;
	s17 =	simm.s32 $0x2C00  }
0x6: {  	s18 =	simm.s32 $0x3400;
	s19 =	simm.s32 $0x3C00;
	s20 =	simm.s32 $0x4400  }
0x7: {  	s21 =	simm.s32 $0x4C00;
	s22 =	simm.s32 $0x5400;
	s23 =	simm.s32 $0x5C00  }
0x8: {  	s28 =	simm.s32 $0x7C00;
	s29 =	simm.s32 $0x1;
	s30 =	simm.s32 $0x2  }
0x9: {  	s9 =	simm.s32 $0x0;
	s2 =	sand.u32 $0x1, s2;
	[smem:$0x7FF] =	sst s3  }
0xa: {  	s4 =	sshll.u32 s6, $0x7;
	s24 =	sshll.u32 s6, $0x1;
	s5 =	sshll.u32 s2, $0x6  }
0xb: {  	_ =	strace $0x80000047;
	s4 =	sor.u32 s5, s4;
	s5 =	sor.u32 s2, s24  }
0xc: {  	s2 =	ssub.s32 $0x2, s2;
	s24 =	simm.s32 $0x6400;
	s4 =	sadd.s32 s4, s0  }
0xd: {  	s25 =	sshll.u32 s5, $0x6;
	s5 =	sshll.u32 s5, $0x5;
	s7 =	sshrl.u32 s2, $0x1  }
0xe: {  	v2 =	vlaneseq.u32;
	s6 =	sadd.s32 s25, s0;
	s0 =	sadd.s32 s5, s0;
	s26 =	sadd.s32 $0xC00, s4  }
0xf: {  	v0 =	vand.u32 $0x7, v2;
	v1 =	vshrl.u32 v2, $0x3;
	s2 =	ssub.s32 s2, s7;
	s4 =	sadd.s32 $0x1400, s4;
	[dreg:$0x3] =	wrdreg s26  }
0x10: {  	v2 =	vor.u32 $0x8, v2;
	v1 =	vmul.u32 $0x8, v1;
	[tilespmem:$0x1FFD0] =	vst v0;
	s25 =	simm.s32 $0x6C00;
	[dreg:$0x4] =	wrdreg s4;
	s31 =	sadd.s32 $0x1C00, s6  }
0x11: {  	[tilespmem:$0x1FFF0] =	vst v2;
	s0 =	sadd.s32 $0x2400, s0;
	s8 =	smax.u32 s2, $0x1;
	[dreg:$0x5] =	wrdreg s31  }
0x12: {  	vm0 =	vmmov $0xffff;
	[tilespmem:$0x1FFE0] =	vst v1;
	s26 =	simm.s32 $0x7400;
	[dreg:$0x6] =	wrdreg s0;
	s0 =	simm.s32 $0x5  }
.LBB2_1:
0x13: {  	s2 =	rddreg [dreg:$0x3]  }
0x14: {  	[tilespmem:s3], [sflag:$0x3] =	stream.linear.gather [hbm4b:s2+s3], $0x200, $0x38;
	[tilespmem:$0x8700] =	vst v63  }
0x15: {  	s5 =	rddreg [dreg:$0x4];
	s4 =	simm.s32 $0x200  }
0x16: {  	[tilespmem:s4], [sflag:$0x4] =	stream.linear.gather [hbm4b:s5+s3], $0x200, $0x38;
	[tilespmem:$0x8700] =	vst v63  }
0x17: {  	_ =	swait.ge [sflag:s10], $0x200  }
0x18: {  	[sflag:s10] =	ssyncset.done $0x0  }
0x19: {  	[sflag:s10] =	ssyncadd.s32 $0xFFFFFE00  }
0x1a: {  	_ =	swait.ge [sflag:s11], $0x200  }
0x1b: {  	[sflag:s11] =	ssyncset.done $0x0  }
0x1c: {  	[sflag:s11] =	ssyncadd.s32 $0xFFFFFE00  }
0x1d: {  	v3 =	vld [tilespmem:$0x0];
	_ =	sdelay $0x4  }
0x1e: {  	v4 =	vshll.u32 v3, $0x1  }
0x1f: {  	v3 =	vand.u32 $0x7, v3;
	v4 =	vand.u32 $0xFFFFFFF0, v4  }
0x20: {  	v3 =	vor.u32 v3, v4  }
0x21: {  	v4 =	vperm.xlane v3, v0;
	_ =	sdelay $0x1  }
0x22: {  	v3 =	vperm.xlane v3, v2;
	v4 =	vadd.s32 v1, v4;
	_ =	sdelay $0x1  }
0x23: {  	v3 =	vadd.s32 v1, v3;
	_ =	sdelay $0x2  }
0x24: {  	[tilespmem:s12], [sflag:$0x1] =	stream.indirect_vreg.gather [hbm4b:s1+s3], $0x80, v4, vm0, $0xb8;
	[tilespmem:$0x8700] =	vst v63  }
0x25: {  	_ = 	snop  }
0x26: {  	[tilespmem:s13], [sflag:$0x1] =	stream.indirect_vreg.gather [hbm4b:s1+s3], $0x80, v3, vm0, $0xb8;
	[tilespmem:$0x8700] =	vst v63  }
0x27: {  	v3 =	vld [tilespmem:$0x10];
	_ =	sdelay $0x4  }
0x28: {  	v4 =	vshll.u32 v3, $0x1  }
0x29: {  	v3 =	vand.u32 $0x7, v3;
	v4 =	vand.u32 $0xFFFFFFF0, v4  }
0x2a: {  	v3 =	vor.u32 v3, v4  }
0x2b: {  	v4 =	vperm.xlane v3, v0;
	_ =	sdelay $0x1  }
0x2c: {  	v3 =	vperm.xlane v3, v2;
	v4 =	vadd.s32 v1, v4;
	_ =	sdelay $0x1  }
0x2d: {  	v3 =	vadd.s32 v1, v3;
	_ =	sdelay $0x2  }
0x2e: {  	[tilespmem:s14], [sflag:$0x1] =	stream.indirect_vreg.gather [hbm4b:s1+s3], $0x80, v4, vm0, $0xb8;
	[tilespmem:$0x8700] =	vst v63  }
0x2f: {  	_ = 	snop  }
0x30: {  	[tilespmem:s15], [sflag:$0x1] =	stream.indirect_vreg.gather [hbm4b:s1+s3], $0x80, v3, vm0, $0xb8;
	[tilespmem:$0x8700] =	vst v63  }
0x31: {  	v3 =	vld [tilespmem:$0x20];
	_ =	sdelay $0x4  }
0x32: {  	v4 =	vshll.u32 v3, $0x1  }
0x33: {  	v3 =	vand.u32 $0x7, v3;
	v4 =	vand.u32 $0xFFFFFFF0, v4  }
0x34: {  	v3 =	vor.u32 v3, v4  }
0x35: {  	v4 =	vperm.xlane v3, v0;
	_ =	sdelay $0x1  }
0x36: {  	v3 =	vperm.xlane v3, v2;
	v4 =	vadd.s32 v1, v4;
	_ =	sdelay $0x1  }
0x37: {  	v3 =	vadd.s32 v1, v3;
	_ =	sdelay $0x2  }
0x38: {  	[tilespmem:s16], [sflag:$0x1] =	stream.indirect_vreg.gather [hbm4b:s1+s3], $0x80, v4, vm0, $0xb8;
	[tilespmem:$0x8700] =	vst v63  }
0x39: {  	_ = 	snop  }
0x3a: {  	[tilespmem:s17], [sflag:$0x1] =	stream.indirect_vreg.gather [hbm4b:s1+s3], $0x80, v3, vm0, $0xb8;
	[tilespmem:$0x8700] =	vst v63  }
0x3b: {  	v3 =	vld [tilespmem:$0x30];
	_ =	sdelay $0x4  }
0x3c: {  	v4 =	vshll.u32 v3, $0x1  }
0x3d: {  	v3 =	vand.u32 $0x7, v3;
	v4 =	vand.u32 $0xFFFFFFF0, v4  }
0x3e: {  	v3 =	vor.u32 v3, v4  }
0x3f: {  	v4 =	vperm.xlane v3, v0;
	_ =	sdelay $0x1  }
0x40: {  	v3 =	vperm.xlane v3, v2;
	v4 =	vadd.s32 v1, v4;
	_ =	sdelay $0x1  }
0x41: {  	v3 =	vadd.s32 v1, v3;
	_ =	sdelay $0x2  }
0x42: {  	[tilespmem:s18], [sflag:$0x1] =	stream.indirect_vreg.gather [hbm4b:s1+s3], $0x80, v4, vm0, $0xb8;
	[tilespmem:$0x8700] =	vst v63  }
0x43: {  	_ = 	snop  }
0x44: {  	[tilespmem:s19], [sflag:$0x1] =	stream.indirect_vreg.gather [hbm4b:s1+s3], $0x80, v3, vm0, $0xb8;
	[tilespmem:$0x8700] =	vst v63  }
0x45: {  	v3 =	vld [tilespmem:$0x80];
	_ =	sdelay $0x4  }
0x46: {  	v4 =	vshll.u32 v3, $0x1  }
0x47: {  	v3 =	vand.u32 $0x7, v3;
	v4 =	vand.u32 $0xFFFFFFF0, v4  }
0x48: {  	v3 =	vor.u32 v3, v4  }
0x49: {  	v4 =	vperm.xlane v3, v0;
	_ =	sdelay $0x1  }
0x4a: {  	v3 =	vperm.xlane v3, v2;
	v4 =	vadd.s32 v1, v4;
	_ =	sdelay $0x1  }
0x4b: {  	v3 =	vadd.s32 v1, v3;
	_ =	sdelay $0x2  }
0x4c: {  	[tilespmem:s20], [sflag:$0x2] =	stream.indirect_vreg.gather [hbm4b:s1+s3], $0x80, v4, vm0, $0xb8;
	[tilespmem:$0x8700] =	vst v63  }
0x4d: {  	_ = 	snop  }
0x4e: {  	[tilespmem:s21], [sflag:$0x2] =	stream.indirect_vreg.gather [hbm4b:s1+s3], $0x80, v3, vm0, $0xb8;
	[tilespmem:$0x8700] =	vst v63  }
0x4f: {  	v3 =	vld [tilespmem:$0x90];
	_ =	sdelay $0x4  }
0x50: {  	v4 =	vshll.u32 v3, $0x1  }
0x51: {  	v3 =	vand.u32 $0x7, v3;
	v4 =	vand.u32 $0xFFFFFFF0, v4  }
0x52: {  	v3 =	vor.u32 v3, v4  }
0x53: {  	v4 =	vperm.xlane v3, v0;
	_ =	sdelay $0x1  }
0x54: {  	v3 =	vperm.xlane v3, v2;
	v4 =	vadd.s32 v1, v4;
	_ =	sdelay $0x1  }
0x55: {  	v3 =	vadd.s32 v1, v3;
	_ =	sdelay $0x2  }
0x56: {  	[tilespmem:s22], [sflag:$0x2] =	stream.indirect_vreg.gather [hbm4b:s1+s3], $0x80, v4, vm0, $0xb8;
	[tilespmem:$0x8700] =	vst v63  }
0x57: {  	_ = 	snop  }
0x58: {  	[tilespmem:s23], [sflag:$0x2] =	stream.indirect_vreg.gather [hbm4b:s1+s3], $0x80, v3, vm0, $0xb8;
	[tilespmem:$0x8700] =	vst v63  }
0x59: {  	v3 =	vld [tilespmem:$0xA0];
	_ =	sdelay $0x4  }
0x5a: {  	v4 =	vshll.u32 v3, $0x1  }
0x5b: {  	v3 =	vand.u32 $0x7, v3;
	v4 =	vand.u32 $0xFFFFFFF0, v4  }
0x5c: {  	v3 =	vor.u32 v3, v4  }
0x5d: {  	v4 =	vperm.xlane v3, v0;
	_ =	sdelay $0x1  }
0x5e: {  	v3 =	vperm.xlane v3, v2;
	v4 =	vadd.s32 v1, v4;
	_ =	sdelay $0x1  }
0x5f: {  	v3 =	vadd.s32 v1, v3;
	_ =	sdelay $0x2  }
0x60: {  	[tilespmem:s24], [sflag:$0x2] =	stream.indirect_vreg.gather [hbm4b:s1+s3], $0x80, v4, vm0, $0xb8;
	[tilespmem:$0x8700] =	vst v63  }
0x61: {  	_ = 	snop  }
0x62: {  	[tilespmem:s25], [sflag:$0x2] =	stream.indirect_vreg.gather [hbm4b:s1+s3], $0x80, v3, vm0, $0xb8;
	[tilespmem:$0x8700] =	vst v63  }
0x63: {  	v3 =	vld [tilespmem:$0xB0];
	_ =	sdelay $0x4  }
0x64: {  	v4 =	vshll.u32 v3, $0x1  }
0x65: {  	v3 =	vand.u32 $0x7, v3;
	v4 =	vand.u32 $0xFFFFFFF0, v4  }
0x66: {  	v3 =	vor.u32 v3, v4  }
0x67: {  	v4 =	vperm.xlane v3, v0;
	_ =	sdelay $0x1  }
0x68: {  	v3 =	vperm.xlane v3, v2;
	v4 =	vadd.s32 v1, v4;
	_ =	sdelay $0x1  }
0x69: {  	v3 =	vadd.s32 v1, v3;
	_ =	sdelay $0x2  }
0x6a: {  	[tilespmem:s26], [sflag:$0x2] =	stream.indirect_vreg.gather [hbm4b:s1+s3], $0x80, v4, vm0, $0xb8;
	[tilespmem:$0x8700] =	vst v63  }
0x6b: {  	_ = 	snop  }
0x6c: {  	[tilespmem:s28], [sflag:$0x2] =	stream.indirect_vreg.gather [hbm4b:s1+s3], $0x80, v3, vm0, $0xb8;
	[tilespmem:$0x8700] =	vst v63  }
0x6d: {  	_ =	swait.ge [sflag:s29], $0x4000  }
0x6e: {  	s6 =	sand.u32 $0x3800, s3;
	s7 =	sand.u32 $0x300, s3;
	[sflag:s29] =	ssyncset.done $0x0  }
0x6f: {  	s31 =	sor.u32 s7, s6;
	[sflag:s29] =	ssyncadd.s32 $0xFFFFC000  }
0x70: {  	v11 =	vld [tilespmem:s31+$0x880]  }
0x71: {  	v3 =	vld [tilespmem:s31+$0x8C0]  }
0x72: {  	v4 =	vld [tilespmem:s31+$0x4D0]  }
0x73: {  	v6 =	vld [tilespmem:s31+$0x4C0]  }
0x74: {  	v7 =	vld [tilespmem:s31+$0x420]  }
0x75: {  	v13 =	vld [tilespmem:s31+$0x820]  }
0x76: {  	v12 =	vld [tilespmem:s31+$0x400]  }
0x77: {  	v17 =	vld [tilespmem:s31+$0x4A0]  }
0x78: {  	v14 =	vld [tilespmem:s31+$0x800]  }
0x79: {  	v18 =	vld [tilespmem:s31+$0x840]  }
0x7a: {  	v15 =	vld [tilespmem:s31+$0x810]  }
0x7b: {  	v21 =	vld [tilespmem:s31+$0x460]  }
0x7c: {  	v22 =	vld [tilespmem:s31+$0x850]  }
0x7d: {  	v30 =	vld [tilespmem:s31+$0x450]  }
0x7e: {  	v5 =	vimm.f32 $0.0e+00;
	v49 =	vimm.f32 $0.0e+00;
	v40 =	vimm.f32 $0.0e+00;
	v33 =	vld [tilespmem:s31+$0x480]  }
0x7f: {  	v35 =	vld [tilespmem:s31+$0x830];
	v16 =	vmul.f32 v12, v12;
	v19 =	vmul.f32 v14, v14;
	v14 =	vadd.f32 v14, v5  }
0x80: {  	v50 =	vld [tilespmem:s31+$0x430];
	v20 =	vmul.f32 v6, v6;
	v28 =	vadd.f32 v12, v5;
	v29 =	vadd.f32 v15, v5  }
0x81: {  	v36 =	vld [tilespmem:s31+$0x470];
	v23 =	vadd.f32 v18, v5;
	v32 =	vmul.f32 v15, v15;
	v15 =	vadd.f32 v7, v5  }
0x82: {  	v24 =	vld [tilespmem:s31+$0x890];
	v25 =	vadd.f32 v13, v5;
	v31 =	vmul.f32 v4, v4;
	v38 =	vmul.f32 v22, v22  }
0x83: {  	v26 =	vld [tilespmem:s31+$0x410];
	v7 =	vmul.f32 v7, v7;
	v52 =	vmul.f32 v30, v30;
	v16 =	vadd.f32 v16, v5  }
0x84: {  	v10 =	vld [tilespmem:s31+$0x4F0];
	v44 =	vadd.f32 v21, v5;
	v47 =	vmul.f32 v17, v17;
	v13 =	vmul.f32 v13, v13  }
0x85: {  	v9 =	vld [tilespmem:s31+$0x490];
	v46 =	vmul.f32 v18, v18;
	v42 =	vmul.f32 v33, v33;
	v16 =	vadd.f32 v19, v16  }
0x86: {  	v43 =	vld [tilespmem:s31+$0x860];
	v34 =	vadd.f32 v35, v5;
	v51 =	vmul.f32 v50, v50;
	v55 =	vmul.f32 v36, v36  }
0x87: {  	v27 =	vld [tilespmem:s31+$0x440];
	v12 =	vadd.f32 v11, v14;
	v19 =	vmul.f32 v3, v3;
	v16 =	vadd.f32 v20, v16  }
0x88: {  	v8 =	vld [tilespmem:s31+$0x8E0];
	v14 =	vadd.f32 v24, v29;
	v29 =	vadd.f32 v26, v5;
	v26 =	vmul.f32 v26, v26  }
0x89: {  	v15 =	vadd.f32 v17, v15;
	v19 =	vadd.f32 v19, v16;
	v16 =	vmul.f32 v21, v21  }
0x8a: {  	v53 =	vld [tilespmem:s31+$0x870];
	v18 =	vimm.f32 $0.0e+00;
	v7 =	vadd.f32 v7, v5;
	v21 =	vadd.f32 v26, v5  }
0x8b: {  	v37 =	vld [tilespmem:s31+$0x4E0];
	v20 =	vmul.f32 v10, v10;
	v26 =	vadd.f32 v43, v5;
	v45 =	vadd.f32 v16, v5  }
0x8c: {  	v41 =	vld [tilespmem:s31+$0x8D0];
	v16 =	vadd.f32 v9, v29;
	v29 =	vmul.f32 v27, v27;
	v39 =	vadd.f32 v32, v21  }
0x8d: {  	v54 =	vld [tilespmem:s31+$0x4B0];
	v17 =	vadd.f32 v8, v26;
	v26 =	vadd.f32 v33, v28;
	v33 =	vimm.f32 $0.0e+00  }
0x8e: {  	v21 =	vld [tilespmem:s31+$0x8B0];
	v28 =	vimm.f32 $0.0e+00;
	v48 =	vadd.f32 v29, v5;
	v29 =	vadd.f32 v36, v5  }
0x8f: {  	s2 =	simm.s32 $0x200;
	s4 =	simm.s32 $0x100;
	v32 =	vld [tilespmem:s31+$0x8A0];
	v36 =	vadd.f32 v13, v7;
	v13 =	vimm.f32 $0.0e+00;
	v7 =	vimm.f32 $0.0e+00  }
.LBB2_2:
0x90: {  	s5 =	smov.u32 s4  }
0x91: {  	s6 =	sand.u32 $0x3800, s2;
	s7 =	sand.u32 $0x300, s4;
	v5 =	vadd.f32 v50, v5;
	v13 =	vadd.f32 v22, v13;
	v22 =	vmul.f32 v43, v43;
	s5 =	sadd.s32 $0x100, s4  }
0x92: {  	p0 =	sne.s32 s4, $0x1F00;
	v43 =	vadd.f32 v52, v49;
	v18 =	vadd.f32 v55, v18;
	v49 =	vmul.f32 v53, v53;
	v50 =	vld [tilespmem:s31+$0x8F0];
	s31 =	sor.u32 s7, s6  }
0x93: {  	v7 =	vadd.f32 v53, v7;
	v44 =	vadd.f32 v37, v44;
	v52 =	vld [tilespmem:s31+$0x880]  }
0x94: {  	v22 =	vadd.f32 v22, v45;
	v13 =	vadd.f32 v41, v13;
	v53 =	vld [tilespmem:s31+$0x8C0]  }
0x95: {  	v23 =	vadd.f32 v3, v23;
	v5 =	vadd.f32 v54, v5;
	v54 =	vmul.f32 v54, v54;
	v45 =	vld [tilespmem:s31+$0x4D0]  }
0x96: {  	v40 =	vadd.f32 v51, v40;
	v22 =	vadd.f32 v47, v22;
	v47 =	vmul.f32 v21, v21;
	v55 =	vld [tilespmem:s31+$0x4C0]  }
0x97: {  	v9 =	vmul.f32 v9, v9;
	v56 =	vadd.f32 v49, v18;
	v51 =	vld [tilespmem:s31+$0x420];
	v7 =	vadd.f32 v50, v7  }
0x98: {  	v35 =	vmul.f32 v35, v35;
	v38 =	vadd.f32 v38, v43;
	v18 =	vadd.f32 v46, v48;
	v49 =	vld [tilespmem:s31+$0x8E0]  }
0x99: {  	v30 =	vadd.f32 v30, v33;
	v43 =	vmul.f32 v24, v24;
	v33 =	vadd.f32 v54, v56;
	v46 =	vld [tilespmem:s31+$0x820];
	v3 =	vmovc v53  }
0x9a: {  	v31 =	vadd.f32 v31, v39;
	v39 =	vmul.f32 v32, v32;
	v24 =	vadd.f32 v42, v18;
	v48 =	vld [tilespmem:s31+$0x4A0]  }
0x9b: {  	v27 =	vadd.f32 v27, v28;
	v54 =	vmul.f32 v11, v11;
	v18 =	vadd.f32 v47, v33;
	v11 =	vmovc v52;
	v42 =	vld [tilespmem:s31+$0x400]  }
0x9c: {  	v38 =	vadd.f32 v9, v38;
	v9 =	vmul.f32 v41, v41;
	v39 =	vadd.f32 v39, v22;
	v56 =	vld [tilespmem:s31+$0x840]  }
0x9d: {  	v25 =	vadd.f32 v32, v25;
	v35 =	vadd.f32 v35, v40;
	v33 =	vmul.f32 v37, v37;
	v22 =	vld [tilespmem:s31+$0x800]  }
0x9e: {  	v34 =	vadd.f32 v21, v34;
	v32 =	vadd.f32 v9, v31;
	v9 =	vmul.f32 v8, v8;
	v8 =	vmovc v49;
	v41 =	vld [tilespmem:s31+$0x480]  }
0x9f: {  	v28 =	vadd.f32 v6, v27;
	v27 =	vadd.f32 v33, v36;
	v36 =	vmul.f32 v50, v50;
	v6 =	vmovc v55;
	v31 =	vld [tilespmem:s31+$0x810]  }
0xa0: {  	v20 =	vadd.f32 v20, v35;
	v33 =	vadd.f32 v4, v30;
	v4 =	vmovc v45;
	v37 =	vmul.f32 v42, v42;
	v47 =	vld [tilespmem:s31+$0x4F0]  }
0xa1: {  	v54 =	vadd.f32 v54, v24;
	v57 =	vadd.f32 v9, v27;
	v21 =	vld [tilespmem:s31+$0x8B0]  }
0xa2: {  	v40 =	vadd.f32 v36, v20;
	v19 =	vadd.f32 v37, v19;
	v27 =	vmul.f32 v22, v22;
	v9 =	vld [tilespmem:s31+$0x490]  }
0xa3: {  	v29 =	vadd.f32 v10, v29;
	v20 =	vmul.f32 v55, v6;
	v49 =	vadd.f32 v43, v38;
	v24 =	vld [tilespmem:s31+$0x890]  }
0xa4: {  	v12 =	vadd.f32 v22, v12;
	v35 =	vld [tilespmem:s31+$0x460];
	v19 =	vadd.f32 v27, v19  }
0xa5: {  	v26 =	vadd.f32 v42, v26;
	v27 =	vmul.f32 v53, v3;
	v36 =	vld [tilespmem:s31+$0x410];
	v10 =	vmov v47  }
0xa6: {  	v14 =	vadd.f32 v31, v14;
	v37 =	vmul.f32 v31, v31;
	v22 =	vld [tilespmem:s31+$0x850];
	v19 =	vadd.f32 v20, v19  }
0xa7: {  	v23 =	vadd.f32 v56, v23;
	v12 =	vadd.f32 v11, v12;
	v20 =	vmul.f32 v47, v10;
	v43 =	vld [tilespmem:s31+$0x860]  }
0xa8: {  	v15 =	vadd.f32 v51, v15;
	v31 =	vmul.f32 v45, v4;
	v30 =	vld [tilespmem:s31+$0x450];
	v19 =	vadd.f32 v27, v19  }
0xa9: {  	v25 =	vadd.f32 v46, v25;
	v14 =	vadd.f32 v24, v14;
	v27 =	vld [tilespmem:s31+$0x440];
	v38 =	vmul.f32 v35, v35  }
0xaa: {  	v44 =	vadd.f32 v35, v44;
	v16 =	vadd.f32 v36, v16;
	v36 =	vmul.f32 v36, v36;
	v35 =	vld [tilespmem:s31+$0x830]  }
0xab: {  	v15 =	vadd.f32 v48, v15;
	v50 =	vld [tilespmem:s31+$0x430];
	v45 =	vadd.f32 v38, v39  }
0xac: {  	v38 =	vmul.f32 v22, v22;
	v36 =	vadd.f32 v36, v32;
	v17 =	vadd.f32 v43, v17;
	v32 =	vld [tilespmem:s31+$0x8A0]  }
0xad: {  	v42 =	vmul.f32 v51, v51;
	v16 =	vadd.f32 v9, v16;
	v52 =	vmul.f32 v30, v30;
	v55 =	vld [tilespmem:s31+$0x470]  }
.Ltmp0:
0xae: {  	v47 =	vmul.f32 v48, v48;
	v58 =	vmul.f32 v27, v27;
	v39 =	vadd.f32 v37, v36;
	(pc) =	sbr.rel @p0 .LBB2_2-.Ltmp0, $4  }
0xaf: {  	v36 =	vmul.f32 v46, v46;
	v46 =	vmul.f32 v56, v56;
	v34 =	vadd.f32 v35, v34;
	v53 =	vld [tilespmem:s31+$0x870]  }
0xb0: {  	v56 =	vadd.f32 v42, v57;
	v42 =	vmul.f32 v41, v41;
	v17 =	vadd.f32 v8, v17;
	v37 =	vld [tilespmem:s31+$0x4E0]  }
0xb1: {  	v26 =	vadd.f32 v41, v26;
	v51 =	vmul.f32 v50, v50;
	v48 =	vadd.f32 v58, v54;
	v41 =	vld [tilespmem:s31+$0x8D0]  }
0xb2: {  	s2 =	sadd.s32 $0x200, s2;
	s4 =	smov.u32 s5;
	v36 =	vadd.f32 v36, v56;
	v29 =	vadd.f32 v55, v29;
	v55 =	vmul.f32 v55, v55;
	v54 =	vld [tilespmem:s31+$0x4B0]  }
0xb3: {  	v56 =	vld [tilespmem:$0x100];
	_ =	sdelay $0x4  }
0xb4: {  	v57 =	vshll.u32 v56, $0x1  }
0xb5: {  	v56 =	vand.u32 $0x7, v56;
	v57 =	vand.u32 $0xFFFFFFF0, v57  }
0xb6: {  	v56 =	vor.u32 v56, v57  }
0xb7: {  	v57 =	vperm.xlane v56, v0;
	_ =	sdelay $0x1  }
0xb8: {  	v56 =	vperm.xlane v56, v2;
	v57 =	vadd.s32 v1, v57;
	_ =	sdelay $0x1  }
0xb9: {  	v56 =	vadd.s32 v1, v56;
	_ =	sdelay $0x1  }
0xba: {  	s2 =	simm.s32 $0x0  }
0xbb: {  	v58 =	vld [tilespmem:s31+$0x8F0];
	[tilespmem:s12], [sflag:$0x1] =	stream.indirect_vreg.gather [hbm4b:s1+s2], $0x80, v57, vm0, $0xb8  }
0xbc: {  	_ = 	snop  }
0xbd: {  	[tilespmem:s13], [sflag:$0x1] =	stream.indirect_vreg.gather [hbm4b:s1+s2], $0x80, v56, vm0, $0xb8;
	[tilespmem:$0x8700] =	vst v63  }
0xbe: {  	v56 =	vld [tilespmem:$0x110];
	_ =	sdelay $0x4  }
0xbf: {  	v61 =	vshll.u32 v56, $0x1  }
0xc0: {  	v56 =	vand.u32 $0x7, v56;
	v57 =	vand.u32 $0xFFFFFFF0, v61  }
0xc1: {  	v56 =	vor.u32 v56, v57  }
0xc2: {  	v57 =	vperm.xlane v56, v0;
	_ =	sdelay $0x1  }
0xc3: {  	v56 =	vperm.xlane v56, v2;
	v57 =	vadd.s32 v1, v57;
	_ =	sdelay $0x1  }
0xc4: {  	v56 =	vadd.s32 v1, v56;
	_ =	sdelay $0x2  }
0xc5: {  	[tilespmem:s14], [sflag:$0x1] =	stream.indirect_vreg.gather [hbm4b:s1+s2], $0x80, v57, vm0, $0xb8;
	[tilespmem:$0x8700] =	vst v63  }
0xc6: {  	_ = 	snop  }
0xc7: {  	[tilespmem:s15], [sflag:$0x1] =	stream.indirect_vreg.gather [hbm4b:s1+s2], $0x80, v56, vm0, $0xb8;
	[tilespmem:$0x8700] =	vst v63  }
0xc8: {  	v56 =	vld [tilespmem:$0x120];
	_ =	sdelay $0x4  }
0xc9: {  	v62 =	vshll.u32 v56, $0x1  }
0xca: {  	v56 =	vand.u32 $0x7, v56;
	v57 =	vand.u32 $0xFFFFFFF0, v62  }
0xcb: {  	v56 =	vor.u32 v56, v57  }
0xcc: {  	v57 =	vperm.xlane v56, v0;
	_ =	sdelay $0x1  }
0xcd: {  	v56 =	vperm.xlane v56, v2;
	v57 =	vadd.s32 v1, v57;
	_ =	sdelay $0x1  }
0xce: {  	v56 =	vadd.s32 v1, v56;
	_ =	sdelay $0x2  }
0xcf: {  	[tilespmem:s16], [sflag:$0x1] =	stream.indirect_vreg.gather [hbm4b:s1+s2], $0x80, v57, vm0, $0xb8;
	[tilespmem:$0x8700] =	vst v63  }
0xd0: {  	_ = 	snop  }
0xd1: {  	[tilespmem:s17], [sflag:$0x1] =	stream.indirect_vreg.gather [hbm4b:s1+s2], $0x80, v56, vm0, $0xb8;
	[tilespmem:$0x8700] =	vst v63  }
0xd2: {  	v56 =	vld [tilespmem:$0x130];
	_ =	sdelay $0x4  }
0xd3: {  	v63 =	vshll.u32 v56, $0x1  }
0xd4: {  	v56 =	vand.u32 $0x7, v56;
	v57 =	vand.u32 $0xFFFFFFF0, v63  }
0xd5: {  	v56 =	vor.u32 v56, v57  }
0xd6: {  	v57 =	vperm.xlane v56, v0;
	_ =	sdelay $0x1  }
0xd7: {  	v56 =	vperm.xlane v56, v2;
	v57 =	vadd.s32 v1, v57;
	_ =	sdelay $0x1  }
0xd8: {  	v56 =	vadd.s32 v1, v56;
	_ =	sdelay $0x2  }
0xd9: {  	[tilespmem:s18], [sflag:$0x1] =	stream.indirect_vreg.gather [hbm4b:s1+s2], $0x80, v57, vm0, $0xb8;
	[tilespmem:$0x8700] =	vst v63  }
0xda: {  	_ = 	snop  }
0xdb: {  	[tilespmem:s19], [sflag:$0x1] =	stream.indirect_vreg.gather [hbm4b:s1+s2], $0x80, v56, vm0, $0xb8;
	[tilespmem:$0x8700] =	vst v63  }
0xdc: {  	v5 =	vadd.f32 v50, v5;
	_ =	swait.ge [sflag:s30], $0x4000  }
0xdd: {  	v13 =	vadd.f32 v22, v13;
	v59 =	vadd.f32 v52, v49;
	s4 =	sand.u32 $0x3800, s2;
	s2 =	sand.u32 $0x300, s2;
	[sflag:s30] =	ssyncset.done $0x0  }
0xde: {  	v22 =	vmul.f32 v43, v43;
	v40 =	vadd.f32 v51, v40;
	v46 =	vadd.f32 v46, v48;
	s31 =	sor.u32 s2, s4;
	[sflag:s30] =	ssyncadd.s32 $0xFFFFC000  }
0xdf: {  	v60 =	vadd.f32 v55, v18;
	v61 =	vadd.f32 v53, v7;
	v7 =	vld [tilespmem:s31+$0x4880]  }
0xe0: {  	v45 =	vadd.f32 v22, v45;
	v18 =	vadd.f32 v41, v13;
	v13 =	vld [tilespmem:s31+$0x48C0]  }
0xe1: {  	v22 =	vadd.f32 v54, v5;
	v63 =	vmul.f32 v54, v54;
	v54 =	vadd.f32 v3, v23;
	v3 =	vld [tilespmem:s31+$0x44D0]  }
0xe2: {  	v35 =	vmul.f32 v35, v35;
	v30 =	vadd.f32 v30, v33;
	v31 =	vadd.f32 v31, v39;
	v5 =	vld [tilespmem:s31+$0x44C0]  }
0xe3: {  	v27 =	vadd.f32 v27, v28;
	v34 =	vadd.f32 v21, v34;
	v62 =	vmul.f32 v53, v53;
	v50 =	vld [tilespmem:s31+$0x4420]  }
0xe4: {  	v44 =	vadd.f32 v37, v44;
	v38 =	vadd.f32 v38, v59;
	v57 =	vmul.f32 v9, v9;
	v9 =	vld [tilespmem:s31+$0x48E0]  }
0xe5: {  	v11 =	vmul.f32 v11, v11;
	v35 =	vadd.f32 v35, v40;
	v49 =	vadd.f32 v62, v60;
	v43 =	vld [tilespmem:s31+$0x4820]  }
0xe6: {  	v45 =	vadd.f32 v47, v45;
	v60 =	vmul.f32 v32, v32;
	v23 =	vadd.f32 v58, v61;
	v61 =	vld [tilespmem:s31+$0x4400]  }
0xe7: {  	v42 =	vadd.f32 v42, v46;
	v59 =	vadd.f32 v63, v49;
	v63 =	vmul.f32 v41, v41;
	v47 =	vld [tilespmem:s31+$0x44A0]  }
0xe8: {  	v48 =	vmul.f32 v37, v37;
	v20 =	vadd.f32 v20, v35;
	v39 =	vadd.f32 v60, v45;
	v45 =	vld [tilespmem:s31+$0x4800]  }
0xe9: {  	v49 =	vadd.f32 v32, v25;
	v41 =	vadd.f32 v63, v31;
	v31 =	vmul.f32 v58, v58;
	v52 =	vld [tilespmem:s31+$0x4840]  }
0xea: {  	v58 =	vadd.f32 v10, v29;
	v56 =	vmul.f32 v21, v21;
	v62 =	vadd.f32 v57, v38;
	v25 =	vld [tilespmem:s31+$0x4810]  }
0xeb: {  	v8 =	vmul.f32 v8, v8;
	v21 =	vadd.f32 v6, v27;
	v6 =	vadd.f32 v48, v36;
	v33 =	vld [tilespmem:s31+$0x4440]  }
0xec: {  	v24 =	vmul.f32 v24, v24;
	v27 =	vadd.f32 v4, v30;
	v28 =	vadd.f32 v56, v59;
	v55 =	vld [tilespmem:s31+$0x4480]  }
0xed: {  	v56 =	vadd.f32 v11, v42;
	v57 =	vadd.f32 v8, v6;
	v11 =	vld [tilespmem:s31+$0x44F0]  }
0xee: {  	v8 =	vadd.f32 v24, v62;
	v30 =	vld [tilespmem:s31+$0x4490];
	v4 =	vmul.f32 v61, v61;
	v40 =	vadd.f32 v61, v26  }
0xef: {  	v10 =	vmul.f32 v5, v5;
	v26 =	vld [tilespmem:s31+$0x4410];
	v53 =	vadd.f32 v25, v14;
	v15 =	vadd.f32 v50, v15  }
0xf0: {  	v29 =	vld [tilespmem:s31+$0x4890];
	v61 =	vmul.f32 v50, v50;
	v63 =	vmul.f32 v33, v33;
	v6 =	vadd.f32 v4, v19  }
0xf1: {  	v38 =	vld [tilespmem:s31+$0x4830];
	v19 =	vmul.f32 v45, v45;
	v4 =	vadd.f32 v31, v20;
	v15 =	vadd.f32 v47, v15  }
0xf2: {  	v24 =	vmul.f32 v13, v13;
	v20 =	vld [tilespmem:s31+$0x4460];
	v57 =	vadd.f32 v61, v57;
	v50 =	vadd.f32 v63, v56  }
0xf3: {  	v51 =	vld [tilespmem:s31+$0x4430];
	v37 =	vmul.f32 v25, v25;
	v32 =	vadd.f32 v55, v40;
	v6 =	vadd.f32 v19, v6  }
0xf4: {  	v62 =	vld [tilespmem:s31+$0x4470];
	v25 =	vmul.f32 v11, v11;
	v19 =	vadd.f32 v45, v12;
	v16 =	vadd.f32 v26, v16  }
0xf5: {  	v36 =	vld [tilespmem:s31+$0x48A0];
	v59 =	vmul.f32 v26, v26;
	v31 =	vadd.f32 v10, v6;
	v6 =	vadd.f32 v52, v54  }
0xf6: {  	v35 =	vmul.f32 v3, v3;
	v45 =	vld [tilespmem:s31+$0x4860];
	v14 =	vadd.f32 v7, v19;
	v19 =	vadd.f32 v29, v53  }
0xf7: {  	v12 =	vld [tilespmem:s31+$0x4850];
	v54 =	vmul.f32 v20, v20;
	v46 =	vadd.f32 v20, v44;
	v20 =	vadd.f32 v59, v41  }
0xf8: {  	v10 =	vld [tilespmem:s31+$0x4450];
	v16 =	vadd.f32 v30, v16;
	v59 =	vmul.f32 v43, v43;
	v44 =	vmul.f32 v55, v55  }
0xf9: {  	v26 =	vld [tilespmem:s31+$0x48B0];
	v55 =	vmul.f32 v62, v62;
	v24 =	vadd.f32 v24, v31;
	v31 =	vadd.f32 v43, v49  }
0xfa: {  	v53 =	vld [tilespmem:s31+$0x4870];
	v49 =	vmul.f32 v47, v47;
	v47 =	vmul.f32 v52, v52;
	v48 =	vadd.f32 v54, v39  }
0xfb: {  	v52 =	vmul.f32 v51, v51;
	v43 =	vld [tilespmem:s31+$0x48D0];
	v60 =	vadd.f32 v45, v17;
	v42 =	vadd.f32 v37, v20  }
0xfc: {  	v41 =	vmul.f32 v12, v12;
	v37 =	vadd.f32 v38, v34;
	v39 =	vld [tilespmem:s31+$0x44E0];
	v34 =	vadd.f32 v62, v58  }
0xfd: {  	s5 =	simm.s32 $0x100;
	s2 =	simm.s32 $0x200;
	v40 =	vadd.f32 v59, v57;
	v54 =	vld [tilespmem:s31+$0x44B0];
	v17 =	vmul.f32 v10, v10;
	v20 =	vadd.f32 v9, v60  }
.LBB2_4:
0xfe: {  	s4 =	smov.u32 s5  }
0xff: {  	s6 =	sand.u32 $0x3800, s2;
	s7 =	sand.u32 $0x300, s5;
	v22 =	vadd.f32 v51, v22;
	v12 =	vadd.f32 v12, v18;
	v18 =	vmul.f32 v45, v45;
	s4 =	sadd.s32 $0x100, s5  }
0x100: {  	p0 =	sne.s32 s5, $0x1F00;
	v8 =	vadd.f32 v17, v8;
	v17 =	vadd.f32 v55, v28;
	v28 =	vmul.f32 v53, v53;
	v45 =	vld [tilespmem:s31+$0x48F0];
	s31 =	sor.u32 s7, s6  }
0x101: {  	v23 =	vadd.f32 v53, v23;
	v46 =	vadd.f32 v39, v46;
	v51 =	vld [tilespmem:s31+$0x4880]  }
0x102: {  	v48 =	vadd.f32 v18, v48;
	v18 =	vadd.f32 v43, v12;
	v53 =	vld [tilespmem:s31+$0x48C0]  }
0x103: {  	v6 =	vadd.f32 v13, v6;
	v22 =	vadd.f32 v54, v22;
	v12 =	vmul.f32 v54, v54;
	v55 =	vld [tilespmem:s31+$0x44D0]  }
0x104: {  	v4 =	vadd.f32 v52, v4;
	v48 =	vadd.f32 v49, v48;
	v49 =	vmul.f32 v26, v26;
	v54 =	vld [tilespmem:s31+$0x44C0]  }
0x105: {  	v56 =	vadd.f32 v28, v17;
	v17 =	vmul.f32 v30, v30;
	v52 =	vld [tilespmem:s31+$0x4420];
	v23 =	vadd.f32 v45, v23  }
0x106: {  	v38 =	vmul.f32 v38, v38;
	v8 =	vadd.f32 v41, v8;
	v28 =	vadd.f32 v47, v50;
	v30 =	vld [tilespmem:s31+$0x48E0]  }
0x107: {  	v10 =	vadd.f32 v10, v27;
	v41 =	vmul.f32 v29, v29;
	v12 =	vadd.f32 v12, v56;
	v47 =	vld [tilespmem:s31+$0x4820];
	v13 =	vmovc v53  }
0x108: {  	v27 =	vadd.f32 v35, v42;
	v35 =	vmul.f32 v36, v36;
	v29 =	vadd.f32 v44, v28;
	v50 =	vld [tilespmem:s31+$0x44A0]  }
0x109: {  	v21 =	vadd.f32 v33, v21;
	v33 =	vmul.f32 v7, v7;
	v28 =	vadd.f32 v49, v12;
	v7 =	vmovc v51;
	v42 =	vld [tilespmem:s31+$0x4400]  }
0x10a: {  	v8 =	vadd.f32 v17, v8;
	v17 =	vadd.f32 v35, v48;
	v12 =	vmul.f32 v43, v43;
	v44 =	vld [tilespmem:s31+$0x4840]  }
0x10b: {  	v31 =	vadd.f32 v36, v31;
	v4 =	vadd.f32 v38, v4;
	v38 =	vmul.f32 v39, v39;
	v35 =	vld [tilespmem:s31+$0x4800]  }
0x10c: {  	v37 =	vadd.f32 v26, v37;
	v36 =	vadd.f32 v12, v27;
	v12 =	vmul.f32 v9, v9;
	v9 =	vmovc v30;
	v43 =	vld [tilespmem:s31+$0x4480]  }
0x10d: {  	v21 =	vadd.f32 v5, v21;
	v5 =	vmovc v54;
	v30 =	vadd.f32 v38, v40;
	v38 =	vmul.f32 v45, v45;
	v39 =	vld [tilespmem:s31+$0x4810]  }
0x10e: {  	v4 =	vadd.f32 v25, v4;
	v27 =	vadd.f32 v3, v10;
	v3 =	vmovc v55;
	v40 =	vmul.f32 v42, v42;
	v48 =	vld [tilespmem:s31+$0x44F0]  }
0x10f: {  	v56 =	vadd.f32 v33, v29;
	v57 =	vadd.f32 v12, v30;
	v26 =	vld [tilespmem:s31+$0x48B0]  }
0x110: {  	v4 =	vadd.f32 v38, v4;
	v10 =	vadd.f32 v40, v24;
	v12 =	vmul.f32 v35, v35;
	v30 =	vld [tilespmem:s31+$0x4490]  }
0x111: {  	v34 =	vadd.f32 v11, v34;
	v8 =	vadd.f32 v41, v8;
	v24 =	vmul.f32 v54, v5;
	v29 =	vld [tilespmem:s31+$0x4890]  }
0x112: {  	v14 =	vadd.f32 v35, v14;
	v38 =	vld [tilespmem:s31+$0x4460];
	v10 =	vadd.f32 v12, v10  }
0x113: {  	v33 =	vmul.f32 v53, v13;
	v32 =	vadd.f32 v42, v32;
	v40 =	vld [tilespmem:s31+$0x4410];
	v11 =	vmov v48  }
0x114: {  	v19 =	vadd.f32 v39, v19;
	v39 =	vmul.f32 v39, v39;
	v12 =	vld [tilespmem:s31+$0x4850];
	v24 =	vadd.f32 v24, v10  }
0x115: {  	v6 =	vadd.f32 v44, v6;
	v14 =	vadd.f32 v7, v14;
	v25 =	vmul.f32 v48, v11;
	v45 =	vld [tilespmem:s31+$0x4860]  }
0x116: {  	v15 =	vadd.f32 v52, v15;
	v35 =	vmul.f32 v55, v3;
	v10 =	vld [tilespmem:s31+$0x4450];
	v24 =	vadd.f32 v33, v24  }
0x117: {  	v31 =	vadd.f32 v47, v31;
	v19 =	vadd.f32 v29, v19;
	v33 =	vld [tilespmem:s31+$0x4440];
	v41 =	vmul.f32 v38, v38  }
0x118: {  	v46 =	vadd.f32 v38, v46;
	v16 =	vadd.f32 v40, v16;
	v40 =	vmul.f32 v40, v40;
	v38 =	vld [tilespmem:s31+$0x4830]  }
0x119: {  	v15 =	vadd.f32 v50, v15;
	v51 =	vld [tilespmem:s31+$0x4430];
	v48 =	vadd.f32 v41, v17  }
0x11a: {  	v41 =	vmul.f32 v12, v12;
	v40 =	vadd.f32 v40, v36;
	v20 =	vadd.f32 v45, v20;
	v36 =	vld [tilespmem:s31+$0x48A0]  }
0x11b: {  	v52 =	vmul.f32 v52, v52;
	v16 =	vadd.f32 v30, v16;
	v17 =	vmul.f32 v10, v10;
	v54 =	vld [tilespmem:s31+$0x4470]  }
.Ltmp1:
0x11c: {  	v49 =	vmul.f32 v50, v50;
	v55 =	vmul.f32 v33, v33;
	v42 =	vadd.f32 v39, v40;
	(pc) =	sbr.rel @p0 .LBB2_4-.Ltmp1, $4  }
0x11d: {  	v40 =	vmul.f32 v47, v47;
	v47 =	vmul.f32 v44, v44;
	v37 =	vadd.f32 v38, v37;
	v53 =	vld [tilespmem:s31+$0x4870]  }
0x11e: {  	v57 =	vadd.f32 v52, v57;
	v44 =	vmul.f32 v43, v43;
	v20 =	vadd.f32 v9, v20;
	v39 =	vld [tilespmem:s31+$0x44E0]  }
0x11f: {  	v32 =	vadd.f32 v43, v32;
	v52 =	vmul.f32 v51, v51;
	v50 =	vadd.f32 v55, v56;
	v43 =	vld [tilespmem:s31+$0x48D0]  }
0x120: {  	s2 =	sadd.s32 $0x200, s2;
	s5 =	smov.u32 s4;
	v40 =	vadd.f32 v40, v57;
	v34 =	vadd.f32 v54, v34;
	v55 =	vmul.f32 v54, v54;
	v54 =	vld [tilespmem:s31+$0x44B0]  }
0x121: {  	v56 =	vld [tilespmem:$0x180];
	_ =	sdelay $0x4  }
0x122: {  	v57 =	vshll.u32 v56, $0x1  }
0x123: {  	v56 =	vand.u32 $0x7, v56;
	v57 =	vand.u32 $0xFFFFFFF0, v57  }
0x124: {  	v56 =	vor.u32 v56, v57  }
0x125: {  	v57 =	vperm.xlane v56, v0;
	_ =	sdelay $0x1  }
0x126: {  	v56 =	vperm.xlane v56, v2;
	v57 =	vadd.s32 v1, v57;
	_ =	sdelay $0x1  }
0x127: {  	v56 =	vadd.s32 v1, v56;
	_ =	sdelay $0x1  }
0x128: {  	s2 =	simm.s32 $0x0  }
0x129: {  	v58 =	vld [tilespmem:s31+$0x48F0];
	[tilespmem:s20], [sflag:$0x2] =	stream.indirect_vreg.gather [hbm4b:s1+s2], $0x80, v57, vm0, $0xb8  }
0x12a: {  	_ = 	snop  }
0x12b: {  	[tilespmem:s21], [sflag:$0x2] =	stream.indirect_vreg.gather [hbm4b:s1+s2], $0x80, v56, vm0, $0xb8;
	[tilespmem:$0x8700] =	vst v63  }
0x12c: {  	v56 =	vld [tilespmem:$0x190];
	_ =	sdelay $0x4  }
0x12d: {  	v63 =	vshll.u32 v56, $0x1  }
0x12e: {  	v56 =	vand.u32 $0x7, v56;
	v57 =	vand.u32 $0xFFFFFFF0, v63  }
0x12f: {  	v56 =	vor.u32 v56, v57  }
0x130: {  	v57 =	vperm.xlane v56, v0;
	_ =	sdelay $0x1  }
0x131: {  	v56 =	vperm.xlane v56, v2;
	v57 =	vadd.s32 v1, v57;
	_ =	sdelay $0x1  }
0x132: {  	v56 =	vadd.s32 v1, v56;
	_ =	sdelay $0x2  }
0x133: {  	[tilespmem:s22], [sflag:$0x2] =	stream.indirect_vreg.gather [hbm4b:s1+s2], $0x80, v57, vm0, $0xb8;
	[tilespmem:$0x8700] =	vst v63  }
0x134: {  	_ = 	snop  }
0x135: {  	[tilespmem:s23], [sflag:$0x2] =	stream.indirect_vreg.gather [hbm4b:s1+s2], $0x80, v56, vm0, $0xb8;
	[tilespmem:$0x8700] =	vst v63  }
0x136: {  	v56 =	vld [tilespmem:$0x1A0];
	_ =	sdelay $0x4  }
0x137: {  	v60 =	vshll.u32 v56, $0x1  }
0x138: {  	v56 =	vand.u32 $0x7, v56;
	v57 =	vand.u32 $0xFFFFFFF0, v60  }
0x139: {  	v56 =	vor.u32 v56, v57  }
0x13a: {  	v57 =	vperm.xlane v56, v0;
	_ =	sdelay $0x1  }
0x13b: {  	v56 =	vperm.xlane v56, v2;
	v57 =	vadd.s32 v1, v57;
	_ =	sdelay $0x1  }
0x13c: {  	v56 =	vadd.s32 v1, v56;
	_ =	sdelay $0x2  }
0x13d: {  	[tilespmem:s24], [sflag:$0x2] =	stream.indirect_vreg.gather [hbm4b:s1+s2], $0x80, v57, vm0, $0xb8;
	[tilespmem:$0x8700] =	vst v63  }
0x13e: {  	_ = 	snop  }
0x13f: {  	[tilespmem:s25], [sflag:$0x2] =	stream.indirect_vreg.gather [hbm4b:s1+s2], $0x80, v56, vm0, $0xb8;
	[tilespmem:$0x8700] =	vst v63  }
0x140: {  	v56 =	vld [tilespmem:$0x1B0];
	_ =	sdelay $0x4  }
0x141: {  	v61 =	vshll.u32 v56, $0x1  }
0x142: {  	v56 =	vand.u32 $0x7, v56;
	v57 =	vand.u32 $0xFFFFFFF0, v61  }
0x143: {  	v56 =	vor.u32 v56, v57  }
0x144: {  	v57 =	vperm.xlane v56, v0;
	_ =	sdelay $0x1  }
0x145: {  	v56 =	vperm.xlane v56, v2;
	v57 =	vadd.s32 v1, v57;
	_ =	sdelay $0x1  }
0x146: {  	v56 =	vadd.s32 v1, v56;
	_ =	sdelay $0x2  }
0x147: {  	[tilespmem:s26], [sflag:$0x2] =	stream.indirect_vreg.gather [hbm4b:s1+s2], $0x80, v57, vm0, $0xb8;
	[tilespmem:$0x8700] =	vst v63  }
0x148: {  	_ = 	snop  }
0x149: {  	[tilespmem:s28], [sflag:$0x2] =	stream.indirect_vreg.gather [hbm4b:s1+s2], $0x80, v56, vm0, $0xb8;
	[tilespmem:$0x8700] =	vst v63  }
0x14a: {  	v22 =	vadd.f32 v51, v22;
	v12 =	vadd.f32 v12, v18;
	_ =	swait.ge [sflag:s29], $0x4000  }
0x14b: {  	v62 =	vadd.f32 v17, v8;
	v13 =	vadd.f32 v13, v6;
	s4 =	sand.u32 $0x3800, s2;
	s2 =	sand.u32 $0x300, s2;
	[sflag:s29] =	ssyncset.done $0x0  }
0x14c: {  	v52 =	vadd.f32 v52, v4;
	v59 =	vadd.f32 v47, v50;
	s31 =	sor.u32 s2, s4;
	[sflag:s29] =	ssyncadd.s32 $0xFFFFC000  }
0x14d: {  	v27 =	vadd.f32 v10, v27;
	v35 =	vadd.f32 v35, v42;
	v8 =	vld [tilespmem:s31+$0x880]  }
0x14e: {  	v33 =	vadd.f32 v33, v21;
	v17 =	vadd.f32 v43, v12;
	v12 =	vld [tilespmem:s31+$0x8C0]  }
0x14f: {  	v18 =	vmul.f32 v45, v45;
	v31 =	vadd.f32 v36, v31;
	v28 =	vadd.f32 v55, v28;
	v4 =	vld [tilespmem:s31+$0x4D0]  }
0x150: {  	v30 =	vmul.f32 v30, v30;
	v23 =	vadd.f32 v53, v23;
	v34 =	vadd.f32 v11, v34;
	v6 =	vld [tilespmem:s31+$0x4C0]  }
0x151: {  	v38 =	vmul.f32 v38, v38;
	v51 =	vadd.f32 v39, v46;
	v18 =	vadd.f32 v18, v48;
	v47 =	vld [tilespmem:s31+$0x420]  }
0x152: {  	v63 =	vmul.f32 v53, v53;
	v60 =	vmul.f32 v29, v29;
	v29 =	vadd.f32 v44, v59;
	v44 =	vld [tilespmem:s31+$0x820]  }
0x153: {  	v7 =	vmul.f32 v7, v7;
	v41 =	vadd.f32 v41, v62;
	v27 =	vadd.f32 v3, v27;
	v62 =	vld [tilespmem:s31+$0x400]  }
0x154: {  	v22 =	vadd.f32 v54, v22;
	v28 =	vadd.f32 v63, v28;
	v56 =	vmul.f32 v54, v54;
	v63 =	vld [tilespmem:s31+$0x800]  }
0x155: {  	v18 =	vadd.f32 v49, v18;
	v30 =	vadd.f32 v30, v41;
	v61 =	vmul.f32 v36, v36;
	v53 =	vld [tilespmem:s31+$0x840]  }
0x156: {  	v49 =	vadd.f32 v26, v37;
	v57 =	vmul.f32 v26, v26;
	v28 =	vadd.f32 v56, v28;
	v54 =	vld [tilespmem:s31+$0x480]  }
0x157: {  	v11 =	vadd.f32 v60, v30;
	v42 =	vadd.f32 v61, v18;
	v18 =	vmul.f32 v43, v43;
	v26 =	vld [tilespmem:s31+$0x810]  }
0x158: {  	v43 =	vmul.f32 v39, v39;
	v21 =	vadd.f32 v57, v28;
	v28 =	vadd.f32 v38, v52;
	v3 =	vld [tilespmem:s31+$0x4F0]  }
0x159: {  	v9 =	vmul.f32 v9, v9;
	v37 =	vadd.f32 v18, v35;
	v18 =	vadd.f32 v5, v33;
	v61 =	vld [tilespmem:s31+$0x410]  }
0x15a: {  	v59 =	vmul.f32 v58, v58;
	v5 =	vadd.f32 v43, v40;
	v60 =	vld [tilespmem:s31+$0x460];
	v25 =	vadd.f32 v25, v28  }
0x15b: {  	v23 =	vadd.f32 v58, v23;
	v55 =	vadd.f32 v7, v29;
	v39 =	vld [tilespmem:s31+$0x830]  }
0x15c: {  	v40 =	vadd.f32 v9, v5;
	v29 =	vld [tilespmem:s31+$0x490];
	v33 =	vadd.f32 v59, v25;
	v57 =	vmul.f32 v62, v62  }
0x15d: {  	v36 =	vld [tilespmem:s31+$0x450];
	v7 =	vmul.f32 v63, v63;
	v9 =	vmul.f32 v6, v6;
	v56 =	vadd.f32 v62, v32  }
0x15e: {  	v30 =	vadd.f32 v44, v31;
	v16 =	vadd.f32 v61, v16;
	v31 =	vmul.f32 v61, v61;
	v61 =	vld [tilespmem:s31+$0x470]  }
0x15f: {  	v10 =	vld [tilespmem:s31+$0x8E0];
	v62 =	vadd.f32 v26, v19;
	v19 =	vadd.f32 v53, v13;
	v13 =	vmul.f32 v60, v60  }
0x160: {  	v41 =	vld [tilespmem:s31+$0x4A0];
	v25 =	vmul.f32 v3, v3;
	v38 =	vadd.f32 v39, v49;
	v5 =	vadd.f32 v57, v24  }
0x161: {  	v46 =	vld [tilespmem:s31+$0x860];
	v35 =	vmul.f32 v4, v4;
	v48 =	vadd.f32 v13, v42;
	v31 =	vadd.f32 v31, v37  }
0x162: {  	v50 =	vld [tilespmem:s31+$0x430];
	v52 =	vmul.f32 v36, v36;
	v5 =	vadd.f32 v7, v5;
	v7 =	vadd.f32 v63, v14  }
0x163: {  	v28 =	vld [tilespmem:s31+$0x890];
	v45 =	vmul.f32 v54, v54;
	v13 =	vadd.f32 v29, v16;
	v34 =	vadd.f32 v61, v34  }
0x164: {  	v32 =	vld [tilespmem:s31+$0x440];
	v63 =	vmul.f32 v26, v26;
	v9 =	vadd.f32 v9, v5;
	v5 =	vadd.f32 v8, v7  }
0x165: {  	v24 =	vmul.f32 v12, v12;
	v14 =	vld [tilespmem:s31+$0x850];
	v7 =	vadd.f32 v47, v15;
	v15 =	vadd.f32 v60, v51  }
0x166: {  	v37 =	vld [tilespmem:s31+$0x8A0];
	v51 =	vadd.f32 v46, v20;
	v60 =	vmul.f32 v47, v47;
	v43 =	vadd.f32 v63, v31  }
0x167: {  	v26 =	vld [tilespmem:s31+$0x8B0];
	v20 =	vmul.f32 v41, v41;
	v63 =	vmul.f32 v44, v44;
	v31 =	vadd.f32 v54, v56  }
0x168: {  	v47 =	vmul.f32 v53, v53;
	v53 =	vld [tilespmem:s31+$0x870];
	v24 =	vadd.f32 v24, v9;
	v9 =	vadd.f32 v28, v62  }
0x169: {  	v44 =	vld [tilespmem:s31+$0x8D0];
	v7 =	vadd.f32 v41, v7;
	v62 =	vmul.f32 v32, v32;
	v59 =	vadd.f32 v60, v40  }
0x16a: {  	v40 =	vld [tilespmem:s31+$0x4E0];
	v16 =	vadd.f32 v10, v51;
	v51 =	vmul.f32 v50, v50;
	v42 =	vmul.f32 v14, v14  }
0x16b: {  	s5 =	simm.s32 $0x100;
	s2 =	simm.s32 $0x200;
	v54 =	vld [tilespmem:s31+$0x4B0];
	v49 =	vadd.f32 v62, v55;
	v55 =	vmul.f32 v61, v61;
	v41 =	vadd.f32 v63, v59  }
.LBB2_6:
0x16c: {  	s4 =	smov.u32 s5  }
0x16d: {  	s6 =	sand.u32 $0x3800, s2;
	s7 =	sand.u32 $0x300, s5;
	v22 =	vadd.f32 v50, v22;
	v14 =	vadd.f32 v14, v17;
	v17 =	vmul.f32 v46, v46;
	s4 =	sadd.s32 $0x100, s5  }
0x16e: {  	p0 =	sne.s32 s5, $0x1F00;
	v11 =	vadd.f32 v52, v11;
	v21 =	vadd.f32 v55, v21;
	v46 =	vmul.f32 v53, v53;
	v50 =	vld [tilespmem:s31+$0x8F0];
	s31 =	sor.u32 s7, s6  }
0x16f: {  	v23 =	vadd.f32 v53, v23;
	v15 =	vadd.f32 v40, v15;
	v52 =	vld [tilespmem:s31+$0x880]  }
0x170: {  	v48 =	vadd.f32 v17, v48;
	v17 =	vadd.f32 v44, v14;
	v53 =	vld [tilespmem:s31+$0x8C0]  }
0x171: {  	v19 =	vadd.f32 v12, v19;
	v22 =	vadd.f32 v54, v22;
	v14 =	vmul.f32 v54, v54;
	v55 =	vld [tilespmem:s31+$0x4D0]  }
0x172: {  	v33 =	vadd.f32 v51, v33;
	v20 =	vadd.f32 v20, v48;
	v48 =	vmul.f32 v26, v26;
	v54 =	vld [tilespmem:s31+$0x4C0]  }
0x173: {  	v29 =	vmul.f32 v29, v29;
	v56 =	vadd.f32 v46, v21;
	v51 =	vld [tilespmem:s31+$0x420];
	v23 =	vadd.f32 v50, v23  }
0x174: {  	v39 =	vmul.f32 v39, v39;
	v11 =	vadd.f32 v42, v11;
	v21 =	vadd.f32 v47, v49;
	v46 =	vld [tilespmem:s31+$0x8E0]  }
0x175: {  	v27 =	vadd.f32 v36, v27;
	v36 =	vmul.f32 v28, v28;
	v14 =	vadd.f32 v14, v56;
	v47 =	vld [tilespmem:s31+$0x820];
	v12 =	vmovc v53  }
0x176: {  	v35 =	vadd.f32 v35, v43;
	v42 =	vmul.f32 v37, v37;
	v28 =	vadd.f32 v45, v21;
	v49 =	vld [tilespmem:s31+$0x4A0]  }
0x177: {  	v18 =	vadd.f32 v32, v18;
	v32 =	vmul.f32 v8, v8;
	v21 =	vadd.f32 v48, v14;
	v8 =	vmovc v52;
	v43 =	vld [tilespmem:s31+$0x400]  }
0x178: {  	v11 =	vadd.f32 v29, v11;
	v20 =	vadd.f32 v42, v20;
	v14 =	vmul.f32 v44, v44;
	v45 =	vld [tilespmem:s31+$0x840]  }
0x179: {  	v30 =	vadd.f32 v37, v30;
	v29 =	vadd.f32 v39, v33;
	v33 =	vmul.f32 v40, v40;
	v42 =	vld [tilespmem:s31+$0x800]  }
0x17a: {  	v38 =	vadd.f32 v26, v38;
	v37 =	vadd.f32 v14, v35;
	v14 =	vmul.f32 v10, v10;
	v10 =	vmovc v46;
	v44 =	vld [tilespmem:s31+$0x480]  }
0x17b: {  	v18 =	vadd.f32 v6, v18;
	v33 =	vadd.f32 v33, v41;
	v39 =	vmul.f32 v50, v50;
	v6 =	vmovc v54;
	v35 =	vld [tilespmem:s31+$0x810]  }
0x17c: {  	v27 =	vadd.f32 v4, v27;
	v25 =	vadd.f32 v25, v29;
	v4 =	vmovc v55;
	v40 =	vmul.f32 v43, v43;
	v41 =	vld [tilespmem:s31+$0x4F0]  }
0x17d: {  	v56 =	vadd.f32 v32, v28;
	v57 =	vadd.f32 v14, v33;
	v26 =	vld [tilespmem:s31+$0x8B0]  }
0x17e: {  	v33 =	vadd.f32 v39, v25;
	v14 =	vadd.f32 v40, v24;
	v24 =	vmul.f32 v42, v42;
	v29 =	vld [tilespmem:s31+$0x490]  }
0x17f: {  	v34 =	vadd.f32 v3, v34;
	v11 =	vadd.f32 v36, v11;
	v25 =	vmul.f32 v54, v6;
	v28 =	vld [tilespmem:s31+$0x890]  }
0x180: {  	v5 =	vadd.f32 v42, v5;
	v39 =	vld [tilespmem:s31+$0x460];
	v24 =	vadd.f32 v24, v14  }
0x181: {  	v32 =	vmul.f32 v53, v12;
	v31 =	vadd.f32 v43, v31;
	v40 =	vld [tilespmem:s31+$0x410];
	v3 =	vmov v41  }
0x182: {  	v9 =	vadd.f32 v35, v9;
	v43 =	vmul.f32 v35, v35;
	v14 =	vld [tilespmem:s31+$0x850];
	v24 =	vadd.f32 v25, v24  }
0x183: {  	v19 =	vadd.f32 v45, v19;
	v5 =	vadd.f32 v8, v5;
	v25 =	vmul.f32 v41, v3;
	v46 =	vld [tilespmem:s31+$0x860]  }
0x184: {  	v7 =	vadd.f32 v51, v7;
	v35 =	vmul.f32 v55, v4;
	v36 =	vld [tilespmem:s31+$0x450];
	v24 =	vadd.f32 v32, v24  }
0x185: {  	v30 =	vadd.f32 v47, v30;
	v9 =	vadd.f32 v28, v9;
	v32 =	vld [tilespmem:s31+$0x440];
	v41 =	vmul.f32 v39, v39  }
0x186: {  	v15 =	vadd.f32 v39, v15;
	v13 =	vadd.f32 v40, v13;
	v40 =	vmul.f32 v40, v40;
	v39 =	vld [tilespmem:s31+$0x830]  }
0x187: {  	v7 =	vadd.f32 v49, v7;
	v50 =	vld [tilespmem:s31+$0x430];
	v48 =	vadd.f32 v41, v20  }
0x188: {  	v42 =	vmul.f32 v14, v14;
	v20 =	vadd.f32 v40, v37;
	v16 =	vadd.f32 v46, v16;
	v37 =	vld [tilespmem:s31+$0x8A0]  }
0x189: {  	v40 =	vmul.f32 v51, v51;
	v13 =	vadd.f32 v29, v13;
	v52 =	vmul.f32 v36, v36;
	v41 =	vld [tilespmem:s31+$0x470]  }
.Ltmp2:
0x18a: {  	v54 =	vmul.f32 v32, v32;
	v43 =	vadd.f32 v43, v20;
	v20 =	vmul.f32 v49, v49;
	(pc) =	sbr.rel @p0 .LBB2_6-.Ltmp2, $4  }
0x18b: {  	v58 =	vmul.f32 v47, v47;
	v47 =	vmul.f32 v45, v45;
	v38 =	vadd.f32 v39, v38;
	v53 =	vld [tilespmem:s31+$0x870]  }
0x18c: {  	v45 =	vmul.f32 v44, v44;
	v57 =	vadd.f32 v40, v57;
	v16 =	vadd.f32 v10, v16;
	v40 =	vld [tilespmem:s31+$0x4E0]  }
0x18d: {  	v31 =	vadd.f32 v44, v31;
	v51 =	vmul.f32 v50, v50;
	v49 =	vadd.f32 v54, v56;
	v44 =	vld [tilespmem:s31+$0x8D0]  }
0x18e: {  	s2 =	sadd.s32 $0x200, s2;
	s5 =	smov.u32 s4;
	v34 =	vadd.f32 v41, v34;
	v55 =	vmul.f32 v41, v41;
	v41 =	vadd.f32 v58, v57;
	v54 =	vld [tilespmem:s31+$0x4B0]  }
0x18f: {  	v56 =	vld [tilespmem:$0x200];
	_ =	sdelay $0x4  }
0x190: {  	v57 =	vshll.u32 v56, $0x1  }
0x191: {  	v56 =	vand.u32 $0x7, v56;
	v57 =	vand.u32 $0xFFFFFFF0, v57  }
0x192: {  	v56 =	vor.u32 v56, v57  }
0x193: {  	v57 =	vperm.xlane v56, v0;
	_ =	sdelay $0x1  }
0x194: {  	v56 =	vperm.xlane v56, v2;
	v57 =	vadd.s32 v1, v57;
	_ =	sdelay $0x1  }
0x195: {  	v56 =	vadd.s32 v1, v56;
	_ =	sdelay $0x1  }
0x196: {  	s2 =	simm.s32 $0x0  }
0x197: {  	v58 =	vld [tilespmem:s31+$0x8F0];
	[tilespmem:s12], [sflag:$0x1] =	stream.indirect_vreg.gather [hbm4b:s1+s2], $0x80, v57, vm0, $0xb8  }
0x198: {  	_ = 	snop  }
0x199: {  	[tilespmem:s13], [sflag:$0x1] =	stream.indirect_vreg.gather [hbm4b:s1+s2], $0x80, v56, vm0, $0xb8;
	[tilespmem:$0x8700] =	vst v63  }
0x19a: {  	v56 =	vld [tilespmem:$0x210];
	_ =	sdelay $0x4  }
0x19b: {  	v62 =	vshll.u32 v56, $0x1  }
0x19c: {  	v56 =	vand.u32 $0x7, v56;
	v57 =	vand.u32 $0xFFFFFFF0, v62  }
0x19d: {  	v56 =	vor.u32 v56, v57  }
0x19e: {  	v57 =	vperm.xlane v56, v0;
	_ =	sdelay $0x1  }
0x19f: {  	v56 =	vperm.xlane v56, v2;
	v57 =	vadd.s32 v1, v57;
	_ =	sdelay $0x1  }
0x1a0: {  	v56 =	vadd.s32 v1, v56;
	_ =	sdelay $0x2  }
0x1a1: {  	[tilespmem:s14], [sflag:$0x1] =	stream.indirect_vreg.gather [hbm4b:s1+s2], $0x80, v57, vm0, $0xb8;
	[tilespmem:$0x8700] =	vst v63  }
0x1a2: {  	_ = 	snop  }
0x1a3: {  	[tilespmem:s15], [sflag:$0x1] =	stream.indirect_vreg.gather [hbm4b:s1+s2], $0x80, v56, vm0, $0xb8;
	[tilespmem:$0x8700] =	vst v63  }
0x1a4: {  	v56 =	vld [tilespmem:$0x220];
	_ =	sdelay $0x4  }
0x1a5: {  	v63 =	vshll.u32 v56, $0x1  }
0x1a6: {  	v56 =	vand.u32 $0x7, v56;
	v57 =	vand.u32 $0xFFFFFFF0, v63  }
0x1a7: {  	v56 =	vor.u32 v56, v57  }
0x1a8: {  	v57 =	vperm.xlane v56, v0;
	_ =	sdelay $0x1  }
0x1a9: {  	v56 =	vperm.xlane v56, v2;
	v57 =	vadd.s32 v1, v57;
	_ =	sdelay $0x1  }
0x1aa: {  	v56 =	vadd.s32 v1, v56;
	_ =	sdelay $0x2  }
0x1ab: {  	[tilespmem:s16], [sflag:$0x1] =	stream.indirect_vreg.gather [hbm4b:s1+s2], $0x80, v57, vm0, $0xb8;
	[tilespmem:$0x8700] =	vst v63  }
0x1ac: {  	_ = 	snop  }
0x1ad: {  	[tilespmem:s17], [sflag:$0x1] =	stream.indirect_vreg.gather [hbm4b:s1+s2], $0x80, v56, vm0, $0xb8;
	[tilespmem:$0x8700] =	vst v63  }
0x1ae: {  	v56 =	vld [tilespmem:$0x230];
	_ =	sdelay $0x4  }
0x1af: {  	v60 =	vshll.u32 v56, $0x1  }
0x1b0: {  	v56 =	vand.u32 $0x7, v56;
	v57 =	vand.u32 $0xFFFFFFF0, v60  }
0x1b1: {  	v56 =	vor.u32 v56, v57  }
0x1b2: {  	v57 =	vperm.xlane v56, v0;
	_ =	sdelay $0x1  }
0x1b3: {  	v56 =	vperm.xlane v56, v2;
	v57 =	vadd.s32 v1, v57;
	_ =	sdelay $0x1  }
0x1b4: {  	v56 =	vadd.s32 v1, v56;
	_ =	sdelay $0x2  }
0x1b5: {  	[tilespmem:s18], [sflag:$0x1] =	stream.indirect_vreg.gather [hbm4b:s1+s2], $0x80, v57, vm0, $0xb8;
	[tilespmem:$0x8700] =	vst v63  }
0x1b6: {  	_ = 	snop  }
0x1b7: {  	[tilespmem:s19], [sflag:$0x1] =	stream.indirect_vreg.gather [hbm4b:s1+s2], $0x80, v56, vm0, $0xb8;
	[tilespmem:$0x8700] =	vst v63  }
0x1b8: {  	v22 =	vadd.f32 v50, v22;
	v17 =	vadd.f32 v14, v17;
	_ =	swait.ge [sflag:s30], $0x4000  }
0x1b9: {  	v14 =	vmul.f32 v46, v46;
	v61 =	vadd.f32 v52, v11;
	v33 =	vadd.f32 v51, v33;
	s4 =	sand.u32 $0x3800, s2;
	s2 =	sand.u32 $0x300, s2;
	[sflag:s30] =	ssyncset.done $0x0  }
0x1ba: {  	v23 =	vadd.f32 v53, v23;
	v52 =	vadd.f32 v40, v15;
	s31 =	sor.u32 s2, s4;
	[sflag:s30] =	ssyncadd.s32 $0xFFFFC000  }
0x1bb: {  	v48 =	vadd.f32 v14, v48;
	v42 =	vadd.f32 v42, v61;
	v14 =	vld [tilespmem:s31+$0x4880]  }
0x1bc: {  	v15 =	vadd.f32 v44, v17;
	v17 =	vmul.f32 v54, v54;
	v62 =	vadd.f32 v55, v21;
	v11 =	vld [tilespmem:s31+$0x48C0]  }
0x1bd: {  	v21 =	vadd.f32 v54, v22;
	v54 =	vadd.f32 v12, v19;
	v63 =	vmul.f32 v53, v53;
	v19 =	vld [tilespmem:s31+$0x44D0]  }
0x1be: {  	v48 =	vadd.f32 v20, v48;
	v12 =	vadd.f32 v58, v23;
	v20 =	vld [tilespmem:s31+$0x44C0]  }
0x1bf: {  	v29 =	vmul.f32 v29, v29;
	v23 =	vadd.f32 v47, v49;
	v50 =	vadd.f32 v63, v62;
	v49 =	vld [tilespmem:s31+$0x4420]  }
0x1c0: {  	v39 =	vmul.f32 v39, v39;
	v36 =	vadd.f32 v36, v27;
	v35 =	vadd.f32 v35, v43;
	v22 =	vld [tilespmem:s31+$0x48E0]  }
0x1c1: {  	v42 =	vadd.f32 v29, v42;
	v17 =	vadd.f32 v17, v50;
	v57 =	vmul.f32 v26, v26;
	v46 =	vld [tilespmem:s31+$0x4820]  }
0x1c2: {  	v59 =	vmul.f32 v37, v37;
	v29 =	vadd.f32 v39, v33;
	v23 =	vadd.f32 v45, v23;
	v45 =	vld [tilespmem:s31+$0x4400]  }
0x1c3: {  	v18 =	vadd.f32 v32, v18;
	v27 =	vadd.f32 v57, v17;
	v17 =	vmul.f32 v44, v44;
	v51 =	vld [tilespmem:s31+$0x44A0]  }
0x1c4: {  	v8 =	vmul.f32 v8, v8;
	v43 =	vadd.f32 v59, v48;
	v59 =	vadd.f32 v25, v29;
	v60 =	vld [tilespmem:s31+$0x4800]  }
0x1c5: {  	v61 =	vmul.f32 v40, v40;
	v62 =	vadd.f32 v37, v30;
	v63 =	vadd.f32 v17, v35;
	v40 =	vld [tilespmem:s31+$0x4840]  }
0x1c6: {  	v30 =	vmul.f32 v58, v58;
	v17 =	vadd.f32 v6, v18;
	v18 =	vadd.f32 v4, v36;
	v4 =	vld [tilespmem:s31+$0x4810]  }
0x1c7: {  	v28 =	vmul.f32 v28, v28;
	v36 =	vadd.f32 v8, v23;
	v23 =	vld [tilespmem:s31+$0x4460]  }
0x1c8: {  	v10 =	vmul.f32 v10, v10;
	v32 =	vadd.f32 v30, v59;
	v6 =	vadd.f32 v61, v41;
	v30 =	vld [tilespmem:s31+$0x4850]  }
0x1c9: {  	v38 =	vadd.f32 v26, v38;
	v56 =	vadd.f32 v3, v34;
	v44 =	vld [tilespmem:s31+$0x4860]  }
0x1ca: {  	v41 =	vadd.f32 v10, v6;
	v10 =	vadd.f32 v28, v42;
	v34 =	vld [tilespmem:s31+$0x4450];
	v26 =	vmul.f32 v45, v45  }
0x1cb: {  	v39 =	vld [tilespmem:s31+$0x4830];
	v8 =	vmul.f32 v60, v60;
	v3 =	vmul.f32 v20, v20;
	v5 =	vadd.f32 v60, v5  }
0x1cc: {  	v25 =	vld [tilespmem:s31+$0x44F0];
	v57 =	vadd.f32 v45, v31;
	v31 =	vmul.f32 v11, v11;
	v6 =	vadd.f32 v26, v24  }
0x1cd: {  	v9 =	vadd.f32 v4, v9;
	v60 =	vmul.f32 v4, v4;
	v28 =	vadd.f32 v40, v54;
	v26 =	vld [tilespmem:s31+$0x4890]  }
0x1ce: {  	v45 =	vadd.f32 v23, v52;
	v35 =	vmul.f32 v19, v19;
	v6 =	vadd.f32 v8, v6;
	v8 =	vld [tilespmem:s31+$0x4410]  }
0x1cf: {  	v29 =	vld [tilespmem:s31+$0x4490];
	v42 =	vmul.f32 v30, v30;
	v61 =	vadd.f32 v44, v16;
	v52 =	vmul.f32 v34, v34  }
0x1d0: {  	v50 =	vld [tilespmem:s31+$0x4430];
	v48 =	vmul.f32 v51, v51;
	v38 =	vadd.f32 v39, v38;
	v6 =	vadd.f32 v3, v6  }
0x1d1: {  	v33 =	vld [tilespmem:s31+$0x4440];
	v24 =	vmul.f32 v25, v25;
	v3 =	vadd.f32 v14, v5;
	v5 =	vadd.f32 v49, v7  }
0x1d2: {  	v55 =	vld [tilespmem:s31+$0x4480];
	v4 =	vadd.f32 v26, v9;
	v7 =	vadd.f32 v31, v6;
	v6 =	vmul.f32 v23, v23  }
0x1d3: {  	v37 =	vld [tilespmem:s31+$0x48A0];
	v31 =	vadd.f32 v46, v62;
	v9 =	vadd.f32 v8, v13;
	v8 =	vmul.f32 v8, v8  }
0x1d4: {  	v62 =	vld [tilespmem:s31+$0x4470];
	v13 =	vmul.f32 v49, v49;
	v47 =	vadd.f32 v6, v43;
	v6 =	vadd.f32 v51, v5  }
0x1d5: {  	v53 =	vld [tilespmem:s31+$0x4870];
	v51 =	vmul.f32 v50, v50;
	v5 =	vadd.f32 v8, v63;
	v8 =	vadd.f32 v29, v9  }
0x1d6: {  	v54 =	vld [tilespmem:s31+$0x44B0];
	v9 =	vmul.f32 v33, v33;
	v63 =	vmul.f32 v46, v46;
	v41 =	vadd.f32 v13, v41  }
0x1d7: {  	v23 =	vld [tilespmem:s31+$0x48B0];
	v46 =	vmul.f32 v40, v40;
	v16 =	vadd.f32 v60, v5;
	v5 =	vadd.f32 v22, v61  }
0x1d8: {  	v13 =	vmul.f32 v55, v55;
	v40 =	vld [tilespmem:s31+$0x44E0];
	v49 =	vadd.f32 v9, v36;
	v9 =	vadd.f32 v55, v57  }
0x1d9: {  	s5 =	simm.s32 $0x100;
	s2 =	simm.s32 $0x200;
	v43 =	vld [tilespmem:s31+$0x48D0];
	v36 =	vadd.f32 v62, v56;
	v55 =	vmul.f32 v62, v62;
	v41 =	vadd.f32 v63, v41  }
.LBB2_8:
0x1da: {  	s4 =	smov.u32 s5  }
0x1db: {  	s6 =	sand.u32 $0x3800, s2;
	s7 =	sand.u32 $0x300, s5;
	v21 =	vadd.f32 v50, v21;
	v15 =	vadd.f32 v30, v15;
	v30 =	vmul.f32 v44, v44;
	s4 =	sadd.s32 $0x100, s5  }
0x1dc: {  	p0 =	sne.s32 s5, $0x1F00;
	v10 =	vadd.f32 v52, v10;
	v27 =	vadd.f32 v55, v27;
	v44 =	vmul.f32 v53, v53;
	v50 =	vld [tilespmem:s31+$0x48F0];
	s31 =	sor.u32 s7, s6  }
0x1dd: {  	v12 =	vadd.f32 v53, v12;
	v45 =	vadd.f32 v40, v45;
	v52 =	vld [tilespmem:s31+$0x4880]  }
0x1de: {  	v30 =	vadd.f32 v30, v47;
	v15 =	vadd.f32 v43, v15;
	v53 =	vld [tilespmem:s31+$0x48C0]  }
0x1df: {  	v28 =	vadd.f32 v11, v28;
	v21 =	vadd.f32 v54, v21;
	v54 =	vmul.f32 v54, v54;
	v47 =	vld [tilespmem:s31+$0x44D0]  }
0x1e0: {  	v32 =	vadd.f32 v51, v32;
	v30 =	vadd.f32 v48, v30;
	v48 =	vmul.f32 v23, v23;
	v55 =	vld [tilespmem:s31+$0x44C0]  }
0x1e1: {  	v29 =	vmul.f32 v29, v29;
	v56 =	vadd.f32 v44, v27;
	v51 =	vld [tilespmem:s31+$0x4420];
	v12 =	vadd.f32 v50, v12  }
0x1e2: {  	v39 =	vmul.f32 v39, v39;
	v10 =	vadd.f32 v42, v10;
	v27 =	vadd.f32 v46, v49;
	v44 =	vld [tilespmem:s31+$0x48E0]  }
0x1e3: {  	v18 =	vadd.f32 v34, v18;
	v42 =	vmul.f32 v26, v26;
	v34 =	vadd.f32 v54, v56;
	v46 =	vld [tilespmem:s31+$0x4820];
	v11 =	vmovc v53  }
0x1e4: {  	v16 =	vadd.f32 v35, v16;
	v26 =	vmul.f32 v37, v37;
	v13 =	vadd.f32 v13, v27;
	v49 =	vld [tilespmem:s31+$0x44A0]  }
0x1e5: {  	v17 =	vadd.f32 v33, v17;
	v33 =	vmul.f32 v14, v14;
	v27 =	vadd.f32 v48, v34;
	v14 =	vmovc v52;
	v35 =	vld [tilespmem:s31+$0x4400]  }
0x1e6: {  	v10 =	vadd.f32 v29, v10;
	v48 =	vadd.f32 v26, v30;
	v26 =	vmul.f32 v43, v43;
	v54 =	vld [tilespmem:s31+$0x4840]  }
0x1e7: {  	v31 =	vadd.f32 v37, v31;
	v29 =	vadd.f32 v39, v32;
	v32 =	vmul.f32 v40, v40;
	v30 =	vld [tilespmem:s31+$0x4800]  }
0x1e8: {  	v38 =	vadd.f32 v23, v38;
	v16 =	vadd.f32 v26, v16;
	v26 =	vmul.f32 v22, v22;
	v22 =	vmovc v44;
	v43 =	vld [tilespmem:s31+$0x4480]  }
0x1e9: {  	v17 =	vadd.f32 v20, v17;
	v32 =	vadd.f32 v32, v41;
	v37 =	vmul.f32 v50, v50;
	v20 =	vmovc v55;
	v34 =	vld [tilespmem:s31+$0x4810]  }
0x1ea: {  	v18 =	vadd.f32 v19, v18;
	v24 =	vadd.f32 v24, v29;
	v19 =	vmovc v47;
	v39 =	vmul.f32 v35, v35;
	v40 =	vld [tilespmem:s31+$0x44F0]  }
0x1eb: {  	v41 =	vadd.f32 v33, v13;
	v13 =	vadd.f32 v26, v32;
	v23 =	vld [tilespmem:s31+$0x48B0]  }
0x1ec: {  	v32 =	vadd.f32 v37, v24;
	v7 =	vadd.f32 v39, v7;
	v33 =	vmul.f32 v30, v30;
	v29 =	vld [tilespmem:s31+$0x4490]  }
0x1ed: {  	v36 =	vadd.f32 v25, v36;
	v10 =	vadd.f32 v42, v10;
	v24 =	vmul.f32 v55, v20;
	v26 =	vld [tilespmem:s31+$0x4890]  }
0x1ee: {  	v3 =	vadd.f32 v30, v3;
	v37 =	vld [tilespmem:s31+$0x4460];
	v7 =	vadd.f32 v33, v7  }
0x1ef: {  	v9 =	vadd.f32 v35, v9;
	v33 =	vmul.f32 v53, v11;
	v39 =	vld [tilespmem:s31+$0x4410];
	v25 =	vmov v40  }
0x1f0: {  	v4 =	vadd.f32 v34, v4;
	v53 =	vmul.f32 v34, v34;
	v30 =	vld [tilespmem:s31+$0x4850];
	v7 =	vadd.f32 v24, v7  }
0x1f1: {  	v28 =	vadd.f32 v54, v28;
	v3 =	vadd.f32 v14, v3;
	v24 =	vmul.f32 v40, v25;
	v44 =	vld [tilespmem:s31+$0x4860]  }
0x1f2: {  	v6 =	vadd.f32 v51, v6;
	v35 =	vmul.f32 v47, v19;
	v34 =	vld [tilespmem:s31+$0x4450];
	v7 =	vadd.f32 v33, v7  }
0x1f3: {  	v31 =	vadd.f32 v46, v31;
	v4 =	vadd.f32 v26, v4;
	v33 =	vld [tilespmem:s31+$0x4440];
	v40 =	vmul.f32 v37, v37  }
0x1f4: {  	v45 =	vadd.f32 v37, v45;
	v8 =	vadd.f32 v39, v8;
	v42 =	vmul.f32 v39, v39;
	v39 =	vld [tilespmem:s31+$0x4830]  }
0x1f5: {  	v6 =	vadd.f32 v49, v6;
	v50 =	vld [tilespmem:s31+$0x4430];
	v47 =	vadd.f32 v40, v48  }
0x1f6: {  	v16 =	vadd.f32 v42, v16;
	v42 =	vmul.f32 v30, v30;
	v5 =	vadd.f32 v44, v5;
	v37 =	vld [tilespmem:s31+$0x48A0]  }
0x1f7: {  	v40 =	vmul.f32 v51, v51;
	v8 =	vadd.f32 v29, v8;
	v52 =	vmul.f32 v34, v34;
	v55 =	vld [tilespmem:s31+$0x4470]  }
.Ltmp3:
0x1f8: {  	v48 =	vmul.f32 v49, v49;
	v56 =	vmul.f32 v33, v33;
	v16 =	vadd.f32 v53, v16;
	(pc) =	sbr.rel @p0 .LBB2_8-.Ltmp3, $4  }
0x1f9: {  	v57 =	vmul.f32 v46, v46;
	v46 =	vmul.f32 v54, v54;
	v38 =	vadd.f32 v39, v38;
	v53 =	vld [tilespmem:s31+$0x4870]  }
0x1fa: {  	v54 =	vadd.f32 v40, v13;
	v13 =	vmul.f32 v43, v43;
	v5 =	vadd.f32 v22, v5;
	v40 =	vld [tilespmem:s31+$0x44E0]  }
0x1fb: {  	v9 =	vadd.f32 v43, v9;
	v51 =	vmul.f32 v50, v50;
	v49 =	vadd.f32 v56, v41;
	v43 =	vld [tilespmem:s31+$0x48D0]  }
0x1fc: {  	s2 =	sadd.s32 $0x200, s2;
	s5 =	smov.u32 s4;
	v41 =	vadd.f32 v57, v54;
	v36 =	vadd.f32 v55, v36;
	v55 =	vmul.f32 v55, v55;
	v54 =	vld [tilespmem:s31+$0x44B0]  }
0x1fd: {  	v56 =	vld [tilespmem:$0x280];
	_ =	sdelay $0x4  }
0x1fe: {  	v57 =	vshll.u32 v56, $0x1  }
0x1ff: {  	v56 =	vand.u32 $0x7, v56;
	v57 =	vand.u32 $0xFFFFFFF0, v57  }
0x200: {  	v56 =	vor.u32 v56, v57  }
0x201: {  	v57 =	vperm.xlane v56, v0;
	_ =	sdelay $0x1  }
0x202: {  	v56 =	vperm.xlane v56, v2;
	v57 =	vadd.s32 v1, v57;
	_ =	sdelay $0x1  }
0x203: {  	v56 =	vadd.s32 v1, v56;
	_ =	sdelay $0x1  }
0x204: {  	s2 =	simm.s32 $0x0  }
0x205: {  	v58 =	vld [tilespmem:s31+$0x48F0];
	[tilespmem:s20], [sflag:$0x2] =	stream.indirect_vreg.gather [hbm4b:s1+s2], $0x80, v57, vm0, $0xb8  }
0x206: {  	_ = 	snop  }
0x207: {  	[tilespmem:s21], [sflag:$0x2] =	stream.indirect_vreg.gather [hbm4b:s1+s2], $0x80, v56, vm0, $0xb8;
	[tilespmem:$0x8700] =	vst v63  }
0x208: {  	v56 =	vld [tilespmem:$0x290];
	_ =	sdelay $0x4  }
0x209: {  	v62 =	vshll.u32 v56, $0x1  }
0x20a: {  	v56 =	vand.u32 $0x7, v56;
	v57 =	vand.u32 $0xFFFFFFF0, v62  }
0x20b: {  	v56 =	vor.u32 v56, v57  }
0x20c: {  	v57 =	vperm.xlane v56, v0;
	_ =	sdelay $0x1  }
0x20d: {  	v56 =	vperm.xlane v56, v2;
	v57 =	vadd.s32 v1, v57;
	_ =	sdelay $0x1  }
0x20e: {  	v56 =	vadd.s32 v1, v56;
	_ =	sdelay $0x2  }
0x20f: {  	[tilespmem:s22], [sflag:$0x2] =	stream.indirect_vreg.gather [hbm4b:s1+s2], $0x80, v57, vm0, $0xb8;
	[tilespmem:$0x8700] =	vst v63  }
0x210: {  	_ = 	snop  }
0x211: {  	[tilespmem:s23], [sflag:$0x2] =	stream.indirect_vreg.gather [hbm4b:s1+s2], $0x80, v56, vm0, $0xb8;
	[tilespmem:$0x8700] =	vst v63  }
0x212: {  	v56 =	vld [tilespmem:$0x2A0];
	_ =	sdelay $0x4  }
0x213: {  	v63 =	vshll.u32 v56, $0x1  }
0x214: {  	v56 =	vand.u32 $0x7, v56;
	v57 =	vand.u32 $0xFFFFFFF0, v63  }
0x215: {  	v56 =	vor.u32 v56, v57  }
0x216: {  	v57 =	vperm.xlane v56, v0;
	_ =	sdelay $0x1  }
0x217: {  	v56 =	vperm.xlane v56, v2;
	v57 =	vadd.s32 v1, v57;
	_ =	sdelay $0x1  }
0x218: {  	v56 =	vadd.s32 v1, v56;
	_ =	sdelay $0x2  }
0x219: {  	[tilespmem:s24], [sflag:$0x2] =	stream.indirect_vreg.gather [hbm4b:s1+s2], $0x80, v57, vm0, $0xb8;
	[tilespmem:$0x8700] =	vst v63  }
0x21a: {  	_ = 	snop  }
0x21b: {  	[tilespmem:s25], [sflag:$0x2] =	stream.indirect_vreg.gather [hbm4b:s1+s2], $0x80, v56, vm0, $0xb8;
	[tilespmem:$0x8700] =	vst v63  }
0x21c: {  	v56 =	vld [tilespmem:$0x2B0];
	_ =	sdelay $0x4  }
0x21d: {  	[tilespmem:$0x1FEB0] =	vst v3;
	v3 =	vshll.u32 v56, $0x1  }
0x21e: {  	v56 =	vand.u32 $0x7, v56;
	v57 =	vand.u32 $0xFFFFFFF0, v3  }
0x21f: {  	v56 =	vor.u32 v56, v57  }
0x220: {  	v57 =	vperm.xlane v56, v0;
	_ =	sdelay $0x1  }
0x221: {  	v56 =	vperm.xlane v56, v2;
	v57 =	vadd.s32 v1, v57;
	_ =	sdelay $0x1  }
0x222: {  	v56 =	vadd.s32 v1, v56;
	_ =	sdelay $0x1  }
0x223: {  	[tilespmem:$0x1FE90] =	vst v5  }
0x224: {  	[tilespmem:s26], [sflag:$0x2] =	stream.indirect_vreg.gather [hbm4b:s1+s2], $0x80, v57, vm0, $0xb8;
	[tilespmem:$0x8700] =	vst v63  }
0x225: {  	[tilespmem:$0x1FEA0] =	vst v4  }
0x226: {  	v21 =	vadd.f32 v50, v21;
	v15 =	vadd.f32 v30, v15;
	[tilespmem:s28], [sflag:$0x2] =	stream.indirect_vreg.gather [hbm4b:s1+s2], $0x80, v56, vm0, $0xb8;
	[tilespmem:$0x8700] =	vst v63  }
0x227: {  	v10 =	vadd.f32 v52, v10;
	v60 =	vadd.f32 v11, v28;
	_ =	swait.ge [sflag:s29], $0x4000  }
0x228: {  	v30 =	vmul.f32 v44, v44;
	v11 =	vadd.f32 v51, v32;
	v49 =	vadd.f32 v46, v49;
	s4 =	sand.u32 $0x3800, s2;
	s2 =	sand.u32 $0x300, s2;
	[sflag:s29] =	ssyncset.done $0x0  }
0x229: {  	v18 =	vadd.f32 v34, v18;
	v16 =	vadd.f32 v35, v16;
	s31 =	sor.u32 s2, s4;
	[sflag:s29] =	ssyncadd.s32 $0xFFFFC000  }
0x22a: {  	v52 =	vadd.f32 v55, v27;
	v27 =	vadd.f32 v30, v47;
	v30 =	vld [tilespmem:s31+$0x880]  }
0x22b: {  	v12 =	vadd.f32 v53, v12;
	v55 =	vadd.f32 v40, v45;
	v28 =	vld [tilespmem:s31+$0x8C0]  }
0x22c: {  	v45 =	vmul.f32 v26, v26;
	v59 =	vadd.f32 v54, v21;
	v21 =	vadd.f32 v48, v27;
	v27 =	vld [tilespmem:s31+$0x4D0]  }
0x22d: {  	v48 =	vadd.f32 v58, v12;
	v12 =	vmul.f32 v39, v39;
	v63 =	vmul.f32 v29, v29;
	v29 =	vld [tilespmem:s31+$0x4C0]  }
0x22e: {  	v10 =	vadd.f32 v42, v10;
	v26 =	vmul.f32 v37, v37;
	v56 =	vmul.f32 v53, v53;
	v42 =	vld [tilespmem:s31+$0x420]  }
0x22f: {  	v17 =	vadd.f32 v33, v17;
	v11 =	vadd.f32 v12, v11;
	v12 =	vmul.f32 v40, v40;
	v51 =	vld [tilespmem:s31+$0x820]  }
0x230: {  	v62 =	vadd.f32 v56, v52;
	v52 =	vadd.f32 v26, v21;
	v21 =	vmul.f32 v43, v43;
	v33 =	vld [tilespmem:s31+$0x4A0]  }
0x231: {  	v13 =	vadd.f32 v13, v49;
	v57 =	vadd.f32 v43, v15;
	v15 =	vmul.f32 v54, v54;
	v54 =	vld [tilespmem:s31+$0x800]  }
0x232: {  	v12 =	vadd.f32 v12, v41;
	v56 =	vadd.f32 v21, v16;
	v21 =	vld [tilespmem:s31+$0x840]  }
0x233: {  	v61 =	vmul.f32 v23, v23;
	[tilespmem:$0x1FED0] =	vst v57;
	v57 =	vadd.f32 v20, v17;
	v15 =	vadd.f32 v15, v62;
	v20 =	vld [tilespmem:s31+$0x810]  }
0x234: {  	v11 =	vadd.f32 v24, v11;
	v10 =	vadd.f32 v63, v10;
	[tilespmem:$0x1FEC0] =	vst v55;
	v35 =	vld [tilespmem:s31+$0x4F0]  }
0x235: {  	v14 =	vmul.f32 v14, v14;
	[tilespmem:$0x1FEE0] =	vst v59;
	v59 =	vadd.f32 v19, v18;
	v50 =	vadd.f32 v61, v15;
	v15 =	vld [tilespmem:s31+$0x400]  }
0x236: {  	v63 =	vadd.f32 v25, v36;
	v36 =	vadd.f32 v45, v10;
	[tilespmem:$0x1FF00] =	vst v48;
	v17 =	vmul.f32 v58, v58;
	v48 =	vld [tilespmem:s31+$0x890]  }
0x237: {  	v53 =	vadd.f32 v37, v31;
	v55 =	vadd.f32 v23, v38;
	v16 =	vmul.f32 v22, v22;
	[tilespmem:$0x1FF70] =	vst v59;
	v59 =	vld [tilespmem:s31+$0x830]  }
0x238: {  	v31 =	vimm.f32 $0.0e+00;
	[tilespmem:$0x1FEF0] =	vst v60;
	v60 =	vadd.f32 v14, v13;
	v62 =	vadd.f32 v17, v11;
	v25 =	vld [tilespmem:s31+$0x470]  }
0x239: {  	[tilespmem:$0x1FF60] =	vst v57;
	v10 =	vld [tilespmem:s31+$0x460];
	v57 =	vimm.f32 $0.0e+00;
	v61 =	vadd.f32 v16, v12;
	v12 =	vmul.f32 v54, v54  }
0x23a: {  	v44 =	vld [tilespmem:s31+$0x850];
	v13 =	vmul.f32 v29, v29;
	v14 =	vadd.f32 v54, v31;
	v18 =	vmul.f32 v15, v15  }
0x23b: {  	[tilespmem:$0x1FF30] =	vst v53;
	v53 =	vld [tilespmem:s31+$0x450];
	v16 =	vmul.f32 v28, v28;
	v45 =	vadd.f32 v21, v31;
	v49 =	vadd.f32 v51, v31  }
0x23c: {  	[tilespmem:$0x1FFC0] =	vst v36;
	v24 =	vld [tilespmem:s31+$0x480];
	v17 =	vmul.f32 v20, v20;
	v58 =	vadd.f32 v59, v31;
	v11 =	vadd.f32 v18, v31  }
0x23d: {  	[tilespmem:$0x1FF10] =	vst v50;
	v50 =	vld [tilespmem:s31+$0x440];
	v47 =	vmul.f32 v35, v35;
	v54 =	vadd.f32 v25, v31;
	v19 =	vadd.f32 v15, v31  }
0x23e: {  	[tilespmem:$0x1FF40] =	vst v55;
	v55 =	vmul.f32 v27, v27;
	v15 =	vadd.f32 v20, v31;
	v11 =	vadd.f32 v12, v11;
	v12 =	vld [tilespmem:s31+$0x410]  }
0x23f: {  	v34 =	vld [tilespmem:s31+$0x490];
	[tilespmem:$0x1FFA0] =	vst v62;
	v62 =	vmul.f32 v44, v44;
	v36 =	vadd.f32 v30, v14;
	v18 =	vadd.f32 v42, v31  }
0x240: {  	v22 =	vmul.f32 v53, v53;
	v14 =	vadd.f32 v10, v31;
	v11 =	vadd.f32 v13, v11;
	v13 =	vld [tilespmem:s31+$0x860]  }
0x241: {  	v25 =	vmul.f32 v25, v25;
	v20 =	vld [tilespmem:s31+$0x430];
	v38 =	vadd.f32 v48, v15;
	v39 =	vadd.f32 v33, v18  }
0x242: {  	v18 =	vmul.f32 v50, v50;
	v46 =	vadd.f32 v16, v11;
	v11 =	vmul.f32 v10, v10  }
0x243: {  	[tilespmem:$0x1FF20] =	vst v52;
	v52 =	vadd.f32 v24, v19;
	v16 =	vadd.f32 v12, v31;
	v12 =	vmul.f32 v12, v12  }
0x244: {  	v32 =	vld [tilespmem:s31+$0x8E0];
	v19 =	vimm.f32 $0.0e+00;
	v18 =	vadd.f32 v18, v31;
	v15 =	vadd.f32 v11, v31  }
0x245: {  	v43 =	vld [tilespmem:s31+$0x8B0];
	v10 =	vadd.f32 v12, v31;
	v11 =	vadd.f32 v13, v31;
	v12 =	vmul.f32 v42, v42  }
0x246: {  	[tilespmem:$0x1FFB0] =	vst v63;
	v23 =	vld [tilespmem:s31+$0x870];
	v40 =	vadd.f32 v34, v16;
	v16 =	vmul.f32 v21, v21;
	v21 =	vmul.f32 v20, v20  }
0x247: {  	[tilespmem:$0x1FF50] =	vst v56;
	v56 =	vld [tilespmem:s31+$0x8A0];
	v42 =	vimm.f32 $0.0e+00;
	v63 =	vadd.f32 v17, v10;
	v17 =	vmul.f32 v33, v33  }
0x248: {  	[tilespmem:$0x1FF90] =	vst v61;
	v61 =	vld [tilespmem:s31+$0x4E0];
	v10 =	vmul.f32 v51, v51;
	v37 =	vadd.f32 v12, v31;
	v12 =	vmul.f32 v24, v24  }
0x249: {  	v41 =	vadd.f32 v32, v11;
	v11 =	vld [tilespmem:s31+$0x8D0];
	v33 =	vimm.f32 $0.0e+00;
	v51 =	vimm.f32 $0.0e+00  }
0x24a: {  	s5 =	simm.s32 $0x100;
	s2 =	simm.s32 $0x200;
	[tilespmem:$0x1FF80] =	vst v60;
	v24 =	vld [tilespmem:s31+$0x4B0];
	v60 =	vadd.f32 v10, v37;
	v37 =	vimm.f32 $0.0e+00;
	v10 =	vimm.f32 $0.0e+00  }
.LBB2_10:
0x24b: {  	s4 =	smov.u32 s5  }
0x24c: {  	s6 =	sand.u32 $0x3800, s2;
	s7 =	sand.u32 $0x300, s5;
	v20 =	vadd.f32 v20, v31;
	v31 =	vadd.f32 v44, v37;
	v13 =	vmul.f32 v13, v13;
	s4 =	sadd.s32 $0x100, s5  }
0x24d: {  	p0 =	sne.s32 s5, $0x1F00;
	v19 =	vadd.f32 v22, v19;
	v22 =	vadd.f32 v25, v42;
	v25 =	vmul.f32 v23, v23;
	v44 =	vld [tilespmem:s31+$0x8F0];
	s31 =	sor.u32 s7, s6  }
0x24e: {  	v23 =	vadd.f32 v23, v33;
	v14 =	vadd.f32 v61, v14;
	v26 =	vld [tilespmem:s31+$0x880]  }
0x24f: {  	v13 =	vadd.f32 v13, v15;
	v37 =	vadd.f32 v11, v31;
	v0 =	vld [tilespmem:s31+$0x8C0]  }
0x250: {  	v31 =	vadd.f32 v24, v20;
	v20 =	vmul.f32 v24, v24;
	v24 =	vadd.f32 v28, v45;
	v15 =	vld [tilespmem:s31+$0x4D0]  }
0x251: {  	v10 =	vadd.f32 v21, v10;
	v13 =	vadd.f32 v17, v13;
	v17 =	vmul.f32 v43, v43;
	v45 =	vld [tilespmem:s31+$0x4C0]  }
0x252: {  	v22 =	vadd.f32 v25, v22;
	v25 =	vmul.f32 v34, v34;
	v21 =	vld [tilespmem:s31+$0x420];
	v33 =	vadd.f32 v44, v23  }
0x253: {  	v16 =	vadd.f32 v16, v18;
	v18 =	vadd.f32 v62, v19;
	v34 =	vmul.f32 v59, v59;
	v23 =	vld [tilespmem:s31+$0x8E0]  }
0x254: {  	v19 =	vadd.f32 v53, v57;
	v20 =	vadd.f32 v20, v22;
	v22 =	vmul.f32 v48, v48;
	v2 =	vld [tilespmem:s31+$0x820];
	v28 =	vmovc v0  }
0x255: {  	v12 =	vadd.f32 v12, v16;
	v16 =	vadd.f32 v55, v63;
	v48 =	vmul.f32 v56, v56;
	v1 =	vld [tilespmem:s31+$0x4A0]  }
0x256: {  	v50 =	vadd.f32 v50, v51;
	v55 =	vmul.f32 v30, v30;
	v42 =	vadd.f32 v17, v20;
	v30 =	vmovc v26;
	v53 =	vld [tilespmem:s31+$0x400]  }
0x257: {  	v11 =	vmul.f32 v11, v11;
	v17 =	vadd.f32 v25, v18;
	v18 =	vadd.f32 v48, v13;
	v26 =	vld [tilespmem:s31+$0x840]  }
0x258: {  	v10 =	vadd.f32 v34, v10;
	v20 =	vmul.f32 v61, v61;
	v25 =	vadd.f32 v56, v49;
	v13 =	vld [tilespmem:s31+$0x800]  }
0x259: {  	v58 =	vadd.f32 v43, v58;
	v11 =	vadd.f32 v11, v16;
	v16 =	vmul.f32 v32, v32;
	v32 =	vmovc v23;
	v3 =	vld [tilespmem:s31+$0x480]  }
0x25a: {  	v51 =	vadd.f32 v29, v50;
	v44 =	vmul.f32 v44, v44;
	v20 =	vadd.f32 v20, v60;
	v29 =	vmovc v45;
	v23 =	vld [tilespmem:s31+$0x810]  }
0x25b: {  	v57 =	vadd.f32 v27, v19;
	v10 =	vadd.f32 v47, v10;
	v27 =	vmovc v15;
	v34 =	vmul.f32 v53, v53;
	v49 =	vld [tilespmem:s31+$0x4F0]  }
0x25c: {  	v60 =	vadd.f32 v55, v12;
	v12 =	vadd.f32 v16, v20;
	v43 =	vld [tilespmem:s31+$0x8B0]  }
0x25d: {  	v10 =	vadd.f32 v44, v10;
	v16 =	vadd.f32 v34, v46;
	v20 =	vmul.f32 v13, v13;
	v34 =	vld [tilespmem:s31+$0x490]  }
0x25e: {  	v54 =	vadd.f32 v35, v54;
	v19 =	vadd.f32 v22, v17;
	v45 =	vmul.f32 v45, v29;
	v48 =	vld [tilespmem:s31+$0x890]  }
0x25f: {  	v22 =	vadd.f32 v13, v36;
	v17 =	vld [tilespmem:s31+$0x460];
	v13 =	vadd.f32 v20, v16  }
0x260: {  	v0 =	vmul.f32 v0, v28;
	v52 =	vadd.f32 v53, v52;
	v16 =	vld [tilespmem:s31+$0x410];
	v35 =	vmov v49  }
0x261: {  	v20 =	vadd.f32 v23, v38;
	v23 =	vmul.f32 v23, v23;
	v44 =	vld [tilespmem:s31+$0x850];
	v38 =	vadd.f32 v45, v13  }
0x262: {  	v36 =	vadd.f32 v30, v22;
	v45 =	vadd.f32 v26, v24;
	v47 =	vmul.f32 v49, v35;
	v13 =	vld [tilespmem:s31+$0x860]  }
0x263: {  	v55 =	vmul.f32 v15, v27;
	v22 =	vadd.f32 v21, v39;
	v53 =	vld [tilespmem:s31+$0x450];
	v46 =	vadd.f32 v0, v38  }
0x264: {  	v49 =	vadd.f32 v2, v25;
	v38 =	vadd.f32 v48, v20;
	v50 =	vld [tilespmem:s31+$0x440];
	v0 =	vmul.f32 v17, v17  }
0x265: {  	v14 =	vadd.f32 v17, v14;
	v24 =	vadd.f32 v16, v40;
	v16 =	vmul.f32 v16, v16;
	v59 =	vld [tilespmem:s31+$0x830]  }
0x266: {  	v39 =	vadd.f32 v1, v22;
	v20 =	vld [tilespmem:s31+$0x430];
	v15 =	vadd.f32 v0, v18  }
0x267: {  	v62 =	vmul.f32 v44, v44;
	v0 =	vadd.f32 v16, v11;
	v11 =	vadd.f32 v13, v41;
	v56 =	vld [tilespmem:s31+$0x8A0]  }
0x268: {  	v18 =	vmul.f32 v21, v21;
	v40 =	vadd.f32 v34, v24;
	v22 =	vmul.f32 v53, v53;
	v25 =	vld [tilespmem:s31+$0x470]  }
.Ltmp4:
0x269: {  	v17 =	vmul.f32 v1, v1;
	v24 =	vmul.f32 v50, v50;
	v63 =	vadd.f32 v23, v0;
	(pc) =	sbr.rel @p0 .LBB2_10-.Ltmp4, $4  }
0x26a: {  	v16 =	vmul.f32 v26, v26;
	v0 =	vmul.f32 v2, v2;
	v58 =	vadd.f32 v59, v58;
	v23 =	vld [tilespmem:s31+$0x870]  }
0x26b: {  	v1 =	vadd.f32 v18, v12;
	v12 =	vmul.f32 v3, v3;
	v41 =	vadd.f32 v32, v11;
	v61 =	vld [tilespmem:s31+$0x4E0]  }
0x26c: {  	v52 =	vadd.f32 v3, v52;
	v21 =	vmul.f32 v20, v20;
	v18 =	vadd.f32 v24, v60;
	v11 =	vld [tilespmem:s31+$0x8D0]  }
0x26d: {  	s2 =	sadd.s32 $0x200, s2;
	s5 =	smov.u32 s4;
	v60 =	vadd.f32 v0, v1;
	v54 =	vadd.f32 v25, v54;
	v25 =	vmul.f32 v25, v25;
	v24 =	vld [tilespmem:s31+$0x4B0]  }
0x26e: {  	v0 =	vld [tilespmem:$0x300];
	_ =	sdelay $0x2  }
0x26f: {  	v3 =	vld [tilespmem:$0x1FFD0]  }
0x270: {  	v4 =	vld [tilespmem:$0x1FFE0]  }
0x271: {  	v5 =	vld [tilespmem:$0x1FFF0];
	v1 =	vshll.u32 v0, $0x1  }
0x272: {  	v0 =	vand.u32 $0x7, v0;
	v1 =	vand.u32 $0xFFFFFFF0, v1  }
0x273: {  	v0 =	vor.u32 v0, v1  }
0x274: {  	v1 =	vperm.xlane v0, v3;
	_ =	sdelay $0x1  }
0x275: {  	v0 =	vperm.xlane v0, v5;
	v1 =	vadd.s32 v4, v1;
	_ =	sdelay $0x1  }
0x276: {  	v0 =	vadd.s32 v4, v0;
	_ =	sdelay $0x1  }
0x277: {  	s2 =	simm.s32 $0x0  }
0x278: {  	v2 =	vld [tilespmem:s31+$0x8F0];
	[tilespmem:s12], [sflag:$0x1] =	stream.indirect_vreg.gather [hbm4b:s1+s2], $0x80, v1, vm0, $0xb8  }
0x279: {  	_ = 	snop  }
0x27a: {  	[tilespmem:s13], [sflag:$0x1] =	stream.indirect_vreg.gather [hbm4b:s1+s2], $0x80, v0, vm0, $0xb8;
	[tilespmem:$0x8700] =	vst v63  }
0x27b: {  	v0 =	vld [tilespmem:$0x310];
	_ =	sdelay $0x4  }
0x27c: {  	v1 =	vshll.u32 v0, $0x1  }
0x27d: {  	v0 =	vand.u32 $0x7, v0;
	v1 =	vand.u32 $0xFFFFFFF0, v1  }
0x27e: {  	v0 =	vor.u32 v0, v1  }
0x27f: {  	v1 =	vperm.xlane v0, v3;
	_ =	sdelay $0x1  }
0x280: {  	v0 =	vperm.xlane v0, v5;
	v1 =	vadd.s32 v4, v1;
	_ =	sdelay $0x1  }
0x281: {  	v0 =	vadd.s32 v4, v0;
	_ =	sdelay $0x2  }
0x282: {  	[tilespmem:s14], [sflag:$0x1] =	stream.indirect_vreg.gather [hbm4b:s1+s2], $0x80, v1, vm0, $0xb8;
	[tilespmem:$0x8700] =	vst v63  }
0x283: {  	_ = 	snop  }
0x284: {  	[tilespmem:s15], [sflag:$0x1] =	stream.indirect_vreg.gather [hbm4b:s1+s2], $0x80, v0, vm0, $0xb8;
	[tilespmem:$0x8700] =	vst v63  }
0x285: {  	v0 =	vld [tilespmem:$0x320];
	_ =	sdelay $0x4  }
0x286: {  	v1 =	vshll.u32 v0, $0x1  }
0x287: {  	v0 =	vand.u32 $0x7, v0;
	v1 =	vand.u32 $0xFFFFFFF0, v1  }
0x288: {  	v0 =	vor.u32 v0, v1  }
0x289: {  	v1 =	vperm.xlane v0, v3;
	_ =	sdelay $0x1  }
0x28a: {  	v0 =	vperm.xlane v0, v5;
	v1 =	vadd.s32 v4, v1;
	_ =	sdelay $0x1  }
0x28b: {  	v0 =	vadd.s32 v4, v0;
	_ =	sdelay $0x2  }
0x28c: {  	[tilespmem:s16], [sflag:$0x1] =	stream.indirect_vreg.gather [hbm4b:s1+s2], $0x80, v1, vm0, $0xb8;
	[tilespmem:$0x8700] =	vst v63  }
0x28d: {  	_ = 	snop  }
0x28e: {  	[tilespmem:s17], [sflag:$0x1] =	stream.indirect_vreg.gather [hbm4b:s1+s2], $0x80, v0, vm0, $0xb8;
	[tilespmem:$0x8700] =	vst v63  }
0x28f: {  	v0 =	vld [tilespmem:$0x330];
	_ =	sdelay $0x4  }
0x290: {  	v1 =	vshll.u32 v0, $0x1  }
0x291: {  	v0 =	vand.u32 $0x7, v0;
	v1 =	vand.u32 $0xFFFFFFF0, v1  }
0x292: {  	v0 =	vor.u32 v0, v1  }
0x293: {  	v1 =	vperm.xlane v0, v3;
	_ =	sdelay $0x1  }
0x294: {  	v0 =	vperm.xlane v0, v5;
	v1 =	vadd.s32 v4, v1;
	_ =	sdelay $0x1  }
0x295: {  	v0 =	vadd.s32 v4, v0;
	_ =	sdelay $0x2  }
0x296: {  	[tilespmem:s18], [sflag:$0x1] =	stream.indirect_vreg.gather [hbm4b:s1+s2], $0x80, v1, vm0, $0xb8;
	[tilespmem:$0x8700] =	vst v63  }
0x297: {  	_ = 	snop  }
0x298: {  	v37 =	vadd.f32 v44, v37;
	[tilespmem:s19], [sflag:$0x1] =	stream.indirect_vreg.gather [hbm4b:s1+s2], $0x80, v0, vm0, $0xb8;
	[tilespmem:$0x8700] =	vst v63  }
0x299: {  	v44 =	vmul.f32 v13, v13;
	v13 =	vadd.f32 v22, v19;
	v10 =	vadd.f32 v21, v10;
	_ =	swait.ge [sflag:s30], $0x4000  }
0x29a: {  	v16 =	vadd.f32 v16, v18;
	v21 =	vadd.f32 v55, v63;
	s4 =	sand.u32 $0x3800, s2;
	s2 =	sand.u32 $0x300, s2;
	[sflag:s30] =	ssyncset.done $0x0  }
0x29b: {  	v19 =	vadd.f32 v25, v42;
	v22 =	vadd.f32 v61, v14;
	s31 =	sor.u32 s2, s4;
	[sflag:s30] =	ssyncadd.s32 $0xFFFFC000  }
0x29c: {  	v14 =	vmul.f32 v23, v23;
	v0 =	vadd.f32 v20, v31;
	v20 =	vadd.f32 v23, v33;
	v33 =	vld [tilespmem:s31+$0x4880]  }
0x29d: {  	v42 =	vadd.f32 v11, v37;
	v3 =	vadd.f32 v44, v15;
	v37 =	vld [tilespmem:s31+$0x48C0]  }
0x29e: {  	v14 =	vadd.f32 v14, v19;
	v19 =	vmul.f32 v59, v59;
	v1 =	vadd.f32 v28, v45;
	v28 =	vld [tilespmem:s31+$0x44D0]  }
0x29f: {  	v13 =	vadd.f32 v62, v13;
	v3 =	vadd.f32 v17, v3;
	v17 =	vmul.f32 v34, v34;
	v31 =	vld [tilespmem:s31+$0x44C0]  }
0x2a0: {  	v12 =	vadd.f32 v12, v16;
	v10 =	vadd.f32 v19, v10;
	v18 =	vld [tilespmem:s31+$0x4420]  }
0x2a1: {  	v11 =	vmul.f32 v11, v11;
	v19 =	vadd.f32 v56, v49;
	v63 =	vadd.f32 v17, v13;
	v16 =	vld [tilespmem:s31+$0x4820]  }
0x2a2: {  	v23 =	vmul.f32 v56, v56;
	v44 =	vadd.f32 v24, v0;
	v45 =	vadd.f32 v2, v20;
	v25 =	vld [tilespmem:s31+$0x4400]  }
0x2a3: {  	v0 =	vmul.f32 v24, v24;
	v20 =	vadd.f32 v53, v57;
	v24 =	vadd.f32 v50, v51;
	v13 =	vld [tilespmem:s31+$0x44A0]  }
0x2a4: {  	v15 =	vmul.f32 v43, v43;
	v3 =	vadd.f32 v23, v3;
	v23 =	vadd.f32 v43, v58;
	v56 =	vld [tilespmem:s31+$0x4840]  }
0x2a5: {  	v17 =	vmul.f32 v61, v61;
	v0 =	vadd.f32 v0, v14;
	v43 =	vadd.f32 v29, v24;
	v24 =	vld [tilespmem:s31+$0x4480]  }
0x2a6: {  	v26 =	vmul.f32 v30, v30;
	v11 =	vadd.f32 v11, v21;
	v49 =	vadd.f32 v27, v20;
	v20 =	vld [tilespmem:s31+$0x4810]  }
0x2a7: {  	v21 =	vmul.f32 v32, v32;
	v17 =	vadd.f32 v17, v60;
	v50 =	vadd.f32 v15, v0;
	v15 =	vld [tilespmem:s31+$0x4800]  }
0x2a8: {  	v26 =	vadd.f32 v26, v12;
	v27 =	vld [tilespmem:s31+$0x44F0]  }
0x2a9: {  	v10 =	vadd.f32 v47, v10;
	v21 =	vadd.f32 v21, v17;
	v53 =	vld [tilespmem:s31+$0x4490]  }
0x2aa: {  	v2 =	vmul.f32 v2, v2;
	v51 =	vld [tilespmem:s31+$0x4890];
	v29 =	vmul.f32 v25, v25;
	v25 =	vadd.f32 v25, v52  }
0x2ab: {  	v14 =	vmul.f32 v48, v48;
	v60 =	vld [tilespmem:s31+$0x4830];
	v38 =	vadd.f32 v20, v38;
	v32 =	vadd.f32 v56, v1  }
0x2ac: {  	v12 =	vadd.f32 v29, v46;
	v17 =	vmul.f32 v15, v15;
	v29 =	vadd.f32 v2, v10;
	v10 =	vld [tilespmem:s31+$0x4460]  }
0x2ad: {  	v62 =	vmul.f32 v31, v31;
	v2 =	vadd.f32 v35, v54;
	v15 =	vadd.f32 v15, v36;
	v36 =	vld [tilespmem:s31+$0x4450]  }
0x2ae: {  	v47 =	vmul.f32 v27, v27;
	v35 =	vadd.f32 v14, v63;
	v14 =	vadd.f32 v17, v12;
	v17 =	vld [tilespmem:s31+$0x4410]  }
0x2af: {  	v1 =	vadd.f32 v18, v39;
	v52 =	vadd.f32 v16, v19;
	v57 =	vmul.f32 v28, v28;
	v12 =	vld [tilespmem:s31+$0x4850]  }
0x2b0: {  	v55 =	vld [tilespmem:s31+$0x4440];
	v59 =	vadd.f32 v60, v23;
	v63 =	vmul.f32 v37, v37;
	v0 =	vadd.f32 v62, v14  }
0x2b1: {  	v54 =	vmul.f32 v20, v20;
	v39 =	vadd.f32 v51, v38;
	v38 =	vadd.f32 v13, v1;
	v14 =	vld [tilespmem:s31+$0x4860]  }
0x2b2: {  	v20 =	vld [tilespmem:s31+$0x4430];
	v30 =	vadd.f32 v33, v15;
	v46 =	vadd.f32 v63, v0;
	v0 =	vmul.f32 v10, v10  }
0x2b3: {  	v34 =	vld [tilespmem:s31+$0x48E0];
	v15 =	vadd.f32 v10, v22;
	v19 =	vadd.f32 v17, v40;
	v40 =	vmul.f32 v17, v17  }
0x2b4: {  	v48 =	vld [tilespmem:s31+$0x48B0];
	v22 =	vmul.f32 v36, v36;
	v63 =	vmul.f32 v12, v12;
	v17 =	vadd.f32 v0, v3  }
0x2b5: {  	v62 =	vld [tilespmem:s31+$0x4470];
	v3 =	vmul.f32 v18, v18;
	v18 =	vmul.f32 v13, v13;
	v0 =	vadd.f32 v40, v11  }
0x2b6: {  	v58 =	vld [tilespmem:s31+$0x48A0];
	v13 =	vmul.f32 v24, v24;
	v1 =	vadd.f32 v14, v41;
	v40 =	vadd.f32 v53, v19  }
0x2b7: {  	v61 =	vld [tilespmem:s31+$0x44E0];
	v11 =	vmul.f32 v55, v55;
	v3 =	vadd.f32 v3, v21;
	v21 =	vmul.f32 v20, v20  }
0x2b8: {  	v23 =	vld [tilespmem:s31+$0x4870];
	v10 =	vadd.f32 v54, v0;
	v0 =	vmul.f32 v16, v16;
	v41 =	vadd.f32 v34, v1  }
0x2b9: {  	v16 =	vmul.f32 v56, v56;
	v19 =	vadd.f32 v11, v26;
	v54 =	vadd.f32 v24, v25;
	v11 =	vld [tilespmem:s31+$0x48D0]  }
0x2ba: {  	s5 =	simm.s32 $0x100;
	s2 =	simm.s32 $0x200;
	v56 =	vadd.f32 v62, v2;
	v25 =	vmul.f32 v62, v62;
	v24 =	vld [tilespmem:s31+$0x44B0];
	v62 =	vadd.f32 v0, v3  }
.LBB2_12:
0x2bb: {  	s4 =	smov.u32 s5  }
0x2bc: {  	s6 =	sand.u32 $0x3800, s2;
	s7 =	sand.u32 $0x300, s5;
	v0 =	vadd.f32 v20, v44;
	v1 =	vadd.f32 v12, v42;
	v2 =	vmul.f32 v14, v14;
	s4 =	sadd.s32 $0x100, s5  }
0x2bd: {  	p0 =	sne.s32 s5, $0x1F00;
	v3 =	vadd.f32 v22, v35;
	v12 =	vadd.f32 v25, v50;
	v14 =	vmul.f32 v23, v23;
	v20 =	vld [tilespmem:s31+$0x48F0];
	s31 =	sor.u32 s7, s6  }
0x2be: {  	v23 =	vadd.f32 v23, v45;
	v15 =	vadd.f32 v61, v15;
	v22 =	vld [tilespmem:s31+$0x4880]  }
0x2bf: {  	v2 =	vadd.f32 v2, v17;
	v42 =	vadd.f32 v11, v1;
	v25 =	vld [tilespmem:s31+$0x48C0]  }
0x2c0: {  	v17 =	vadd.f32 v37, v32;
	v44 =	vadd.f32 v24, v0;
	v0 =	vmul.f32 v24, v24;
	v1 =	vld [tilespmem:s31+$0x44D0]  }
0x2c1: {  	v21 =	vadd.f32 v21, v29;
	v2 =	vadd.f32 v18, v2;
	v18 =	vmul.f32 v48, v48;
	v24 =	vld [tilespmem:s31+$0x44C0]  }
0x2c2: {  	v12 =	vadd.f32 v14, v12;
	v14 =	vmul.f32 v53, v53;
	v26 =	vld [tilespmem:s31+$0x4420];
	v45 =	vadd.f32 v20, v23  }
0x2c3: {  	v29 =	vmul.f32 v60, v60;
	v16 =	vadd.f32 v16, v19;
	v3 =	vadd.f32 v63, v3;
	v23 =	vld [tilespmem:s31+$0x48E0]  }
0x2c4: {  	v32 =	vadd.f32 v36, v49;
	v0 =	vadd.f32 v0, v12;
	v12 =	vmul.f32 v51, v51;
	v19 =	vld [tilespmem:s31+$0x4820];
	v37 =	vmovc v25  }
0x2c5: {  	v10 =	vadd.f32 v57, v10;
	v13 =	vadd.f32 v13, v16;
	v16 =	vmul.f32 v58, v58;
	v4 =	vld [tilespmem:s31+$0x44A0]  }
0x2c6: {  	v35 =	vadd.f32 v55, v43;
	v51 =	vmul.f32 v33, v33;
	v50 =	vadd.f32 v18, v0;
	v33 =	vmovc v22;
	v36 =	vld [tilespmem:s31+$0x4400]  }
0x2c7: {  	v11 =	vmul.f32 v11, v11;
	v3 =	vadd.f32 v14, v3;
	v2 =	vadd.f32 v16, v2;
	v0 =	vld [tilespmem:s31+$0x4840]  }
0x2c8: {  	v16 =	vadd.f32 v29, v21;
	v21 =	vadd.f32 v58, v52;
	v18 =	vmul.f32 v61, v61;
	v14 =	vld [tilespmem:s31+$0x4800]  }
0x2c9: {  	v59 =	vadd.f32 v48, v59;
	v10 =	vadd.f32 v11, v10;
	v11 =	vmul.f32 v34, v34;
	v34 =	vmovc v23;
	v5 =	vld [tilespmem:s31+$0x4480]  }
0x2ca: {  	v43 =	vadd.f32 v31, v35;
	v20 =	vmul.f32 v20, v20;
	v18 =	vadd.f32 v18, v62;
	v31 =	vmovc v24;
	v22 =	vld [tilespmem:s31+$0x4810]  }
0x2cb: {  	v49 =	vadd.f32 v28, v32;
	v16 =	vadd.f32 v47, v16;
	v28 =	vmovc v1;
	v23 =	vmul.f32 v36, v36;
	v52 =	vld [tilespmem:s31+$0x44F0]  }
0x2cc: {  	v62 =	vadd.f32 v51, v13;
	v11 =	vadd.f32 v11, v18;
	v48 =	vld [tilespmem:s31+$0x48B0]  }
0x2cd: {  	v29 =	vadd.f32 v20, v16;
	v13 =	vadd.f32 v23, v46;
	v18 =	vmul.f32 v14, v14;
	v53 =	vld [tilespmem:s31+$0x4490]  }
0x2ce: {  	v35 =	vadd.f32 v12, v3;
	v16 =	vmul.f32 v24, v31;
	v24 =	vadd.f32 v27, v56;
	v51 =	vld [tilespmem:s31+$0x4890]  }
0x2cf: {  	v20 =	vadd.f32 v14, v30;
	v3 =	vld [tilespmem:s31+$0x4460];
	v13 =	vadd.f32 v18, v13  }
0x2d0: {  	v54 =	vadd.f32 v36, v54;
	v23 =	vmul.f32 v25, v37;
	v18 =	vld [tilespmem:s31+$0x4410];
	v27 =	vmov v52  }
0x2d1: {  	v25 =	vadd.f32 v22, v39;
	v56 =	vmul.f32 v22, v22;
	v12 =	vld [tilespmem:s31+$0x4850];
	v13 =	vadd.f32 v16, v13  }
0x2d2: {  	v32 =	vadd.f32 v0, v17;
	v30 =	vadd.f32 v33, v20;
	v47 =	vmul.f32 v52, v27;
	v14 =	vld [tilespmem:s31+$0x4860]  }
0x2d3: {  	v57 =	vmul.f32 v1, v28;
	v16 =	vadd.f32 v26, v38;
	v36 =	vld [tilespmem:s31+$0x4450];
	v46 =	vadd.f32 v23, v13  }
0x2d4: {  	v52 =	vadd.f32 v19, v21;
	v39 =	vadd.f32 v51, v25;
	v55 =	vld [tilespmem:s31+$0x4440];
	v1 =	vmul.f32 v3, v3  }
0x2d5: {  	v15 =	vadd.f32 v3, v15;
	v13 =	vadd.f32 v18, v40;
	v18 =	vmul.f32 v18, v18;
	v60 =	vld [tilespmem:s31+$0x4830]  }
0x2d6: {  	v38 =	vadd.f32 v4, v16;
	v20 =	vld [tilespmem:s31+$0x4430];
	v17 =	vadd.f32 v1, v2  }
0x2d7: {  	v63 =	vmul.f32 v12, v12;
	v1 =	vadd.f32 v18, v10;
	v2 =	vadd.f32 v14, v41;
	v58 =	vld [tilespmem:s31+$0x48A0]  }
0x2d8: {  	v3 =	vmul.f32 v26, v26;
	v40 =	vadd.f32 v53, v13;
	v22 =	vmul.f32 v36, v36;
	v25 =	vld [tilespmem:s31+$0x4470]  }
.Ltmp5:
0x2d9: {  	v18 =	vmul.f32 v4, v4;
	v26 =	vmul.f32 v55, v55;
	v10 =	vadd.f32 v56, v1;
	(pc) =	sbr.rel @p0 .LBB2_12-.Ltmp5, $4  }
0x2da: {  	v16 =	vmul.f32 v0, v0;
	v1 =	vmul.f32 v19, v19;
	v59 =	vadd.f32 v60, v59;
	v23 =	vld [tilespmem:s31+$0x4870]  }
0x2db: {  	v0 =	vadd.f32 v3, v11;
	v13 =	vmul.f32 v5, v5;
	v41 =	vadd.f32 v34, v2;
	v61 =	vld [tilespmem:s31+$0x44E0]  }
0x2dc: {  	v54 =	vadd.f32 v5, v54;
	v21 =	vmul.f32 v20, v20;
	v19 =	vadd.f32 v26, v62;
	v11 =	vld [tilespmem:s31+$0x48D0]  }
0x2dd: {  	s2 =	sadd.s32 $0x200, s2;
	s5 =	smov.u32 s4;
	v62 =	vadd.f32 v1, v0;
	v56 =	vadd.f32 v25, v24;
	v25 =	vmul.f32 v25, v25;
	v24 =	vld [tilespmem:s31+$0x44B0]  }
0x2de: {  	v0 =	vld [tilespmem:$0x380];
	_ =	sdelay $0x2  }
0x2df: {  	v3 =	vld [tilespmem:$0x1FFD0]  }
0x2e0: {  	v4 =	vld [tilespmem:$0x1FFE0]  }
0x2e1: {  	v5 =	vld [tilespmem:$0x1FFF0];
	v1 =	vshll.u32 v0, $0x1  }
0x2e2: {  	v0 =	vand.u32 $0x7, v0;
	v1 =	vand.u32 $0xFFFFFFF0, v1  }
0x2e3: {  	v0 =	vor.u32 v0, v1  }
0x2e4: {  	v1 =	vperm.xlane v0, v3;
	_ =	sdelay $0x1  }
0x2e5: {  	v0 =	vperm.xlane v0, v5;
	v1 =	vadd.s32 v4, v1;
	_ =	sdelay $0x1  }
0x2e6: {  	v0 =	vadd.s32 v4, v0;
	_ =	sdelay $0x1  }
0x2e7: {  	s2 =	simm.s32 $0x0  }
0x2e8: {  	v2 =	vld [tilespmem:s31+$0x48F0];
	[tilespmem:s20], [sflag:$0x2] =	stream.indirect_vreg.gather [hbm4b:s1+s2], $0x80, v1, vm0, $0xb8  }
0x2e9: {  	_ = 	snop  }
0x2ea: {  	[tilespmem:s21], [sflag:$0x2] =	stream.indirect_vreg.gather [hbm4b:s1+s2], $0x80, v0, vm0, $0xb8;
	[tilespmem:$0x8700] =	vst v63  }
0x2eb: {  	v0 =	vld [tilespmem:$0x390];
	_ =	sdelay $0x4  }
0x2ec: {  	v1 =	vshll.u32 v0, $0x1  }
0x2ed: {  	v0 =	vand.u32 $0x7, v0;
	v1 =	vand.u32 $0xFFFFFFF0, v1  }
0x2ee: {  	v0 =	vor.u32 v0, v1  }
0x2ef: {  	v1 =	vperm.xlane v0, v3;
	_ =	sdelay $0x1  }
0x2f0: {  	v0 =	vperm.xlane v0, v5;
	v1 =	vadd.s32 v4, v1;
	_ =	sdelay $0x1  }
0x2f1: {  	v0 =	vadd.s32 v4, v0;
	_ =	sdelay $0x2  }
0x2f2: {  	[tilespmem:s22], [sflag:$0x2] =	stream.indirect_vreg.gather [hbm4b:s1+s2], $0x80, v1, vm0, $0xb8;
	[tilespmem:$0x8700] =	vst v63  }
0x2f3: {  	_ = 	snop  }
0x2f4: {  	[tilespmem:s23], [sflag:$0x2] =	stream.indirect_vreg.gather [hbm4b:s1+s2], $0x80, v0, vm0, $0xb8;
	[tilespmem:$0x8700] =	vst v63  }
0x2f5: {  	v0 =	vld [tilespmem:$0x3A0];
	_ =	sdelay $0x4  }
0x2f6: {  	v1 =	vshll.u32 v0, $0x1  }
0x2f7: {  	v0 =	vand.u32 $0x7, v0;
	v1 =	vand.u32 $0xFFFFFFF0, v1  }
0x2f8: {  	v0 =	vor.u32 v0, v1  }
0x2f9: {  	v1 =	vperm.xlane v0, v3;
	_ =	sdelay $0x1  }
0x2fa: {  	v0 =	vperm.xlane v0, v5;
	v1 =	vadd.s32 v4, v1;
	_ =	sdelay $0x1  }
0x2fb: {  	v0 =	vadd.s32 v4, v0;
	_ =	sdelay $0x2  }
0x2fc: {  	[tilespmem:s24], [sflag:$0x2] =	stream.indirect_vreg.gather [hbm4b:s1+s2], $0x80, v1, vm0, $0xb8;
	[tilespmem:$0x8700] =	vst v63  }
0x2fd: {  	_ = 	snop  }
0x2fe: {  	[tilespmem:s25], [sflag:$0x2] =	stream.indirect_vreg.gather [hbm4b:s1+s2], $0x80, v0, vm0, $0xb8;
	[tilespmem:$0x8700] =	vst v63  }
0x2ff: {  	v0 =	vld [tilespmem:$0x3B0];
	_ =	sdelay $0x4  }
0x300: {  	v1 =	vshll.u32 v0, $0x1  }
0x301: {  	v0 =	vand.u32 $0x7, v0;
	v1 =	vand.u32 $0xFFFFFFF0, v1  }
0x302: {  	v0 =	vor.u32 v0, v1  }
0x303: {  	v1 =	vperm.xlane v0, v3;
	_ =	sdelay $0x1  }
0x304: {  	v0 =	vperm.xlane v0, v5;
	v1 =	vadd.s32 v4, v1;
	_ =	sdelay $0x1  }
0x305: {  	v0 =	vadd.s32 v4, v0;
	_ =	sdelay $0x2  }
0x306: {  	[tilespmem:s26], [sflag:$0x2] =	stream.indirect_vreg.gather [hbm4b:s1+s2], $0x80, v1, vm0, $0xb8;
	[tilespmem:$0x8700] =	vst v63  }
0x307: {  	_ = 	snop  }
0x308: {  	[tilespmem:s28], [sflag:$0x2] =	stream.indirect_vreg.gather [hbm4b:s1+s2], $0x80, v0, vm0, $0xb8;
	[tilespmem:$0x8700] =	vst v63  }
0x309: {  	v42 =	vadd.f32 v12, v42;
	v10 =	vadd.f32 v57, v10;
	_ =	swait.ge [sflag:s29], $0x4000  }
0x30a: {  	s4 =	sand.u32 $0x3800, s2;
	v12 =	vadd.f32 v23, v45;
	v4 =	vadd.f32 v22, v35;
	s2 =	sand.u32 $0x300, s2;
	[sflag:s29] =	ssyncset.done $0x0  }
0x30b: {  	v5 =	vadd.f32 v25, v50;
	v0 =	vadd.f32 v20, v44;
	v44 =	vmul.f32 v14, v14;
	s31 =	sor.u32 s2, s4;
	[sflag:s29] =	ssyncadd.s32 $0xFFFFC000  }
0x30c: {  	v22 =	vadd.f32 v55, v43;
	v4 =	vadd.f32 v63, v4;
	v35 =	vld [tilespmem:s31+$0x880]  }
0x30d: {  	v3 =	vadd.f32 v44, v17;
	v44 =	vadd.f32 v11, v42;
	v42 =	vld [tilespmem:s31+$0x8C0]  }
0x30e: {  	v1 =	vadd.f32 v37, v32;
	v17 =	vadd.f32 v21, v29;
	v29 =	vld [tilespmem:s31+$0x4D0]  }
0x30f: {  	v45 =	vmul.f32 v24, v24;
	v37 =	vadd.f32 v2, v12;
	v12 =	vadd.f32 v16, v19;
	v32 =	vld [tilespmem:s31+$0x4C0]  }
0x310: {  	v14 =	vadd.f32 v61, v15;
	v15 =	vmul.f32 v23, v23;
	v20 =	vadd.f32 v36, v49;
	v16 =	vld [tilespmem:s31+$0x420]  }
0x311: {  	v12 =	vadd.f32 v13, v12;
	v13 =	vmul.f32 v58, v58;
	v50 =	vadd.f32 v24, v0;
	v36 =	vld [tilespmem:s31+$0x8E0]  }
0x312: {  	v5 =	vadd.f32 v15, v5;
	v15 =	vmul.f32 v53, v53;
	v24 =	vmul.f32 v33, v33;
	v21 =	vld [tilespmem:s31+$0x820]  }
0x313: {  	v11 =	vmul.f32 v11, v11;
	v33 =	vadd.f32 v28, v20;
	v3 =	vadd.f32 v18, v3;
	v23 =	vld [tilespmem:s31+$0x400]  }
0x314: {  	v18 =	vmul.f32 v48, v48;
	v0 =	vadd.f32 v45, v5;
	v57 =	vadd.f32 v15, v4;
	v4 =	vld [tilespmem:s31+$0x4A0]  }
0x315: {  	v19 =	vmul.f32 v60, v60;
	v15 =	vld [tilespmem:s31+$0x800];
	v11 =	vadd.f32 v11, v10;
	v60 =	vadd.f32 v24, v12  }
0x316: {  	v5 =	vmul.f32 v51, v51;
	v25 =	vld [tilespmem:s31+$0x840];
	v51 =	vadd.f32 v18, v0;
	v3 =	vadd.f32 v13, v3  }
0x317: {  	v26 =	vld [tilespmem:s31+$0x480];
	v13 =	vadd.f32 v19, v17;
	v17 =	vmul.f32 v61, v61;
	v18 =	vadd.f32 v58, v52  }
0x318: {  	v10 =	vmul.f32 v34, v34;
	v34 =	vld [tilespmem:s31+$0x4F0];
	v19 =	vadd.f32 v48, v59;
	v48 =	vadd.f32 v31, v22  }
0x319: {  	v2 =	vmul.f32 v2, v2;
	v22 =	vld [tilespmem:s31+$0x810];
	v17 =	vadd.f32 v17, v62;
	v13 =	vadd.f32 v47, v13  }
0x31a: {  	v28 =	vld [tilespmem:s31+$0x490];
	v12 =	vmul.f32 v15, v15;
	v15 =	vadd.f32 v15, v30;
	v54 =	vadd.f32 v23, v54  }
0x31b: {  	v52 =	vld [tilespmem:s31+$0x890];
	v20 =	vmul.f32 v23, v23;
	v61 =	vadd.f32 v16, v38;
	v53 =	vadd.f32 v21, v18  }
0x31c: {  	v31 =	vadd.f32 v2, v13;
	v13 =	vadd.f32 v5, v57;
	v5 =	vld [tilespmem:s31+$0x460]  }
0x31d: {  	v59 =	vmul.f32 v32, v32;
	v45 =	vadd.f32 v10, v17;
	v17 =	vld [tilespmem:s31+$0x410];
	v10 =	vadd.f32 v20, v46  }
0x31e: {  	v23 =	vmul.f32 v42, v42;
	v2 =	vadd.f32 v27, v56;
	v57 =	vld [tilespmem:s31+$0x450];
	v24 =	vadd.f32 v22, v39  }
0x31f: {  	v55 =	vld [tilespmem:s31+$0x440];
	v47 =	vmul.f32 v34, v34;
	v39 =	vadd.f32 v35, v15;
	v10 =	vadd.f32 v12, v10  }
0x320: {  	v56 =	vmul.f32 v22, v22;
	v22 =	vld [tilespmem:s31+$0x860];
	v54 =	vadd.f32 v26, v54;
	v12 =	vadd.f32 v25, v1  }
0x321: {  	v30 =	vld [tilespmem:s31+$0x430];
	v43 =	vadd.f32 v52, v24;
	v24 =	vmul.f32 v4, v4;
	v0 =	vadd.f32 v59, v10  }
0x322: {  	v49 =	vld [tilespmem:s31+$0x8B0];
	v62 =	vmul.f32 v5, v5;
	v15 =	vadd.f32 v17, v40;
	v17 =	vmul.f32 v17, v17  }
0x323: {  	v20 =	vld [tilespmem:s31+$0x850];
	v10 =	vmul.f32 v29, v29;
	v40 =	vadd.f32 v4, v61;
	v38 =	vmul.f32 v57, v57  }
0x324: {  	v59 =	vmul.f32 v25, v25;
	v46 =	vadd.f32 v23, v0;
	v23 =	vadd.f32 v5, v14;
	v14 =	vld [tilespmem:s31+$0x830]  }
0x325: {  	v1 =	vadd.f32 v22, v41;
	v27 =	vadd.f32 v62, v3;
	v3 =	vmul.f32 v16, v16;
	v5 =	vld [tilespmem:s31+$0x470]  }
0x326: {  	v58 =	vld [tilespmem:s31+$0x8A0];
	v25 =	vmul.f32 v30, v30;
	v63 =	vadd.f32 v17, v11;
	v41 =	vadd.f32 v28, v15  }
0x327: {  	v61 =	vld [tilespmem:s31+$0x870];
	v16 =	vmul.f32 v55, v55;
	v0 =	vmul.f32 v21, v21;
	v3 =	vadd.f32 v3, v45  }
0x328: {  	v17 =	vmul.f32 v20, v20;
	v15 =	vld [tilespmem:s31+$0x4E0];
	v18 =	vadd.f32 v56, v63;
	v45 =	vadd.f32 v36, v1  }
0x329: {  	v21 =	vmul.f32 v26, v26;
	v62 =	vld [tilespmem:s31+$0x4B0];
	v60 =	vadd.f32 v16, v60;
	v16 =	vadd.f32 v0, v3  }
0x32a: {  	s5 =	simm.s32 $0x100;
	s2 =	simm.s32 $0x200;
	v11 =	vadd.f32 v14, v19;
	v19 =	vld [tilespmem:s31+$0x8D0];
	v56 =	vadd.f32 v5, v2;
	v63 =	vmul.f32 v5, v5  }
.LBB2_14:
0x32b: {  	s4 =	smov.u32 s5  }
0x32c: {  	s6 =	sand.u32 $0x3800, s2;
	s7 =	sand.u32 $0x300, s5;
	v0 =	vadd.f32 v30, v50;
	v1 =	vadd.f32 v20, v44;
	v2 =	vmul.f32 v22, v22;
	s4 =	sadd.s32 $0x100, s5  }
0x32d: {  	p0 =	sne.s32 s5, $0x1F00;
	v3 =	vadd.f32 v38, v13;
	v4 =	vadd.f32 v63, v51;
	v5 =	vmul.f32 v61, v61;
	v13 =	vld [tilespmem:s31+$0x8F0];
	s31 =	sor.u32 s7, s6  }
0x32e: {  	v22 =	vadd.f32 v61, v37;
	v23 =	vadd.f32 v15, v23;
	v20 =	vld [tilespmem:s31+$0x880]  }
0x32f: {  	v2 =	vadd.f32 v2, v27;
	v44 =	vadd.f32 v19, v1;
	v26 =	vld [tilespmem:s31+$0x8C0]  }
0x330: {  	v12 =	vadd.f32 v42, v12;
	v50 =	vadd.f32 v62, v0;
	v0 =	vmul.f32 v62, v62;
	v1 =	vld [tilespmem:s31+$0x4D0]  }
0x331: {  	v25 =	vadd.f32 v25, v31;
	v2 =	vadd.f32 v24, v2;
	v24 =	vmul.f32 v49, v49;
	v27 =	vld [tilespmem:s31+$0x4C0]  }
0x332: {  	v4 =	vadd.f32 v5, v4;
	v5 =	vmul.f32 v28, v28;
	v38 =	vld [tilespmem:s31+$0x420];
	v37 =	vadd.f32 v13, v22  }
0x333: {  	v14 =	vmul.f32 v14, v14;
	v3 =	vadd.f32 v17, v3;
	v28 =	vadd.f32 v59, v60;
	v22 =	vld [tilespmem:s31+$0x8E0]  }
0x334: {  	v17 =	vadd.f32 v57, v33;
	v0 =	vadd.f32 v0, v4;
	v4 =	vmul.f32 v52, v52;
	v59 =	vld [tilespmem:s31+$0x820];
	v42 =	vmovc v26  }
0x335: {  	v10 =	vadd.f32 v10, v18;
	v18 =	vmul.f32 v58, v58;
	v21 =	vadd.f32 v21, v28;
	v60 =	vld [tilespmem:s31+$0x4A0]  }
0x336: {  	v31 =	vmul.f32 v35, v35;
	v28 =	vadd.f32 v55, v48;
	v51 =	vadd.f32 v24, v0;
	v35 =	vmovc v20;
	v30 =	vld [tilespmem:s31+$0x400]  }
0x337: {  	v3 =	vadd.f32 v5, v3;
	v5 =	vmul.f32 v19, v19;
	v2 =	vadd.f32 v18, v2;
	v0 =	vld [tilespmem:s31+$0x840]  }
0x338: {  	v14 =	vadd.f32 v14, v25;
	v15 =	vmul.f32 v15, v15;
	v19 =	vadd.f32 v58, v53;
	v18 =	vld [tilespmem:s31+$0x800]  }
0x339: {  	v11 =	vadd.f32 v49, v11;
	v5 =	vadd.f32 v5, v10;
	v10 =	vmul.f32 v36, v36;
	v36 =	vmovc v22;
	v62 =	vld [tilespmem:s31+$0x480]  }
0x33a: {  	v15 =	vadd.f32 v15, v16;
	v48 =	vadd.f32 v32, v28;
	v13 =	vmul.f32 v13, v13;
	v32 =	vmovc v27;
	v20 =	vld [tilespmem:s31+$0x810]  }
0x33b: {  	v33 =	vadd.f32 v29, v17;
	v14 =	vadd.f32 v47, v14;
	v29 =	vmovc v1;
	v16 =	vmul.f32 v30, v30;
	v24 =	vld [tilespmem:s31+$0x4F0]  }
0x33c: {  	v63 =	vadd.f32 v31, v21;
	v15 =	vadd.f32 v10, v15;
	v49 =	vld [tilespmem:s31+$0x8B0]  }
0x33d: {  	v31 =	vadd.f32 v13, v14;
	v10 =	vadd.f32 v16, v46;
	v16 =	vmul.f32 v18, v18;
	v28 =	vld [tilespmem:s31+$0x490]  }
0x33e: {  	v56 =	vadd.f32 v34, v56;
	v13 =	vadd.f32 v4, v3;
	v14 =	vmul.f32 v27, v32;
	v52 =	vld [tilespmem:s31+$0x890]  }
0x33f: {  	v4 =	vadd.f32 v18, v39;
	v3 =	vld [tilespmem:s31+$0x460];
	v10 =	vadd.f32 v16, v10  }
0x340: {  	v18 =	vmul.f32 v26, v42;
	v16 =	vadd.f32 v30, v54;
	v17 =	vld [tilespmem:s31+$0x410];
	v34 =	vmov v24  }
0x341: {  	v21 =	vadd.f32 v20, v43;
	v25 =	vmul.f32 v20, v20;
	v20 =	vld [tilespmem:s31+$0x850];
	v14 =	vadd.f32 v14, v10  }
0x342: {  	v12 =	vadd.f32 v0, v12;
	v39 =	vadd.f32 v35, v4;
	v47 =	vmul.f32 v24, v34;
	v22 =	vld [tilespmem:s31+$0x860]  }
0x343: {  	v4 =	vadd.f32 v38, v40;
	v10 =	vmul.f32 v1, v29;
	v57 =	vld [tilespmem:s31+$0x450];
	v46 =	vadd.f32 v18, v14  }
0x344: {  	v53 =	vadd.f32 v59, v19;
	v43 =	vadd.f32 v52, v21;
	v55 =	vld [tilespmem:s31+$0x440];
	v1 =	vmul.f32 v3, v3  }
0x345: {  	v23 =	vadd.f32 v3, v23;
	v18 =	vadd.f32 v17, v41;
	v17 =	vmul.f32 v17, v17;
	v14 =	vld [tilespmem:s31+$0x830]  }
0x346: {  	v40 =	vadd.f32 v60, v4;
	v30 =	vld [tilespmem:s31+$0x430];
	v27 =	vadd.f32 v1, v2  }
0x347: {  	v1 =	vadd.f32 v17, v5;
	v17 =	vmul.f32 v20, v20;
	v2 =	vadd.f32 v22, v45;
	v58 =	vld [tilespmem:s31+$0x8A0]  }
0x348: {  	v3 =	vmul.f32 v38, v38;
	v41 =	vadd.f32 v28, v18;
	v38 =	vmul.f32 v57, v57;
	v4 =	vld [tilespmem:s31+$0x470]  }
.Ltmp6:
0x349: {  	v24 =	vmul.f32 v60, v60;
	v5 =	vmul.f32 v55, v55;
	v18 =	vadd.f32 v25, v1;
	(pc) =	sbr.rel @p0 .LBB2_14-.Ltmp6, $4  }
0x34a: {  	v1 =	vmul.f32 v59, v59;
	v59 =	vmul.f32 v0, v0;
	v11 =	vadd.f32 v14, v11;
	v61 =	vld [tilespmem:s31+$0x870]  }
0x34b: {  	v21 =	vmul.f32 v62, v62;
	v0 =	vadd.f32 v3, v15;
	v45 =	vadd.f32 v36, v2;
	v15 =	vld [tilespmem:s31+$0x4E0]  }
0x34c: {  	v54 =	vadd.f32 v62, v16;
	v25 =	vmul.f32 v30, v30;
	v60 =	vadd.f32 v5, v63;
	v19 =	vld [tilespmem:s31+$0x8D0]  }
0x34d: {  	s2 =	sadd.s32 $0x200, s2;
	s5 =	smov.u32 s4;
	v16 =	vadd.f32 v1, v0;
	v56 =	vadd.f32 v4, v56;
	v63 =	vmul.f32 v4, v4;
	v62 =	vld [tilespmem:s31+$0x4B0]  }
0x34e: {  	v0 =	vld [tilespmem:s31+$0x8F0];
	v1 =	vadd.f32 v30, v50;
	_ =	swait.ge [sflag:s30], $0x4000;
	s2 =	simm.s32 $0x0  }
0x34f: {  	v2 =	vadd.f32 v20, v44;
	v3 =	vmul.f32 v22, v22;
	v4 =	vadd.f32 v38, v13;
	[sflag:s30] =	ssyncset.done $0x0;
	s4 =	sand.u32 $0x3800, s2;
	s2 =	sand.u32 $0x300, s2  }
0x350: {  	v10 =	vadd.f32 v10, v18;
	v11 =	vadd.f32 v49, v11;
	[sflag:s30] =	ssyncadd.s32 $0xFFFFC000;
	s31 =	sor.u32 s2, s4  }
0x351: {  	v5 =	vadd.f32 v63, v51;
	v3 =	vadd.f32 v3, v27;
	v27 =	vld [tilespmem:s31+$0x4880]  }
0x352: {  	v13 =	vadd.f32 v61, v37;
	v22 =	vadd.f32 v15, v23;
	v37 =	vld [tilespmem:s31+$0x48C0]  }
0x353: {  	v20 =	vmul.f32 v61, v61;
	v4 =	vadd.f32 v17, v4;
	v38 =	vadd.f32 v19, v2;
	v30 =	vld [tilespmem:s31+$0x44D0]  }
0x354: {  	v14 =	vmul.f32 v14, v14;
	v2 =	vadd.f32 v42, v12;
	v12 =	vadd.f32 v25, v31;
	v31 =	vld [tilespmem:s31+$0x44C0]  }
0x355: {  	v18 =	vmul.f32 v58, v58;
	v17 =	vadd.f32 v57, v33;
	v5 =	vadd.f32 v20, v5;
	v33 =	vld [tilespmem:s31+$0x48E0]  }
0x356: {  	v35 =	vmul.f32 v35, v35;
	v25 =	vadd.f32 v55, v48;
	v26 =	vld [tilespmem:s31+$0x4400];
	v44 =	vadd.f32 v62, v1  }
0x357: {  	v20 =	vmul.f32 v28, v28;
	v55 =	vld [tilespmem:s31+$0x4840];
	v3 =	vadd.f32 v24, v3;
	v48 =	vadd.f32 v29, v17  }
0x358: {  	v63 =	vld [tilespmem:s31+$0x4480];
	v51 =	vmul.f32 v62, v62;
	v28 =	vadd.f32 v0, v13;
	v13 =	vadd.f32 v59, v60  }
0x359: {  	v42 =	vld [tilespmem:s31+$0x4890];
	v59 =	vadd.f32 v20, v4;
	v12 =	vadd.f32 v14, v12;
	v14 =	vmul.f32 v15, v15  }
0x35a: {  	v24 =	vld [tilespmem:s31+$0x4420];
	v15 =	vmul.f32 v36, v36;
	v36 =	vadd.f32 v32, v25;
	v1 =	vadd.f32 v51, v5  }
0x35b: {  	v23 =	vmul.f32 v49, v49;
	v29 =	vld [tilespmem:s31+$0x44F0];
	v3 =	vadd.f32 v18, v3;
	v13 =	vadd.f32 v21, v13  }
0x35c: {  	v18 =	vmul.f32 v19, v19;
	v19 =	vld [tilespmem:s31+$0x4800];
	v14 =	vadd.f32 v14, v16;
	v12 =	vadd.f32 v47, v12  }
0x35d: {  	v0 =	vmul.f32 v0, v0;
	v21 =	vld [tilespmem:s31+$0x4820];
	v50 =	vadd.f32 v23, v1;
	v23 =	vadd.f32 v58, v53  }
0x35e: {  	v16 =	vld [tilespmem:s31+$0x4810];
	v10 =	vadd.f32 v18, v10;
	v17 =	vmul.f32 v26, v26;
	v26 =	vadd.f32 v26, v54  }
0x35f: {  	v20 =	vld [tilespmem:s31+$0x4860];
	v5 =	vmul.f32 v52, v52;
	v13 =	vadd.f32 v35, v13;
	v60 =	vadd.f32 v15, v14  }
0x360: {  	v18 =	vld [tilespmem:s31+$0x4410];
	v51 =	vadd.f32 v0, v12;
	v0 =	vadd.f32 v34, v56  }
0x361: {  	v61 =	vmul.f32 v31, v31;
	v58 =	vld [tilespmem:s31+$0x4850];
	v14 =	vadd.f32 v5, v59;
	v62 =	vadd.f32 v24, v40  }
0x362: {  	v5 =	vld [tilespmem:s31+$0x4460];
	v59 =	vmul.f32 v55, v55;
	v15 =	vadd.f32 v17, v46;
	v17 =	vmul.f32 v19, v19  }
0x363: {  	v4 =	vld [tilespmem:s31+$0x44A0];
	v46 =	vmul.f32 v29, v29;
	v25 =	vadd.f32 v16, v43;
	v49 =	vadd.f32 v21, v23  }
0x364: {  	v54 =	vld [tilespmem:s31+$0x4450];
	v12 =	vadd.f32 v17, v15;
	v17 =	vadd.f32 v19, v39;
	v19 =	vmul.f32 v37, v37  }
0x365: {  	v47 =	vld [tilespmem:s31+$0x4490];
	v39 =	vmul.f32 v16, v16;
	v15 =	vadd.f32 v55, v2;
	v2 =	vadd.f32 v20, v45  }
0x366: {  	v53 =	vld [tilespmem:s31+$0x4440];
	v56 =	vmul.f32 v58, v58;
	v35 =	vadd.f32 v42, v25;
	v1 =	vadd.f32 v61, v12  }
0x367: {  	v34 =	vld [tilespmem:s31+$0x48B0];
	v40 =	vmul.f32 v5, v5;
	v32 =	vadd.f32 v27, v17;
	v17 =	vadd.f32 v18, v41  }
0x368: {  	v16 =	vld [tilespmem:s31+$0x4830];
	v12 =	vmul.f32 v30, v30;
	v43 =	vadd.f32 v19, v1;
	v19 =	vmul.f32 v18, v18  }
0x369: {  	v25 =	vld [tilespmem:s31+$0x4430];
	v61 =	vmul.f32 v54, v54;
	v18 =	vadd.f32 v5, v22;
	v22 =	vadd.f32 v40, v3  }
0x36a: {  	v40 =	vadd.f32 v4, v62;
	v3 =	vmul.f32 v24, v24;
	v5 =	vld [tilespmem:s31+$0x4470];
	v52 =	vadd.f32 v19, v10  }
0x36b: {  	v23 =	vld [tilespmem:s31+$0x44B0];
	v41 =	vadd.f32 v47, v17;
	v24 =	vmul.f32 v4, v4;
	v1 =	vmul.f32 v21, v21  }
0x36c: {  	v45 =	vld [tilespmem:s31+$0x48A0];
	v10 =	vmul.f32 v53, v53;
	v3 =	vadd.f32 v3, v60;
	v57 =	vadd.f32 v39, v52  }
0x36d: {  	v17 =	vld [tilespmem:s31+$0x4870];
	v21 =	vmul.f32 v63, v63;
	v52 =	vadd.f32 v16, v11;
	v39 =	vadd.f32 v33, v2  }
0x36e: {  	v19 =	vld [tilespmem:s31+$0x44E0];
	v62 =	vmul.f32 v25, v25;
	v60 =	vadd.f32 v10, v13;
	v11 =	vadd.f32 v63, v26  }
0x36f: {  	s5 =	simm.s32 $0x100;
	s2 =	simm.s32 $0x200;
	v13 =	vld [tilespmem:s31+$0x48D0];
	v55 =	vadd.f32 v1, v3;
	v10 =	vadd.f32 v5, v0;
	v63 =	vmul.f32 v5, v5  }
.LBB2_16:
0x370: {  	s4 =	smov.u32 s5  }
0x371: {  	s6 =	sand.u32 $0x3800, s2;
	s7 =	sand.u32 $0x300, s5;
	v0 =	vadd.f32 v25, v44;
	v1 =	vadd.f32 v58, v38;
	v2 =	vmul.f32 v20, v20;
	s4 =	sadd.s32 $0x100, s5  }
0x372: {  	p0 =	sne.s32 s5, $0x1F00;
	v3 =	vadd.f32 v61, v14;
	v4 =	vadd.f32 v63, v50;
	v5 =	vmul.f32 v17, v17;
	v14 =	vld [tilespmem:s31+$0x48F0];
	s31 =	sor.u32 s7, s6  }
0x373: {  	v17 =	vadd.f32 v17, v28;
	v18 =	vadd.f32 v19, v18;
	v20 =	vld [tilespmem:s31+$0x4880]  }
0x374: {  	v2 =	vadd.f32 v2, v22;
	v38 =	vadd.f32 v13, v1;
	v25 =	vld [tilespmem:s31+$0x48C0]  }
0x375: {  	v15 =	vadd.f32 v37, v15;
	v44 =	vadd.f32 v23, v0;
	v0 =	vmul.f32 v23, v23;
	v1 =	vld [tilespmem:s31+$0x44D0]  }
0x376: {  	v23 =	vadd.f32 v62, v51;
	v2 =	vadd.f32 v24, v2;
	v24 =	vmul.f32 v34, v34;
	v22 =	vld [tilespmem:s31+$0x44C0]  }
0x377: {  	v4 =	vadd.f32 v5, v4;
	v5 =	vmul.f32 v47, v47;
	v26 =	vld [tilespmem:s31+$0x4420];
	v28 =	vadd.f32 v14, v17  }
0x378: {  	v16 =	vmul.f32 v16, v16;
	v3 =	vadd.f32 v56, v3;
	v47 =	vadd.f32 v59, v60;
	v17 =	vld [tilespmem:s31+$0x48E0]  }
0x379: {  	v48 =	vadd.f32 v54, v48;
	v0 =	vadd.f32 v0, v4;
	v4 =	vmul.f32 v42, v42;
	v59 =	vld [tilespmem:s31+$0x4820];
	v37 =	vmovc v25  }
0x37a: {  	v12 =	vadd.f32 v12, v57;
	v21 =	vadd.f32 v21, v47;
	v42 =	vmul.f32 v45, v45;
	v60 =	vld [tilespmem:s31+$0x44A0]  }
0x37b: {  	v36 =	vadd.f32 v53, v36;
	v47 =	vmul.f32 v27, v27;
	v50 =	vadd.f32 v24, v0;
	v27 =	vmovc v20;
	v54 =	vld [tilespmem:s31+$0x4400]  }
0x37c: {  	v3 =	vadd.f32 v5, v3;
	v5 =	vmul.f32 v13, v13;
	v2 =	vadd.f32 v42, v2;
	v0 =	vld [tilespmem:s31+$0x4840]  }
0x37d: {  	v19 =	vmul.f32 v19, v19;
	v16 =	vadd.f32 v16, v23;
	v23 =	vadd.f32 v45, v49;
	v13 =	vld [tilespmem:s31+$0x4800]  }
0x37e: {  	v52 =	vadd.f32 v34, v52;
	v5 =	vadd.f32 v5, v12;
	v12 =	vmul.f32 v33, v33;
	v33 =	vmovc v17;
	v63 =	vld [tilespmem:s31+$0x4480]  }
0x37f: {  	v36 =	vadd.f32 v31, v36;
	v19 =	vadd.f32 v19, v55;
	v14 =	vmul.f32 v14, v14;
	v31 =	vmovc v22;
	v17 =	vld [tilespmem:s31+$0x4810]  }
0x380: {  	v48 =	vadd.f32 v30, v48;
	v16 =	vadd.f32 v46, v16;
	v30 =	vmovc v1;
	v20 =	vmul.f32 v54, v54;
	v24 =	vld [tilespmem:s31+$0x44F0]  }
0x381: {  	v55 =	vadd.f32 v47, v21;
	v19 =	vadd.f32 v12, v19;
	v34 =	vld [tilespmem:s31+$0x48B0]  }
0x382: {  	v51 =	vadd.f32 v14, v16;
	v12 =	vadd.f32 v20, v43;
	v20 =	vmul.f32 v13, v13;
	v47 =	vld [tilespmem:s31+$0x4490]  }
0x383: {  	v10 =	vadd.f32 v29, v10;
	v14 =	vadd.f32 v4, v3;
	v16 =	vmul.f32 v22, v31;
	v42 =	vld [tilespmem:s31+$0x4890]  }
0x384: {  	v4 =	vadd.f32 v13, v32;
	v3 =	vld [tilespmem:s31+$0x4460];
	v12 =	vadd.f32 v20, v12  }
0x385: {  	v21 =	vmul.f32 v25, v37;
	v11 =	vadd.f32 v54, v11;
	v13 =	vld [tilespmem:s31+$0x4410];
	v29 =	vmov v24  }
0x386: {  	v22 =	vadd.f32 v17, v35;
	v17 =	vmul.f32 v17, v17;
	v58 =	vld [tilespmem:s31+$0x4850];
	v16 =	vadd.f32 v16, v12  }
0x387: {  	v15 =	vadd.f32 v0, v15;
	v32 =	vadd.f32 v27, v4;
	v46 =	vmul.f32 v24, v29;
	v20 =	vld [tilespmem:s31+$0x4860]  }
0x388: {  	v4 =	vadd.f32 v26, v40;
	v12 =	vmul.f32 v1, v30;
	v54 =	vld [tilespmem:s31+$0x4450];
	v43 =	vadd.f32 v21, v16  }
0x389: {  	v49 =	vadd.f32 v59, v23;
	v35 =	vadd.f32 v42, v22;
	v53 =	vld [tilespmem:s31+$0x4440];
	v1 =	vmul.f32 v3, v3  }
0x38a: {  	v18 =	vadd.f32 v3, v18;
	v21 =	vadd.f32 v13, v41;
	v13 =	vmul.f32 v13, v13;
	v16 =	vld [tilespmem:s31+$0x4830]  }
0x38b: {  	v40 =	vadd.f32 v60, v4;
	v25 =	vld [tilespmem:s31+$0x4430];
	v22 =	vadd.f32 v1, v2  }
0x38c: {  	v56 =	vmul.f32 v58, v58;
	v1 =	vadd.f32 v13, v5;
	v2 =	vadd.f32 v20, v39;
	v45 =	vld [tilespmem:s31+$0x48A0]  }
0x38d: {  	v3 =	vmul.f32 v26, v26;
	v41 =	vadd.f32 v47, v21;
	v61 =	vmul.f32 v54, v54;
	v4 =	vld [tilespmem:s31+$0x4470]  }
.Ltmp7:
0x38e: {  	v24 =	vmul.f32 v60, v60;
	v5 =	vmul.f32 v53, v53;
	v57 =	vadd.f32 v17, v1;
	(pc) =	sbr.rel @p0 .LBB2_16-.Ltmp7, $4  }
0x38f: {  	v1 =	vmul.f32 v59, v59;
	v59 =	vmul.f32 v0, v0;
	v52 =	vadd.f32 v16, v52;
	v17 =	vld [tilespmem:s31+$0x4870]  }
0x390: {  	v21 =	vmul.f32 v63, v63;
	v0 =	vadd.f32 v3, v19;
	v39 =	vadd.f32 v33, v2;
	v19 =	vld [tilespmem:s31+$0x44E0]  }
0x391: {  	v11 =	vadd.f32 v63, v11;
	v62 =	vmul.f32 v25, v25;
	v60 =	vadd.f32 v5, v55;
	v13 =	vld [tilespmem:s31+$0x48D0]  }
0x392: {  	s2 =	sadd.s32 $0x200, s2;
	s5 =	smov.u32 s4;
	v55 =	vadd.f32 v1, v0;
	v10 =	vadd.f32 v4, v10;
	v63 =	vmul.f32 v4, v4;
	v23 =	vld [tilespmem:s31+$0x44B0]  }
0x393: {  	v2 =	vld [tilespmem:$0x1FEE0];
	_ =	sdelay $0x3  }
0x394: {  	v0 =	vld [tilespmem:s31+$0x48F0]  }
0x395: {  	[tilespmem:$0x8430] =	vst v2;
	v2 =	vld [tilespmem:$0x1FF60];
	_ =	sdelay $0x2  }
0x396: {  	v1 =	vld [tilespmem:$0x1FF50]  }
0x397: {  	v3 =	vld [tilespmem:$0x1FF70]  }
0x398: {  	[tilespmem:$0x8440] =	vst v2;
	v2 =	vld [tilespmem:$0x1FF90]  }
0x399: {  	[tilespmem:$0x8400] =	vst v9;
	v4 =	vld [tilespmem:$0x1FEC0]  }
0x39a: {  	[tilespmem:$0x8410] =	vst v8;
	v9 =	vld [tilespmem:$0x1FFA0]  }
0x39b: {  	[tilespmem:$0x8420] =	vst v6;
	v5 =	vadd.f32 v61, v14;
	v26 =	vld [tilespmem:$0x1FFB0];
	v1 =	vadd.f32 v1, v7  }
0x39c: {  	v8 =	vadd.f32 v62, v51;
	v51 =	vld [tilespmem:$0x1FF30];
	v60 =	vadd.f32 v59, v60;
	[tilespmem:$0x8480] =	vst v11  }
0x39d: {  	[tilespmem:$0x8490] =	vst v41;
	v1 =	vadd.f32 v2, v1;
	v2 =	vadd.f32 v25, v44;
	v44 =	vld [tilespmem:$0x1FF80]  }
0x39e: {  	v61 =	vld [tilespmem:$0x1FF40];
	v62 =	vadd.f32 v54, v48;
	v12 =	vadd.f32 v12, v57;
	[tilespmem:$0x84A0] =	vst v40  }
0x39f: {  	v59 =	vadd.f32 v45, v49;
	[tilespmem:$0x8450] =	vst v3;
	v3 =	vadd.f32 v58, v38;
	v58 =	vld [tilespmem:$0x1FFC0]  }
0x3a0: {  	[tilespmem:$0x8580] =	vst v32;
	v6 =	vadd.f32 v63, v50;
	v50 =	vld [tilespmem:$0x1FEA0];
	v1 =	vadd.f32 v9, v1  }
0x3a1: {  	[tilespmem:$0x8590] =	vst v35;
	v10 =	vadd.f32 v29, v10;
	v5 =	vadd.f32 v56, v5;
	v25 =	vmul.f32 v20, v20;
	v20 =	vld [tilespmem:$0x1FF20]  }
0x3a2: {  	v18 =	vadd.f32 v19, v18;
	v48 =	vmul.f32 v19, v19;
	[tilespmem:$0x8470] =	vst v26;
	v38 =	vld [tilespmem:$0x1FEB0];
	v1 =	vadd.f32 v44, v1  }
0x3a3: {  	v14 =	vadd.f32 v30, v62;
	v7 =	vadd.f32 v37, v15;
	[tilespmem:$0x8520] =	vst v51;
	v26 =	vld [tilespmem:$0x1FF10];
	v37 =	vmul.f32 v13, v13  }
0x3a4: {  	v63 =	vld [tilespmem:$0x1FEF0];
	[tilespmem:$0x8530] =	vst v61;
	v61 =	vadd.f32 v34, v52;
	v1 =	vadd.f32 v58, v1  }
0x3a5: {  	v51 =	vmul.f32 v33, v33;
	[tilespmem:$0x8510] =	vst v50;
	v50 =	vadd.f32 v48, v55;
	v12 =	vadd.f32 v37, v12  }
0x3a6: {  	[tilespmem:$0x8460] =	vst v4;
	v4 =	vadd.f32 v25, v22;
	v25 =	vmul.f32 v16, v16;
	v1 =	vadd.f32 v20, v1  }
0x3a7: {  	v11 =	vadd.f32 v51, v50;
	[tilespmem:$0x8500] =	vst v38;
	v38 =	vadd.f32 v53, v36  }
0x3a8: {  	[tilespmem:$0x85E0] =	vst v39;
	v8 =	vadd.f32 v25, v8;
	v1 =	vadd.f32 v26, v1  }
0x3a9: {  	[tilespmem:$0x8540] =	vst v63;
	v12 =	vadd.f32 v12, v43;
	v2 =	vadd.f32 v23, v2  }
0x3aa: {  	v54 =	vmul.f32 v0, v0;
	v8 =	vadd.f32 v46, v8;
	[tilespmem:$0x8600] =	vst v1;
	v1 =	vadd.f32 v31, v38  }
0x3ab: {  	v63 =	vadd.f32 v17, v28;
	v53 =	vmul.f32 v47, v47;
	v9 =	vadd.f32 v21, v60;
	[tilespmem:$0x84B0] =	vst v2  }
0x3ac: {  	v55 =	vmul.f32 v27, v27;
	v2 =	vadd.f32 v54, v8;
	[tilespmem:$0x84C0] =	vst v1;
	v1 =	vadd.f32 v11, v12  }
0x3ad: {  	v57 =	vmul.f32 v42, v42;
	[tilespmem:$0x85A0] =	vst v59;
	v3 =	vadd.f32 v13, v3;
	v5 =	vadd.f32 v53, v5  }
0x3ae: {  	v56 =	vmul.f32 v17, v17;
	[tilespmem:$0x84F0] =	vst v10;
	v8 =	vadd.f32 v55, v9;
	v1 =	vadd.f32 v2, v1  }
0x3af: {  	[tilespmem:$0x84D0] =	vst v14;
	v5 =	vadd.f32 v57, v5;
	v60 =	vmul.f32 v45, v45;
	v4 =	vadd.f32 v24, v4  }
0x3b0: {  	[tilespmem:$0x84E0] =	vst v18;
	v22 =	vld [tilespmem:$0x1FED0];
	v58 =	vmul.f32 v23, v23;
	v2 =	vadd.f32 v56, v6;
	v1 =	vadd.f32 v8, v1  }
0x3b1: {  	[tilespmem:$0x85B0] =	vst v61;
	v0 =	vadd.f32 v0, v63;
	v24 =	vld [tilespmem:$0x1FE90];
	v4 =	vadd.f32 v60, v4  }
0x3b2: {  	v62 =	vmul.f32 v34, v34;
	[tilespmem:$0x85C0] =	vst v7;
	v44 =	vld [tilespmem:$0x1FF00];
	v2 =	vadd.f32 v58, v2;
	v1 =	vadd.f32 v5, v1  }
0x3b3: {  	[tilespmem:$0x85D0] =	vst v3  }
0x3b4: {  	[tilespmem:$0x85F0] =	vst v0;
	v2 =	vadd.f32 v62, v2;
	v1 =	vadd.f32 v4, v1  }
0x3b5: {  	[tilespmem:$0x8550] =	vst v22  }
0x3b6: {  	[tilespmem:$0x8560] =	vst v24;
	v1 =	vadd.f32 v2, v1  }
0x3b7: {  	[tilespmem:$0x8570] =	vst v44  }
0x3b8: {  	s2 =	rddreg [dreg:$0x5];
	s4 =	simm.s32 $0x8400;
	[tilespmem:$0x8680] =	vst v1  }
0x3b9: {  	[hbm4b:s2+s3] =	stream.linear.scatter [tilespmem:s4], [sflag:$0x5], $0x200, $0x38;
	[tilespmem:$0x8700] =	vst v63  }
0x3ba: {  	_ =	swait.ge [sflag:s0], $0x200  }
0x3bb: {  	s31 =	simm.s32 $0x8600;
	s9 =	sadd.s32 $0x1, s9;
	[sflag:s0] =	ssyncset.done $0x0  }
0x3bc: {  	p0 =	sne.s32 s9, s8;
	s7 =	rddreg [dreg:$0x6];
	[sflag:s0] =	ssyncadd.s32 $0xFFFFFE00  }
0x3bd: {  	[hbm4b:s7+s3] =	stream.linear.scatter [tilespmem:s31], [sflag:$0x5], $0x100, $0x38;
	[tilespmem:$0x8700] =	vst v63  }
.Ltmp8:
0x3be: {  	_ = 	snop;
	(pc) =	sbr.rel @p0 .LBB2_1-.Ltmp8, $4  }
0x3bf: {  	_ =	swait.ge [sflag:s0], $0x100  }
0x3c0: {  	v0 =	vld [tilespmem:$0x1FFD0]  }
0x3c1: {  	[sflag:s0] =	ssyncset.done $0x0;
	v1 =	vld [tilespmem:$0x1FFE0]  }
0x3c2: {  	v2 =	vld [tilespmem:$0x1FFF0];
	[sflag:s0] =	ssyncadd.s32 $0xFFFFFF00  }
0x3c3: {  	_ =	sfence.sel $0x180000  }
0x3c4: {  	[bflag:$0x0] =	sbarrier.arrive $0xFFFF  }
0x3c5: {  	_ =	strace $0x90000047  }
0x3c6: {  	s0 =	stileid.u32;
	[bflag:$0x2] =	sbarrier.arrive $0xFFFF  }
0x3c7: {  	p0 =	sne.s32 s0, $0x0;
	s0 =	rddreg [dreg:$0x2]  }
0x3c8: {  	s0 =	sadd.s32 @!p0 $0x100000, s0  }
0x3c9: {  	[sflag:s0] =	ssyncadd.tile.s32 @!p0 $0x1;
	_ =	shalt  }
.Lfunc_end2:
_tile_overlayer_lowered:
.L_overlay_start_2:
0x3ca: {  	(tag) =	ssettag $0x2  }
0x3cb: {  	s0 =	rddreg [dreg:$0x0];
	s2 =	stileid.u32  }
0x3cc: {  	s1 =	rddreg [dreg:$0x1];
	p0 =	sne.s32 s2, $0x0  }
0x3cd: {  	s3 =	rddreg [dreg:$0x2];
	[bflag:$0x3] =	sbarrier.arrive $0xFFFF;
	s2 =	simm.s32 @!p0 $0x1C05  }
0x3ce: {  	[timem:s3], [sflag:s2] =	dma.local @!p0 [hbm:s0], s1  }
0x3cf: {  	s0 =	simm.s32 @!p0 $0x5  }
0x3d0: {  	_ =	swait.ge @!p0 [sflag:s0], s1  }
0x3d1: {  	s1 =	ssub.s32 @!p0 $0x0, s1;
	[sflag:s0] =	ssyncset.done @!p0 $0x0  }
0x3d2: {  	[sflag:s0] =	ssyncadd.s32 @!p0 s1  }
0x3d3: {  	[bflag:$0x3] =	sbarrier.arrive $0xFFFF  }
0x3d4: {  	_ =	shalt  }

</sc_bundles>
